<compile_context>
chip_gen: v7x
topology: tpu7x:2x2x1
jax: 0.10.2.dev20260603
libtpu: 0.0.44.dev20260713+nightly
codegen_flags: <defaults>
</compile_context>

<pallas_src>
import dataclasses
import functools

import jax
import jax.numpy as jnp
from jax import lax
from jax.experimental import pallas as pl
from jax.experimental.pallas import tpu as pltpu
from jax.experimental.pallas import tpu_sc as plsc

B = 16384
H = 50
HP = 64
DIM = 32
L = 16

NC = 2
NS = 16
NW = NC * NS

BPW = B // NW
CH = 32
NCHUNK = BPW // CH
IDX_PER_CHUNK = CH * H
GFULL = IDX_PER_CHUNK // 128
GREM = IDX_PER_CHUNK - GFULL * 128

_mesh = plsc.VectorSubcoreMesh(core_axis_name="c", subcore_axis_name="s")


def _params(tc_tiling):
    cp = pltpu.CompilerParams()
    if "needs_layout_passes" in pltpu.CompilerParams.__dataclass_fields__:
        cp = dataclasses.replace(cp, needs_layout_passes=False)
    if "use_tc_tiling_on_sc" in pltpu.CompilerParams.__dataclass_fields__:
        cp = dataclasses.replace(cp, use_tc_tiling_on_sc=tc_tiling)
    return cp


@functools.partial(
    pl.kernel,
    mesh=_mesh,
    compiler_params=_params(False),
    out_type=jax.ShapeDtypeStruct((B, DIM), jnp.float32),
    scratch_types=[
        pltpu.VMEM((2, IDX_PER_CHUNK), jnp.int32),
        pltpu.VMEM((2, CH * HP), jnp.int32),
        pltpu.VMEM((2, IDX_PER_CHUNK, DIM), jnp.float32),
        pltpu.VMEM((2, CH, DIM), jnp.float32),
        pltpu.SemaphoreType.DMA,
        pltpu.SemaphoreType.DMA,
        pltpu.SemaphoreType.DMA,
        pltpu.SemaphoreType.DMA,
    ],
)
def _item_mean_sc(
    hist_hbm, histp_hbm, itab_hbm, out_hbm,
    idx_v, idxp_v, rows_v, out_v, gsem0, gsem1, osem0, osem1,
):
    wid = lax.axis_index("s") * NC + lax.axis_index("c")
    base = wid * BPW
    gsems = (gsem0, gsem1)
    osems = (osem0, osem1)

    def gathers(c, b):
        cps = []
        for j in range(GFULL):
            cps.append(
                pltpu.make_async_copy(
                    itab_hbm.at[idx_v.at[b, pl.ds(j * 128, 128)]],
                    rows_v.at[b, pl.ds(j * 128, 128)],
                    gsems[b],
                )
            )
        cps.append(
            pltpu.make_async_copy(
                itab_hbm.at[idx_v.at[b, pl.ds(GFULL * 128, GREM)]],
                rows_v.at[b, pl.ds(GFULL * 128, GREM)],
                gsems[b],
            )
        )
        return cps

    def stage_and_fire(c, b):
        rbase = base + c * CH
        pltpu.sync_copy(hist_hbm.at[pl.ds(rbase * H, IDX_PER_CHUNK)], idx_v.at[b])
        pltpu.sync_copy(histp_hbm.at[pl.ds(rbase * HP, CH * HP)], idxp_v.at[b])
        for cp in gathers(c, b):
            cp.start()

    def out_cp(c, b):
        rbase = base + c * CH
        return pltpu.make_async_copy(
            out_v.at[b], out_hbm.at[pl.ds(rbase, CH)], osems[b]
        )

    def compute(b):
        @pl.loop(0, CH)
        def _row(r):
            mcnt = jnp.zeros((L,), jnp.float32)
            for j in range(HP // L):
                v = idxp_v[b, pl.ds(r * HP + j * L, L)]
                mcnt = mcnt + jnp.where(v > 0, 1.0, 0.0).astype(jnp.float32)
            denom = jnp.broadcast_to(jnp.sum(mcnt), (L,)) + 1e-8
            recip = jnp.full((L,), 1.0, jnp.float32) / denom

            a0 = jnp.zeros((L,), jnp.float32)
            a1 = jnp.zeros((L,), jnp.float32)
            for h in range(H):
                a0 = a0 + rows_v[b, r * H + h, pl.ds(0, L)]
                a1 = a1 + rows_v[b, r * H + h, pl.ds(L, L)]

            out_v[b, r, pl.ds(0, L)] = a0 * recip
            out_v[b, r, pl.ds(L, L)] = a1 * recip

    stage_and_fire(0, 0)

    @pl.loop(0, NCHUNK // 2)
    def _c2(c2):
        for b in (0, 1):
            c = c2 * 2 + b

            @pl.when(c + 1 < NCHUNK)
            def _():
                stage_and_fire(c + 1, 1 - b)

            for cp in gathers(c, b):
                cp.wait()

            @pl.when(c >= 2)
            def _():
                out_cp(c - 2, b).wait()

            compute(b)
            out_cp(c, b).start()

    out_cp(NCHUNK - 2, 0).wait()
    out_cp(NCHUNK - 1, 1).wait()


@functools.partial(
    pl.kernel,
    mesh=_mesh,
    compiler_params=_params(False),
    out_type=jax.ShapeDtypeStruct((B, DIM), jnp.float32),
    scratch_types=[
        pltpu.VMEM((BPW,), jnp.int32),
        pltpu.VMEM((BPW, DIM), jnp.float32),
        pltpu.SemaphoreType.DMA,
    ],
)
def _user_gather_sc(uid_hbm, utab_hbm, out_hbm, uidx_v, urows_v, usem):
    wid = lax.axis_index("s") * NC + lax.axis_index("c")
    base = wid * BPW
    pltpu.sync_copy(uid_hbm.at[pl.ds(base, BPW)], uidx_v)
    copies = []
    for j in range(BPW // 128):
        copies.append(
            pltpu.async_copy(
                utab_hbm.at[uidx_v.at[pl.ds(j * 128, 128)]],
                urows_v.at[pl.ds(j * 128, 128)],
                usem,
            )
        )
    for cp in copies:
        cp.wait()
    pltpu.sync_copy(urows_v, out_hbm.at[pl.ds(base, BPW)])


def _combine_body(a_ref, b_ref, o_ref):
    o_ref[...] = a_ref[...] + b_ref[...]


_combine_tc = pl.pallas_call(
    _combine_body,
    out_shape=jax.ShapeDtypeStruct((B, DIM), jnp.float32),
    grid=(8,),
    in_specs=[
        pl.BlockSpec((B // 8, DIM), lambda i: (i, 0)),
        pl.BlockSpec((B // 8, DIM), lambda i: (i, 0)),
    ],
    out_specs=pl.BlockSpec((B // 8, DIM), lambda i: (i, 0)),
)


def kernel(user_ids, history, user_table, item_table):
    user_ids = user_ids.astype(jnp.int32)
    history = history.astype(jnp.int32)
    hist_flat = history.reshape(-1)
    histp_flat = jnp.pad(history, ((0, 0), (0, HP - H))).reshape(-1)
    hist_mean = _item_mean_sc(hist_flat, histp_flat, item_table)
    user_rows = _user_gather_sc(user_ids, user_table)
    return _combine_tc(user_rows, hist_mean)

# --- scband reference (transcript-rebuilt; emitter-appended) ---
"""Pipeline reference for scband-user-representation-module-47425028882605 (READ-ONLY COPY).

The authoritative reference and input builder live on the scoring server;
editing this copy changes nothing except your own understanding.
"""

import jax, jax.numpy as jnp
import numpy as np

NUM_USERS = 1000000
NUM_ITEMS = 1000000
DIM = 32
B = 16384
H = 50


def setup_inputs(seed: int = 0) -> dict:
    key = jax.random.key(seed)
    k1, k2, k3, k4 = jax.random.split(key, 4)
    user_table = jax.random.normal(k1, (NUM_USERS + 1, DIM), dtype=jnp.float32) * 0.02
    user_table = user_table.at[0].set(0.0)  # padding_idx=0
    item_table = jax.random.normal(k2, (NUM_ITEMS + 1, DIM), dtype=jnp.float32) * 0.02
    item_table = item_table.at[0].set(0.0)  # padding_idx=0
    user_ids = jax.random.randint(k3, (B,), 0, NUM_USERS, dtype=jnp.int64) if jax.config.jax_enable_x64 else jax.random.randint(k3, (B,), 0, NUM_USERS, dtype=jnp.int32)
    history = jax.random.randint(k4, (B, H), 0, NUM_ITEMS + 1, dtype=jnp.int64) if jax.config.jax_enable_x64 else jax.random.randint(k4, (B, H), 0, NUM_ITEMS + 1, dtype=jnp.int32)
    return {
        "user_ids": user_ids,
        "history": history,
        "user_table": user_table,
        "item_table": item_table,
    }


def reference(user_ids, history, user_table, item_table):
    # user_embed = self.user_embeddings(user_ids)
    user_embed = jnp.take(user_table, user_ids, axis=0)
    # hist_embed = self.item_embeddings(history)
    hist_embed = jnp.take(item_table, history, axis=0)
    # mask = (history > 0).float().unsqueeze(-1)
    mask = (history > 0).astype(jnp.float32)[..., None]
    # masked mean over history dimension
    hist_mean = (hist_embed * mask).sum(axis=1) / (mask.sum(axis=1) + 1e-08)
    user_repr = user_embed + hist_mean
    return user_repr

if __name__ == "__main__":
    import jax
    _d = setup_inputs()
    print(jax.jit(kernel)(*tuple(_d.values())))

</pallas_src>

<mosaic_0001>
#map = affine_map<(d0, d1) -> (0)>
#map1 = affine_map<(d0, d1) -> (0, 0)>
module attributes {stable_mosaic.version = 14 : i64} {
  func.func @_user_gather_sc(%arg0: i32, %arg1: i32, %arg2: memref<16384xi32, #tpu.memory_space<hbm>>, %arg3: memref<1000001x32xf32, #tpu.memory_space<hbm>>, %arg4: memref<16384x32xf32, #tpu.memory_space<hbm>>, %arg5: memref<512xi32, #tpu.memory_space<vmem>>, %arg6: memref<512x32xf32, #tpu.memory_space<vmem>>, %arg7: memref<!tpu.dma_semaphore, #tpu.memory_space<semaphore_mem>>) attributes {dimension_semantics = [#tpu.dimension_semantics<core_parallel>, #tpu.dimension_semantics<subcore_parallel>], iteration_bounds = array<i64: 2, 16>, scalar_prefetch = 0 : i64, scratch_operands = 3 : i64, tpu.core_type = #tpu.core_type<sc_vector_subcore>, window_params = [{transform_indices = #map}, {transform_indices = #map1}, {transform_indices = #map1}]} {
    %mul3A = arith.constant 2 : i32
    %mul3A_0 = arith.muli %arg1, %mul3A : i32
    %add3A = arith.addi %mul3A_0, %arg0 : i32
    %mul3A_1 = arith.constant 512 : i32
    %mul3A_2 = arith.muli %add3A, %mul3A_1 : i32
    "tpu.region"() ({
      %run_scoped3A = tpu.sem_alloc : memref<!tpu.dma_semaphore, #tpu.memory_space<semaphore_mem>>
      %dma_start3A_65 = tpu.memref_slice %arg2[%mul3A_2] : memref<16384xi32, #tpu.memory_space<hbm>> -> memref<512xi32, #tpu.memory_space<hbm>>
      %dma_start3A_66 = tpu.memref_slice %arg2[%mul3A_2] : memref<16384xi32, #tpu.memory_space<hbm>> -> memref<512xi32, #tpu.memory_space<hbm>>
      tpu.enqueue_dma source(%dma_start3A_66 : memref<512xi32, #tpu.memory_space<hbm>>) target(%arg5 : memref<512xi32, #tpu.memory_space<vmem>>) target_semaphore(%run_scoped3A : memref<!tpu.dma_semaphore, #tpu.memory_space<semaphore_mem>>)
      %dma_wait3A_67 = tpu.memref_slice %arg2[%mul3A_2] : memref<16384xi32, #tpu.memory_space<hbm>> -> memref<512xi32, #tpu.memory_space<hbm>>
      %dma_wait3A_68 = tpu.memref_slice %arg2[%mul3A_2] : memref<16384xi32, #tpu.memory_space<hbm>> -> memref<512xi32, #tpu.memory_space<hbm>>
      tpu.wait_dma2 semaphore(%run_scoped3A : memref<!tpu.dma_semaphore, #tpu.memory_space<semaphore_mem>>) src(%dma_wait3A_68 : memref<512xi32, #tpu.memory_space<hbm>>) dst(%arg5 : memref<512xi32, #tpu.memory_space<vmem>>)
      tpu.yield
    }) : () -> ()
    %dma_start3A = arith.constant 0 : i32
    %dma_start3A_3 = arith.constant 0 : i32
    %dma_start3A_4 = tpu.memref_slice %arg6[%dma_start3A, %dma_start3A_3] : memref<512x32xf32, #tpu.memory_space<vmem>> -> memref<128x32xf32, #tpu.memory_space<vmem>>
    %dma_start3A_5 = arith.constant 0 : i32
    %dma_start3A_6 = tpu.memref_slice %arg5[%dma_start3A_5] : memref<512xi32, #tpu.memory_space<vmem>> -> memref<128xi32, #tpu.memory_space<vmem>>
    %dma_start3A_7 = arith.constant 0 : i32
    %dma_start3A_8 = arith.constant 0 : i32
    %dma_start3A_9 = tpu.memref_slice %arg3[%dma_start3A_7, %dma_start3A_8] : memref<1000001x32xf32, #tpu.memory_space<hbm>> -> memref<1000001x32xf32, #tpu.memory_space<hbm>>
    tpu.enqueue_indirect_dma source(%dma_start3A_9 : memref<1000001x32xf32, #tpu.memory_space<hbm>>) target(%dma_start3A_4 : memref<128x32xf32, #tpu.memory_space<vmem>>) offsets(%dma_start3A_6 : memref<128xi32, #tpu.memory_space<vmem>>) semaphore(%arg7 : memref<!tpu.dma_semaphore, #tpu.memory_space<semaphore_mem>>)
    %dma_start3A_10 = arith.constant 128 : i32
    %dma_start3A_11 = arith.constant 0 : i32
    %dma_start3A_12 = tpu.memref_slice %arg6[%dma_start3A_10, %dma_start3A_11] : memref<512x32xf32, #tpu.memory_space<vmem>> -> memref<128x32xf32, #tpu.memory_space<vmem>>
    %dma_start3A_13 = arith.constant 128 : i32
    %dma_start3A_14 = tpu.memref_slice %arg5[%dma_start3A_13] : memref<512xi32, #tpu.memory_space<vmem>> -> memref<128xi32, #tpu.memory_space<vmem>>
    %dma_start3A_15 = arith.constant 0 : i32
    %dma_start3A_16 = arith.constant 0 : i32
    %dma_start3A_17 = tpu.memref_slice %arg3[%dma_start3A_15, %dma_start3A_16] : memref<1000001x32xf32, #tpu.memory_space<hbm>> -> memref<1000001x32xf32, #tpu.memory_space<hbm>>
    tpu.enqueue_indirect_dma source(%dma_start3A_17 : memref<1000001x32xf32, #tpu.memory_space<hbm>>) target(%dma_start3A_12 : memref<128x32xf32, #tpu.memory_space<vmem>>) offsets(%dma_start3A_14 : memref<128xi32, #tpu.memory_space<vmem>>) semaphore(%arg7 : memref<!tpu.dma_semaphore, #tpu.memory_space<semaphore_mem>>)
    %dma_start3A_18 = arith.constant 256 : i32
    %dma_start3A_19 = arith.constant 0 : i32
    %dma_start3A_20 = tpu.memref_slice %arg6[%dma_start3A_18, %dma_start3A_19] : memref<512x32xf32, #tpu.memory_space<vmem>> -> memref<128x32xf32, #tpu.memory_space<vmem>>
    %dma_start3A_21 = arith.constant 256 : i32
    %dma_start3A_22 = tpu.memref_slice %arg5[%dma_start3A_21] : memref<512xi32, #tpu.memory_space<vmem>> -> memref<128xi32, #tpu.memory_space<vmem>>
    %dma_start3A_23 = arith.constant 0 : i32
    %dma_start3A_24 = arith.constant 0 : i32
    %dma_start3A_25 = tpu.memref_slice %arg3[%dma_start3A_23, %dma_start3A_24] : memref<1000001x32xf32, #tpu.memory_space<hbm>> -> memref<1000001x32xf32, #tpu.memory_space<hbm>>
    tpu.enqueue_indirect_dma source(%dma_start3A_25 : memref<1000001x32xf32, #tpu.memory_space<hbm>>) target(%dma_start3A_20 : memref<128x32xf32, #tpu.memory_space<vmem>>) offsets(%dma_start3A_22 : memref<128xi32, #tpu.memory_space<vmem>>) semaphore(%arg7 : memref<!tpu.dma_semaphore, #tpu.memory_space<semaphore_mem>>)
    %dma_start3A_26 = arith.constant 384 : i32
    %dma_start3A_27 = arith.constant 0 : i32
    %dma_start3A_28 = tpu.memref_slice %arg6[%dma_start3A_26, %dma_start3A_27] : memref<512x32xf32, #tpu.memory_space<vmem>> -> memref<128x32xf32, #tpu.memory_space<vmem>>
    %dma_start3A_29 = arith.constant 384 : i32
    %dma_start3A_30 = tpu.memref_slice %arg5[%dma_start3A_29] : memref<512xi32, #tpu.memory_space<vmem>> -> memref<128xi32, #tpu.memory_space<vmem>>
    %dma_start3A_31 = arith.constant 0 : i32
    %dma_start3A_32 = arith.constant 0 : i32
    %dma_start3A_33 = tpu.memref_slice %arg3[%dma_start3A_31, %dma_start3A_32] : memref<1000001x32xf32, #tpu.memory_space<hbm>> -> memref<1000001x32xf32, #tpu.memory_space<hbm>>
    tpu.enqueue_indirect_dma source(%dma_start3A_33 : memref<1000001x32xf32, #tpu.memory_space<hbm>>) target(%dma_start3A_28 : memref<128x32xf32, #tpu.memory_space<vmem>>) offsets(%dma_start3A_30 : memref<128xi32, #tpu.memory_space<vmem>>) semaphore(%arg7 : memref<!tpu.dma_semaphore, #tpu.memory_space<semaphore_mem>>)
    %dma_wait3A = arith.constant 0 : i32
    %dma_wait3A_34 = arith.constant 0 : i32
    %dma_wait3A_35 = tpu.memref_slice %arg6[%dma_wait3A, %dma_wait3A_34] : memref<512x32xf32, #tpu.memory_space<vmem>> -> memref<128x32xf32, #tpu.memory_space<vmem>>
    %dma_wait3A_36 = arith.constant 0 : i32
    %dma_wait3A_37 = tpu.memref_slice %arg5[%dma_wait3A_36] : memref<512xi32, #tpu.memory_space<vmem>> -> memref<128xi32, #tpu.memory_space<vmem>>
    %dma_wait3A_38 = arith.constant 0 : i32
    %dma_wait3A_39 = arith.constant 0 : i32
    %dma_wait3A_40 = tpu.memref_slice %arg3[%dma_wait3A_38, %dma_wait3A_39] : memref<1000001x32xf32, #tpu.memory_space<hbm>> -> memref<1000001x32xf32, #tpu.memory_space<hbm>>
    tpu.wait_indirect_dma semaphore(%arg7 : memref<!tpu.dma_semaphore, #tpu.memory_space<semaphore_mem>>) src(%dma_wait3A_40 : memref<1000001x32xf32, #tpu.memory_space<hbm>>) dst(%dma_wait3A_35 : memref<128x32xf32, #tpu.memory_space<vmem>>)
    %dma_wait3A_41 = arith.constant 128 : i32
    %dma_wait3A_42 = arith.constant 0 : i32
    %dma_wait3A_43 = tpu.memref_slice %arg6[%dma_wait3A_41, %dma_wait3A_42] : memref<512x32xf32, #tpu.memory_space<vmem>> -> memref<128x32xf32, #tpu.memory_space<vmem>>
    %dma_wait3A_44 = arith.constant 128 : i32
    %dma_wait3A_45 = tpu.memref_slice %arg5[%dma_wait3A_44] : memref<512xi32, #tpu.memory_space<vmem>> -> memref<128xi32, #tpu.memory_space<vmem>>
    %dma_wait3A_46 = arith.constant 0 : i32
    %dma_wait3A_47 = arith.constant 0 : i32
    %dma_wait3A_48 = tpu.memref_slice %arg3[%dma_wait3A_46, %dma_wait3A_47] : memref<1000001x32xf32, #tpu.memory_space<hbm>> -> memref<1000001x32xf32, #tpu.memory_space<hbm>>
    tpu.wait_indirect_dma semaphore(%arg7 : memref<!tpu.dma_semaphore, #tpu.memory_space<semaphore_mem>>) src(%dma_wait3A_48 : memref<1000001x32xf32, #tpu.memory_space<hbm>>) dst(%dma_wait3A_43 : memref<128x32xf32, #tpu.memory_space<vmem>>)
    %dma_wait3A_49 = arith.constant 256 : i32
    %dma_wait3A_50 = arith.constant 0 : i32
    %dma_wait3A_51 = tpu.memref_slice %arg6[%dma_wait3A_49, %dma_wait3A_50] : memref<512x32xf32, #tpu.memory_space<vmem>> -> memref<128x32xf32, #tpu.memory_space<vmem>>
    %dma_wait3A_52 = arith.constant 256 : i32
    %dma_wait3A_53 = tpu.memref_slice %arg5[%dma_wait3A_52] : memref<512xi32, #tpu.memory_space<vmem>> -> memref<128xi32, #tpu.memory_space<vmem>>
    %dma_wait3A_54 = arith.constant 0 : i32
    %dma_wait3A_55 = arith.constant 0 : i32
    %dma_wait3A_56 = tpu.memref_slice %arg3[%dma_wait3A_54, %dma_wait3A_55] : memref<1000001x32xf32, #tpu.memory_space<hbm>> -> memref<1000001x32xf32, #tpu.memory_space<hbm>>
    tpu.wait_indirect_dma semaphore(%arg7 : memref<!tpu.dma_semaphore, #tpu.memory_space<semaphore_mem>>) src(%dma_wait3A_56 : memref<1000001x32xf32, #tpu.memory_space<hbm>>) dst(%dma_wait3A_51 : memref<128x32xf32, #tpu.memory_space<vmem>>)
    %dma_wait3A_57 = arith.constant 384 : i32
    %dma_wait3A_58 = arith.constant 0 : i32
    %dma_wait3A_59 = tpu.memref_slice %arg6[%dma_wait3A_57, %dma_wait3A_58] : memref<512x32xf32, #tpu.memory_space<vmem>> -> memref<128x32xf32, #tpu.memory_space<vmem>>
    %dma_wait3A_60 = arith.constant 384 : i32
    %dma_wait3A_61 = tpu.memref_slice %arg5[%dma_wait3A_60] : memref<512xi32, #tpu.memory_space<vmem>> -> memref<128xi32, #tpu.memory_space<vmem>>
    %dma_wait3A_62 = arith.constant 0 : i32
    %dma_wait3A_63 = arith.constant 0 : i32
    %dma_wait3A_64 = tpu.memref_slice %arg3[%dma_wait3A_62, %dma_wait3A_63] : memref<1000001x32xf32, #tpu.memory_space<hbm>> -> memref<1000001x32xf32, #tpu.memory_space<hbm>>
    tpu.wait_indirect_dma semaphore(%arg7 : memref<!tpu.dma_semaphore, #tpu.memory_space<semaphore_mem>>) src(%dma_wait3A_64 : memref<1000001x32xf32, #tpu.memory_space<hbm>>) dst(%dma_wait3A_59 : memref<128x32xf32, #tpu.memory_space<vmem>>)
    "tpu.region"() ({
      %run_scoped3A = tpu.sem_alloc : memref<!tpu.dma_semaphore, #tpu.memory_space<semaphore_mem>>
      %dma_start3A_65 = arith.constant 0 : i32
      %dma_start3A_66 = tpu.memref_slice %arg4[%mul3A_2, %dma_start3A_65] : memref<16384x32xf32, #tpu.memory_space<hbm>> -> memref<512x32xf32, #tpu.memory_space<hbm>>
      %dma_start3A_67 = arith.constant 0 : i32
      %dma_start3A_68 = tpu.memref_slice %arg4[%mul3A_2, %dma_start3A_67] : memref<16384x32xf32, #tpu.memory_space<hbm>> -> memref<512x32xf32, #tpu.memory_space<hbm>>
      tpu.enqueue_dma source(%arg6 : memref<512x32xf32, #tpu.memory_space<vmem>>) target(%dma_start3A_68 : memref<512x32xf32, #tpu.memory_space<hbm>>) target_semaphore(%run_scoped3A : memref<!tpu.dma_semaphore, #tpu.memory_space<semaphore_mem>>)
      %dma_wait3A_69 = arith.constant 0 : i32
      %dma_wait3A_70 = tpu.memref_slice %arg4[%mul3A_2, %dma_wait3A_69] : memref<16384x32xf32, #tpu.memory_space<hbm>> -> memref<512x32xf32, #tpu.memory_space<hbm>>
      %dma_wait3A_71 = arith.constant 0 : i32
      %dma_wait3A_72 = tpu.memref_slice %arg4[%mul3A_2, %dma_wait3A_71] : memref<16384x32xf32, #tpu.memory_space<hbm>> -> memref<512x32xf32, #tpu.memory_space<hbm>>
      tpu.wait_dma2 semaphore(%run_scoped3A : memref<!tpu.dma_semaphore, #tpu.memory_space<semaphore_mem>>) src(%arg6 : memref<512x32xf32, #tpu.memory_space<vmem>>) dst(%dma_wait3A_72 : memref<512x32xf32, #tpu.memory_space<hbm>>)
      tpu.yield
    }) : () -> ()
    return
  }
}

#map = affine_map<(d0, d1) -> (0)>
#map1 = affine_map<(d0, d1) -> (0, 0)>
module attributes {stable_mosaic.version = 14 : i64} {
  func.func @_item_mean_sc(%arg0: i32, %arg1: i32, %arg2: memref<819200xi32, #tpu.memory_space<hbm>>, %arg3: memref<1048576xi32, #tpu.memory_space<hbm>>, %arg4: memref<1000001x32xf32, #tpu.memory_space<hbm>>, %arg5: memref<16384x32xf32, #tpu.memory_space<hbm>>, %arg6: memref<2x1600xi32, #tpu.memory_space<vmem>>, %arg7: memref<2x2048xi32, #tpu.memory_space<vmem>>, %arg8: memref<2x1600x32xf32, #tpu.memory_space<vmem>>, %arg9: memref<2x32x32xf32, #tpu.memory_space<vmem>>, %arg10: memref<!tpu.dma_semaphore, #tpu.memory_space<semaphore_mem>>, %arg11: memref<!tpu.dma_semaphore, #tpu.memory_space<semaphore_mem>>, %arg12: memref<!tpu.dma_semaphore, #tpu.memory_space<semaphore_mem>>, %arg13: memref<!tpu.dma_semaphore, #tpu.memory_space<semaphore_mem>>) attributes {dimension_semantics = [#tpu.dimension_semantics<core_parallel>, #tpu.dimension_semantics<subcore_parallel>], iteration_bounds = array<i64: 2, 16>, scalar_prefetch = 0 : i64, scratch_operands = 8 : i64, tpu.core_type = #tpu.core_type<sc_vector_subcore>, window_params = [{transform_indices = #map}, {transform_indices = #map}, {transform_indices = #map1}, {transform_indices = #map1}]} {
    %mul3A = arith.constant 2 : i32
    %mul3A_0 = arith.muli %arg1, %mul3A : i32
    %add3A = arith.addi %mul3A_0, %arg0 : i32
    %mul3A_1 = arith.constant 512 : i32
    %mul3A_2 = arith.muli %add3A, %mul3A_1 : i32
    %add3A_3 = arith.constant 0 : i32
    %add3A_4 = arith.addi %mul3A_2, %add3A_3 : i32
    %mul3A_5 = arith.constant 50 : i32
    %mul3A_6 = arith.muli %add3A_4, %mul3A_5 : i32
    %run_scoped3A = arith.constant 0 : i32
    "tpu.region"() ({
      %run_scoped3A_198 = tpu.sem_alloc : memref<!tpu.dma_semaphore, #tpu.memory_space<semaphore_mem>>
      %dma_start3A_199 = arith.constant 0 : i32
      %dma_start3A_200 = tpu.memref_slice %arg6[%run_scoped3A, %dma_start3A_199] : memref<2x1600xi32, #tpu.memory_space<vmem>> -> memref<1x1600xi32, #tpu.memory_space<vmem>>
      %dma_start3A_201 = tpu.memref_squeeze %dma_start3A_200 : memref<1x1600xi32, #tpu.memory_space<vmem>> -> memref<1600xi32, #tpu.memory_space<vmem>>
      %dma_start3A_202 = tpu.memref_slice %arg2[%mul3A_6] : memref<819200xi32, #tpu.memory_space<hbm>> -> memref<1600xi32, #tpu.memory_space<hbm>>
      %dma_start3A_203 = arith.constant 0 : i32
      %dma_start3A_204 = tpu.memref_slice %arg6[%run_scoped3A, %dma_start3A_203] : memref<2x1600xi32, #tpu.memory_space<vmem>> -> memref<1x1600xi32, #tpu.memory_space<vmem>>
      %dma_start3A_205 = tpu.memref_squeeze %dma_start3A_204 : memref<1x1600xi32, #tpu.memory_space<vmem>> -> memref<1600xi32, #tpu.memory_space<vmem>>
      %dma_start3A_206 = tpu.memref_slice %arg2[%mul3A_6] : memref<819200xi32, #tpu.memory_space<hbm>> -> memref<1600xi32, #tpu.memory_space<hbm>>
      tpu.enqueue_dma source(%dma_start3A_206 : memref<1600xi32, #tpu.memory_space<hbm>>) target(%dma_start3A_205 : memref<1600xi32, #tpu.memory_space<vmem>>) target_semaphore(%run_scoped3A_198 : memref<!tpu.dma_semaphore, #tpu.memory_space<semaphore_mem>>)
      %dma_wait3A_207 = arith.constant 0 : i32
      %dma_wait3A_208 = tpu.memref_slice %arg6[%run_scoped3A, %dma_wait3A_207] : memref<2x1600xi32, #tpu.memory_space<vmem>> -> memref<1x1600xi32, #tpu.memory_space<vmem>>
      %dma_wait3A_209 = tpu.memref_squeeze %dma_wait3A_208 : memref<1x1600xi32, #tpu.memory_space<vmem>> -> memref<1600xi32, #tpu.memory_space<vmem>>
      %dma_wait3A_210 = tpu.memref_slice %arg2[%mul3A_6] : memref<819200xi32, #tpu.memory_space<hbm>> -> memref<1600xi32, #tpu.memory_space<hbm>>
      %dma_wait3A_211 = arith.constant 0 : i32
      %dma_wait3A_212 = tpu.memref_slice %arg6[%run_scoped3A, %dma_wait3A_211] : memref<2x1600xi32, #tpu.memory_space<vmem>> -> memref<1x1600xi32, #tpu.memory_space<vmem>>
      %dma_wait3A_213 = tpu.memref_squeeze %dma_wait3A_212 : memref<1x1600xi32, #tpu.memory_space<vmem>> -> memref<1600xi32, #tpu.memory_space<vmem>>
      %dma_wait3A_214 = tpu.memref_slice %arg2[%mul3A_6] : memref<819200xi32, #tpu.memory_space<hbm>> -> memref<1600xi32, #tpu.memory_space<hbm>>
      tpu.wait_dma2 semaphore(%run_scoped3A_198 : memref<!tpu.dma_semaphore, #tpu.memory_space<semaphore_mem>>) src(%dma_wait3A_214 : memref<1600xi32, #tpu.memory_space<hbm>>) dst(%dma_wait3A_213 : memref<1600xi32, #tpu.memory_space<vmem>>)
      tpu.yield
    }) : () -> ()
    %mul3A_7 = arith.constant 64 : i32
    %mul3A_8 = arith.muli %add3A_4, %mul3A_7 : i32
    %run_scoped3A_9 = arith.constant 0 : i32
    "tpu.region"() ({
      %run_scoped3A_198 = tpu.sem_alloc : memref<!tpu.dma_semaphore, #tpu.memory_space<semaphore_mem>>
      %dma_start3A_199 = arith.constant 0 : i32
      %dma_start3A_200 = tpu.memref_slice %arg7[%run_scoped3A_9, %dma_start3A_199] : memref<2x2048xi32, #tpu.memory_space<vmem>> -> memref<1x2048xi32, #tpu.memory_space<vmem>>
      %dma_start3A_201 = tpu.memref_squeeze %dma_start3A_200 : memref<1x2048xi32, #tpu.memory_space<vmem>> -> memref<2048xi32, #tpu.memory_space<vmem>>
      %dma_start3A_202 = tpu.memref_slice %arg3[%mul3A_8] : memref<1048576xi32, #tpu.memory_space<hbm>> -> memref<2048xi32, #tpu.memory_space<hbm>>
      %dma_start3A_203 = arith.constant 0 : i32
      %dma_start3A_204 = tpu.memref_slice %arg7[%run_scoped3A_9, %dma_start3A_203] : memref<2x2048xi32, #tpu.memory_space<vmem>> -> memref<1x2048xi32, #tpu.memory_space<vmem>>
      %dma_start3A_205 = tpu.memref_squeeze %dma_start3A_204 : memref<1x2048xi32, #tpu.memory_space<vmem>> -> memref<2048xi32, #tpu.memory_space<vmem>>
      %dma_start3A_206 = tpu.memref_slice %arg3[%mul3A_8] : memref<1048576xi32, #tpu.memory_space<hbm>> -> memref<2048xi32, #tpu.memory_space<hbm>>
      tpu.enqueue_dma source(%dma_start3A_206 : memref<2048xi32, #tpu.memory_space<hbm>>) target(%dma_start3A_205 : memref<2048xi32, #tpu.memory_space<vmem>>) target_semaphore(%run_scoped3A_198 : memref<!tpu.dma_semaphore, #tpu.memory_space<semaphore_mem>>)
      %dma_wait3A_207 = arith.constant 0 : i32
      %dma_wait3A_208 = tpu.memref_slice %arg7[%run_scoped3A_9, %dma_wait3A_207] : memref<2x2048xi32, #tpu.memory_space<vmem>> -> memref<1x2048xi32, #tpu.memory_space<vmem>>
      %dma_wait3A_209 = tpu.memref_squeeze %dma_wait3A_208 : memref<1x2048xi32, #tpu.memory_space<vmem>> -> memref<2048xi32, #tpu.memory_space<vmem>>
      %dma_wait3A_210 = tpu.memref_slice %arg3[%mul3A_8] : memref<1048576xi32, #tpu.memory_space<hbm>> -> memref<2048xi32, #tpu.memory_space<hbm>>
      %dma_wait3A_211 = arith.constant 0 : i32
      %dma_wait3A_212 = tpu.memref_slice %arg7[%run_scoped3A_9, %dma_wait3A_211] : memref<2x2048xi32, #tpu.memory_space<vmem>> -> memref<1x2048xi32, #tpu.memory_space<vmem>>
      %dma_wait3A_213 = tpu.memref_squeeze %dma_wait3A_212 : memref<1x2048xi32, #tpu.memory_space<vmem>> -> memref<2048xi32, #tpu.memory_space<vmem>>
      %dma_wait3A_214 = tpu.memref_slice %arg3[%mul3A_8] : memref<1048576xi32, #tpu.memory_space<hbm>> -> memref<2048xi32, #tpu.memory_space<hbm>>
      tpu.wait_dma2 semaphore(%run_scoped3A_198 : memref<!tpu.dma_semaphore, #tpu.memory_space<semaphore_mem>>) src(%dma_wait3A_214 : memref<2048xi32, #tpu.memory_space<hbm>>) dst(%dma_wait3A_213 : memref<2048xi32, #tpu.memory_space<vmem>>)
      tpu.yield
    }) : () -> ()
    %dma_start3A = arith.constant 0 : i32
    %dma_start3A_10 = arith.constant 0 : i32
    %dma_start3A_11 = arith.constant 0 : i32
    %dma_start3A_12 = arith.constant 0 : i32
    %dma_start3A_13 = tpu.memref_slice %arg8[%dma_start3A_10, %dma_start3A_11, %dma_start3A_12] : memref<2x1600x32xf32, #tpu.memory_space<vmem>> -> memref<1x128x32xf32, #tpu.memory_space<vmem>>
    %dma_start3A_14 = tpu.memref_squeeze %dma_start3A_13 : memref<1x128x32xf32, #tpu.memory_space<vmem>> -> memref<128x32xf32, #tpu.memory_space<vmem>>
    %dma_start3A_15 = arith.constant 0 : i32
    %dma_start3A_16 = tpu.memref_slice %arg6[%dma_start3A, %dma_start3A_15] : memref<2x1600xi32, #tpu.memory_space<vmem>> -> memref<1x128xi32, #tpu.memory_space<vmem>>
    %dma_start3A_17 = tpu.memref_squeeze %dma_start3A_16 : memref<1x128xi32, #tpu.memory_space<vmem>> -> memref<128xi32, #tpu.memory_space<vmem>>
    %dma_start3A_18 = arith.constant 0 : i32
    %dma_start3A_19 = arith.constant 0 : i32
    %dma_start3A_20 = tpu.memref_slice %arg4[%dma_start3A_18, %dma_start3A_19] : memref<1000001x32xf32, #tpu.memory_space<hbm>> -> memref<1000001x32xf32, #tpu.memory_space<hbm>>
    tpu.enqueue_indirect_dma source(%dma_start3A_20 : memref<1000001x32xf32, #tpu.memory_space<hbm>>) target(%dma_start3A_14 : memref<128x32xf32, #tpu.memory_space<vmem>>) offsets(%dma_start3A_17 : memref<128xi32, #tpu.memory_space<vmem>>) semaphore(%arg10 : memref<!tpu.dma_semaphore, #tpu.memory_space<semaphore_mem>>)
    %dma_start3A_21 = arith.constant 0 : i32
    %dma_start3A_22 = arith.constant 0 : i32
    %dma_start3A_23 = arith.constant 128 : i32
    %dma_start3A_24 = arith.constant 0 : i32
    %dma_start3A_25 = tpu.memref_slice %arg8[%dma_start3A_22, %dma_start3A_23, %dma_start3A_24] : memref<2x1600x32xf32, #tpu.memory_space<vmem>> -> memref<1x128x32xf32, #tpu.memory_space<vmem>>
    %dma_start3A_26 = tpu.memref_squeeze %dma_start3A_25 : memref<1x128x32xf32, #tpu.memory_space<vmem>> -> memref<128x32xf32, #tpu.memory_space<vmem>>
    %dma_start3A_27 = arith.constant 128 : i32
    %dma_start3A_28 = tpu.memref_slice %arg6[%dma_start3A_21, %dma_start3A_27] : memref<2x1600xi32, #tpu.memory_space<vmem>> -> memref<1x128xi32, #tpu.memory_space<vmem>>
    %dma_start3A_29 = tpu.memref_squeeze %dma_start3A_28 : memref<1x128xi32, #tpu.memory_space<vmem>> -> memref<128xi32, #tpu.memory_space<vmem>>
    %dma_start3A_30 = arith.constant 0 : i32
    %dma_start3A_31 = arith.constant 0 : i32
    %dma_start3A_32 = tpu.memref_slice %arg4[%dma_start3A_30, %dma_start3A_31] : memref<1000001x32xf32, #tpu.memory_space<hbm>> -> memref<1000001x32xf32, #tpu.memory_space<hbm>>
    tpu.enqueue_indirect_dma source(%dma_start3A_32 : memref<1000001x32xf32, #tpu.memory_space<hbm>>) target(%dma_start3A_26 : memref<128x32xf32, #tpu.memory_space<vmem>>) offsets(%dma_start3A_29 : memref<128xi32, #tpu.memory_space<vmem>>) semaphore(%arg10 : memref<!tpu.dma_semaphore, #tpu.memory_space<semaphore_mem>>)
    %dma_start3A_33 = arith.constant 0 : i32
    %dma_start3A_34 = arith.constant 0 : i32
    %dma_start3A_35 = arith.constant 256 : i32
    %dma_start3A_36 = arith.constant 0 : i32
    %dma_start3A_37 = tpu.memref_slice %arg8[%dma_start3A_34, %dma_start3A_35, %dma_start3A_36] : memref<2x1600x32xf32, #tpu.memory_space<vmem>> -> memref<1x128x32xf32, #tpu.memory_space<vmem>>
    %dma_start3A_38 = tpu.memref_squeeze %dma_start3A_37 : memref<1x128x32xf32, #tpu.memory_space<vmem>> -> memref<128x32xf32, #tpu.memory_space<vmem>>
    %dma_start3A_39 = arith.constant 256 : i32
    %dma_start3A_40 = tpu.memref_slice %arg6[%dma_start3A_33, %dma_start3A_39] : memref<2x1600xi32, #tpu.memory_space<vmem>> -> memref<1x128xi32, #tpu.memory_space<vmem>>
    %dma_start3A_41 = tpu.memref_squeeze %dma_start3A_40 : memref<1x128xi32, #tpu.memory_space<vmem>> -> memref<128xi32, #tpu.memory_space<vmem>>
    %dma_start3A_42 = arith.constant 0 : i32
    %dma_start3A_43 = arith.constant 0 : i32
    %dma_start3A_44 = tpu.memref_slice %arg4[%dma_start3A_42, %dma_start3A_43] : memref<1000001x32xf32, #tpu.memory_space<hbm>> -> memref<1000001x32xf32, #tpu.memory_space<hbm>>
    tpu.enqueue_indirect_dma source(%dma_start3A_44 : memref<1000001x32xf32, #tpu.memory_space<hbm>>) target(%dma_start3A_38 : memref<128x32xf32, #tpu.memory_space<vmem>>) offsets(%dma_start3A_41 : memref<128xi32, #tpu.memory_space<vmem>>) semaphore(%arg10 : memref<!tpu.dma_semaphore, #tpu.memory_space<semaphore_mem>>)
    %dma_start3A_45 = arith.constant 0 : i32
    %dma_start3A_46 = arith.constant 0 : i32
    %dma_start3A_47 = arith.constant 384 : i32
    %dma_start3A_48 = arith.constant 0 : i32
    %dma_start3A_49 = tpu.memref_slice %arg8[%dma_start3A_46, %dma_start3A_47, %dma_start3A_48] : memref<2x1600x32xf32, #tpu.memory_space<vmem>> -> memref<1x128x32xf32, #tpu.memory_space<vmem>>
    %dma_start3A_50 = tpu.memref_squeeze %dma_start3A_49 : memref<1x128x32xf32, #tpu.memory_space<vmem>> -> memref<128x32xf32, #tpu.memory_space<vmem>>
    %dma_start3A_51 = arith.constant 384 : i32
    %dma_start3A_52 = tpu.memref_slice %arg6[%dma_start3A_45, %dma_start3A_51] : memref<2x1600xi32, #tpu.memory_space<vmem>> -> memref<1x128xi32, #tpu.memory_space<vmem>>
    %dma_start3A_53 = tpu.memref_squeeze %dma_start3A_52 : memref<1x128xi32, #tpu.memory_space<vmem>> -> memref<128xi32, #tpu.memory_space<vmem>>
    %dma_start3A_54 = arith.constant 0 : i32
    %dma_start3A_55 = arith.constant 0 : i32
    %dma_start3A_56 = tpu.memref_slice %arg4[%dma_start3A_54, %dma_start3A_55] : memref<1000001x32xf32, #tpu.memory_space<hbm>> -> memref<1000001x32xf32, #tpu.memory_space<hbm>>
    tpu.enqueue_indirect_dma source(%dma_start3A_56 : memref<1000001x32xf32, #tpu.memory_space<hbm>>) target(%dma_start3A_50 : memref<128x32xf32, #tpu.memory_space<vmem>>) offsets(%dma_start3A_53 : memref<128xi32, #tpu.memory_space<vmem>>) semaphore(%arg10 : memref<!tpu.dma_semaphore, #tpu.memory_space<semaphore_mem>>)
    %dma_start3A_57 = arith.constant 0 : i32
    %dma_start3A_58 = arith.constant 0 : i32
    %dma_start3A_59 = arith.constant 512 : i32
    %dma_start3A_60 = arith.constant 0 : i32
    %dma_start3A_61 = tpu.memref_slice %arg8[%dma_start3A_58, %dma_start3A_59, %dma_start3A_60] : memref<2x1600x32xf32, #tpu.memory_space<vmem>> -> memref<1x128x32xf32, #tpu.memory_space<vmem>>
    %dma_start3A_62 = tpu.memref_squeeze %dma_start3A_61 : memref<1x128x32xf32, #tpu.memory_space<vmem>> -> memref<128x32xf32, #tpu.memory_space<vmem>>
    %dma_start3A_63 = arith.constant 512 : i32
    %dma_start3A_64 = tpu.memref_slice %arg6[%dma_start3A_57, %dma_start3A_63] : memref<2x1600xi32, #tpu.memory_space<vmem>> -> memref<1x128xi32, #tpu.memory_space<vmem>>
    %dma_start3A_65 = tpu.memref_squeeze %dma_start3A_64 : memref<1x128xi32, #tpu.memory_space<vmem>> -> memref<128xi32, #tpu.memory_space<vmem>>
    %dma_start3A_66 = arith.constant 0 : i32
    %dma_start3A_67 = arith.constant 0 : i32
    %dma_start3A_68 = tpu.memref_slice %arg4[%dma_start3A_66, %dma_start3A_67] : memref<1000001x32xf32, #tpu.memory_space<hbm>> -> memref<1000001x32xf32, #tpu.memory_space<hbm>>
    tpu.enqueue_indirect_dma source(%dma_start3A_68 : memref<1000001x32xf32, #tpu.memory_space<hbm>>) target(%dma_start3A_62 : memref<128x32xf32, #tpu.memory_space<vmem>>) offsets(%dma_start3A_65 : memref<128xi32, #tpu.memory_space<vmem>>) semaphore(%arg10 : memref<!tpu.dma_semaphore, #tpu.memory_space<semaphore_mem>>)
    %dma_start3A_69 = arith.constant 0 : i32
    %dma_start3A_70 = arith.constant 0 : i32
    %dma_start3A_71 = arith.constant 640 : i32
    %dma_start3A_72 = arith.constant 0 : i32
    %dma_start3A_73 = tpu.memref_slice %arg8[%dma_start3A_70, %dma_start3A_71, %dma_start3A_72] : memref<2x1600x32xf32, #tpu.memory_space<vmem>> -> memref<1x128x32xf32, #tpu.memory_space<vmem>>
    %dma_start3A_74 = tpu.memref_squeeze %dma_start3A_73 : memref<1x128x32xf32, #tpu.memory_space<vmem>> -> memref<128x32xf32, #tpu.memory_space<vmem>>
    %dma_start3A_75 = arith.constant 640 : i32
    %dma_start3A_76 = tpu.memref_slice %arg6[%dma_start3A_69, %dma_start3A_75] : memref<2x1600xi32, #tpu.memory_space<vmem>> -> memref<1x128xi32, #tpu.memory_space<vmem>>
    %dma_start3A_77 = tpu.memref_squeeze %dma_start3A_76 : memref<1x128xi32, #tpu.memory_space<vmem>> -> memref<128xi32, #tpu.memory_space<vmem>>
    %dma_start3A_78 = arith.constant 0 : i32
    %dma_start3A_79 = arith.constant 0 : i32
    %dma_start3A_80 = tpu.memref_slice %arg4[%dma_start3A_78, %dma_start3A_79] : memref<1000001x32xf32, #tpu.memory_space<hbm>> -> memref<1000001x32xf32, #tpu.memory_space<hbm>>
    tpu.enqueue_indirect_dma source(%dma_start3A_80 : memref<1000001x32xf32, #tpu.memory_space<hbm>>) target(%dma_start3A_74 : memref<128x32xf32, #tpu.memory_space<vmem>>) offsets(%dma_start3A_77 : memref<128xi32, #tpu.memory_space<vmem>>) semaphore(%arg10 : memref<!tpu.dma_semaphore, #tpu.memory_space<semaphore_mem>>)
    %dma_start3A_81 = arith.constant 0 : i32
    %dma_start3A_82 = arith.constant 0 : i32
    %dma_start3A_83 = arith.constant 768 : i32
    %dma_start3A_84 = arith.constant 0 : i32
    %dma_start3A_85 = tpu.memref_slice %arg8[%dma_start3A_82, %dma_start3A_83, %dma_start3A_84] : memref<2x1600x32xf32, #tpu.memory_space<vmem>> -> memref<1x128x32xf32, #tpu.memory_space<vmem>>
    %dma_start3A_86 = tpu.memref_squeeze %dma_start3A_85 : memref<1x128x32xf32, #tpu.memory_space<vmem>> -> memref<128x32xf32, #tpu.memory_space<vmem>>
    %dma_start3A_87 = arith.constant 768 : i32
    %dma_start3A_88 = tpu.memref_slice %arg6[%dma_start3A_81, %dma_start3A_87] : memref<2x1600xi32, #tpu.memory_space<vmem>> -> memref<1x128xi32, #tpu.memory_space<vmem>>
    %dma_start3A_89 = tpu.memref_squeeze %dma_start3A_88 : memref<1x128xi32, #tpu.memory_space<vmem>> -> memref<128xi32, #tpu.memory_space<vmem>>
    %dma_start3A_90 = arith.constant 0 : i32
    %dma_start3A_91 = arith.constant 0 : i32
    %dma_start3A_92 = tpu.memref_slice %arg4[%dma_start3A_90, %dma_start3A_91] : memref<1000001x32xf32, #tpu.memory_space<hbm>> -> memref<1000001x32xf32, #tpu.memory_space<hbm>>
    tpu.enqueue_indirect_dma source(%dma_start3A_92 : memref<1000001x32xf32, #tpu.memory_space<hbm>>) target(%dma_start3A_86 : memref<128x32xf32, #tpu.memory_space<vmem>>) offsets(%dma_start3A_89 : memref<128xi32, #tpu.memory_space<vmem>>) semaphore(%arg10 : memref<!tpu.dma_semaphore, #tpu.memory_space<semaphore_mem>>)
    %dma_start3A_93 = arith.constant 0 : i32
    %dma_start3A_94 = arith.constant 0 : i32
    %dma_start3A_95 = arith.constant 896 : i32
    %dma_start3A_96 = arith.constant 0 : i32
    %dma_start3A_97 = tpu.memref_slice %arg8[%dma_start3A_94, %dma_start3A_95, %dma_start3A_96] : memref<2x1600x32xf32, #tpu.memory_space<vmem>> -> memref<1x128x32xf32, #tpu.memory_space<vmem>>
    %dma_start3A_98 = tpu.memref_squeeze %dma_start3A_97 : memref<1x128x32xf32, #tpu.memory_space<vmem>> -> memref<128x32xf32, #tpu.memory_space<vmem>>
    %dma_start3A_99 = arith.constant 896 : i32
    %dma_start3A_100 = tpu.memref_slice %arg6[%dma_start3A_93, %dma_start3A_99] : memref<2x1600xi32, #tpu.memory_space<vmem>> -> memref<1x128xi32, #tpu.memory_space<vmem>>
    %dma_start3A_101 = tpu.memref_squeeze %dma_start3A_100 : memref<1x128xi32, #tpu.memory_space<vmem>> -> memref<128xi32, #tpu.memory_space<vmem>>
    %dma_start3A_102 = arith.constant 0 : i32
    %dma_start3A_103 = arith.constant 0 : i32
    %dma_start3A_104 = tpu.memref_slice %arg4[%dma_start3A_102, %dma_start3A_103] : memref<1000001x32xf32, #tpu.memory_space<hbm>> -> memref<1000001x32xf32, #tpu.memory_space<hbm>>
    tpu.enqueue_indirect_dma source(%dma_start3A_104 : memref<1000001x32xf32, #tpu.memory_space<hbm>>) target(%dma_start3A_98 : memref<128x32xf32, #tpu.memory_space<vmem>>) offsets(%dma_start3A_101 : memref<128xi32, #tpu.memory_space<vmem>>) semaphore(%arg10 : memref<!tpu.dma_semaphore, #tpu.memory_space<semaphore_mem>>)
    %dma_start3A_105 = arith.constant 0 : i32
    %dma_start3A_106 = arith.constant 0 : i32
    %dma_start3A_107 = arith.constant 1024 : i32
    %dma_start3A_108 = arith.constant 0 : i32
    %dma_start3A_109 = tpu.memref_slice %arg8[%dma_start3A_106, %dma_start3A_107, %dma_start3A_108] : memref<2x1600x32xf32, #tpu.memory_space<vmem>> -> memref<1x128x32xf32, #tpu.memory_space<vmem>>
    %dma_start3A_110 = tpu.memref_squeeze %dma_start3A_109 : memref<1x128x32xf32, #tpu.memory_space<vmem>> -> memref<128x32xf32, #tpu.memory_space<vmem>>
    %dma_start3A_111 = arith.constant 1024 : i32
    %dma_start3A_112 = tpu.memref_slice %arg6[%dma_start3A_105, %dma_start3A_111] : memref<2x1600xi32, #tpu.memory_space<vmem>> -> memref<1x128xi32, #tpu.memory_space<vmem>>
    %dma_start3A_113 = tpu.memref_squeeze %dma_start3A_112 : memref<1x128xi32, #tpu.memory_space<vmem>> -> memref<128xi32, #tpu.memory_space<vmem>>
    %dma_start3A_114 = arith.constant 0 : i32
    %dma_start3A_115 = arith.constant 0 : i32
    %dma_start3A_116 = tpu.memref_slice %arg4[%dma_start3A_114, %dma_start3A_115] : memref<1000001x32xf32, #tpu.memory_space<hbm>> -> memref<1000001x32xf32, #tpu.memory_space<hbm>>
    tpu.enqueue_indirect_dma source(%dma_start3A_116 : memref<1000001x32xf32, #tpu.memory_space<hbm>>) target(%dma_start3A_110 : memref<128x32xf32, #tpu.memory_space<vmem>>) offsets(%dma_start3A_113 : memref<128xi32, #tpu.memory_space<vmem>>) semaphore(%arg10 : memref<!tpu.dma_semaphore, #tpu.memory_space<semaphore_mem>>)
    %dma_start3A_117 = arith.constant 0 : i32
    %dma_start3A_118 = arith.constant 0 : i32
    %dma_start3A_119 = arith.constant 1152 : i32
    %dma_start3A_120 = arith.constant 0 : i32
    %dma_start3A_121 = tpu.memref_slice %arg8[%dma_start3A_118, %dma_start3A_119, %dma_start3A_120] : memref<2x1600x32xf32, #tpu.memory_space<vmem>> -> memref<1x128x32xf32, #tpu.memory_space<vmem>>
    %dma_start3A_122 = tpu.memref_squeeze %dma_start3A_121 : memref<1x128x32xf32, #tpu.memory_space<vmem>> -> memref<128x32xf32, #tpu.memory_space<vmem>>
    %dma_start3A_123 = arith.constant 1152 : i32
    %dma_start3A_124 = tpu.memref_slice %arg6[%dma_start3A_117, %dma_start3A_123] : memref<2x1600xi32, #tpu.memory_space<vmem>> -> memref<1x128xi32, #tpu.memory_space<vmem>>
    %dma_start3A_125 = tpu.memref_squeeze %dma_start3A_124 : memref<1x128xi32, #tpu.memory_space<vmem>> -> memref<128xi32, #tpu.memory_space<vmem>>
    %dma_start3A_126 = arith.constant 0 : i32
    %dma_start3A_127 = arith.constant 0 : i32
    %dma_start3A_128 = tpu.memref_slice %arg4[%dma_start3A_126, %dma_start3A_127] : memref<1000001x32xf32, #tpu.memory_space<hbm>> -> memref<1000001x32xf32, #tpu.memory_space<hbm>>
    tpu.enqueue_indirect_dma source(%dma_start3A_128 : memref<1000001x32xf32, #tpu.memory_space<hbm>>) target(%dma_start3A_122 : memref<128x32xf32, #tpu.memory_space<vmem>>) offsets(%dma_start3A_125 : memref<128xi32, #tpu.memory_space<vmem>>) semaphore(%arg10 : memref<!tpu.dma_semaphore, #tpu.memory_space<semaphore_mem>>)
    %dma_start3A_129 = arith.constant 0 : i32
    %dma_start3A_130 = arith.constant 0 : i32
    %dma_start3A_131 = arith.constant 1280 : i32
    %dma_start3A_132 = arith.constant 0 : i32
    %dma_start3A_133 = tpu.memref_slice %arg8[%dma_start3A_130, %dma_start3A_131, %dma_start3A_132] : memref<2x1600x32xf32, #tpu.memory_space<vmem>> -> memref<1x128x32xf32, #tpu.memory_space<vmem>>
    %dma_start3A_134 = tpu.memref_squeeze %dma_start3A_133 : memref<1x128x32xf32, #tpu.memory_space<vmem>> -> memref<128x32xf32, #tpu.memory_space<vmem>>
    %dma_start3A_135 = arith.constant 1280 : i32
    %dma_start3A_136 = tpu.memref_slice %arg6[%dma_start3A_129, %dma_start3A_135] : memref<2x1600xi32, #tpu.memory_space<vmem>> -> memref<1x128xi32, #tpu.memory_space<vmem>>
    %dma_start3A_137 = tpu.memref_squeeze %dma_start3A_136 : memref<1x128xi32, #tpu.memory_space<vmem>> -> memref<128xi32, #tpu.memory_space<vmem>>
    %dma_start3A_138 = arith.constant 0 : i32
    %dma_start3A_139 = arith.constant 0 : i32
    %dma_start3A_140 = tpu.memref_slice %arg4[%dma_start3A_138, %dma_start3A_139] : memref<1000001x32xf32, #tpu.memory_space<hbm>> -> memref<1000001x32xf32, #tpu.memory_space<hbm>>
    tpu.enqueue_indirect_dma source(%dma_start3A_140 : memref<1000001x32xf32, #tpu.memory_space<hbm>>) target(%dma_start3A_134 : memref<128x32xf32, #tpu.memory_space<vmem>>) offsets(%dma_start3A_137 : memref<128xi32, #tpu.memory_space<vmem>>) semaphore(%arg10 : memref<!tpu.dma_semaphore, #tpu.memory_space<semaphore_mem>>)
    %dma_start3A_141 = arith.constant 0 : i32
    %dma_start3A_142 = arith.constant 0 : i32
    %dma_start3A_143 = arith.constant 1408 : i32
    %dma_start3A_144 = arith.constant 0 : i32
    %dma_start3A_145 = tpu.memref_slice %arg8[%dma_start3A_142, %dma_start3A_143, %dma_start3A_144] : memref<2x1600x32xf32, #tpu.memory_space<vmem>> -> memref<1x128x32xf32, #tpu.memory_space<vmem>>
    %dma_start3A_146 = tpu.memref_squeeze %dma_start3A_145 : memref<1x128x32xf32, #tpu.memory_space<vmem>> -> memref<128x32xf32, #tpu.memory_space<vmem>>
    %dma_start3A_147 = arith.constant 1408 : i32
    %dma_start3A_148 = tpu.memref_slice %arg6[%dma_start3A_141, %dma_start3A_147] : memref<2x1600xi32, #tpu.memory_space<vmem>> -> memref<1x128xi32, #tpu.memory_space<vmem>>
    %dma_start3A_149 = tpu.memref_squeeze %dma_start3A_148 : memref<1x128xi32, #tpu.memory_space<vmem>> -> memref<128xi32, #tpu.memory_space<vmem>>
    %dma_start3A_150 = arith.constant 0 : i32
    %dma_start3A_151 = arith.constant 0 : i32
    %dma_start3A_152 = tpu.memref_slice %arg4[%dma_start3A_150, %dma_start3A_151] : memref<1000001x32xf32, #tpu.memory_space<hbm>> -> memref<1000001x32xf32, #tpu.memory_space<hbm>>
    tpu.enqueue_indirect_dma source(%dma_start3A_152 : memref<1000001x32xf32, #tpu.memory_space<hbm>>) target(%dma_start3A_146 : memref<128x32xf32, #tpu.memory_space<vmem>>) offsets(%dma_start3A_149 : memref<128xi32, #tpu.memory_space<vmem>>) semaphore(%arg10 : memref<!tpu.dma_semaphore, #tpu.memory_space<semaphore_mem>>)
    %dma_start3A_153 = arith.constant 0 : i32
    %dma_start3A_154 = arith.constant 0 : i32
    %dma_start3A_155 = arith.constant 1536 : i32
    %dma_start3A_156 = arith.constant 0 : i32
    %dma_start3A_157 = tpu.memref_slice %arg8[%dma_start3A_154, %dma_start3A_155, %dma_start3A_156] : memref<2x1600x32xf32, #tpu.memory_space<vmem>> -> memref<1x64x32xf32, #tpu.memory_space<vmem>>
    %dma_start3A_158 = tpu.memref_squeeze %dma_start3A_157 : memref<1x64x32xf32, #tpu.memory_space<vmem>> -> memref<64x32xf32, #tpu.memory_space<vmem>>
    %dma_start3A_159 = arith.constant 1536 : i32
    %dma_start3A_160 = tpu.memref_slice %arg6[%dma_start3A_153, %dma_start3A_159] : memref<2x1600xi32, #tpu.memory_space<vmem>> -> memref<1x64xi32, #tpu.memory_space<vmem>>
    %dma_start3A_161 = tpu.memref_squeeze %dma_start3A_160 : memref<1x64xi32, #tpu.memory_space<vmem>> -> memref<64xi32, #tpu.memory_space<vmem>>
    %dma_start3A_162 = arith.constant 0 : i32
    %dma_start3A_163 = arith.constant 0 : i32
    %dma_start3A_164 = tpu.memref_slice %arg4[%dma_start3A_162, %dma_start3A_163] : memref<1000001x32xf32, #tpu.memory_space<hbm>> -> memref<1000001x32xf32, #tpu.memory_space<hbm>>
    tpu.enqueue_indirect_dma source(%dma_start3A_164 : memref<1000001x32xf32, #tpu.memory_space<hbm>>) target(%dma_start3A_158 : memref<64x32xf32, #tpu.memory_space<vmem>>) offsets(%dma_start3A_161 : memref<64xi32, #tpu.memory_space<vmem>>) semaphore(%arg10 : memref<!tpu.dma_semaphore, #tpu.memory_space<semaphore_mem>>)
    %scan3A = arith.constant 0 : i32
    %scan3A_165 = arith.constant 8 : i32
    %scan3A_166 = arith.addi %scan3A, %scan3A_165 : i32
    %scan3A_167 = arith.constant 1 : i32
    scf.for %scan3A_198 = %scan3A to %scan3A_166 step %scan3A_167  : i32 {
      %mul3A_199 = arith.constant 1 : i32
      %mul3A_200 = arith.muli %scan3A_198, %mul3A_199 : i32
      %add3A_201 = arith.constant 0 : i32
      %add3A_202 = arith.addi %add3A_201, %mul3A_200 : i32
      %mul3A_203 = arith.constant 2 : i32
      %mul3A_204 = arith.muli %add3A_202, %mul3A_203 : i32
      %add3A_205 = arith.constant 0 : i32
      %add3A_206 = arith.addi %mul3A_204, %add3A_205 : i32
      %add3A_207 = arith.constant 1 : i32
      %add3A_208 = arith.addi %add3A_206, %add3A_207 : i32
      %lt3A = arith.constant 16 : i32
      %lt3A_209 = arith.cmpi slt, %add3A_208, %lt3A : i32
      %convert_element_type3A = arith.extui %lt3A_209 : i1 to i32
      %cond3A = arith.constant 0 : i32
      %cond3A_210 = arith.cmpi ne, %convert_element_type3A, %cond3A : i32
      scf.if %cond3A_210 {
        %add3A_585 = arith.constant 1 : i32
        %add3A_586 = arith.addi %add3A_206, %add3A_585 : i32
        %mul3A_587 = arith.constant 32 : i32
        %mul3A_588 = arith.muli %add3A_586, %mul3A_587 : i32
        %add3A_589 = arith.addi %mul3A_2, %mul3A_588 : i32
        %mul3A_590 = arith.constant 50 : i32
        %mul3A_591 = arith.muli %add3A_589, %mul3A_590 : i32
        %run_scoped3A_592 = arith.constant 1 : i32
        "tpu.region"() ({
          %run_scoped3A_752 = tpu.sem_alloc : memref<!tpu.dma_semaphore, #tpu.memory_space<semaphore_mem>>
          %dma_start3A_753 = arith.constant 0 : i32
          %dma_start3A_754 = tpu.memref_slice %arg6[%run_scoped3A_592, %dma_start3A_753] : memref<2x1600xi32, #tpu.memory_space<vmem>> -> memref<1x1600xi32, #tpu.memory_space<vmem>>
          %dma_start3A_755 = tpu.memref_squeeze %dma_start3A_754 : memref<1x1600xi32, #tpu.memory_space<vmem>> -> memref<1600xi32, #tpu.memory_space<vmem>>
          %dma_start3A_756 = tpu.memref_slice %arg2[%mul3A_591] : memref<819200xi32, #tpu.memory_space<hbm>> -> memref<1600xi32, #tpu.memory_space<hbm>>
          %dma_start3A_757 = arith.constant 0 : i32
          %dma_start3A_758 = tpu.memref_slice %arg6[%run_scoped3A_592, %dma_start3A_757] : memref<2x1600xi32, #tpu.memory_space<vmem>> -> memref<1x1600xi32, #tpu.memory_space<vmem>>
          %dma_start3A_759 = tpu.memref_squeeze %dma_start3A_758 : memref<1x1600xi32, #tpu.memory_space<vmem>> -> memref<1600xi32, #tpu.memory_space<vmem>>
          %dma_start3A_760 = tpu.memref_slice %arg2[%mul3A_591] : memref<819200xi32, #tpu.memory_space<hbm>> -> memref<1600xi32, #tpu.memory_space<hbm>>
          tpu.enqueue_dma source(%dma_start3A_760 : memref<1600xi32, #tpu.memory_space<hbm>>) target(%dma_start3A_759 : memref<1600xi32, #tpu.memory_space<vmem>>) target_semaphore(%run_scoped3A_752 : memref<!tpu.dma_semaphore, #tpu.memory_space<semaphore_mem>>)
          %dma_wait3A_761 = arith.constant 0 : i32
          %dma_wait3A_762 = tpu.memref_slice %arg6[%run_scoped3A_592, %dma_wait3A_761] : memref<2x1600xi32, #tpu.memory_space<vmem>> -> memref<1x1600xi32, #tpu.memory_space<vmem>>
          %dma_wait3A_763 = tpu.memref_squeeze %dma_wait3A_762 : memref<1x1600xi32, #tpu.memory_space<vmem>> -> memref<1600xi32, #tpu.memory_space<vmem>>
          %dma_wait3A_764 = tpu.memref_slice %arg2[%mul3A_591] : memref<819200xi32, #tpu.memory_space<hbm>> -> memref<1600xi32, #tpu.memory_space<hbm>>
          %dma_wait3A_765 = arith.constant 0 : i32
          %dma_wait3A_766 = tpu.memref_slice %arg6[%run_scoped3A_592, %dma_wait3A_765] : memref<2x1600xi32, #tpu.memory_space<vmem>> -> memref<1x1600xi32, #tpu.memory_space<vmem>>
          %dma_wait3A_767 = tpu.memref_squeeze %dma_wait3A_766 : memref<1x1600xi32, #tpu.memory_space<vmem>> -> memref<1600xi32, #tpu.memory_space<vmem>>
          %dma_wait3A_768 = tpu.memref_slice %arg2[%mul3A_591] : memref<819200xi32, #tpu.memory_space<hbm>> -> memref<1600xi32, #tpu.memory_space<hbm>>
          tpu.wait_dma2 semaphore(%run_scoped3A_752 : memref<!tpu.dma_semaphore, #tpu.memory_space<semaphore_mem>>) src(%dma_wait3A_768 : memref<1600xi32, #tpu.memory_space<hbm>>) dst(%dma_wait3A_767 : memref<1600xi32, #tpu.memory_space<vmem>>)
          tpu.yield
        }) : () -> ()
        %mul3A_593 = arith.constant 64 : i32
        %mul3A_594 = arith.muli %add3A_589, %mul3A_593 : i32
        %run_scoped3A_595 = arith.constant 1 : i32
        "tpu.region"() ({
          %run_scoped3A_752 = tpu.sem_alloc : memref<!tpu.dma_semaphore, #tpu.memory_space<semaphore_mem>>
          %dma_start3A_753 = arith.constant 0 : i32
          %dma_start3A_754 = tpu.memref_slice %arg7[%run_scoped3A_595, %dma_start3A_753] : memref<2x2048xi32, #tpu.memory_space<vmem>> -> memref<1x2048xi32, #tpu.memory_space<vmem>>
          %dma_start3A_755 = tpu.memref_squeeze %dma_start3A_754 : memref<1x2048xi32, #tpu.memory_space<vmem>> -> memref<2048xi32, #tpu.memory_space<vmem>>
          %dma_start3A_756 = tpu.memref_slice %arg3[%mul3A_594] : memref<1048576xi32, #tpu.memory_space<hbm>> -> memref<2048xi32, #tpu.memory_space<hbm>>
          %dma_start3A_757 = arith.constant 0 : i32
          %dma_start3A_758 = tpu.memref_slice %arg7[%run_scoped3A_595, %dma_start3A_757] : memref<2x2048xi32, #tpu.memory_space<vmem>> -> memref<1x2048xi32, #tpu.memory_space<vmem>>
          %dma_start3A_759 = tpu.memref_squeeze %dma_start3A_758 : memref<1x2048xi32, #tpu.memory_space<vmem>> -> memref<2048xi32, #tpu.memory_space<vmem>>
          %dma_start3A_760 = tpu.memref_slice %arg3[%mul3A_594] : memref<1048576xi32, #tpu.memory_space<hbm>> -> memref<2048xi32, #tpu.memory_space<hbm>>
          tpu.enqueue_dma source(%dma_start3A_760 : memref<2048xi32, #tpu.memory_space<hbm>>) target(%dma_start3A_759 : memref<2048xi32, #tpu.memory_space<vmem>>) target_semaphore(%run_scoped3A_752 : memref<!tpu.dma_semaphore, #tpu.memory_space<semaphore_mem>>)
          %dma_wait3A_761 = arith.constant 0 : i32
          %dma_wait3A_762 = tpu.memref_slice %arg7[%run_scoped3A_595, %dma_wait3A_761] : memref<2x2048xi32, #tpu.memory_space<vmem>> -> memref<1x2048xi32, #tpu.memory_space<vmem>>
          %dma_wait3A_763 = tpu.memref_squeeze %dma_wait3A_762 : memref<1x2048xi32, #tpu.memory_space<vmem>> -> memref<2048xi32, #tpu.memory_space<vmem>>
          %dma_wait3A_764 = tpu.memref_slice %arg3[%mul3A_594] : memref<1048576xi32, #tpu.memory_space<hbm>> -> memref<2048xi32, #tpu.memory_space<hbm>>
          %dma_wait3A_765 = arith.constant 0 : i32
          %dma_wait3A_766 = tpu.memref_slice %arg7[%run_scoped3A_595, %dma_wait3A_765] : memref<2x2048xi32, #tpu.memory_space<vmem>> -> memref<1x2048xi32, #tpu.memory_space<vmem>>
          %dma_wait3A_767 = tpu.memref_squeeze %dma_wait3A_766 : memref<1x2048xi32, #tpu.memory_space<vmem>> -> memref<2048xi32, #tpu.memory_space<vmem>>
          %dma_wait3A_768 = tpu.memref_slice %arg3[%mul3A_594] : memref<1048576xi32, #tpu.memory_space<hbm>> -> memref<2048xi32, #tpu.memory_space<hbm>>
          tpu.wait_dma2 semaphore(%run_scoped3A_752 : memref<!tpu.dma_semaphore, #tpu.memory_space<semaphore_mem>>) src(%dma_wait3A_768 : memref<2048xi32, #tpu.memory_space<hbm>>) dst(%dma_wait3A_767 : memref<2048xi32, #tpu.memory_space<vmem>>)
          tpu.yield
        }) : () -> ()
        %dma_start3A_596 = arith.constant 1 : i32
        %dma_start3A_597 = arith.constant 1 : i32
        %dma_start3A_598 = arith.constant 0 : i32
        %dma_start3A_599 = arith.constant 0 : i32
        %dma_start3A_600 = tpu.memref_slice %arg8[%dma_start3A_597, %dma_start3A_598, %dma_start3A_599] : memref<2x1600x32xf32, #tpu.memory_space<vmem>> -> memref<1x128x32xf32, #tpu.memory_space<vmem>>
        %dma_start3A_601 = tpu.memref_squeeze %dma_start3A_600 : memref<1x128x32xf32, #tpu.memory_space<vmem>> -> memref<128x32xf32, #tpu.memory_space<vmem>>
        %dma_start3A_602 = arith.constant 0 : i32
        %dma_start3A_603 = tpu.memref_slice %arg6[%dma_start3A_596, %dma_start3A_602] : memref<2x1600xi32, #tpu.memory_space<vmem>> -> memref<1x128xi32, #tpu.memory_space<vmem>>
        %dma_start3A_604 = tpu.memref_squeeze %dma_start3A_603 : memref<1x128xi32, #tpu.memory_space<vmem>> -> memref<128xi32, #tpu.memory_space<vmem>>
        %dma_start3A_605 = arith.constant 0 : i32
        %dma_start3A_606 = arith.constant 0 : i32
        %dma_start3A_607 = tpu.memref_slice %arg4[%dma_start3A_605, %dma_start3A_606] : memref<1000001x32xf32, #tpu.memory_space<hbm>> -> memref<1000001x32xf32, #tpu.memory_space<hbm>>
        tpu.enqueue_indirect_dma source(%dma_start3A_607 : memref<1000001x32xf32, #tpu.memory_space<hbm>>) target(%dma_start3A_601 : memref<128x32xf32, #tpu.memory_space<vmem>>) offsets(%dma_start3A_604 : memref<128xi32, #tpu.memory_space<vmem>>) semaphore(%arg11 : memref<!tpu.dma_semaphore, #tpu.memory_space<semaphore_mem>>)
        %dma_start3A_608 = arith.constant 1 : i32
        %dma_start3A_609 = arith.constant 1 : i32
        %dma_start3A_610 = arith.constant 128 : i32
        %dma_start3A_611 = arith.constant 0 : i32
        %dma_start3A_612 = tpu.memref_slice %arg8[%dma_start3A_609, %dma_start3A_610, %dma_start3A_611] : memref<2x1600x32xf32, #tpu.memory_space<vmem>> -> memref<1x128x32xf32, #tpu.memory_space<vmem>>
        %dma_start3A_613 = tpu.memref_squeeze %dma_start3A_612 : memref<1x128x32xf32, #tpu.memory_space<vmem>> -> memref<128x32xf32, #tpu.memory_space<vmem>>
        %dma_start3A_614 = arith.constant 128 : i32
        %dma_start3A_615 = tpu.memref_slice %arg6[%dma_start3A_608, %dma_start3A_614] : memref<2x1600xi32, #tpu.memory_space<vmem>> -> memref<1x128xi32, #tpu.memory_space<vmem>>
        %dma_start3A_616 = tpu.memref_squeeze %dma_start3A_615 : memref<1x128xi32, #tpu.memory_space<vmem>> -> memref<128xi32, #tpu.memory_space<vmem>>
        %dma_start3A_617 = arith.constant 0 : i32
        %dma_start3A_618 = arith.constant 0 : i32
        %dma_start3A_619 = tpu.memref_slice %arg4[%dma_start3A_617, %dma_start3A_618] : memref<1000001x32xf32, #tpu.memory_space<hbm>> -> memref<1000001x32xf32, #tpu.memory_space<hbm>>
        tpu.enqueue_indirect_dma source(%dma_start3A_619 : memref<1000001x32xf32, #tpu.memory_space<hbm>>) target(%dma_start3A_613 : memref<128x32xf32, #tpu.memory_space<vmem>>) offsets(%dma_start3A_616 : memref<128xi32, #tpu.memory_space<vmem>>) semaphore(%arg11 : memref<!tpu.dma_semaphore, #tpu.memory_space<semaphore_mem>>)
        %dma_start3A_620 = arith.constant 1 : i32
        %dma_start3A_621 = arith.constant 1 : i32
        %dma_start3A_622 = arith.constant 256 : i32
        %dma_start3A_623 = arith.constant 0 : i32
        %dma_start3A_624 = tpu.memref_slice %arg8[%dma_start3A_621, %dma_start3A_622, %dma_start3A_623] : memref<2x1600x32xf32, #tpu.memory_space<vmem>> -> memref<1x128x32xf32, #tpu.memory_space<vmem>>
        %dma_start3A_625 = tpu.memref_squeeze %dma_start3A_624 : memref<1x128x32xf32, #tpu.memory_space<vmem>> -> memref<128x32xf32, #tpu.memory_space<vmem>>
        %dma_start3A_626 = arith.constant 256 : i32
        %dma_start3A_627 = tpu.memref_slice %arg6[%dma_start3A_620, %dma_start3A_626] : memref<2x1600xi32, #tpu.memory_space<vmem>> -> memref<1x128xi32, #tpu.memory_space<vmem>>
        %dma_start3A_628 = tpu.memref_squeeze %dma_start3A_627 : memref<1x128xi32, #tpu.memory_space<vmem>> -> memref<128xi32, #tpu.memory_space<vmem>>
        %dma_start3A_629 = arith.constant 0 : i32
        %dma_start3A_630 = arith.constant 0 : i32
        %dma_start3A_631 = tpu.memref_slice %arg4[%dma_start3A_629, %dma_start3A_630] : memref<1000001x32xf32, #tpu.memory_space<hbm>> -> memref<1000001x32xf32, #tpu.memory_space<hbm>>
        tpu.enqueue_indirect_dma source(%dma_start3A_631 : memref<1000001x32xf32, #tpu.memory_space<hbm>>) target(%dma_start3A_625 : memref<128x32xf32, #tpu.memory_space<vmem>>) offsets(%dma_start3A_628 : memref<128xi32, #tpu.memory_space<vmem>>) semaphore(%arg11 : memref<!tpu.dma_semaphore, #tpu.memory_space<semaphore_mem>>)
        %dma_start3A_632 = arith.constant 1 : i32
        %dma_start3A_633 = arith.constant 1 : i32
        %dma_start3A_634 = arith.constant 384 : i32
        %dma_start3A_635 = arith.constant 0 : i32
        %dma_start3A_636 = tpu.memref_slice %arg8[%dma_start3A_633, %dma_start3A_634, %dma_start3A_635] : memref<2x1600x32xf32, #tpu.memory_space<vmem>> -> memref<1x128x32xf32, #tpu.memory_space<vmem>>
        %dma_start3A_637 = tpu.memref_squeeze %dma_start3A_636 : memref<1x128x32xf32, #tpu.memory_space<vmem>> -> memref<128x32xf32, #tpu.memory_space<vmem>>
        %dma_start3A_638 = arith.constant 384 : i32
        %dma_start3A_639 = tpu.memref_slice %arg6[%dma_start3A_632, %dma_start3A_638] : memref<2x1600xi32, #tpu.memory_space<vmem>> -> memref<1x128xi32, #tpu.memory_space<vmem>>
        %dma_start3A_640 = tpu.memref_squeeze %dma_start3A_639 : memref<1x128xi32, #tpu.memory_space<vmem>> -> memref<128xi32, #tpu.memory_space<vmem>>
        %dma_start3A_641 = arith.constant 0 : i32
        %dma_start3A_642 = arith.constant 0 : i32
        %dma_start3A_643 = tpu.memref_slice %arg4[%dma_start3A_641, %dma_start3A_642] : memref<1000001x32xf32, #tpu.memory_space<hbm>> -> memref<1000001x32xf32, #tpu.memory_space<hbm>>
        tpu.enqueue_indirect_dma source(%dma_start3A_643 : memref<1000001x32xf32, #tpu.memory_space<hbm>>) target(%dma_start3A_637 : memref<128x32xf32, #tpu.memory_space<vmem>>) offsets(%dma_start3A_640 : memref<128xi32, #tpu.memory_space<vmem>>) semaphore(%arg11 : memref<!tpu.dma_semaphore, #tpu.memory_space<semaphore_mem>>)
        %dma_start3A_644 = arith.constant 1 : i32
        %dma_start3A_645 = arith.constant 1 : i32
        %dma_start3A_646 = arith.constant 512 : i32
        %dma_start3A_647 = arith.constant 0 : i32
        %dma_start3A_648 = tpu.memref_slice %arg8[%dma_start3A_645, %dma_start3A_646, %dma_start3A_647] : memref<2x1600x32xf32, #tpu.memory_space<vmem>> -> memref<1x128x32xf32, #tpu.memory_space<vmem>>
        %dma_start3A_649 = tpu.memref_squeeze %dma_start3A_648 : memref<1x128x32xf32, #tpu.memory_space<vmem>> -> memref<128x32xf32, #tpu.memory_space<vmem>>
        %dma_start3A_650 = arith.constant 512 : i32
        %dma_start3A_651 = tpu.memref_slice %arg6[%dma_start3A_644, %dma_start3A_650] : memref<2x1600xi32, #tpu.memory_space<vmem>> -> memref<1x128xi32, #tpu.memory_space<vmem>>
        %dma_start3A_652 = tpu.memref_squeeze %dma_start3A_651 : memref<1x128xi32, #tpu.memory_space<vmem>> -> memref<128xi32, #tpu.memory_space<vmem>>
        %dma_start3A_653 = arith.constant 0 : i32
        %dma_start3A_654 = arith.constant 0 : i32
        %dma_start3A_655 = tpu.memref_slice %arg4[%dma_start3A_653, %dma_start3A_654] : memref<1000001x32xf32, #tpu.memory_space<hbm>> -> memref<1000001x32xf32, #tpu.memory_space<hbm>>
        tpu.enqueue_indirect_dma source(%dma_start3A_655 : memref<1000001x32xf32, #tpu.memory_space<hbm>>) target(%dma_start3A_649 : memref<128x32xf32, #tpu.memory_space<vmem>>) offsets(%dma_start3A_652 : memref<128xi32, #tpu.memory_space<vmem>>) semaphore(%arg11 : memref<!tpu.dma_semaphore, #tpu.memory_space<semaphore_mem>>)
        %dma_start3A_656 = arith.constant 1 : i32
        %dma_start3A_657 = arith.constant 1 : i32
        %dma_start3A_658 = arith.constant 640 : i32
        %dma_start3A_659 = arith.constant 0 : i32
        %dma_start3A_660 = tpu.memref_slice %arg8[%dma_start3A_657, %dma_start3A_658, %dma_start3A_659] : memref<2x1600x32xf32, #tpu.memory_space<vmem>> -> memref<1x128x32xf32, #tpu.memory_space<vmem>>
        %dma_start3A_661 = tpu.memref_squeeze %dma_start3A_660 : memref<1x128x32xf32, #tpu.memory_space<vmem>> -> memref<128x32xf32, #tpu.memory_space<vmem>>
        %dma_start3A_662 = arith.constant 640 : i32
        %dma_start3A_663 = tpu.memref_slice %arg6[%dma_start3A_656, %dma_start3A_662] : memref<2x1600xi32, #tpu.memory_space<vmem>> -> memref<1x128xi32, #tpu.memory_space<vmem>>
        %dma_start3A_664 = tpu.memref_squeeze %dma_start3A_663 : memref<1x128xi32, #tpu.memory_space<vmem>> -> memref<128xi32, #tpu.memory_space<vmem>>
        %dma_start3A_665 = arith.constant 0 : i32
        %dma_start3A_666 = arith.constant 0 : i32
        %dma_start3A_667 = tpu.memref_slice %arg4[%dma_start3A_665, %dma_start3A_666] : memref<1000001x32xf32, #tpu.memory_space<hbm>> -> memref<1000001x32xf32, #tpu.memory_space<hbm>>
        tpu.enqueue_indirect_dma source(%dma_start3A_667 : memref<1000001x32xf32, #tpu.memory_space<hbm>>) target(%dma_start3A_661 : memref<128x32xf32, #tpu.memory_space<vmem>>) offsets(%dma_start3A_664 : memref<128xi32, #tpu.memory_space<vmem>>) semaphore(%arg11 : memref<!tpu.dma_semaphore, #tpu.memory_space<semaphore_mem>>)
        %dma_start3A_668 = arith.constant 1 : i32
        %dma_start3A_669 = arith.constant 1 : i32
        %dma_start3A_670 = arith.constant 768 : i32
        %dma_start3A_671 = arith.constant 0 : i32
        %dma_start3A_672 = tpu.memref_slice %arg8[%dma_start3A_669, %dma_start3A_670, %dma_start3A_671] : memref<2x1600x32xf32, #tpu.memory_space<vmem>> -> memref<1x128x32xf32, #tpu.memory_space<vmem>>
        %dma_start3A_673 = tpu.memref_squeeze %dma_start3A_672 : memref<1x128x32xf32, #tpu.memory_space<vmem>> -> memref<128x32xf32, #tpu.memory_space<vmem>>
        %dma_start3A_674 = arith.constant 768 : i32
        %dma_start3A_675 = tpu.memref_slice %arg6[%dma_start3A_668, %dma_start3A_674] : memref<2x1600xi32, #tpu.memory_space<vmem>> -> memref<1x128xi32, #tpu.memory_space<vmem>>
        %dma_start3A_676 = tpu.memref_squeeze %dma_start3A_675 : memref<1x128xi32, #tpu.memory_space<vmem>> -> memref<128xi32, #tpu.memory_space<vmem>>
        %dma_start3A_677 = arith.constant 0 : i32
        %dma_start3A_678 = arith.constant 0 : i32
        %dma_start3A_679 = tpu.memref_slice %arg4[%dma_start3A_677, %dma_start3A_678] : memref<1000001x32xf32, #tpu.memory_space<hbm>> -> memref<1000001x32xf32, #tpu.memory_space<hbm>>
        tpu.enqueue_indirect_dma source(%dma_start3A_679 : memref<1000001x32xf32, #tpu.memory_space<hbm>>) target(%dma_start3A_673 : memref<128x32xf32, #tpu.memory_space<vmem>>) offsets(%dma_start3A_676 : memref<128xi32, #tpu.memory_space<vmem>>) semaphore(%arg11 : memref<!tpu.dma_semaphore, #tpu.memory_space<semaphore_mem>>)
        %dma_start3A_680 = arith.constant 1 : i32
        %dma_start3A_681 = arith.constant 1 : i32
        %dma_start3A_682 = arith.constant 896 : i32
        %dma_start3A_683 = arith.constant 0 : i32
        %dma_start3A_684 = tpu.memref_slice %arg8[%dma_start3A_681, %dma_start3A_682, %dma_start3A_683] : memref<2x1600x32xf32, #tpu.memory_space<vmem>> -> memref<1x128x32xf32, #tpu.memory_space<vmem>>
        %dma_start3A_685 = tpu.memref_squeeze %dma_start3A_684 : memref<1x128x32xf32, #tpu.memory_space<vmem>> -> memref<128x32xf32, #tpu.memory_space<vmem>>
        %dma_start3A_686 = arith.constant 896 : i32
        %dma_start3A_687 = tpu.memref_slice %arg6[%dma_start3A_680, %dma_start3A_686] : memref<2x1600xi32, #tpu.memory_space<vmem>> -> memref<1x128xi32, #tpu.memory_space<vmem>>
        %dma_start3A_688 = tpu.memref_squeeze %dma_start3A_687 : memref<1x128xi32, #tpu.memory_space<vmem>> -> memref<128xi32, #tpu.memory_space<vmem>>
        %dma_start3A_689 = arith.constant 0 : i32
        %dma_start3A_690 = arith.constant 0 : i32
        %dma_start3A_691 = tpu.memref_slice %arg4[%dma_start3A_689, %dma_start3A_690] : memref<1000001x32xf32, #tpu.memory_space<hbm>> -> memref<1000001x32xf32, #tpu.memory_space<hbm>>
        tpu.enqueue_indirect_dma source(%dma_start3A_691 : memref<1000001x32xf32, #tpu.memory_space<hbm>>) target(%dma_start3A_685 : memref<128x32xf32, #tpu.memory_space<vmem>>) offsets(%dma_start3A_688 : memref<128xi32, #tpu.memory_space<vmem>>) semaphore(%arg11 : memref<!tpu.dma_semaphore, #tpu.memory_space<semaphore_mem>>)
        %dma_start3A_692 = arith.constant 1 : i32
        %dma_start3A_693 = arith.constant 1 : i32
        %dma_start3A_694 = arith.constant 1024 : i32
        %dma_start3A_695 = arith.constant 0 : i32
        %dma_start3A_696 = tpu.memref_slice %arg8[%dma_start3A_693, %dma_start3A_694, %dma_start3A_695] : memref<2x1600x32xf32, #tpu.memory_space<vmem>> -> memref<1x128x32xf32, #tpu.memory_space<vmem>>
        %dma_start3A_697 = tpu.memref_squeeze %dma_start3A_696 : memref<1x128x32xf32, #tpu.memory_space<vmem>> -> memref<128x32xf32, #tpu.memory_space<vmem>>
        %dma_start3A_698 = arith.constant 1024 : i32
        %dma_start3A_699 = tpu.memref_slice %arg6[%dma_start3A_692, %dma_start3A_698] : memref<2x1600xi32, #tpu.memory_space<vmem>> -> memref<1x128xi32, #tpu.memory_space<vmem>>
        %dma_start3A_700 = tpu.memref_squeeze %dma_start3A_699 : memref<1x128xi32, #tpu.memory_space<vmem>> -> memref<128xi32, #tpu.memory_space<vmem>>
        %dma_start3A_701 = arith.constant 0 : i32
        %dma_start3A_702 = arith.constant 0 : i32
        %dma_start3A_703 = tpu.memref_slice %arg4[%dma_start3A_701, %dma_start3A_702] : memref<1000001x32xf32, #tpu.memory_space<hbm>> -> memref<1000001x32xf32, #tpu.memory_space<hbm>>
        tpu.enqueue_indirect_dma source(%dma_start3A_703 : memref<1000001x32xf32, #tpu.memory_space<hbm>>) target(%dma_start3A_697 : memref<128x32xf32, #tpu.memory_space<vmem>>) offsets(%dma_start3A_700 : memref<128xi32, #tpu.memory_space<vmem>>) semaphore(%arg11 : memref<!tpu.dma_semaphore, #tpu.memory_space<semaphore_mem>>)
        %dma_start3A_704 = arith.constant 1 : i32
        %dma_start3A_705 = arith.constant 1 : i32
        %dma_start3A_706 = arith.constant 1152 : i32
        %dma_start3A_707 = arith.constant 0 : i32
        %dma_start3A_708 = tpu.memref_slice %arg8[%dma_start3A_705, %dma_start3A_706, %dma_start3A_707] : memref<2x1600x32xf32, #tpu.memory_space<vmem>> -> memref<1x128x32xf32, #tpu.memory_space<vmem>>
        %dma_start3A_709 = tpu.memref_squeeze %dma_start3A_708 : memref<1x128x32xf32, #tpu.memory_space<vmem>> -> memref<128x32xf32, #tpu.memory_space<vmem>>
        %dma_start3A_710 = arith.constant 1152 : i32
        %dma_start3A_711 = tpu.memref_slice %arg6[%dma_start3A_704, %dma_start3A_710] : memref<2x1600xi32, #tpu.memory_space<vmem>> -> memref<1x128xi32, #tpu.memory_space<vmem>>
        %dma_start3A_712 = tpu.memref_squeeze %dma_start3A_711 : memref<1x128xi32, #tpu.memory_space<vmem>> -> memref<128xi32, #tpu.memory_space<vmem>>
        %dma_start3A_713 = arith.constant 0 : i32
        %dma_start3A_714 = arith.constant 0 : i32
        %dma_start3A_715 = tpu.memref_slice %arg4[%dma_start3A_713, %dma_start3A_714] : memref<1000001x32xf32, #tpu.memory_space<hbm>> -> memref<1000001x32xf32, #tpu.memory_space<hbm>>
        tpu.enqueue_indirect_dma source(%dma_start3A_715 : memref<1000001x32xf32, #tpu.memory_space<hbm>>) target(%dma_start3A_709 : memref<128x32xf32, #tpu.memory_space<vmem>>) offsets(%dma_start3A_712 : memref<128xi32, #tpu.memory_space<vmem>>) semaphore(%arg11 : memref<!tpu.dma_semaphore, #tpu.memory_space<semaphore_mem>>)
        %dma_start3A_716 = arith.constant 1 : i32
        %dma_start3A_717 = arith.constant 1 : i32
        %dma_start3A_718 = arith.constant 1280 : i32
        %dma_start3A_719 = arith.constant 0 : i32
        %dma_start3A_720 = tpu.memref_slice %arg8[%dma_start3A_717, %dma_start3A_718, %dma_start3A_719] : memref<2x1600x32xf32, #tpu.memory_space<vmem>> -> memref<1x128x32xf32, #tpu.memory_space<vmem>>
        %dma_start3A_721 = tpu.memref_squeeze %dma_start3A_720 : memref<1x128x32xf32, #tpu.memory_space<vmem>> -> memref<128x32xf32, #tpu.memory_space<vmem>>
        %dma_start3A_722 = arith.constant 1280 : i32
        %dma_start3A_723 = tpu.memref_slice %arg6[%dma_start3A_716, %dma_start3A_722] : memref<2x1600xi32, #tpu.memory_space<vmem>> -> memref<1x128xi32, #tpu.memory_space<vmem>>
        %dma_start3A_724 = tpu.memref_squeeze %dma_start3A_723 : memref<1x128xi32, #tpu.memory_space<vmem>> -> memref<128xi32, #tpu.memory_space<vmem>>
        %dma_start3A_725 = arith.constant 0 : i32
        %dma_start3A_726 = arith.constant 0 : i32
        %dma_start3A_727 = tpu.memref_slice %arg4[%dma_start3A_725, %dma_start3A_726] : memref<1000001x32xf32, #tpu.memory_space<hbm>> -> memref<1000001x32xf32, #tpu.memory_space<hbm>>
        tpu.enqueue_indirect_dma source(%dma_start3A_727 : memref<1000001x32xf32, #tpu.memory_space<hbm>>) target(%dma_start3A_721 : memref<128x32xf32, #tpu.memory_space<vmem>>) offsets(%dma_start3A_724 : memref<128xi32, #tpu.memory_space<vmem>>) semaphore(%arg11 : memref<!tpu.dma_semaphore, #tpu.memory_space<semaphore_mem>>)
        %dma_start3A_728 = arith.constant 1 : i32
        %dma_start3A_729 = arith.constant 1 : i32
        %dma_start3A_730 = arith.constant 1408 : i32
        %dma_start3A_731 = arith.constant 0 : i32
        %dma_start3A_732 = tpu.memref_slice %arg8[%dma_start3A_729, %dma_start3A_730, %dma_start3A_731] : memref<2x1600x32xf32, #tpu.memory_space<vmem>> -> memref<1x128x32xf32, #tpu.memory_space<vmem>>
        %dma_start3A_733 = tpu.memref_squeeze %dma_start3A_732 : memref<1x128x32xf32, #tpu.memory_space<vmem>> -> memref<128x32xf32, #tpu.memory_space<vmem>>
        %dma_start3A_734 = arith.constant 1408 : i32
        %dma_start3A_735 = tpu.memref_slice %arg6[%dma_start3A_728, %dma_start3A_734] : memref<2x1600xi32, #tpu.memory_space<vmem>> -> memref<1x128xi32, #tpu.memory_space<vmem>>
        %dma_start3A_736 = tpu.memref_squeeze %dma_start3A_735 : memref<1x128xi32, #tpu.memory_space<vmem>> -> memref<128xi32, #tpu.memory_space<vmem>>
        %dma_start3A_737 = arith.constant 0 : i32
        %dma_start3A_738 = arith.constant 0 : i32
        %dma_start3A_739 = tpu.memref_slice %arg4[%dma_start3A_737, %dma_start3A_738] : memref<1000001x32xf32, #tpu.memory_space<hbm>> -> memref<1000001x32xf32, #tpu.memory_space<hbm>>
        tpu.enqueue_indirect_dma source(%dma_start3A_739 : memref<1000001x32xf32, #tpu.memory_space<hbm>>) target(%dma_start3A_733 : memref<128x32xf32, #tpu.memory_space<vmem>>) offsets(%dma_start3A_736 : memref<128xi32, #tpu.memory_space<vmem>>) semaphore(%arg11 : memref<!tpu.dma_semaphore, #tpu.memory_space<semaphore_mem>>)
        %dma_start3A_740 = arith.constant 1 : i32
        %dma_start3A_741 = arith.constant 1 : i32
        %dma_start3A_742 = arith.constant 1536 : i32
        %dma_start3A_743 = arith.constant 0 : i32
        %dma_start3A_744 = tpu.memref_slice %arg8[%dma_start3A_741, %dma_start3A_742, %dma_start3A_743] : memref<2x1600x32xf32, #tpu.memory_space<vmem>> -> memref<1x64x32xf32, #tpu.memory_space<vmem>>
        %dma_start3A_745 = tpu.memref_squeeze %dma_start3A_744 : memref<1x64x32xf32, #tpu.memory_space<vmem>> -> memref<64x32xf32, #tpu.memory_space<vmem>>
        %dma_start3A_746 = arith.constant 1536 : i32
        %dma_start3A_747 = tpu.memref_slice %arg6[%dma_start3A_740, %dma_start3A_746] : memref<2x1600xi32, #tpu.memory_space<vmem>> -> memref<1x64xi32, #tpu.memory_space<vmem>>
        %dma_start3A_748 = tpu.memref_squeeze %dma_start3A_747 : memref<1x64xi32, #tpu.memory_space<vmem>> -> memref<64xi32, #tpu.memory_space<vmem>>
        %dma_start3A_749 = arith.constant 0 : i32
        %dma_start3A_750 = arith.constant 0 : i32
        %dma_start3A_751 = tpu.memref_slice %arg4[%dma_start3A_749, %dma_start3A_750] : memref<1000001x32xf32, #tpu.memory_space<hbm>> -> memref<1000001x32xf32, #tpu.memory_space<hbm>>
        tpu.enqueue_indirect_dma source(%dma_start3A_751 : memref<1000001x32xf32, #tpu.memory_space<hbm>>) target(%dma_start3A_745 : memref<64x32xf32, #tpu.memory_space<vmem>>) offsets(%dma_start3A_748 : memref<64xi32, #tpu.memory_space<vmem>>) semaphore(%arg11 : memref<!tpu.dma_semaphore, #tpu.memory_space<semaphore_mem>>)
      } else {
      }
      %dma_wait3A_211 = arith.constant 0 : i32
      %dma_wait3A_212 = arith.constant 0 : i32
      %dma_wait3A_213 = arith.constant 0 : i32
      %dma_wait3A_214 = arith.constant 0 : i32
      %dma_wait3A_215 = tpu.memref_slice %arg8[%dma_wait3A_212, %dma_wait3A_213, %dma_wait3A_214] : memref<2x1600x32xf32, #tpu.memory_space<vmem>> -> memref<1x128x32xf32, #tpu.memory_space<vmem>>
      %dma_wait3A_216 = tpu.memref_squeeze %dma_wait3A_215 : memref<1x128x32xf32, #tpu.memory_space<vmem>> -> memref<128x32xf32, #tpu.memory_space<vmem>>
      %dma_wait3A_217 = arith.constant 0 : i32
      %dma_wait3A_218 = tpu.memref_slice %arg6[%dma_wait3A_211, %dma_wait3A_217] : memref<2x1600xi32, #tpu.memory_space<vmem>> -> memref<1x128xi32, #tpu.memory_space<vmem>>
      %dma_wait3A_219 = tpu.memref_squeeze %dma_wait3A_218 : memref<1x128xi32, #tpu.memory_space<vmem>> -> memref<128xi32, #tpu.memory_space<vmem>>
      %dma_wait3A_220 = arith.constant 0 : i32
      %dma_wait3A_221 = arith.constant 0 : i32
      %dma_wait3A_222 = tpu.memref_slice %arg4[%dma_wait3A_220, %dma_wait3A_221] : memref<1000001x32xf32, #tpu.memory_space<hbm>> -> memref<1000001x32xf32, #tpu.memory_space<hbm>>
      tpu.wait_indirect_dma semaphore(%arg10 : memref<!tpu.dma_semaphore, #tpu.memory_space<semaphore_mem>>) src(%dma_wait3A_222 : memref<1000001x32xf32, #tpu.memory_space<hbm>>) dst(%dma_wait3A_216 : memref<128x32xf32, #tpu.memory_space<vmem>>)
      %dma_wait3A_223 = arith.constant 0 : i32
      %dma_wait3A_224 = arith.constant 0 : i32
      %dma_wait3A_225 = arith.constant 128 : i32
      %dma_wait3A_226 = arith.constant 0 : i32
      %dma_wait3A_227 = tpu.memref_slice %arg8[%dma_wait3A_224, %dma_wait3A_225, %dma_wait3A_226] : memref<2x1600x32xf32, #tpu.memory_space<vmem>> -> memref<1x128x32xf32, #tpu.memory_space<vmem>>
      %dma_wait3A_228 = tpu.memref_squeeze %dma_wait3A_227 : memref<1x128x32xf32, #tpu.memory_space<vmem>> -> memref<128x32xf32, #tpu.memory_space<vmem>>
      %dma_wait3A_229 = arith.constant 128 : i32
      %dma_wait3A_230 = tpu.memref_slice %arg6[%dma_wait3A_223, %dma_wait3A_229] : memref<2x1600xi32, #tpu.memory_space<vmem>> -> memref<1x128xi32, #tpu.memory_space<vmem>>
      %dma_wait3A_231 = tpu.memref_squeeze %dma_wait3A_230 : memref<1x128xi32, #tpu.memory_space<vmem>> -> memref<128xi32, #tpu.memory_space<vmem>>
      %dma_wait3A_232 = arith.constant 0 : i32
      %dma_wait3A_233 = arith.constant 0 : i32
      %dma_wait3A_234 = tpu.memref_slice %arg4[%dma_wait3A_232, %dma_wait3A_233] : memref<1000001x32xf32, #tpu.memory_space<hbm>> -> memref<1000001x32xf32, #tpu.memory_space<hbm>>
      tpu.wait_indirect_dma semaphore(%arg10 : memref<!tpu.dma_semaphore, #tpu.memory_space<semaphore_mem>>) src(%dma_wait3A_234 : memref<1000001x32xf32, #tpu.memory_space<hbm>>) dst(%dma_wait3A_228 : memref<128x32xf32, #tpu.memory_space<vmem>>)
      %dma_wait3A_235 = arith.constant 0 : i32
      %dma_wait3A_236 = arith.constant 0 : i32
      %dma_wait3A_237 = arith.constant 256 : i32
      %dma_wait3A_238 = arith.constant 0 : i32
      %dma_wait3A_239 = tpu.memref_slice %arg8[%dma_wait3A_236, %dma_wait3A_237, %dma_wait3A_238] : memref<2x1600x32xf32, #tpu.memory_space<vmem>> -> memref<1x128x32xf32, #tpu.memory_space<vmem>>
      %dma_wait3A_240 = tpu.memref_squeeze %dma_wait3A_239 : memref<1x128x32xf32, #tpu.memory_space<vmem>> -> memref<128x32xf32, #tpu.memory_space<vmem>>
      %dma_wait3A_241 = arith.constant 256 : i32
      %dma_wait3A_242 = tpu.memref_slice %arg6[%dma_wait3A_235, %dma_wait3A_241] : memref<2x1600xi32, #tpu.memory_space<vmem>> -> memref<1x128xi32, #tpu.memory_space<vmem>>
      %dma_wait3A_243 = tpu.memref_squeeze %dma_wait3A_242 : memref<1x128xi32, #tpu.memory_space<vmem>> -> memref<128xi32, #tpu.memory_space<vmem>>
      %dma_wait3A_244 = arith.constant 0 : i32
      %dma_wait3A_245 = arith.constant 0 : i32
      %dma_wait3A_246 = tpu.memref_slice %arg4[%dma_wait3A_244, %dma_wait3A_245] : memref<1000001x32xf32, #tpu.memory_space<hbm>> -> memref<1000001x32xf32, #tpu.memory_space<hbm>>
      tpu.wait_indirect_dma semaphore(%arg10 : memref<!tpu.dma_semaphore, #tpu.memory_space<semaphore_mem>>) src(%dma_wait3A_246 : memref<1000001x32xf32, #tpu.memory_space<hbm>>) dst(%dma_wait3A_240 : memref<128x32xf32, #tpu.memory_space<vmem>>)
      %dma_wait3A_247 = arith.constant 0 : i32
      %dma_wait3A_248 = arith.constant 0 : i32
      %dma_wait3A_249 = arith.constant 384 : i32
      %dma_wait3A_250 = arith.constant 0 : i32
      %dma_wait3A_251 = tpu.memref_slice %arg8[%dma_wait3A_248, %dma_wait3A_249, %dma_wait3A_250] : memref<2x1600x32xf32, #tpu.memory_space<vmem>> -> memref<1x128x32xf32, #tpu.memory_space<vmem>>
      %dma_wait3A_252 = tpu.memref_squeeze %dma_wait3A_251 : memref<1x128x32xf32, #tpu.memory_space<vmem>> -> memref<128x32xf32, #tpu.memory_space<vmem>>
      %dma_wait3A_253 = arith.constant 384 : i32
      %dma_wait3A_254 = tpu.memref_slice %arg6[%dma_wait3A_247, %dma_wait3A_253] : memref<2x1600xi32, #tpu.memory_space<vmem>> -> memref<1x128xi32, #tpu.memory_space<vmem>>
      %dma_wait3A_255 = tpu.memref_squeeze %dma_wait3A_254 : memref<1x128xi32, #tpu.memory_space<vmem>> -> memref<128xi32, #tpu.memory_space<vmem>>
      %dma_wait3A_256 = arith.constant 0 : i32
      %dma_wait3A_257 = arith.constant 0 : i32
      %dma_wait3A_258 = tpu.memref_slice %arg4[%dma_wait3A_256, %dma_wait3A_257] : memref<1000001x32xf32, #tpu.memory_space<hbm>> -> memref<1000001x32xf32, #tpu.memory_space<hbm>>
      tpu.wait_indirect_dma semaphore(%arg10 : memref<!tpu.dma_semaphore, #tpu.memory_space<semaphore_mem>>) src(%dma_wait3A_258 : memref<1000001x32xf32, #tpu.memory_space<hbm>>) dst(%dma_wait3A_252 : memref<128x32xf32, #tpu.memory_space<vmem>>)
      %dma_wait3A_259 = arith.constant 0 : i32
      %dma_wait3A_260 = arith.constant 0 : i32
      %dma_wait3A_261 = arith.constant 512 : i32
      %dma_wait3A_262 = arith.constant 0 : i32
      %dma_wait3A_263 = tpu.memref_slice %arg8[%dma_wait3A_260, %dma_wait3A_261, %dma_wait3A_262] : memref<2x1600x32xf32, #tpu.memory_space<vmem>> -> memref<1x128x32xf32, #tpu.memory_space<vmem>>
      %dma_wait3A_264 = tpu.memref_squeeze %dma_wait3A_263 : memref<1x128x32xf32, #tpu.memory_space<vmem>> -> memref<128x32xf32, #tpu.memory_space<vmem>>
      %dma_wait3A_265 = arith.constant 512 : i32
      %dma_wait3A_266 = tpu.memref_slice %arg6[%dma_wait3A_259, %dma_wait3A_265] : memref<2x1600xi32, #tpu.memory_space<vmem>> -> memref<1x128xi32, #tpu.memory_space<vmem>>
      %dma_wait3A_267 = tpu.memref_squeeze %dma_wait3A_266 : memref<1x128xi32, #tpu.memory_space<vmem>> -> memref<128xi32, #tpu.memory_space<vmem>>
      %dma_wait3A_268 = arith.constant 0 : i32
      %dma_wait3A_269 = arith.constant 0 : i32
      %dma_wait3A_270 = tpu.memref_slice %arg4[%dma_wait3A_268, %dma_wait3A_269] : memref<1000001x32xf32, #tpu.memory_space<hbm>> -> memref<1000001x32xf32, #tpu.memory_space<hbm>>
      tpu.wait_indirect_dma semaphore(%arg10 : memref<!tpu.dma_semaphore, #tpu.memory_space<semaphore_mem>>) src(%dma_wait3A_270 : memref<1000001x32xf32, #tpu.memory_space<hbm>>) dst(%dma_wait3A_264 : memref<128x32xf32, #tpu.memory_space<vmem>>)
      %dma_wait3A_271 = arith.constant 0 : i32
      %dma_wait3A_272 = arith.constant 0 : i32
      %dma_wait3A_273 = arith.constant 640 : i32
      %dma_wait3A_274 = arith.constant 0 : i32
      %dma_wait3A_275 = tpu.memref_slice %arg8[%dma_wait3A_272, %dma_wait3A_273, %dma_wait3A_274] : memref<2x1600x32xf32, #tpu.memory_space<vmem>> -> memref<1x128x32xf32, #tpu.memory_space<vmem>>
      %dma_wait3A_276 = tpu.memref_squeeze %dma_wait3A_275 : memref<1x128x32xf32, #tpu.memory_space<vmem>> -> memref<128x32xf32, #tpu.memory_space<vmem>>
      %dma_wait3A_277 = arith.constant 640 : i32
      %dma_wait3A_278 = tpu.memref_slice %arg6[%dma_wait3A_271, %dma_wait3A_277] : memref<2x1600xi32, #tpu.memory_space<vmem>> -> memref<1x128xi32, #tpu.memory_space<vmem>>
      %dma_wait3A_279 = tpu.memref_squeeze %dma_wait3A_278 : memref<1x128xi32, #tpu.memory_space<vmem>> -> memref<128xi32, #tpu.memory_space<vmem>>
      %dma_wait3A_280 = arith.constant 0 : i32
      %dma_wait3A_281 = arith.constant 0 : i32
      %dma_wait3A_282 = tpu.memref_slice %arg4[%dma_wait3A_280, %dma_wait3A_281] : memref<1000001x32xf32, #tpu.memory_space<hbm>> -> memref<1000001x32xf32, #tpu.memory_space<hbm>>
      tpu.wait_indirect_dma semaphore(%arg10 : memref<!tpu.dma_semaphore, #tpu.memory_space<semaphore_mem>>) src(%dma_wait3A_282 : memref<1000001x32xf32, #tpu.memory_space<hbm>>) dst(%dma_wait3A_276 : memref<128x32xf32, #tpu.memory_space<vmem>>)
      %dma_wait3A_283 = arith.constant 0 : i32
      %dma_wait3A_284 = arith.constant 0 : i32
      %dma_wait3A_285 = arith.constant 768 : i32
      %dma_wait3A_286 = arith.constant 0 : i32
      %dma_wait3A_287 = tpu.memref_slice %arg8[%dma_wait3A_284, %dma_wait3A_285, %dma_wait3A_286] : memref<2x1600x32xf32, #tpu.memory_space<vmem>> -> memref<1x128x32xf32, #tpu.memory_space<vmem>>
      %dma_wait3A_288 = tpu.memref_squeeze %dma_wait3A_287 : memref<1x128x32xf32, #tpu.memory_space<vmem>> -> memref<128x32xf32, #tpu.memory_space<vmem>>
      %dma_wait3A_289 = arith.constant 768 : i32
      %dma_wait3A_290 = tpu.memref_slice %arg6[%dma_wait3A_283, %dma_wait3A_289] : memref<2x1600xi32, #tpu.memory_space<vmem>> -> memref<1x128xi32, #tpu.memory_space<vmem>>
      %dma_wait3A_291 = tpu.memref_squeeze %dma_wait3A_290 : memref<1x128xi32, #tpu.memory_space<vmem>> -> memref<128xi32, #tpu.memory_space<vmem>>
      %dma_wait3A_292 = arith.constant 0 : i32
      %dma_wait3A_293 = arith.constant 0 : i32
      %dma_wait3A_294 = tpu.memref_slice %arg4[%dma_wait3A_292, %dma_wait3A_293] : memref<1000001x32xf32, #tpu.memory_space<hbm>> -> memref<1000001x32xf32, #tpu.memory_space<hbm>>
      tpu.wait_indirect_dma semaphore(%arg10 : memref<!tpu.dma_semaphore, #tpu.memory_space<semaphore_mem>>) src(%dma_wait3A_294 : memref<1000001x32xf32, #tpu.memory_space<hbm>>) dst(%dma_wait3A_288 : memref<128x32xf32, #tpu.memory_space<vmem>>)
      %dma_wait3A_295 = arith.constant 0 : i32
      %dma_wait3A_296 = arith.constant 0 : i32
      %dma_wait3A_297 = arith.constant 896 : i32
      %dma_wait3A_298 = arith.constant 0 : i32
      %dma_wait3A_299 = tpu.memref_slice %arg8[%dma_wait3A_296, %dma_wait3A_297, %dma_wait3A_298] : memref<2x1600x32xf32, #tpu.memory_space<vmem>> -> memref<1x128x32xf32, #tpu.memory_space<vmem>>
      %dma_wait3A_300 = tpu.memref_squeeze %dma_wait3A_299 : memref<1x128x32xf32, #tpu.memory_space<vmem>> -> memref<128x32xf32, #tpu.memory_space<vmem>>
      %dma_wait3A_301 = arith.constant 896 : i32
      %dma_wait3A_302 = tpu.memref_slice %arg6[%dma_wait3A_295, %dma_wait3A_301] : memref<2x1600xi32, #tpu.memory_space<vmem>> -> memref<1x128xi32, #tpu.memory_space<vmem>>
      %dma_wait3A_303 = tpu.memref_squeeze %dma_wait3A_302 : memref<1x128xi32, #tpu.memory_space<vmem>> -> memref<128xi32, #tpu.memory_space<vmem>>
      %dma_wait3A_304 = arith.constant 0 : i32
      %dma_wait3A_305 = arith.constant 0 : i32
      %dma_wait3A_306 = tpu.memref_slice %arg4[%dma_wait3A_304, %dma_wait3A_305] : memref<1000001x32xf32, #tpu.memory_space<hbm>> -> memref<1000001x32xf32, #tpu.memory_space<hbm>>
      tpu.wait_indirect_dma semaphore(%arg10 : memref<!tpu.dma_semaphore, #tpu.memory_space<semaphore_mem>>) src(%dma_wait3A_306 : memref<1000001x32xf32, #tpu.memory_space<hbm>>) dst(%dma_wait3A_300 : memref<128x32xf32, #tpu.memory_space<vmem>>)
      %dma_wait3A_307 = arith.constant 0 : i32
      %dma_wait3A_308 = arith.constant 0 : i32
      %dma_wait3A_309 = arith.constant 1024 : i32
      %dma_wait3A_310 = arith.constant 0 : i32
      %dma_wait3A_311 = tpu.memref_slice %arg8[%dma_wait3A_308, %dma_wait3A_309, %dma_wait3A_310] : memref<2x1600x32xf32, #tpu.memory_space<vmem>> -> memref<1x128x32xf32, #tpu.memory_space<vmem>>
      %dma_wait3A_312 = tpu.memref_squeeze %dma_wait3A_311 : memref<1x128x32xf32, #tpu.memory_space<vmem>> -> memref<128x32xf32, #tpu.memory_space<vmem>>
      %dma_wait3A_313 = arith.constant 1024 : i32
      %dma_wait3A_314 = tpu.memref_slice %arg6[%dma_wait3A_307, %dma_wait3A_313] : memref<2x1600xi32, #tpu.memory_space<vmem>> -> memref<1x128xi32, #tpu.memory_space<vmem>>
      %dma_wait3A_315 = tpu.memref_squeeze %dma_wait3A_314 : memref<1x128xi32, #tpu.memory_space<vmem>> -> memref<128xi32, #tpu.memory_space<vmem>>
      %dma_wait3A_316 = arith.constant 0 : i32
      %dma_wait3A_317 = arith.constant 0 : i32
      %dma_wait3A_318 = tpu.memref_slice %arg4[%dma_wait3A_316, %dma_wait3A_317] : memref<1000001x32xf32, #tpu.memory_space<hbm>> -> memref<1000001x32xf32, #tpu.memory_space<hbm>>
      tpu.wait_indirect_dma semaphore(%arg10 : memref<!tpu.dma_semaphore, #tpu.memory_space<semaphore_mem>>) src(%dma_wait3A_318 : memref<1000001x32xf32, #tpu.memory_space<hbm>>) dst(%dma_wait3A_312 : memref<128x32xf32, #tpu.memory_space<vmem>>)
      %dma_wait3A_319 = arith.constant 0 : i32
      %dma_wait3A_320 = arith.constant 0 : i32
      %dma_wait3A_321 = arith.constant 1152 : i32
      %dma_wait3A_322 = arith.constant 0 : i32
      %dma_wait3A_323 = tpu.memref_slice %arg8[%dma_wait3A_320, %dma_wait3A_321, %dma_wait3A_322] : memref<2x1600x32xf32, #tpu.memory_space<vmem>> -> memref<1x128x32xf32, #tpu.memory_space<vmem>>
      %dma_wait3A_324 = tpu.memref_squeeze %dma_wait3A_323 : memref<1x128x32xf32, #tpu.memory_space<vmem>> -> memref<128x32xf32, #tpu.memory_space<vmem>>
      %dma_wait3A_325 = arith.constant 1152 : i32
      %dma_wait3A_326 = tpu.memref_slice %arg6[%dma_wait3A_319, %dma_wait3A_325] : memref<2x1600xi32, #tpu.memory_space<vmem>> -> memref<1x128xi32, #tpu.memory_space<vmem>>
      %dma_wait3A_327 = tpu.memref_squeeze %dma_wait3A_326 : memref<1x128xi32, #tpu.memory_space<vmem>> -> memref<128xi32, #tpu.memory_space<vmem>>
      %dma_wait3A_328 = arith.constant 0 : i32
      %dma_wait3A_329 = arith.constant 0 : i32
      %dma_wait3A_330 = tpu.memref_slice %arg4[%dma_wait3A_328, %dma_wait3A_329] : memref<1000001x32xf32, #tpu.memory_space<hbm>> -> memref<1000001x32xf32, #tpu.memory_space<hbm>>
      tpu.wait_indirect_dma semaphore(%arg10 : memref<!tpu.dma_semaphore, #tpu.memory_space<semaphore_mem>>) src(%dma_wait3A_330 : memref<1000001x32xf32, #tpu.memory_space<hbm>>) dst(%dma_wait3A_324 : memref<128x32xf32, #tpu.memory_space<vmem>>)
      %dma_wait3A_331 = arith.constant 0 : i32
      %dma_wait3A_332 = arith.constant 0 : i32
      %dma_wait3A_333 = arith.constant 1280 : i32
      %dma_wait3A_334 = arith.constant 0 : i32
      %dma_wait3A_335 = tpu.memref_slice %arg8[%dma_wait3A_332, %dma_wait3A_333, %dma_wait3A_334] : memref<2x1600x32xf32, #tpu.memory_space<vmem>> -> memref<1x128x32xf32, #tpu.memory_space<vmem>>
      %dma_wait3A_336 = tpu.memref_squeeze %dma_wait3A_335 : memref<1x128x32xf32, #tpu.memory_space<vmem>> -> memref<128x32xf32, #tpu.memory_space<vmem>>
      %dma_wait3A_337 = arith.constant 1280 : i32
      %dma_wait3A_338 = tpu.memref_slice %arg6[%dma_wait3A_331, %dma_wait3A_337] : memref<2x1600xi32, #tpu.memory_space<vmem>> -> memref<1x128xi32, #tpu.memory_space<vmem>>
      %dma_wait3A_339 = tpu.memref_squeeze %dma_wait3A_338 : memref<1x128xi32, #tpu.memory_space<vmem>> -> memref<128xi32, #tpu.memory_space<vmem>>
      %dma_wait3A_340 = arith.constant 0 : i32
      %dma_wait3A_341 = arith.constant 0 : i32
      %dma_wait3A_342 = tpu.memref_slice %arg4[%dma_wait3A_340, %dma_wait3A_341] : memref<1000001x32xf32, #tpu.memory_space<hbm>> -> memref<1000001x32xf32, #tpu.memory_space<hbm>>
      tpu.wait_indirect_dma semaphore(%arg10 : memref<!tpu.dma_semaphore, #tpu.memory_space<semaphore_mem>>) src(%dma_wait3A_342 : memref<1000001x32xf32, #tpu.memory_space<hbm>>) dst(%dma_wait3A_336 : memref<128x32xf32, #tpu.memory_space<vmem>>)
      %dma_wait3A_343 = arith.constant 0 : i32
      %dma_wait3A_344 = arith.constant 0 : i32
      %dma_wait3A_345 = arith.constant 1408 : i32
      %dma_wait3A_346 = arith.constant 0 : i32
      %dma_wait3A_347 = tpu.memref_slice %arg8[%dma_wait3A_344, %dma_wait3A_345, %dma_wait3A_346] : memref<2x1600x32xf32, #tpu.memory_space<vmem>> -> memref<1x128x32xf32, #tpu.memory_space<vmem>>
      %dma_wait3A_348 = tpu.memref_squeeze %dma_wait3A_347 : memref<1x128x32xf32, #tpu.memory_space<vmem>> -> memref<128x32xf32, #tpu.memory_space<vmem>>
      %dma_wait3A_349 = arith.constant 1408 : i32
      %dma_wait3A_350 = tpu.memref_slice %arg6[%dma_wait3A_343, %dma_wait3A_349] : memref<2x1600xi32, #tpu.memory_space<vmem>> -> memref<1x128xi32, #tpu.memory_space<vmem>>
      %dma_wait3A_351 = tpu.memref_squeeze %dma_wait3A_350 : memref<1x128xi32, #tpu.memory_space<vmem>> -> memref<128xi32, #tpu.memory_space<vmem>>
      %dma_wait3A_352 = arith.constant 0 : i32
      %dma_wait3A_353 = arith.constant 0 : i32
      %dma_wait3A_354 = tpu.memref_slice %arg4[%dma_wait3A_352, %dma_wait3A_353] : memref<1000001x32xf32, #tpu.memory_space<hbm>> -> memref<1000001x32xf32, #tpu.memory_space<hbm>>
      tpu.wait_indirect_dma semaphore(%arg10 : memref<!tpu.dma_semaphore, #tpu.memory_space<semaphore_mem>>) src(%dma_wait3A_354 : memref<1000001x32xf32, #tpu.memory_space<hbm>>) dst(%dma_wait3A_348 : memref<128x32xf32, #tpu.memory_space<vmem>>)
      %dma_wait3A_355 = arith.constant 0 : i32
      %dma_wait3A_356 = arith.constant 0 : i32
      %dma_wait3A_357 = arith.constant 1536 : i32
      %dma_wait3A_358 = arith.constant 0 : i32
      %dma_wait3A_359 = tpu.memref_slice %arg8[%dma_wait3A_356, %dma_wait3A_357, %dma_wait3A_358] : memref<2x1600x32xf32, #tpu.memory_space<vmem>> -> memref<1x64x32xf32, #tpu.memory_space<vmem>>
      %dma_wait3A_360 = tpu.memref_squeeze %dma_wait3A_359 : memref<1x64x32xf32, #tpu.memory_space<vmem>> -> memref<64x32xf32, #tpu.memory_space<vmem>>
      %dma_wait3A_361 = arith.constant 1536 : i32
      %dma_wait3A_362 = tpu.memref_slice %arg6[%dma_wait3A_355, %dma_wait3A_361] : memref<2x1600xi32, #tpu.memory_space<vmem>> -> memref<1x64xi32, #tpu.memory_space<vmem>>
      %dma_wait3A_363 = tpu.memref_squeeze %dma_wait3A_362 : memref<1x64xi32, #tpu.memory_space<vmem>> -> memref<64xi32, #tpu.memory_space<vmem>>
      %dma_wait3A_364 = arith.constant 0 : i32
      %dma_wait3A_365 = arith.constant 0 : i32
      %dma_wait3A_366 = tpu.memref_slice %arg4[%dma_wait3A_364, %dma_wait3A_365] : memref<1000001x32xf32, #tpu.memory_space<hbm>> -> memref<1000001x32xf32, #tpu.memory_space<hbm>>
      tpu.wait_indirect_dma semaphore(%arg10 : memref<!tpu.dma_semaphore, #tpu.memory_space<semaphore_mem>>) src(%dma_wait3A_366 : memref<1000001x32xf32, #tpu.memory_space<hbm>>) dst(%dma_wait3A_360 : memref<64x32xf32, #tpu.memory_space<vmem>>)
      %ge3A = arith.constant 2 : i32
      %ge3A_367 = arith.cmpi sge, %add3A_206, %ge3A : i32
      %convert_element_type3A_368 = arith.extui %ge3A_367 : i1 to i32
      %cond3A_369 = arith.constant 0 : i32
      %cond3A_370 = arith.cmpi ne, %convert_element_type3A_368, %cond3A_369 : i32
      scf.if %cond3A_370 {
        %sub3A = arith.constant 2 : i32
        %sub3A_585 = arith.subi %add3A_206, %sub3A : i32
        %mul3A_586 = arith.constant 32 : i32
        %mul3A_587 = arith.muli %sub3A_585, %mul3A_586 : i32
        %add3A_588 = arith.addi %mul3A_2, %mul3A_587 : i32
        %dma_wait3A_589 = arith.constant 0 : i32
        %dma_wait3A_590 = arith.constant 0 : i32
        %dma_wait3A_591 = arith.constant 0 : i32
        %dma_wait3A_592 = tpu.memref_slice %arg9[%dma_wait3A_589, %dma_wait3A_590, %dma_wait3A_591] : memref<2x32x32xf32, #tpu.memory_space<vmem>> -> memref<1x32x32xf32, #tpu.memory_space<vmem>>
        %dma_wait3A_593 = tpu.memref_squeeze %dma_wait3A_592 : memref<1x32x32xf32, #tpu.memory_space<vmem>> -> memref<32x32xf32, #tpu.memory_space<vmem>>
        %dma_wait3A_594 = arith.constant 0 : i32
        %dma_wait3A_595 = tpu.memref_slice %arg5[%add3A_588, %dma_wait3A_594] : memref<16384x32xf32, #tpu.memory_space<hbm>> -> memref<32x32xf32, #tpu.memory_space<hbm>>
        %dma_wait3A_596 = arith.constant 0 : i32
        %dma_wait3A_597 = tpu.memref_slice %arg5[%add3A_588, %dma_wait3A_596] : memref<16384x32xf32, #tpu.memory_space<hbm>> -> memref<32x32xf32, #tpu.memory_space<hbm>>
        %dma_wait3A_598 = arith.constant 0 : i32
        %dma_wait3A_599 = arith.constant 0 : i32
        %dma_wait3A_600 = tpu.memref_slice %arg9[%dma_wait3A_589, %dma_wait3A_598, %dma_wait3A_599] : memref<2x32x32xf32, #tpu.memory_space<vmem>> -> memref<1x32x32xf32, #tpu.memory_space<vmem>>
        %dma_wait3A_601 = tpu.memref_squeeze %dma_wait3A_600 : memref<1x32x32xf32, #tpu.memory_space<vmem>> -> memref<32x32xf32, #tpu.memory_space<vmem>>
        tpu.wait_dma2 semaphore(%arg12 : memref<!tpu.dma_semaphore, #tpu.memory_space<semaphore_mem>>) src(%dma_wait3A_601 : memref<32x32xf32, #tpu.memory_space<vmem>>) dst(%dma_wait3A_597 : memref<32x32xf32, #tpu.memory_space<hbm>>)
      } else {
      }
      %scan3A_371 = arith.constant 0 : i32
      %scan3A_372 = arith.constant 32 : i32
      %scan3A_373 = arith.addi %scan3A_371, %scan3A_372 : i32
      %scan3A_374 = arith.constant 1 : i32
      scf.for %scan3A_585 = %scan3A_371 to %scan3A_373 step %scan3A_374  : i32 {
        %mul3A_586 = arith.constant 1 : i32
        %mul3A_587 = arith.muli %scan3A_585, %mul3A_586 : i32
        %add3A_588 = arith.constant 0 : i32
        %add3A_589 = arith.addi %add3A_588, %mul3A_587 : i32
        %broadcast_in_dim3A = arith.constant 0.000000e+00 : f32
        %broadcast_in_dim3A_590 = vector.broadcast %broadcast_in_dim3A : f32 to vector<16xf32>
        %mul3A_591 = arith.constant 64 : i32
        %mul3A_592 = arith.muli %add3A_589, %mul3A_591 : i32
        %add3A_593 = arith.constant 0 : i32
        %add3A_594 = arith.addi %mul3A_592, %add3A_593 : i32
        %get3A = arith.constant 0 : i32
        %get3A_595 = arith.index_cast %get3A : i32 to index
        %get3A_596 = arith.index_cast %add3A_594 : i32 to index
        %get3A_597 = tpu.vector_load %arg7[%get3A_595, %get3A_596] {strides = array<i32>} : memref<2x2048xi32, #tpu.memory_space<vmem>>, vector<16xi32>,
        %gt3A = arith.constant 0 : i32
        %gt3A_598 = vector.broadcast %gt3A : i32 to vector<16xi32>
        %gt3A_599 = arith.cmpi sgt, %get3A_597, %gt3A_598 : vector<16xi32>
        %jit3A = arith.constant 1.000000e+00 : f32
        %jit3A_600 = arith.constant 0.000000e+00 : f32
        %broadcast_in_dim3A_601 = vector.broadcast %jit3A : f32 to vector<16xf32>
        %broadcast_in_dim3A_602 = vector.broadcast %jit3A_600 : f32 to vector<16xf32>
        %select_n3A = arith.select %gt3A_599, %broadcast_in_dim3A_601, %broadcast_in_dim3A_602 : vector<16xi1>, vector<16xf32>
        %add3A_603 = arith.addf %broadcast_in_dim3A_590, %select_n3A : vector<16xf32>
        %mul3A_604 = arith.constant 64 : i32
        %mul3A_605 = arith.muli %add3A_589, %mul3A_604 : i32
        %add3A_606 = arith.constant 16 : i32
        %add3A_607 = arith.addi %mul3A_605, %add3A_606 : i32
        %get3A_608 = arith.constant 0 : i32
        %get3A_609 = arith.index_cast %get3A_608 : i32 to index
        %get3A_610 = arith.index_cast %add3A_607 : i32 to index
        %get3A_611 = tpu.vector_load %arg7[%get3A_609, %get3A_610] {strides = array<i32>} : memref<2x2048xi32, #tpu.memory_space<vmem>>, vector<16xi32>,
        %gt3A_612 = arith.constant 0 : i32
        %gt3A_613 = vector.broadcast %gt3A_612 : i32 to vector<16xi32>
        %gt3A_614 = arith.cmpi sgt, %get3A_611, %gt3A_613 : vector<16xi32>
        %jit3A_615 = arith.constant 1.000000e+00 : f32
        %jit3A_616 = arith.constant 0.000000e+00 : f32
        %broadcast_in_dim3A_617 = vector.broadcast %jit3A_615 : f32 to vector<16xf32>
        %broadcast_in_dim3A_618 = vector.broadcast %jit3A_616 : f32 to vector<16xf32>
        %select_n3A_619 = arith.select %gt3A_614, %broadcast_in_dim3A_617, %broadcast_in_dim3A_618 : vector<16xi1>, vector<16xf32>
        %add3A_620 = arith.addf %add3A_603, %select_n3A_619 : vector<16xf32>
        %mul3A_621 = arith.constant 64 : i32
        %mul3A_622 = arith.muli %add3A_589, %mul3A_621 : i32
        %add3A_623 = arith.constant 32 : i32
        %add3A_624 = arith.addi %mul3A_622, %add3A_623 : i32
        %get3A_625 = arith.constant 0 : i32
        %get3A_626 = arith.index_cast %get3A_625 : i32 to index
        %get3A_627 = arith.index_cast %add3A_624 : i32 to index
        %get3A_628 = tpu.vector_load %arg7[%get3A_626, %get3A_627] {strides = array<i32>} : memref<2x2048xi32, #tpu.memory_space<vmem>>, vector<16xi32>,
        %gt3A_629 = arith.constant 0 : i32
        %gt3A_630 = vector.broadcast %gt3A_629 : i32 to vector<16xi32>
        %gt3A_631 = arith.cmpi sgt, %get3A_628, %gt3A_630 : vector<16xi32>
        %jit3A_632 = arith.constant 1.000000e+00 : f32
        %jit3A_633 = arith.constant 0.000000e+00 : f32
        %broadcast_in_dim3A_634 = vector.broadcast %jit3A_632 : f32 to vector<16xf32>
        %broadcast_in_dim3A_635 = vector.broadcast %jit3A_633 : f32 to vector<16xf32>
        %select_n3A_636 = arith.select %gt3A_631, %broadcast_in_dim3A_634, %broadcast_in_dim3A_635 : vector<16xi1>, vector<16xf32>
        %add3A_637 = arith.addf %add3A_620, %select_n3A_636 : vector<16xf32>
        %mul3A_638 = arith.constant 64 : i32
        %mul3A_639 = arith.muli %add3A_589, %mul3A_638 : i32
        %add3A_640 = arith.constant 48 : i32
        %add3A_641 = arith.addi %mul3A_639, %add3A_640 : i32
        %get3A_642 = arith.constant 0 : i32
        %get3A_643 = arith.index_cast %get3A_642 : i32 to index
        %get3A_644 = arith.index_cast %add3A_641 : i32 to index
        %get3A_645 = tpu.vector_load %arg7[%get3A_643, %get3A_644] {strides = array<i32>} : memref<2x2048xi32, #tpu.memory_space<vmem>>, vector<16xi32>,
        %gt3A_646 = arith.constant 0 : i32
        %gt3A_647 = vector.broadcast %gt3A_646 : i32 to vector<16xi32>
        %gt3A_648 = arith.cmpi sgt, %get3A_645, %gt3A_647 : vector<16xi32>
        %jit3A_649 = arith.constant 1.000000e+00 : f32
        %jit3A_650 = arith.constant 0.000000e+00 : f32
        %broadcast_in_dim3A_651 = vector.broadcast %jit3A_649 : f32 to vector<16xf32>
        %broadcast_in_dim3A_652 = vector.broadcast %jit3A_650 : f32 to vector<16xf32>
        %select_n3A_653 = arith.select %gt3A_648, %broadcast_in_dim3A_651, %broadcast_in_dim3A_652 : vector<16xi1>, vector<16xf32>
        %add3A_654 = arith.addf %add3A_637, %select_n3A_653 : vector<16xf32>
        %reduce_sum3A = arith.constant true
        %reduce_sum3A_655 = vector.broadcast %reduce_sum3A : i1 to vector<16xi1>
        %reduce_sum3A_656 = tpu.scan <sum>, %add3A_654 masked %reduce_sum3A_655 : vector<16xf32>, vector<16xi1> -> vector<16xf32>
        %reduce_sum3A_657 = vector.extract %reduce_sum3A_656[15] : f32 from vector<16xf32>
        %broadcast_in_dim3A_658 = vector.broadcast %reduce_sum3A_657 : f32 to vector<16xf32>
        %add3A_659 = arith.constant 9.99999993E-9 : f32
        %add3A_660 = vector.broadcast %add3A_659 : f32 to vector<16xf32>
        %add3A_661 = arith.addf %broadcast_in_dim3A_658, %add3A_660 : vector<16xf32>
        %broadcast_in_dim3A_662 = arith.constant 1.000000e+00 : f32
        %broadcast_in_dim3A_663 = vector.broadcast %broadcast_in_dim3A_662 : f32 to vector<16xf32>
        %div3A = arith.divf %broadcast_in_dim3A_663, %add3A_661 : vector<16xf32>
        %broadcast_in_dim3A_664 = arith.constant 0.000000e+00 : f32
        %broadcast_in_dim3A_665 = vector.broadcast %broadcast_in_dim3A_664 : f32 to vector<16xf32>
        %broadcast_in_dim3A_666 = arith.constant 0.000000e+00 : f32
        %broadcast_in_dim3A_667 = vector.broadcast %broadcast_in_dim3A_666 : f32 to vector<16xf32>
        %mul3A_668 = arith.constant 50 : i32
        %mul3A_669 = arith.muli %add3A_589, %mul3A_668 : i32
        %add3A_670 = arith.constant 0 : i32
        %add3A_671 = arith.addi %mul3A_669, %add3A_670 : i32
        %get3A_672 = arith.constant 0 : i32
        %get3A_673 = arith.index_cast %get3A_672 : i32 to index
        %get3A_674 = arith.index_cast %add3A_671 : i32 to index
        %get3A_675 = arith.constant 0 : index
        %get3A_676 = tpu.vector_load %arg8[%get3A_673, %get3A_674, %get3A_675] {strides = array<i32>} : memref<2x1600x32xf32, #tpu.memory_space<vmem>>, vector<16xf32>,
        %add3A_677 = arith.addf %broadcast_in_dim3A_665, %get3A_676 : vector<16xf32>
        %mul3A_678 = arith.constant 50 : i32
        %mul3A_679 = arith.muli %add3A_589, %mul3A_678 : i32
        %add3A_680 = arith.constant 0 : i32
        %add3A_681 = arith.addi %mul3A_679, %add3A_680 : i32
        %get3A_682 = arith.constant 0 : i32
        %get3A_683 = arith.index_cast %get3A_682 : i32 to index
        %get3A_684 = arith.index_cast %add3A_681 : i32 to index
        %get3A_685 = arith.constant 16 : index
        %get3A_686 = tpu.vector_load %arg8[%get3A_683, %get3A_684, %get3A_685] {strides = array<i32>} : memref<2x1600x32xf32, #tpu.memory_space<vmem>>, vector<16xf32>,
        %add3A_687 = arith.addf %broadcast_in_dim3A_667, %get3A_686 : vector<16xf32>
        %mul3A_688 = arith.constant 50 : i32
        %mul3A_689 = arith.muli %add3A_589, %mul3A_688 : i32
        %add3A_690 = arith.constant 1 : i32
        %add3A_691 = arith.addi %mul3A_689, %add3A_690 : i32
        %get3A_692 = arith.constant 0 : i32
        %get3A_693 = arith.index_cast %get3A_692 : i32 to index
        %get3A_694 = arith.index_cast %add3A_691 : i32 to index
        %get3A_695 = arith.constant 0 : index
        %get3A_696 = tpu.vector_load %arg8[%get3A_693, %get3A_694, %get3A_695] {strides = array<i32>} : memref<2x1600x32xf32, #tpu.memory_space<vmem>>, vector<16xf32>,
        %add3A_697 = arith.addf %add3A_677, %get3A_696 : vector<16xf32>
        %mul3A_698 = arith.constant 50 : i32
        %mul3A_699 = arith.muli %add3A_589, %mul3A_698 : i32
        %add3A_700 = arith.constant 1 : i32
        %add3A_701 = arith.addi %mul3A_699, %add3A_700 : i32
        %get3A_702 = arith.constant 0 : i32
        %get3A_703 = arith.index_cast %get3A_702 : i32 to index
        %get3A_704 = arith.index_cast %add3A_701 : i32 to index
        %get3A_705 = arith.constant 16 : index
        %get3A_706 = tpu.vector_load %arg8[%get3A_703, %get3A_704, %get3A_705] {strides = array<i32>} : memref<2x1600x32xf32, #tpu.memory_space<vmem>>, vector<16xf32>,
        %add3A_707 = arith.addf %add3A_687, %get3A_706 : vector<16xf32>
        %mul3A_708 = arith.constant 50 : i32
        %mul3A_709 = arith.muli %add3A_589, %mul3A_708 : i32
        %add3A_710 = arith.constant 2 : i32
        %add3A_711 = arith.addi %mul3A_709, %add3A_710 : i32
        %get3A_712 = arith.constant 0 : i32
        %get3A_713 = arith.index_cast %get3A_712 : i32 to index
        %get3A_714 = arith.index_cast %add3A_711 : i32 to index
        %get3A_715 = arith.constant 0 : index
        %get3A_716 = tpu.vector_load %arg8[%get3A_713, %get3A_714, %get3A_715] {strides = array<i32>} : memref<2x1600x32xf32, #tpu.memory_space<vmem>>, vector<16xf32>,
        %add3A_717 = arith.addf %add3A_697, %get3A_716 : vector<16xf32>
        %mul3A_718 = arith.constant 50 : i32
        %mul3A_719 = arith.muli %add3A_589, %mul3A_718 : i32
        %add3A_720 = arith.constant 2 : i32
        %add3A_721 = arith.addi %mul3A_719, %add3A_720 : i32
        %get3A_722 = arith.constant 0 : i32
        %get3A_723 = arith.index_cast %get3A_722 : i32 to index
        %get3A_724 = arith.index_cast %add3A_721 : i32 to index
        %get3A_725 = arith.constant 16 : index
        %get3A_726 = tpu.vector_load %arg8[%get3A_723, %get3A_724, %get3A_725] {strides = array<i32>} : memref<2x1600x32xf32, #tpu.memory_space<vmem>>, vector<16xf32>,
        %add3A_727 = arith.addf %add3A_707, %get3A_726 : vector<16xf32>
        %mul3A_728 = arith.constant 50 : i32
        %mul3A_729 = arith.muli %add3A_589, %mul3A_728 : i32
        %add3A_730 = arith.constant 3 : i32
        %add3A_731 = arith.addi %mul3A_729, %add3A_730 : i32
        %get3A_732 = arith.constant 0 : i32
        %get3A_733 = arith.index_cast %get3A_732 : i32 to index
        %get3A_734 = arith.index_cast %add3A_731 : i32 to index
        %get3A_735 = arith.constant 0 : index
        %get3A_736 = tpu.vector_load %arg8[%get3A_733, %get3A_734, %get3A_735] {strides = array<i32>} : memref<2x1600x32xf32, #tpu.memory_space<vmem>>, vector<16xf32>,
        %add3A_737 = arith.addf %add3A_717, %get3A_736 : vector<16xf32>
        %mul3A_738 = arith.constant 50 : i32
        %mul3A_739 = arith.muli %add3A_589, %mul3A_738 : i32
        %add3A_740 = arith.constant 3 : i32
        %add3A_741 = arith.addi %mul3A_739, %add3A_740 : i32
        %get3A_742 = arith.constant 0 : i32
        %get3A_743 = arith.index_cast %get3A_742 : i32 to index
        %get3A_744 = arith.index_cast %add3A_741 : i32 to index
        %get3A_745 = arith.constant 16 : index
        %get3A_746 = tpu.vector_load %arg8[%get3A_743, %get3A_744, %get3A_745] {strides = array<i32>} : memref<2x1600x32xf32, #tpu.memory_space<vmem>>, vector<16xf32>,
        %add3A_747 = arith.addf %add3A_727, %get3A_746 : vector<16xf32>
        %mul3A_748 = arith.constant 50 : i32
        %mul3A_749 = arith.muli %add3A_589, %mul3A_748 : i32
        %add3A_750 = arith.constant 4 : i32
        %add3A_751 = arith.addi %mul3A_749, %add3A_750 : i32
        %get3A_752 = arith.constant 0 : i32
        %get3A_753 = arith.index_cast %get3A_752 : i32 to index
        %get3A_754 = arith.index_cast %add3A_751 : i32 to index
        %get3A_755 = arith.constant 0 : index
        %get3A_756 = tpu.vector_load %arg8[%get3A_753, %get3A_754, %get3A_755] {strides = array<i32>} : memref<2x1600x32xf32, #tpu.memory_space<vmem>>, vector<16xf32>,
        %add3A_757 = arith.addf %add3A_737, %get3A_756 : vector<16xf32>
        %mul3A_758 = arith.constant 50 : i32
        %mul3A_759 = arith.muli %add3A_589, %mul3A_758 : i32
        %add3A_760 = arith.constant 4 : i32
        %add3A_761 = arith.addi %mul3A_759, %add3A_760 : i32
        %get3A_762 = arith.constant 0 : i32
        %get3A_763 = arith.index_cast %get3A_762 : i32 to index
        %get3A_764 = arith.index_cast %add3A_761 : i32 to index
        %get3A_765 = arith.constant 16 : index
        %get3A_766 = tpu.vector_load %arg8[%get3A_763, %get3A_764, %get3A_765] {strides = array<i32>} : memref<2x1600x32xf32, #tpu.memory_space<vmem>>, vector<16xf32>,
        %add3A_767 = arith.addf %add3A_747, %get3A_766 : vector<16xf32>
        %mul3A_768 = arith.constant 50 : i32
        %mul3A_769 = arith.muli %add3A_589, %mul3A_768 : i32
        %add3A_770 = arith.constant 5 : i32
        %add3A_771 = arith.addi %mul3A_769, %add3A_770 : i32
        %get3A_772 = arith.constant 0 : i32
        %get3A_773 = arith.index_cast %get3A_772 : i32 to index
        %get3A_774 = arith.index_cast %add3A_771 : i32 to index
        %get3A_775 = arith.constant 0 : index
        %get3A_776 = tpu.vector_load %arg8[%get3A_773, %get3A_774, %get3A_775] {strides = array<i32>} : memref<2x1600x32xf32, #tpu.memory_space<vmem>>, vector<16xf32>,
        %add3A_777 = arith.addf %add3A_757, %get3A_776 : vector<16xf32>
        %mul3A_778 = arith.constant 50 : i32
        %mul3A_779 = arith.muli %add3A_589, %mul3A_778 : i32
        %add3A_780 = arith.constant 5 : i32
        %add3A_781 = arith.addi %mul3A_779, %add3A_780 : i32
        %get3A_782 = arith.constant 0 : i32
        %get3A_783 = arith.index_cast %get3A_782 : i32 to index
        %get3A_784 = arith.index_cast %add3A_781 : i32 to index
        %get3A_785 = arith.constant 16 : index
        %get3A_786 = tpu.vector_load %arg8[%get3A_783, %get3A_784, %get3A_785] {strides = array<i32>} : memref<2x1600x32xf32, #tpu.memory_space<vmem>>, vector<16xf32>,
        %add3A_787 = arith.addf %add3A_767, %get3A_786 : vector<16xf32>
        %mul3A_788 = arith.constant 50 : i32
        %mul3A_789 = arith.muli %add3A_589, %mul3A_788 : i32
        %add3A_790 = arith.constant 6 : i32
        %add3A_791 = arith.addi %mul3A_789, %add3A_790 : i32
        %get3A_792 = arith.constant 0 : i32
        %get3A_793 = arith.index_cast %get3A_792 : i32 to index
        %get3A_794 = arith.index_cast %add3A_791 : i32 to index
        %get3A_795 = arith.constant 0 : index
        %get3A_796 = tpu.vector_load %arg8[%get3A_793, %get3A_794, %get3A_795] {strides = array<i32>} : memref<2x1600x32xf32, #tpu.memory_space<vmem>>, vector<16xf32>,
        %add3A_797 = arith.addf %add3A_777, %get3A_796 : vector<16xf32>
        %mul3A_798 = arith.constant 50 : i32
        %mul3A_799 = arith.muli %add3A_589, %mul3A_798 : i32
        %add3A_800 = arith.constant 6 : i32
        %add3A_801 = arith.addi %mul3A_799, %add3A_800 : i32
        %get3A_802 = arith.constant 0 : i32
        %get3A_803 = arith.index_cast %get3A_802 : i32 to index
        %get3A_804 = arith.index_cast %add3A_801 : i32 to index
        %get3A_805 = arith.constant 16 : index
        %get3A_806 = tpu.vector_load %arg8[%get3A_803, %get3A_804, %get3A_805] {strides = array<i32>} : memref<2x1600x32xf32, #tpu.memory_space<vmem>>, vector<16xf32>,
        %add3A_807 = arith.addf %add3A_787, %get3A_806 : vector<16xf32>
        %mul3A_808 = arith.constant 50 : i32
        %mul3A_809 = arith.muli %add3A_589, %mul3A_808 : i32
        %add3A_810 = arith.constant 7 : i32
        %add3A_811 = arith.addi %mul3A_809, %add3A_810 : i32
        %get3A_812 = arith.constant 0 : i32
        %get3A_813 = arith.index_cast %get3A_812 : i32 to index
        %get3A_814 = arith.index_cast %add3A_811 : i32 to index
        %get3A_815 = arith.constant 0 : index
        %get3A_816 = tpu.vector_load %arg8[%get3A_813, %get3A_814, %get3A_815] {strides = array<i32>} : memref<2x1600x32xf32, #tpu.memory_space<vmem>>, vector<16xf32>,
        %add3A_817 = arith.addf %add3A_797, %get3A_816 : vector<16xf32>
        %mul3A_818 = arith.constant 50 : i32
        %mul3A_819 = arith.muli %add3A_589, %mul3A_818 : i32
        %add3A_820 = arith.constant 7 : i32
        %add3A_821 = arith.addi %mul3A_819, %add3A_820 : i32
        %get3A_822 = arith.constant 0 : i32
        %get3A_823 = arith.index_cast %get3A_822 : i32 to index
        %get3A_824 = arith.index_cast %add3A_821 : i32 to index
        %get3A_825 = arith.constant 16 : index
        %get3A_826 = tpu.vector_load %arg8[%get3A_823, %get3A_824, %get3A_825] {strides = array<i32>} : memref<2x1600x32xf32, #tpu.memory_space<vmem>>, vector<16xf32>,
        %add3A_827 = arith.addf %add3A_807, %get3A_826 : vector<16xf32>
        %mul3A_828 = arith.constant 50 : i32
        %mul3A_829 = arith.muli %add3A_589, %mul3A_828 : i32
        %add3A_830 = arith.constant 8 : i32
        %add3A_831 = arith.addi %mul3A_829, %add3A_830 : i32
        %get3A_832 = arith.constant 0 : i32
        %get3A_833 = arith.index_cast %get3A_832 : i32 to index
        %get3A_834 = arith.index_cast %add3A_831 : i32 to index
        %get3A_835 = arith.constant 0 : index
        %get3A_836 = tpu.vector_load %arg8[%get3A_833, %get3A_834, %get3A_835] {strides = array<i32>} : memref<2x1600x32xf32, #tpu.memory_space<vmem>>, vector<16xf32>,
        %add3A_837 = arith.addf %add3A_817, %get3A_836 : vector<16xf32>
        %mul3A_838 = arith.constant 50 : i32
        %mul3A_839 = arith.muli %add3A_589, %mul3A_838 : i32
        %add3A_840 = arith.constant 8 : i32
        %add3A_841 = arith.addi %mul3A_839, %add3A_840 : i32
        %get3A_842 = arith.constant 0 : i32
        %get3A_843 = arith.index_cast %get3A_842 : i32 to index
        %get3A_844 = arith.index_cast %add3A_841 : i32 to index
        %get3A_845 = arith.constant 16 : index
        %get3A_846 = tpu.vector_load %arg8[%get3A_843, %get3A_844, %get3A_845] {strides = array<i32>} : memref<2x1600x32xf32, #tpu.memory_space<vmem>>, vector<16xf32>,
        %add3A_847 = arith.addf %add3A_827, %get3A_846 : vector<16xf32>
        %mul3A_848 = arith.constant 50 : i32
        %mul3A_849 = arith.muli %add3A_589, %mul3A_848 : i32
        %add3A_850 = arith.constant 9 : i32
        %add3A_851 = arith.addi %mul3A_849, %add3A_850 : i32
        %get3A_852 = arith.constant 0 : i32
        %get3A_853 = arith.index_cast %get3A_852 : i32 to index
        %get3A_854 = arith.index_cast %add3A_851 : i32 to index
        %get3A_855 = arith.constant 0 : index
        %get3A_856 = tpu.vector_load %arg8[%get3A_853, %get3A_854, %get3A_855] {strides = array<i32>} : memref<2x1600x32xf32, #tpu.memory_space<vmem>>, vector<16xf32>,
        %add3A_857 = arith.addf %add3A_837, %get3A_856 : vector<16xf32>
        %mul3A_858 = arith.constant 50 : i32
        %mul3A_859 = arith.muli %add3A_589, %mul3A_858 : i32
        %add3A_860 = arith.constant 9 : i32
        %add3A_861 = arith.addi %mul3A_859, %add3A_860 : i32
        %get3A_862 = arith.constant 0 : i32
        %get3A_863 = arith.index_cast %get3A_862 : i32 to index
        %get3A_864 = arith.index_cast %add3A_861 : i32 to index
        %get3A_865 = arith.constant 16 : index
        %get3A_866 = tpu.vector_load %arg8[%get3A_863, %get3A_864, %get3A_865] {strides = array<i32>} : memref<2x1600x32xf32, #tpu.memory_space<vmem>>, vector<16xf32>,
        %add3A_867 = arith.addf %add3A_847, %get3A_866 : vector<16xf32>
        %mul3A_868 = arith.constant 50 : i32
        %mul3A_869 = arith.muli %add3A_589, %mul3A_868 : i32
        %add3A_870 = arith.constant 10 : i32
        %add3A_871 = arith.addi %mul3A_869, %add3A_870 : i32
        %get3A_872 = arith.constant 0 : i32
        %get3A_873 = arith.index_cast %get3A_872 : i32 to index
        %get3A_874 = arith.index_cast %add3A_871 : i32 to index
        %get3A_875 = arith.constant 0 : index
        %get3A_876 = tpu.vector_load %arg8[%get3A_873, %get3A_874, %get3A_875] {strides = array<i32>} : memref<2x1600x32xf32, #tpu.memory_space<vmem>>, vector<16xf32>,
        %add3A_877 = arith.addf %add3A_857, %get3A_876 : vector<16xf32>
        %mul3A_878 = arith.constant 50 : i32
        %mul3A_879 = arith.muli %add3A_589, %mul3A_878 : i32
        %add3A_880 = arith.constant 10 : i32
        %add3A_881 = arith.addi %mul3A_879, %add3A_880 : i32
        %get3A_882 = arith.constant 0 : i32
        %get3A_883 = arith.index_cast %get3A_882 : i32 to index
        %get3A_884 = arith.index_cast %add3A_881 : i32 to index
        %get3A_885 = arith.constant 16 : index
        %get3A_886 = tpu.vector_load %arg8[%get3A_883, %get3A_884, %get3A_885] {strides = array<i32>} : memref<2x1600x32xf32, #tpu.memory_space<vmem>>, vector<16xf32>,
        %add3A_887 = arith.addf %add3A_867, %get3A_886 : vector<16xf32>
        %mul3A_888 = arith.constant 50 : i32
        %mul3A_889 = arith.muli %add3A_589, %mul3A_888 : i32
        %add3A_890 = arith.constant 11 : i32
        %add3A_891 = arith.addi %mul3A_889, %add3A_890 : i32
        %get3A_892 = arith.constant 0 : i32
        %get3A_893 = arith.index_cast %get3A_892 : i32 to index
        %get3A_894 = arith.index_cast %add3A_891 : i32 to index
        %get3A_895 = arith.constant 0 : index
        %get3A_896 = tpu.vector_load %arg8[%get3A_893, %get3A_894, %get3A_895] {strides = array<i32>} : memref<2x1600x32xf32, #tpu.memory_space<vmem>>, vector<16xf32>,
        %add3A_897 = arith.addf %add3A_877, %get3A_896 : vector<16xf32>
        %mul3A_898 = arith.constant 50 : i32
        %mul3A_899 = arith.muli %add3A_589, %mul3A_898 : i32
        %add3A_900 = arith.constant 11 : i32
        %add3A_901 = arith.addi %mul3A_899, %add3A_900 : i32
        %get3A_902 = arith.constant 0 : i32
        %get3A_903 = arith.index_cast %get3A_902 : i32 to index
        %get3A_904 = arith.index_cast %add3A_901 : i32 to index
        %get3A_905 = arith.constant 16 : index
        %get3A_906 = tpu.vector_load %arg8[%get3A_903, %get3A_904, %get3A_905] {strides = array<i32>} : memref<2x1600x32xf32, #tpu.memory_space<vmem>>, vector<16xf32>,
        %add3A_907 = arith.addf %add3A_887, %get3A_906 : vector<16xf32>
        %mul3A_908 = arith.constant 50 : i32
        %mul3A_909 = arith.muli %add3A_589, %mul3A_908 : i32
        %add3A_910 = arith.constant 12 : i32
        %add3A_911 = arith.addi %mul3A_909, %add3A_910 : i32
        %get3A_912 = arith.constant 0 : i32
        %get3A_913 = arith.index_cast %get3A_912 : i32 to index
        %get3A_914 = arith.index_cast %add3A_911 : i32 to index
        %get3A_915 = arith.constant 0 : index
        %get3A_916 = tpu.vector_load %arg8[%get3A_913, %get3A_914, %get3A_915] {strides = array<i32>} : memref<2x1600x32xf32, #tpu.memory_space<vmem>>, vector<16xf32>,
        %add3A_917 = arith.addf %add3A_897, %get3A_916 : vector<16xf32>
        %mul3A_918 = arith.constant 50 : i32
        %mul3A_919 = arith.muli %add3A_589, %mul3A_918 : i32
        %add3A_920 = arith.constant 12 : i32
        %add3A_921 = arith.addi %mul3A_919, %add3A_920 : i32
        %get3A_922 = arith.constant 0 : i32
        %get3A_923 = arith.index_cast %get3A_922 : i32 to index
        %get3A_924 = arith.index_cast %add3A_921 : i32 to index
        %get3A_925 = arith.constant 16 : index
        %get3A_926 = tpu.vector_load %arg8[%get3A_923, %get3A_924, %get3A_925] {strides = array<i32>} : memref<2x1600x32xf32, #tpu.memory_space<vmem>>, vector<16xf32>,
        %add3A_927 = arith.addf %add3A_907, %get3A_926 : vector<16xf32>
        %mul3A_928 = arith.constant 50 : i32
        %mul3A_929 = arith.muli %add3A_589, %mul3A_928 : i32
        %add3A_930 = arith.constant 13 : i32
        %add3A_931 = arith.addi %mul3A_929, %add3A_930 : i32
        %get3A_932 = arith.constant 0 : i32
        %get3A_933 = arith.index_cast %get3A_932 : i32 to index
        %get3A_934 = arith.index_cast %add3A_931 : i32 to index
        %get3A_935 = arith.constant 0 : index
        %get3A_936 = tpu.vector_load %arg8[%get3A_933, %get3A_934, %get3A_935] {strides = array<i32>} : memref<2x1600x32xf32, #tpu.memory_space<vmem>>, vector<16xf32>,
        %add3A_937 = arith.addf %add3A_917, %get3A_936 : vector<16xf32>
        %mul3A_938 = arith.constant 50 : i32
        %mul3A_939 = arith.muli %add3A_589, %mul3A_938 : i32
        %add3A_940 = arith.constant 13 : i32
        %add3A_941 = arith.addi %mul3A_939, %add3A_940 : i32
        %get3A_942 = arith.constant 0 : i32
        %get3A_943 = arith.index_cast %get3A_942 : i32 to index
        %get3A_944 = arith.index_cast %add3A_941 : i32 to index
        %get3A_945 = arith.constant 16 : index
        %get3A_946 = tpu.vector_load %arg8[%get3A_943, %get3A_944, %get3A_945] {strides = array<i32>} : memref<2x1600x32xf32, #tpu.memory_space<vmem>>, vector<16xf32>,
        %add3A_947 = arith.addf %add3A_927, %get3A_946 : vector<16xf32>
        %mul3A_948 = arith.constant 50 : i32
        %mul3A_949 = arith.muli %add3A_589, %mul3A_948 : i32
        %add3A_950 = arith.constant 14 : i32
        %add3A_951 = arith.addi %mul3A_949, %add3A_950 : i32
        %get3A_952 = arith.constant 0 : i32
        %get3A_953 = arith.index_cast %get3A_952 : i32 to index
        %get3A_954 = arith.index_cast %add3A_951 : i32 to index
        %get3A_955 = arith.constant 0 : index
        %get3A_956 = tpu.vector_load %arg8[%get3A_953, %get3A_954, %get3A_955] {strides = array<i32>} : memref<2x1600x32xf32, #tpu.memory_space<vmem>>, vector<16xf32>,
        %add3A_957 = arith.addf %add3A_937, %get3A_956 : vector<16xf32>
        %mul3A_958 = arith.constant 50 : i32
        %mul3A_959 = arith.muli %add3A_589, %mul3A_958 : i32
        %add3A_960 = arith.constant 14 : i32
        %add3A_961 = arith.addi %mul3A_959, %add3A_960 : i32
        %get3A_962 = arith.constant 0 : i32
        %get3A_963 = arith.index_cast %get3A_962 : i32 to index
        %get3A_964 = arith.index_cast %add3A_961 : i32 to index
        %get3A_965 = arith.constant 16 : index
        %get3A_966 = tpu.vector_load %arg8[%get3A_963, %get3A_964, %get3A_965] {strides = array<i32>} : memref<2x1600x32xf32, #tpu.memory_space<vmem>>, vector<16xf32>,
        %add3A_967 = arith.addf %add3A_947, %get3A_966 : vector<16xf32>
        %mul3A_968 = arith.constant 50 : i32
        %mul3A_969 = arith.muli %add3A_589, %mul3A_968 : i32
        %add3A_970 = arith.constant 15 : i32
        %add3A_971 = arith.addi %mul3A_969, %add3A_970 : i32
        %get3A_972 = arith.constant 0 : i32
        %get3A_973 = arith.index_cast %get3A_972 : i32 to index
        %get3A_974 = arith.index_cast %add3A_971 : i32 to index
        %get3A_975 = arith.constant 0 : index
        %get3A_976 = tpu.vector_load %arg8[%get3A_973, %get3A_974, %get3A_975] {strides = array<i32>} : memref<2x1600x32xf32, #tpu.memory_space<vmem>>, vector<16xf32>,
        %add3A_977 = arith.addf %add3A_957, %get3A_976 : vector<16xf32>
        %mul3A_978 = arith.constant 50 : i32
        %mul3A_979 = arith.muli %add3A_589, %mul3A_978 : i32
        %add3A_980 = arith.constant 15 : i32
        %add3A_981 = arith.addi %mul3A_979, %add3A_980 : i32
        %get3A_982 = arith.constant 0 : i32
        %get3A_983 = arith.index_cast %get3A_982 : i32 to index
        %get3A_984 = arith.index_cast %add3A_981 : i32 to index
        %get3A_985 = arith.constant 16 : index
        %get3A_986 = tpu.vector_load %arg8[%get3A_983, %get3A_984, %get3A_985] {strides = array<i32>} : memref<2x1600x32xf32, #tpu.memory_space<vmem>>, vector<16xf32>,
        %add3A_987 = arith.addf %add3A_967, %get3A_986 : vector<16xf32>
        %mul3A_988 = arith.constant 50 : i32
        %mul3A_989 = arith.muli %add3A_589, %mul3A_988 : i32
        %add3A_990 = arith.constant 16 : i32
        %add3A_991 = arith.addi %mul3A_989, %add3A_990 : i32
        %get3A_992 = arith.constant 0 : i32
        %get3A_993 = arith.index_cast %get3A_992 : i32 to index
        %get3A_994 = arith.index_cast %add3A_991 : i32 to index
        %get3A_995 = arith.constant 0 : index
        %get3A_996 = tpu.vector_load %arg8[%get3A_993, %get3A_994, %get3A_995] {strides = array<i32>} : memref<2x1600x32xf32, #tpu.memory_space<vmem>>, vector<16xf32>,
        %add3A_997 = arith.addf %add3A_977, %get3A_996 : vector<16xf32>
        %mul3A_998 = arith.constant 50 : i32
        %mul3A_999 = arith.muli %add3A_589, %mul3A_998 : i32
        %add3A_1000 = arith.constant 16 : i32
        %add3A_1001 = arith.addi %mul3A_999, %add3A_1000 : i32
        %get3A_1002 = arith.constant 0 : i32
        %get3A_1003 = arith.index_cast %get3A_1002 : i32 to index
        %get3A_1004 = arith.index_cast %add3A_1001 : i32 to index
        %get3A_1005 = arith.constant 16 : index
        %get3A_1006 = tpu.vector_load %arg8[%get3A_1003, %get3A_1004, %get3A_1005] {strides = array<i32>} : memref<2x1600x32xf32, #tpu.memory_space<vmem>>, vector<16xf32>,
        %add3A_1007 = arith.addf %add3A_987, %get3A_1006 : vector<16xf32>
        %mul3A_1008 = arith.constant 50 : i32
        %mul3A_1009 = arith.muli %add3A_589, %mul3A_1008 : i32
        %add3A_1010 = arith.constant 17 : i32
        %add3A_1011 = arith.addi %mul3A_1009, %add3A_1010 : i32
        %get3A_1012 = arith.constant 0 : i32
        %get3A_1013 = arith.index_cast %get3A_1012 : i32 to index
        %get3A_1014 = arith.index_cast %add3A_1011 : i32 to index
        %get3A_1015 = arith.constant 0 : index
        %get3A_1016 = tpu.vector_load %arg8[%get3A_1013, %get3A_1014, %get3A_1015] {strides = array<i32>} : memref<2x1600x32xf32, #tpu.memory_space<vmem>>, vector<16xf32>,
        %add3A_1017 = arith.addf %add3A_997, %get3A_1016 : vector<16xf32>
        %mul3A_1018 = arith.constant 50 : i32
        %mul3A_1019 = arith.muli %add3A_589, %mul3A_1018 : i32
        %add3A_1020 = arith.constant 17 : i32
        %add3A_1021 = arith.addi %mul3A_1019, %add3A_1020 : i32
        %get3A_1022 = arith.constant 0 : i32
        %get3A_1023 = arith.index_cast %get3A_1022 : i32 to index
        %get3A_1024 = arith.index_cast %add3A_1021 : i32 to index
        %get3A_1025 = arith.constant 16 : index
        %get3A_1026 = tpu.vector_load %arg8[%get3A_1023, %get3A_1024, %get3A_1025] {strides = array<i32>} : memref<2x1600x32xf32, #tpu.memory_space<vmem>>, vector<16xf32>,
        %add3A_1027 = arith.addf %add3A_1007, %get3A_1026 : vector<16xf32>
        %mul3A_1028 = arith.constant 50 : i32
        %mul3A_1029 = arith.muli %add3A_589, %mul3A_1028 : i32
        %add3A_1030 = arith.constant 18 : i32
        %add3A_1031 = arith.addi %mul3A_1029, %add3A_1030 : i32
        %get3A_1032 = arith.constant 0 : i32
        %get3A_1033 = arith.index_cast %get3A_1032 : i32 to index
        %get3A_1034 = arith.index_cast %add3A_1031 : i32 to index
        %get3A_1035 = arith.constant 0 : index
        %get3A_1036 = tpu.vector_load %arg8[%get3A_1033, %get3A_1034, %get3A_1035] {strides = array<i32>} : memref<2x1600x32xf32, #tpu.memory_space<vmem>>, vector<16xf32>,
        %add3A_1037 = arith.addf %add3A_1017, %get3A_1036 : vector<16xf32>
        %mul3A_1038 = arith.constant 50 : i32
        %mul3A_1039 = arith.muli %add3A_589, %mul3A_1038 : i32
        %add3A_1040 = arith.constant 18 : i32
        %add3A_1041 = arith.addi %mul3A_1039, %add3A_1040 : i32
        %get3A_1042 = arith.constant 0 : i32
        %get3A_1043 = arith.index_cast %get3A_1042 : i32 to index
        %get3A_1044 = arith.index_cast %add3A_1041 : i32 to index
        %get3A_1045 = arith.constant 16 : index
        %get3A_1046 = tpu.vector_load %arg8[%get3A_1043, %get3A_1044, %get3A_1045] {strides = array<i32>} : memref<2x1600x32xf32, #tpu.memory_space<vmem>>, vector<16xf32>,
        %add3A_1047 = arith.addf %add3A_1027, %get3A_1046 : vector<16xf32>
        %mul3A_1048 = arith.constant 50 : i32
        %mul3A_1049 = arith.muli %add3A_589, %mul3A_1048 : i32
        %add3A_1050 = arith.constant 19 : i32
        %add3A_1051 = arith.addi %mul3A_1049, %add3A_1050 : i32
        %get3A_1052 = arith.constant 0 : i32
        %get3A_1053 = arith.index_cast %get3A_1052 : i32 to index
        %get3A_1054 = arith.index_cast %add3A_1051 : i32 to index
        %get3A_1055 = arith.constant 0 : index
        %get3A_1056 = tpu.vector_load %arg8[%get3A_1053, %get3A_1054, %get3A_1055] {strides = array<i32>} : memref<2x1600x32xf32, #tpu.memory_space<vmem>>, vector<16xf32>,
        %add3A_1057 = arith.addf %add3A_1037, %get3A_1056 : vector<16xf32>
        %mul3A_1058 = arith.constant 50 : i32
        %mul3A_1059 = arith.muli %add3A_589, %mul3A_1058 : i32
        %add3A_1060 = arith.constant 19 : i32
        %add3A_1061 = arith.addi %mul3A_1059, %add3A_1060 : i32
        %get3A_1062 = arith.constant 0 : i32
        %get3A_1063 = arith.index_cast %get3A_1062 : i32 to index
        %get3A_1064 = arith.index_cast %add3A_1061 : i32 to index
        %get3A_1065 = arith.constant 16 : index
        %get3A_1066 = tpu.vector_load %arg8[%get3A_1063, %get3A_1064, %get3A_1065] {strides = array<i32>} : memref<2x1600x32xf32, #tpu.memory_space<vmem>>, vector<16xf32>,
        %add3A_1067 = arith.addf %add3A_1047, %get3A_1066 : vector<16xf32>
        %mul3A_1068 = arith.constant 50 : i32
        %mul3A_1069 = arith.muli %add3A_589, %mul3A_1068 : i32
        %add3A_1070 = arith.constant 20 : i32
        %add3A_1071 = arith.addi %mul3A_1069, %add3A_1070 : i32
        %get3A_1072 = arith.constant 0 : i32
        %get3A_1073 = arith.index_cast %get3A_1072 : i32 to index
        %get3A_1074 = arith.index_cast %add3A_1071 : i32 to index
        %get3A_1075 = arith.constant 0 : index
        %get3A_1076 = tpu.vector_load %arg8[%get3A_1073, %get3A_1074, %get3A_1075] {strides = array<i32>} : memref<2x1600x32xf32, #tpu.memory_space<vmem>>, vector<16xf32>,
        %add3A_1077 = arith.addf %add3A_1057, %get3A_1076 : vector<16xf32>
        %mul3A_1078 = arith.constant 50 : i32
        %mul3A_1079 = arith.muli %add3A_589, %mul3A_1078 : i32
        %add3A_1080 = arith.constant 20 : i32
        %add3A_1081 = arith.addi %mul3A_1079, %add3A_1080 : i32
        %get3A_1082 = arith.constant 0 : i32
        %get3A_1083 = arith.index_cast %get3A_1082 : i32 to index
        %get3A_1084 = arith.index_cast %add3A_1081 : i32 to index
        %get3A_1085 = arith.constant 16 : index
        %get3A_1086 = tpu.vector_load %arg8[%get3A_1083, %get3A_1084, %get3A_1085] {strides = array<i32>} : memref<2x1600x32xf32, #tpu.memory_space<vmem>>, vector<16xf32>,
        %add3A_1087 = arith.addf %add3A_1067, %get3A_1086 : vector<16xf32>
        %mul3A_1088 = arith.constant 50 : i32
        %mul3A_1089 = arith.muli %add3A_589, %mul3A_1088 : i32
        %add3A_1090 = arith.constant 21 : i32
        %add3A_1091 = arith.addi %mul3A_1089, %add3A_1090 : i32
        %get3A_1092 = arith.constant 0 : i32
        %get3A_1093 = arith.index_cast %get3A_1092 : i32 to index
        %get3A_1094 = arith.index_cast %add3A_1091 : i32 to index
        %get3A_1095 = arith.constant 0 : index
        %get3A_1096 = tpu.vector_load %arg8[%get3A_1093, %get3A_1094, %get3A_1095] {strides = array<i32>} : memref<2x1600x32xf32, #tpu.memory_space<vmem>>, vector<16xf32>,
        %add3A_1097 = arith.addf %add3A_1077, %get3A_1096 : vector<16xf32>
        %mul3A_1098 = arith.constant 50 : i32
        %mul3A_1099 = arith.muli %add3A_589, %mul3A_1098 : i32
        %add3A_1100 = arith.constant 21 : i32
        %add3A_1101 = arith.addi %mul3A_1099, %add3A_1100 : i32
        %get3A_1102 = arith.constant 0 : i32
        %get3A_1103 = arith.index_cast %get3A_1102 : i32 to index
        %get3A_1104 = arith.index_cast %add3A_1101 : i32 to index
        %get3A_1105 = arith.constant 16 : index
        %get3A_1106 = tpu.vector_load %arg8[%get3A_1103, %get3A_1104, %get3A_1105] {strides = array<i32>} : memref<2x1600x32xf32, #tpu.memory_space<vmem>>, vector<16xf32>,
        %add3A_1107 = arith.addf %add3A_1087, %get3A_1106 : vector<16xf32>
        %mul3A_1108 = arith.constant 50 : i32
        %mul3A_1109 = arith.muli %add3A_589, %mul3A_1108 : i32
        %add3A_1110 = arith.constant 22 : i32
        %add3A_1111 = arith.addi %mul3A_1109, %add3A_1110 : i32
        %get3A_1112 = arith.constant 0 : i32
        %get3A_1113 = arith.index_cast %get3A_1112 : i32 to index
        %get3A_1114 = arith.index_cast %add3A_1111 : i32 to index
        %get3A_1115 = arith.constant 0 : index
        %get3A_1116 = tpu.vector_load %arg8[%get3A_1113, %get3A_1114, %get3A_1115] {strides = array<i32>} : memref<2x1600x32xf32, #tpu.memory_space<vmem>>, vector<16xf32>,
        %add3A_1117 = arith.addf %add3A_1097, %get3A_1116 : vector<16xf32>
        %mul3A_1118 = arith.constant 50 : i32
        %mul3A_1119 = arith.muli %add3A_589, %mul3A_1118 : i32
        %add3A_1120 = arith.constant 22 : i32
        %add3A_1121 = arith.addi %mul3A_1119, %add3A_1120 : i32
        %get3A_1122 = arith.constant 0 : i32
        %get3A_1123 = arith.index_cast %get3A_1122 : i32 to index
        %get3A_1124 = arith.index_cast %add3A_1121 : i32 to index
        %get3A_1125 = arith.constant 16 : index
        %get3A_1126 = tpu.vector_load %arg8[%get3A_1123, %get3A_1124, %get3A_1125] {strides = array<i32>} : memref<2x1600x32xf32, #tpu.memory_space<vmem>>, vector<16xf32>,
        %add3A_1127 = arith.addf %add3A_1107, %get3A_1126 : vector<16xf32>
        %mul3A_1128 = arith.constant 50 : i32
        %mul3A_1129 = arith.muli %add3A_589, %mul3A_1128 : i32
        %add3A_1130 = arith.constant 23 : i32
        %add3A_1131 = arith.addi %mul3A_1129, %add3A_1130 : i32
        %get3A_1132 = arith.constant 0 : i32
        %get3A_1133 = arith.index_cast %get3A_1132 : i32 to index
        %get3A_1134 = arith.index_cast %add3A_1131 : i32 to index
        %get3A_1135 = arith.constant 0 : index
        %get3A_1136 = tpu.vector_load %arg8[%get3A_1133, %get3A_1134, %get3A_1135] {strides = array<i32>} : memref<2x1600x32xf32, #tpu.memory_space<vmem>>, vector<16xf32>,
        %add3A_1137 = arith.addf %add3A_1117, %get3A_1136 : vector<16xf32>
        %mul3A_1138 = arith.constant 50 : i32
        %mul3A_1139 = arith.muli %add3A_589, %mul3A_1138 : i32
        %add3A_1140 = arith.constant 23 : i32
        %add3A_1141 = arith.addi %mul3A_1139, %add3A_1140 : i32
        %get3A_1142 = arith.constant 0 : i32
        %get3A_1143 = arith.index_cast %get3A_1142 : i32 to index
        %get3A_1144 = arith.index_cast %add3A_1141 : i32 to index
        %get3A_1145 = arith.constant 16 : index
        %get3A_1146 = tpu.vector_load %arg8[%get3A_1143, %get3A_1144, %get3A_1145] {strides = array<i32>} : memref<2x1600x32xf32, #tpu.memory_space<vmem>>, vector<16xf32>,
        %add3A_1147 = arith.addf %add3A_1127, %get3A_1146 : vector<16xf32>
        %mul3A_1148 = arith.constant 50 : i32
        %mul3A_1149 = arith.muli %add3A_589, %mul3A_1148 : i32
        %add3A_1150 = arith.constant 24 : i32
        %add3A_1151 = arith.addi %mul3A_1149, %add3A_1150 : i32
        %get3A_1152 = arith.constant 0 : i32
        %get3A_1153 = arith.index_cast %get3A_1152 : i32 to index
        %get3A_1154 = arith.index_cast %add3A_1151 : i32 to index
        %get3A_1155 = arith.constant 0 : index
        %get3A_1156 = tpu.vector_load %arg8[%get3A_1153, %get3A_1154, %get3A_1155] {strides = array<i32>} : memref<2x1600x32xf32, #tpu.memory_space<vmem>>, vector<16xf32>,
        %add3A_1157 = arith.addf %add3A_1137, %get3A_1156 : vector<16xf32>
        %mul3A_1158 = arith.constant 50 : i32
        %mul3A_1159 = arith.muli %add3A_589, %mul3A_1158 : i32
        %add3A_1160 = arith.constant 24 : i32
        %add3A_1161 = arith.addi %mul3A_1159, %add3A_1160 : i32
        %get3A_1162 = arith.constant 0 : i32
        %get3A_1163 = arith.index_cast %get3A_1162 : i32 to index
        %get3A_1164 = arith.index_cast %add3A_1161 : i32 to index
        %get3A_1165 = arith.constant 16 : index
        %get3A_1166 = tpu.vector_load %arg8[%get3A_1163, %get3A_1164, %get3A_1165] {strides = array<i32>} : memref<2x1600x32xf32, #tpu.memory_space<vmem>>, vector<16xf32>,
        %add3A_1167 = arith.addf %add3A_1147, %get3A_1166 : vector<16xf32>
        %mul3A_1168 = arith.constant 50 : i32
        %mul3A_1169 = arith.muli %add3A_589, %mul3A_1168 : i32
        %add3A_1170 = arith.constant 25 : i32
        %add3A_1171 = arith.addi %mul3A_1169, %add3A_1170 : i32
        %get3A_1172 = arith.constant 0 : i32
        %get3A_1173 = arith.index_cast %get3A_1172 : i32 to index
        %get3A_1174 = arith.index_cast %add3A_1171 : i32 to index
        %get3A_1175 = arith.constant 0 : index
        %get3A_1176 = tpu.vector_load %arg8[%get3A_1173, %get3A_1174, %get3A_1175] {strides = array<i32>} : memref<2x1600x32xf32, #tpu.memory_space<vmem>>, vector<16xf32>,
        %add3A_1177 = arith.addf %add3A_1157, %get3A_1176 : vector<16xf32>
        %mul3A_1178 = arith.constant 50 : i32
        %mul3A_1179 = arith.muli %add3A_589, %mul3A_1178 : i32
        %add3A_1180 = arith.constant 25 : i32
        %add3A_1181 = arith.addi %mul3A_1179, %add3A_1180 : i32
        %get3A_1182 = arith.constant 0 : i32
        %get3A_1183 = arith.index_cast %get3A_1182 : i32 to index
        %get3A_1184 = arith.index_cast %add3A_1181 : i32 to index
        %get3A_1185 = arith.constant 16 : index
        %get3A_1186 = tpu.vector_load %arg8[%get3A_1183, %get3A_1184, %get3A_1185] {strides = array<i32>} : memref<2x1600x32xf32, #tpu.memory_space<vmem>>, vector<16xf32>,
        %add3A_1187 = arith.addf %add3A_1167, %get3A_1186 : vector<16xf32>
        %mul3A_1188 = arith.constant 50 : i32
        %mul3A_1189 = arith.muli %add3A_589, %mul3A_1188 : i32
        %add3A_1190 = arith.constant 26 : i32
        %add3A_1191 = arith.addi %mul3A_1189, %add3A_1190 : i32
        %get3A_1192 = arith.constant 0 : i32
        %get3A_1193 = arith.index_cast %get3A_1192 : i32 to index
        %get3A_1194 = arith.index_cast %add3A_1191 : i32 to index
        %get3A_1195 = arith.constant 0 : index
        %get3A_1196 = tpu.vector_load %arg8[%get3A_1193, %get3A_1194, %get3A_1195] {strides = array<i32>} : memref<2x1600x32xf32, #tpu.memory_space<vmem>>, vector<16xf32>,
        %add3A_1197 = arith.addf %add3A_1177, %get3A_1196 : vector<16xf32>
        %mul3A_1198 = arith.constant 50 : i32
        %mul3A_1199 = arith.muli %add3A_589, %mul3A_1198 : i32
        %add3A_1200 = arith.constant 26 : i32
        %add3A_1201 = arith.addi %mul3A_1199, %add3A_1200 : i32
        %get3A_1202 = arith.constant 0 : i32
        %get3A_1203 = arith.index_cast %get3A_1202 : i32 to index
        %get3A_1204 = arith.index_cast %add3A_1201 : i32 to index
        %get3A_1205 = arith.constant 16 : index
        %get3A_1206 = tpu.vector_load %arg8[%get3A_1203, %get3A_1204, %get3A_1205] {strides = array<i32>} : memref<2x1600x32xf32, #tpu.memory_space<vmem>>, vector<16xf32>,
        %add3A_1207 = arith.addf %add3A_1187, %get3A_1206 : vector<16xf32>
        %mul3A_1208 = arith.constant 50 : i32
        %mul3A_1209 = arith.muli %add3A_589, %mul3A_1208 : i32
        %add3A_1210 = arith.constant 27 : i32
        %add3A_1211 = arith.addi %mul3A_1209, %add3A_1210 : i32
        %get3A_1212 = arith.constant 0 : i32
        %get3A_1213 = arith.index_cast %get3A_1212 : i32 to index
        %get3A_1214 = arith.index_cast %add3A_1211 : i32 to index
        %get3A_1215 = arith.constant 0 : index
        %get3A_1216 = tpu.vector_load %arg8[%get3A_1213, %get3A_1214, %get3A_1215] {strides = array<i32>} : memref<2x1600x32xf32, #tpu.memory_space<vmem>>, vector<16xf32>,
        %add3A_1217 = arith.addf %add3A_1197, %get3A_1216 : vector<16xf32>
        %mul3A_1218 = arith.constant 50 : i32
        %mul3A_1219 = arith.muli %add3A_589, %mul3A_1218 : i32
        %add3A_1220 = arith.constant 27 : i32
        %add3A_1221 = arith.addi %mul3A_1219, %add3A_1220 : i32
        %get3A_1222 = arith.constant 0 : i32
        %get3A_1223 = arith.index_cast %get3A_1222 : i32 to index
        %get3A_1224 = arith.index_cast %add3A_1221 : i32 to index
        %get3A_1225 = arith.constant 16 : index
        %get3A_1226 = tpu.vector_load %arg8[%get3A_1223, %get3A_1224, %get3A_1225] {strides = array<i32>} : memref<2x1600x32xf32, #tpu.memory_space<vmem>>, vector<16xf32>,
        %add3A_1227 = arith.addf %add3A_1207, %get3A_1226 : vector<16xf32>
        %mul3A_1228 = arith.constant 50 : i32
        %mul3A_1229 = arith.muli %add3A_589, %mul3A_1228 : i32
        %add3A_1230 = arith.constant 28 : i32
        %add3A_1231 = arith.addi %mul3A_1229, %add3A_1230 : i32
        %get3A_1232 = arith.constant 0 : i32
        %get3A_1233 = arith.index_cast %get3A_1232 : i32 to index
        %get3A_1234 = arith.index_cast %add3A_1231 : i32 to index
        %get3A_1235 = arith.constant 0 : index
        %get3A_1236 = tpu.vector_load %arg8[%get3A_1233, %get3A_1234, %get3A_1235] {strides = array<i32>} : memref<2x1600x32xf32, #tpu.memory_space<vmem>>, vector<16xf32>,
        %add3A_1237 = arith.addf %add3A_1217, %get3A_1236 : vector<16xf32>
        %mul3A_1238 = arith.constant 50 : i32
        %mul3A_1239 = arith.muli %add3A_589, %mul3A_1238 : i32
        %add3A_1240 = arith.constant 28 : i32
        %add3A_1241 = arith.addi %mul3A_1239, %add3A_1240 : i32
        %get3A_1242 = arith.constant 0 : i32
        %get3A_1243 = arith.index_cast %get3A_1242 : i32 to index
        %get3A_1244 = arith.index_cast %add3A_1241 : i32 to index
        %get3A_1245 = arith.constant 16 : index
        %get3A_1246 = tpu.vector_load %arg8[%get3A_1243, %get3A_1244, %get3A_1245] {strides = array<i32>} : memref<2x1600x32xf32, #tpu.memory_space<vmem>>, vector<16xf32>,
        %add3A_1247 = arith.addf %add3A_1227, %get3A_1246 : vector<16xf32>
        %mul3A_1248 = arith.constant 50 : i32
        %mul3A_1249 = arith.muli %add3A_589, %mul3A_1248 : i32
        %add3A_1250 = arith.constant 29 : i32
        %add3A_1251 = arith.addi %mul3A_1249, %add3A_1250 : i32
        %get3A_1252 = arith.constant 0 : i32
        %get3A_1253 = arith.index_cast %get3A_1252 : i32 to index
        %get3A_1254 = arith.index_cast %add3A_1251 : i32 to index
        %get3A_1255 = arith.constant 0 : index
        %get3A_1256 = tpu.vector_load %arg8[%get3A_1253, %get3A_1254, %get3A_1255] {strides = array<i32>} : memref<2x1600x32xf32, #tpu.memory_space<vmem>>, vector<16xf32>,
        %add3A_1257 = arith.addf %add3A_1237, %get3A_1256 : vector<16xf32>
        %mul3A_1258 = arith.constant 50 : i32
        %mul3A_1259 = arith.muli %add3A_589, %mul3A_1258 : i32
        %add3A_1260 = arith.constant 29 : i32
        %add3A_1261 = arith.addi %mul3A_1259, %add3A_1260 : i32
        %get3A_1262 = arith.constant 0 : i32
        %get3A_1263 = arith.index_cast %get3A_1262 : i32 to index
        %get3A_1264 = arith.index_cast %add3A_1261 : i32 to index
        %get3A_1265 = arith.constant 16 : index
        %get3A_1266 = tpu.vector_load %arg8[%get3A_1263, %get3A_1264, %get3A_1265] {strides = array<i32>} : memref<2x1600x32xf32, #tpu.memory_space<vmem>>, vector<16xf32>,
        %add3A_1267 = arith.addf %add3A_1247, %get3A_1266 : vector<16xf32>
        %mul3A_1268 = arith.constant 50 : i32
        %mul3A_1269 = arith.muli %add3A_589, %mul3A_1268 : i32
        %add3A_1270 = arith.constant 30 : i32
        %add3A_1271 = arith.addi %mul3A_1269, %add3A_1270 : i32
        %get3A_1272 = arith.constant 0 : i32
        %get3A_1273 = arith.index_cast %get3A_1272 : i32 to index
        %get3A_1274 = arith.index_cast %add3A_1271 : i32 to index
        %get3A_1275 = arith.constant 0 : index
        %get3A_1276 = tpu.vector_load %arg8[%get3A_1273, %get3A_1274, %get3A_1275] {strides = array<i32>} : memref<2x1600x32xf32, #tpu.memory_space<vmem>>, vector<16xf32>,
        %add3A_1277 = arith.addf %add3A_1257, %get3A_1276 : vector<16xf32>
        %mul3A_1278 = arith.constant 50 : i32
        %mul3A_1279 = arith.muli %add3A_589, %mul3A_1278 : i32
        %add3A_1280 = arith.constant 30 : i32
        %add3A_1281 = arith.addi %mul3A_1279, %add3A_1280 : i32
        %get3A_1282 = arith.constant 0 : i32
        %get3A_1283 = arith.index_cast %get3A_1282 : i32 to index
        %get3A_1284 = arith.index_cast %add3A_1281 : i32 to index
        %get3A_1285 = arith.constant 16 : index
        %get3A_1286 = tpu.vector_load %arg8[%get3A_1283, %get3A_1284, %get3A_1285] {strides = array<i32>} : memref<2x1600x32xf32, #tpu.memory_space<vmem>>, vector<16xf32>,
        %add3A_1287 = arith.addf %add3A_1267, %get3A_1286 : vector<16xf32>
        %mul3A_1288 = arith.constant 50 : i32
        %mul3A_1289 = arith.muli %add3A_589, %mul3A_1288 : i32
        %add3A_1290 = arith.constant 31 : i32
        %add3A_1291 = arith.addi %mul3A_1289, %add3A_1290 : i32
        %get3A_1292 = arith.constant 0 : i32
        %get3A_1293 = arith.index_cast %get3A_1292 : i32 to index
        %get3A_1294 = arith.index_cast %add3A_1291 : i32 to index
        %get3A_1295 = arith.constant 0 : index
        %get3A_1296 = tpu.vector_load %arg8[%get3A_1293, %get3A_1294, %get3A_1295] {strides = array<i32>} : memref<2x1600x32xf32, #tpu.memory_space<vmem>>, vector<16xf32>,
        %add3A_1297 = arith.addf %add3A_1277, %get3A_1296 : vector<16xf32>
        %mul3A_1298 = arith.constant 50 : i32
        %mul3A_1299 = arith.muli %add3A_589, %mul3A_1298 : i32
        %add3A_1300 = arith.constant 31 : i32
        %add3A_1301 = arith.addi %mul3A_1299, %add3A_1300 : i32
        %get3A_1302 = arith.constant 0 : i32
        %get3A_1303 = arith.index_cast %get3A_1302 : i32 to index
        %get3A_1304 = arith.index_cast %add3A_1301 : i32 to index
        %get3A_1305 = arith.constant 16 : index
        %get3A_1306 = tpu.vector_load %arg8[%get3A_1303, %get3A_1304, %get3A_1305] {strides = array<i32>} : memref<2x1600x32xf32, #tpu.memory_space<vmem>>, vector<16xf32>,
        %add3A_1307 = arith.addf %add3A_1287, %get3A_1306 : vector<16xf32>
        %mul3A_1308 = arith.constant 50 : i32
        %mul3A_1309 = arith.muli %add3A_589, %mul3A_1308 : i32
        %add3A_1310 = arith.constant 32 : i32
        %add3A_1311 = arith.addi %mul3A_1309, %add3A_1310 : i32
        %get3A_1312 = arith.constant 0 : i32
        %get3A_1313 = arith.index_cast %get3A_1312 : i32 to index
        %get3A_1314 = arith.index_cast %add3A_1311 : i32 to index
        %get3A_1315 = arith.constant 0 : index
        %get3A_1316 = tpu.vector_load %arg8[%get3A_1313, %get3A_1314, %get3A_1315] {strides = array<i32>} : memref<2x1600x32xf32, #tpu.memory_space<vmem>>, vector<16xf32>,
        %add3A_1317 = arith.addf %add3A_1297, %get3A_1316 : vector<16xf32>
        %mul3A_1318 = arith.constant 50 : i32
        %mul3A_1319 = arith.muli %add3A_589, %mul3A_1318 : i32
        %add3A_1320 = arith.constant 32 : i32
        %add3A_1321 = arith.addi %mul3A_1319, %add3A_1320 : i32
        %get3A_1322 = arith.constant 0 : i32
        %get3A_1323 = arith.index_cast %get3A_1322 : i32 to index
        %get3A_1324 = arith.index_cast %add3A_1321 : i32 to index
        %get3A_1325 = arith.constant 16 : index
        %get3A_1326 = tpu.vector_load %arg8[%get3A_1323, %get3A_1324, %get3A_1325] {strides = array<i32>} : memref<2x1600x32xf32, #tpu.memory_space<vmem>>, vector<16xf32>,
        %add3A_1327 = arith.addf %add3A_1307, %get3A_1326 : vector<16xf32>
        %mul3A_1328 = arith.constant 50 : i32
        %mul3A_1329 = arith.muli %add3A_589, %mul3A_1328 : i32
        %add3A_1330 = arith.constant 33 : i32
        %add3A_1331 = arith.addi %mul3A_1329, %add3A_1330 : i32
        %get3A_1332 = arith.constant 0 : i32
        %get3A_1333 = arith.index_cast %get3A_1332 : i32 to index
        %get3A_1334 = arith.index_cast %add3A_1331 : i32 to index
        %get3A_1335 = arith.constant 0 : index
        %get3A_1336 = tpu.vector_load %arg8[%get3A_1333, %get3A_1334, %get3A_1335] {strides = array<i32>} : memref<2x1600x32xf32, #tpu.memory_space<vmem>>, vector<16xf32>,
        %add3A_1337 = arith.addf %add3A_1317, %get3A_1336 : vector<16xf32>
        %mul3A_1338 = arith.constant 50 : i32
        %mul3A_1339 = arith.muli %add3A_589, %mul3A_1338 : i32
        %add3A_1340 = arith.constant 33 : i32
        %add3A_1341 = arith.addi %mul3A_1339, %add3A_1340 : i32
        %get3A_1342 = arith.constant 0 : i32
        %get3A_1343 = arith.index_cast %get3A_1342 : i32 to index
        %get3A_1344 = arith.index_cast %add3A_1341 : i32 to index
        %get3A_1345 = arith.constant 16 : index
        %get3A_1346 = tpu.vector_load %arg8[%get3A_1343, %get3A_1344, %get3A_1345] {strides = array<i32>} : memref<2x1600x32xf32, #tpu.memory_space<vmem>>, vector<16xf32>,
        %add3A_1347 = arith.addf %add3A_1327, %get3A_1346 : vector<16xf32>
        %mul3A_1348 = arith.constant 50 : i32
        %mul3A_1349 = arith.muli %add3A_589, %mul3A_1348 : i32
        %add3A_1350 = arith.constant 34 : i32
        %add3A_1351 = arith.addi %mul3A_1349, %add3A_1350 : i32
        %get3A_1352 = arith.constant 0 : i32
        %get3A_1353 = arith.index_cast %get3A_1352 : i32 to index
        %get3A_1354 = arith.index_cast %add3A_1351 : i32 to index
        %get3A_1355 = arith.constant 0 : index
        %get3A_1356 = tpu.vector_load %arg8[%get3A_1353, %get3A_1354, %get3A_1355] {strides = array<i32>} : memref<2x1600x32xf32, #tpu.memory_space<vmem>>, vector<16xf32>,
        %add3A_1357 = arith.addf %add3A_1337, %get3A_1356 : vector<16xf32>
        %mul3A_1358 = arith.constant 50 : i32
        %mul3A_1359 = arith.muli %add3A_589, %mul3A_1358 : i32
        %add3A_1360 = arith.constant 34 : i32
        %add3A_1361 = arith.addi %mul3A_1359, %add3A_1360 : i32
        %get3A_1362 = arith.constant 0 : i32
        %get3A_1363 = arith.index_cast %get3A_1362 : i32 to index
        %get3A_1364 = arith.index_cast %add3A_1361 : i32 to index
        %get3A_1365 = arith.constant 16 : index
        %get3A_1366 = tpu.vector_load %arg8[%get3A_1363, %get3A_1364, %get3A_1365] {strides = array<i32>} : memref<2x1600x32xf32, #tpu.memory_space<vmem>>, vector<16xf32>,
        %add3A_1367 = arith.addf %add3A_1347, %get3A_1366 : vector<16xf32>
        %mul3A_1368 = arith.constant 50 : i32
        %mul3A_1369 = arith.muli %add3A_589, %mul3A_1368 : i32
        %add3A_1370 = arith.constant 35 : i32
        %add3A_1371 = arith.addi %mul3A_1369, %add3A_1370 : i32
        %get3A_1372 = arith.constant 0 : i32
        %get3A_1373 = arith.index_cast %get3A_1372 : i32 to index
        %get3A_1374 = arith.index_cast %add3A_1371 : i32 to index
        %get3A_1375 = arith.constant 0 : index
        %get3A_1376 = tpu.vector_load %arg8[%get3A_1373, %get3A_1374, %get3A_1375] {strides = array<i32>} : memref<2x1600x32xf32, #tpu.memory_space<vmem>>, vector<16xf32>,
        %add3A_1377 = arith.addf %add3A_1357, %get3A_1376 : vector<16xf32>
        %mul3A_1378 = arith.constant 50 : i32
        %mul3A_1379 = arith.muli %add3A_589, %mul3A_1378 : i32
        %add3A_1380 = arith.constant 35 : i32
        %add3A_1381 = arith.addi %mul3A_1379, %add3A_1380 : i32
        %get3A_1382 = arith.constant 0 : i32
        %get3A_1383 = arith.index_cast %get3A_1382 : i32 to index
        %get3A_1384 = arith.index_cast %add3A_1381 : i32 to index
        %get3A_1385 = arith.constant 16 : index
        %get3A_1386 = tpu.vector_load %arg8[%get3A_1383, %get3A_1384, %get3A_1385] {strides = array<i32>} : memref<2x1600x32xf32, #tpu.memory_space<vmem>>, vector<16xf32>,
        %add3A_1387 = arith.addf %add3A_1367, %get3A_1386 : vector<16xf32>
        %mul3A_1388 = arith.constant 50 : i32
        %mul3A_1389 = arith.muli %add3A_589, %mul3A_1388 : i32
        %add3A_1390 = arith.constant 36 : i32
        %add3A_1391 = arith.addi %mul3A_1389, %add3A_1390 : i32
        %get3A_1392 = arith.constant 0 : i32
        %get3A_1393 = arith.index_cast %get3A_1392 : i32 to index
        %get3A_1394 = arith.index_cast %add3A_1391 : i32 to index
        %get3A_1395 = arith.constant 0 : index
        %get3A_1396 = tpu.vector_load %arg8[%get3A_1393, %get3A_1394, %get3A_1395] {strides = array<i32>} : memref<2x1600x32xf32, #tpu.memory_space<vmem>>, vector<16xf32>,
        %add3A_1397 = arith.addf %add3A_1377, %get3A_1396 : vector<16xf32>
        %mul3A_1398 = arith.constant 50 : i32
        %mul3A_1399 = arith.muli %add3A_589, %mul3A_1398 : i32
        %add3A_1400 = arith.constant 36 : i32
        %add3A_1401 = arith.addi %mul3A_1399, %add3A_1400 : i32
        %get3A_1402 = arith.constant 0 : i32
        %get3A_1403 = arith.index_cast %get3A_1402 : i32 to index
        %get3A_1404 = arith.index_cast %add3A_1401 : i32 to index
        %get3A_1405 = arith.constant 16 : index
        %get3A_1406 = tpu.vector_load %arg8[%get3A_1403, %get3A_1404, %get3A_1405] {strides = array<i32>} : memref<2x1600x32xf32, #tpu.memory_space<vmem>>, vector<16xf32>,
        %add3A_1407 = arith.addf %add3A_1387, %get3A_1406 : vector<16xf32>
        %mul3A_1408 = arith.constant 50 : i32
        %mul3A_1409 = arith.muli %add3A_589, %mul3A_1408 : i32
        %add3A_1410 = arith.constant 37 : i32
        %add3A_1411 = arith.addi %mul3A_1409, %add3A_1410 : i32
        %get3A_1412 = arith.constant 0 : i32
        %get3A_1413 = arith.index_cast %get3A_1412 : i32 to index
        %get3A_1414 = arith.index_cast %add3A_1411 : i32 to index
        %get3A_1415 = arith.constant 0 : index
        %get3A_1416 = tpu.vector_load %arg8[%get3A_1413, %get3A_1414, %get3A_1415] {strides = array<i32>} : memref<2x1600x32xf32, #tpu.memory_space<vmem>>, vector<16xf32>,
        %add3A_1417 = arith.addf %add3A_1397, %get3A_1416 : vector<16xf32>
        %mul3A_1418 = arith.constant 50 : i32
        %mul3A_1419 = arith.muli %add3A_589, %mul3A_1418 : i32
        %add3A_1420 = arith.constant 37 : i32
        %add3A_1421 = arith.addi %mul3A_1419, %add3A_1420 : i32
        %get3A_1422 = arith.constant 0 : i32
        %get3A_1423 = arith.index_cast %get3A_1422 : i32 to index
        %get3A_1424 = arith.index_cast %add3A_1421 : i32 to index
        %get3A_1425 = arith.constant 16 : index
        %get3A_1426 = tpu.vector_load %arg8[%get3A_1423, %get3A_1424, %get3A_1425] {strides = array<i32>} : memref<2x1600x32xf32, #tpu.memory_space<vmem>>, vector<16xf32>,
        %add3A_1427 = arith.addf %add3A_1407, %get3A_1426 : vector<16xf32>
        %mul3A_1428 = arith.constant 50 : i32
        %mul3A_1429 = arith.muli %add3A_589, %mul3A_1428 : i32
        %add3A_1430 = arith.constant 38 : i32
        %add3A_1431 = arith.addi %mul3A_1429, %add3A_1430 : i32
        %get3A_1432 = arith.constant 0 : i32
        %get3A_1433 = arith.index_cast %get3A_1432 : i32 to index
        %get3A_1434 = arith.index_cast %add3A_1431 : i32 to index
        %get3A_1435 = arith.constant 0 : index
        %get3A_1436 = tpu.vector_load %arg8[%get3A_1433, %get3A_1434, %get3A_1435] {strides = array<i32>} : memref<2x1600x32xf32, #tpu.memory_space<vmem>>, vector<16xf32>,
        %add3A_1437 = arith.addf %add3A_1417, %get3A_1436 : vector<16xf32>
        %mul3A_1438 = arith.constant 50 : i32
        %mul3A_1439 = arith.muli %add3A_589, %mul3A_1438 : i32
        %add3A_1440 = arith.constant 38 : i32
        %add3A_1441 = arith.addi %mul3A_1439, %add3A_1440 : i32
        %get3A_1442 = arith.constant 0 : i32
        %get3A_1443 = arith.index_cast %get3A_1442 : i32 to index
        %get3A_1444 = arith.index_cast %add3A_1441 : i32 to index
        %get3A_1445 = arith.constant 16 : index
        %get3A_1446 = tpu.vector_load %arg8[%get3A_1443, %get3A_1444, %get3A_1445] {strides = array<i32>} : memref<2x1600x32xf32, #tpu.memory_space<vmem>>, vector<16xf32>,
        %add3A_1447 = arith.addf %add3A_1427, %get3A_1446 : vector<16xf32>
        %mul3A_1448 = arith.constant 50 : i32
        %mul3A_1449 = arith.muli %add3A_589, %mul3A_1448 : i32
        %add3A_1450 = arith.constant 39 : i32
        %add3A_1451 = arith.addi %mul3A_1449, %add3A_1450 : i32
        %get3A_1452 = arith.constant 0 : i32
        %get3A_1453 = arith.index_cast %get3A_1452 : i32 to index
        %get3A_1454 = arith.index_cast %add3A_1451 : i32 to index
        %get3A_1455 = arith.constant 0 : index
        %get3A_1456 = tpu.vector_load %arg8[%get3A_1453, %get3A_1454, %get3A_1455] {strides = array<i32>} : memref<2x1600x32xf32, #tpu.memory_space<vmem>>, vector<16xf32>,
        %add3A_1457 = arith.addf %add3A_1437, %get3A_1456 : vector<16xf32>
        %mul3A_1458 = arith.constant 50 : i32
        %mul3A_1459 = arith.muli %add3A_589, %mul3A_1458 : i32
        %add3A_1460 = arith.constant 39 : i32
        %add3A_1461 = arith.addi %mul3A_1459, %add3A_1460 : i32
        %get3A_1462 = arith.constant 0 : i32
        %get3A_1463 = arith.index_cast %get3A_1462 : i32 to index
        %get3A_1464 = arith.index_cast %add3A_1461 : i32 to index
        %get3A_1465 = arith.constant 16 : index
        %get3A_1466 = tpu.vector_load %arg8[%get3A_1463, %get3A_1464, %get3A_1465] {strides = array<i32>} : memref<2x1600x32xf32, #tpu.memory_space<vmem>>, vector<16xf32>,
        %add3A_1467 = arith.addf %add3A_1447, %get3A_1466 : vector<16xf32>
        %mul3A_1468 = arith.constant 50 : i32
        %mul3A_1469 = arith.muli %add3A_589, %mul3A_1468 : i32
        %add3A_1470 = arith.constant 40 : i32
        %add3A_1471 = arith.addi %mul3A_1469, %add3A_1470 : i32
        %get3A_1472 = arith.constant 0 : i32
        %get3A_1473 = arith.index_cast %get3A_1472 : i32 to index
        %get3A_1474 = arith.index_cast %add3A_1471 : i32 to index
        %get3A_1475 = arith.constant 0 : index
        %get3A_1476 = tpu.vector_load %arg8[%get3A_1473, %get3A_1474, %get3A_1475] {strides = array<i32>} : memref<2x1600x32xf32, #tpu.memory_space<vmem>>, vector<16xf32>,
        %add3A_1477 = arith.addf %add3A_1457, %get3A_1476 : vector<16xf32>
        %mul3A_1478 = arith.constant 50 : i32
        %mul3A_1479 = arith.muli %add3A_589, %mul3A_1478 : i32
        %add3A_1480 = arith.constant 40 : i32
        %add3A_1481 = arith.addi %mul3A_1479, %add3A_1480 : i32
        %get3A_1482 = arith.constant 0 : i32
        %get3A_1483 = arith.index_cast %get3A_1482 : i32 to index
        %get3A_1484 = arith.index_cast %add3A_1481 : i32 to index
        %get3A_1485 = arith.constant 16 : index
        %get3A_1486 = tpu.vector_load %arg8[%get3A_1483, %get3A_1484, %get3A_1485] {strides = array<i32>} : memref<2x1600x32xf32, #tpu.memory_space<vmem>>, vector<16xf32>,
        %add3A_1487 = arith.addf %add3A_1467, %get3A_1486 : vector<16xf32>
        %mul3A_1488 = arith.constant 50 : i32
        %mul3A_1489 = arith.muli %add3A_589, %mul3A_1488 : i32
        %add3A_1490 = arith.constant 41 : i32
        %add3A_1491 = arith.addi %mul3A_1489, %add3A_1490 : i32
        %get3A_1492 = arith.constant 0 : i32
        %get3A_1493 = arith.index_cast %get3A_1492 : i32 to index
        %get3A_1494 = arith.index_cast %add3A_1491 : i32 to index
        %get3A_1495 = arith.constant 0 : index
        %get3A_1496 = tpu.vector_load %arg8[%get3A_1493, %get3A_1494, %get3A_1495] {strides = array<i32>} : memref<2x1600x32xf32, #tpu.memory_space<vmem>>, vector<16xf32>,
        %add3A_1497 = arith.addf %add3A_1477, %get3A_1496 : vector<16xf32>
        %mul3A_1498 = arith.constant 50 : i32
        %mul3A_1499 = arith.muli %add3A_589, %mul3A_1498 : i32
        %add3A_1500 = arith.constant 41 : i32
        %add3A_1501 = arith.addi %mul3A_1499, %add3A_1500 : i32
        %get3A_1502 = arith.constant 0 : i32
        %get3A_1503 = arith.index_cast %get3A_1502 : i32 to index
        %get3A_1504 = arith.index_cast %add3A_1501 : i32 to index
        %get3A_1505 = arith.constant 16 : index
        %get3A_1506 = tpu.vector_load %arg8[%get3A_1503, %get3A_1504, %get3A_1505] {strides = array<i32>} : memref<2x1600x32xf32, #tpu.memory_space<vmem>>, vector<16xf32>,
        %add3A_1507 = arith.addf %add3A_1487, %get3A_1506 : vector<16xf32>
        %mul3A_1508 = arith.constant 50 : i32
        %mul3A_1509 = arith.muli %add3A_589, %mul3A_1508 : i32
        %add3A_1510 = arith.constant 42 : i32
        %add3A_1511 = arith.addi %mul3A_1509, %add3A_1510 : i32
        %get3A_1512 = arith.constant 0 : i32
        %get3A_1513 = arith.index_cast %get3A_1512 : i32 to index
        %get3A_1514 = arith.index_cast %add3A_1511 : i32 to index
        %get3A_1515 = arith.constant 0 : index
        %get3A_1516 = tpu.vector_load %arg8[%get3A_1513, %get3A_1514, %get3A_1515] {strides = array<i32>} : memref<2x1600x32xf32, #tpu.memory_space<vmem>>, vector<16xf32>,
        %add3A_1517 = arith.addf %add3A_1497, %get3A_1516 : vector<16xf32>
        %mul3A_1518 = arith.constant 50 : i32
        %mul3A_1519 = arith.muli %add3A_589, %mul3A_1518 : i32
        %add3A_1520 = arith.constant 42 : i32
        %add3A_1521 = arith.addi %mul3A_1519, %add3A_1520 : i32
        %get3A_1522 = arith.constant 0 : i32
        %get3A_1523 = arith.index_cast %get3A_1522 : i32 to index
        %get3A_1524 = arith.index_cast %add3A_1521 : i32 to index
        %get3A_1525 = arith.constant 16 : index
        %get3A_1526 = tpu.vector_load %arg8[%get3A_1523, %get3A_1524, %get3A_1525] {strides = array<i32>} : memref<2x1600x32xf32, #tpu.memory_space<vmem>>, vector<16xf32>,
        %add3A_1527 = arith.addf %add3A_1507, %get3A_1526 : vector<16xf32>
        %mul3A_1528 = arith.constant 50 : i32
        %mul3A_1529 = arith.muli %add3A_589, %mul3A_1528 : i32
        %add3A_1530 = arith.constant 43 : i32
        %add3A_1531 = arith.addi %mul3A_1529, %add3A_1530 : i32
        %get3A_1532 = arith.constant 0 : i32
        %get3A_1533 = arith.index_cast %get3A_1532 : i32 to index
        %get3A_1534 = arith.index_cast %add3A_1531 : i32 to index
        %get3A_1535 = arith.constant 0 : index
        %get3A_1536 = tpu.vector_load %arg8[%get3A_1533, %get3A_1534, %get3A_1535] {strides = array<i32>} : memref<2x1600x32xf32, #tpu.memory_space<vmem>>, vector<16xf32>,
        %add3A_1537 = arith.addf %add3A_1517, %get3A_1536 : vector<16xf32>
        %mul3A_1538 = arith.constant 50 : i32
        %mul3A_1539 = arith.muli %add3A_589, %mul3A_1538 : i32
        %add3A_1540 = arith.constant 43 : i32
        %add3A_1541 = arith.addi %mul3A_1539, %add3A_1540 : i32
        %get3A_1542 = arith.constant 0 : i32
        %get3A_1543 = arith.index_cast %get3A_1542 : i32 to index
        %get3A_1544 = arith.index_cast %add3A_1541 : i32 to index
        %get3A_1545 = arith.constant 16 : index
        %get3A_1546 = tpu.vector_load %arg8[%get3A_1543, %get3A_1544, %get3A_1545] {strides = array<i32>} : memref<2x1600x32xf32, #tpu.memory_space<vmem>>, vector<16xf32>,
        %add3A_1547 = arith.addf %add3A_1527, %get3A_1546 : vector<16xf32>
        %mul3A_1548 = arith.constant 50 : i32
        %mul3A_1549 = arith.muli %add3A_589, %mul3A_1548 : i32
        %add3A_1550 = arith.constant 44 : i32
        %add3A_1551 = arith.addi %mul3A_1549, %add3A_1550 : i32
        %get3A_1552 = arith.constant 0 : i32
        %get3A_1553 = arith.index_cast %get3A_1552 : i32 to index
        %get3A_1554 = arith.index_cast %add3A_1551 : i32 to index
        %get3A_1555 = arith.constant 0 : index
        %get3A_1556 = tpu.vector_load %arg8[%get3A_1553, %get3A_1554, %get3A_1555] {strides = array<i32>} : memref<2x1600x32xf32, #tpu.memory_space<vmem>>, vector<16xf32>,
        %add3A_1557 = arith.addf %add3A_1537, %get3A_1556 : vector<16xf32>
        %mul3A_1558 = arith.constant 50 : i32
        %mul3A_1559 = arith.muli %add3A_589, %mul3A_1558 : i32
        %add3A_1560 = arith.constant 44 : i32
        %add3A_1561 = arith.addi %mul3A_1559, %add3A_1560 : i32
        %get3A_1562 = arith.constant 0 : i32
        %get3A_1563 = arith.index_cast %get3A_1562 : i32 to index
        %get3A_1564 = arith.index_cast %add3A_1561 : i32 to index
        %get3A_1565 = arith.constant 16 : index
        %get3A_1566 = tpu.vector_load %arg8[%get3A_1563, %get3A_1564, %get3A_1565] {strides = array<i32>} : memref<2x1600x32xf32, #tpu.memory_space<vmem>>, vector<16xf32>,
        %add3A_1567 = arith.addf %add3A_1547, %get3A_1566 : vector<16xf32>
        %mul3A_1568 = arith.constant 50 : i32
        %mul3A_1569 = arith.muli %add3A_589, %mul3A_1568 : i32
        %add3A_1570 = arith.constant 45 : i32
        %add3A_1571 = arith.addi %mul3A_1569, %add3A_1570 : i32
        %get3A_1572 = arith.constant 0 : i32
        %get3A_1573 = arith.index_cast %get3A_1572 : i32 to index
        %get3A_1574 = arith.index_cast %add3A_1571 : i32 to index
        %get3A_1575 = arith.constant 0 : index
        %get3A_1576 = tpu.vector_load %arg8[%get3A_1573, %get3A_1574, %get3A_1575] {strides = array<i32>} : memref<2x1600x32xf32, #tpu.memory_space<vmem>>, vector<16xf32>,
        %add3A_1577 = arith.addf %add3A_1557, %get3A_1576 : vector<16xf32>
        %mul3A_1578 = arith.constant 50 : i32
        %mul3A_1579 = arith.muli %add3A_589, %mul3A_1578 : i32
        %add3A_1580 = arith.constant 45 : i32
        %add3A_1581 = arith.addi %mul3A_1579, %add3A_1580 : i32
        %get3A_1582 = arith.constant 0 : i32
        %get3A_1583 = arith.index_cast %get3A_1582 : i32 to index
        %get3A_1584 = arith.index_cast %add3A_1581 : i32 to index
        %get3A_1585 = arith.constant 16 : index
        %get3A_1586 = tpu.vector_load %arg8[%get3A_1583, %get3A_1584, %get3A_1585] {strides = array<i32>} : memref<2x1600x32xf32, #tpu.memory_space<vmem>>, vector<16xf32>,
        %add3A_1587 = arith.addf %add3A_1567, %get3A_1586 : vector<16xf32>
        %mul3A_1588 = arith.constant 50 : i32
        %mul3A_1589 = arith.muli %add3A_589, %mul3A_1588 : i32
        %add3A_1590 = arith.constant 46 : i32
        %add3A_1591 = arith.addi %mul3A_1589, %add3A_1590 : i32
        %get3A_1592 = arith.constant 0 : i32
        %get3A_1593 = arith.index_cast %get3A_1592 : i32 to index
        %get3A_1594 = arith.index_cast %add3A_1591 : i32 to index
        %get3A_1595 = arith.constant 0 : index
        %get3A_1596 = tpu.vector_load %arg8[%get3A_1593, %get3A_1594, %get3A_1595] {strides = array<i32>} : memref<2x1600x32xf32, #tpu.memory_space<vmem>>, vector<16xf32>,
        %add3A_1597 = arith.addf %add3A_1577, %get3A_1596 : vector<16xf32>
        %mul3A_1598 = arith.constant 50 : i32
        %mul3A_1599 = arith.muli %add3A_589, %mul3A_1598 : i32
        %add3A_1600 = arith.constant 46 : i32
        %add3A_1601 = arith.addi %mul3A_1599, %add3A_1600 : i32
        %get3A_1602 = arith.constant 0 : i32
        %get3A_1603 = arith.index_cast %get3A_1602 : i32 to index
        %get3A_1604 = arith.index_cast %add3A_1601 : i32 to index
        %get3A_1605 = arith.constant 16 : index
        %get3A_1606 = tpu.vector_load %arg8[%get3A_1603, %get3A_1604, %get3A_1605] {strides = array<i32>} : memref<2x1600x32xf32, #tpu.memory_space<vmem>>, vector<16xf32>,
        %add3A_1607 = arith.addf %add3A_1587, %get3A_1606 : vector<16xf32>
        %mul3A_1608 = arith.constant 50 : i32
        %mul3A_1609 = arith.muli %add3A_589, %mul3A_1608 : i32
        %add3A_1610 = arith.constant 47 : i32
        %add3A_1611 = arith.addi %mul3A_1609, %add3A_1610 : i32
        %get3A_1612 = arith.constant 0 : i32
        %get3A_1613 = arith.index_cast %get3A_1612 : i32 to index
        %get3A_1614 = arith.index_cast %add3A_1611 : i32 to index
        %get3A_1615 = arith.constant 0 : index
        %get3A_1616 = tpu.vector_load %arg8[%get3A_1613, %get3A_1614, %get3A_1615] {strides = array<i32>} : memref<2x1600x32xf32, #tpu.memory_space<vmem>>, vector<16xf32>,
        %add3A_1617 = arith.addf %add3A_1597, %get3A_1616 : vector<16xf32>
        %mul3A_1618 = arith.constant 50 : i32
        %mul3A_1619 = arith.muli %add3A_589, %mul3A_1618 : i32
        %add3A_1620 = arith.constant 47 : i32
        %add3A_1621 = arith.addi %mul3A_1619, %add3A_1620 : i32
        %get3A_1622 = arith.constant 0 : i32
        %get3A_1623 = arith.index_cast %get3A_1622 : i32 to index
        %get3A_1624 = arith.index_cast %add3A_1621 : i32 to index
        %get3A_1625 = arith.constant 16 : index
        %get3A_1626 = tpu.vector_load %arg8[%get3A_1623, %get3A_1624, %get3A_1625] {strides = array<i32>} : memref<2x1600x32xf32, #tpu.memory_space<vmem>>, vector<16xf32>,
        %add3A_1627 = arith.addf %add3A_1607, %get3A_1626 : vector<16xf32>
        %mul3A_1628 = arith.constant 50 : i32
        %mul3A_1629 = arith.muli %add3A_589, %mul3A_1628 : i32
        %add3A_1630 = arith.constant 48 : i32
        %add3A_1631 = arith.addi %mul3A_1629, %add3A_1630 : i32
        %get3A_1632 = arith.constant 0 : i32
        %get3A_1633 = arith.index_cast %get3A_1632 : i32 to index
        %get3A_1634 = arith.index_cast %add3A_1631 : i32 to index
        %get3A_1635 = arith.constant 0 : index
        %get3A_1636 = tpu.vector_load %arg8[%get3A_1633, %get3A_1634, %get3A_1635] {strides = array<i32>} : memref<2x1600x32xf32, #tpu.memory_space<vmem>>, vector<16xf32>,
        %add3A_1637 = arith.addf %add3A_1617, %get3A_1636 : vector<16xf32>
        %mul3A_1638 = arith.constant 50 : i32
        %mul3A_1639 = arith.muli %add3A_589, %mul3A_1638 : i32
        %add3A_1640 = arith.constant 48 : i32
        %add3A_1641 = arith.addi %mul3A_1639, %add3A_1640 : i32
        %get3A_1642 = arith.constant 0 : i32
        %get3A_1643 = arith.index_cast %get3A_1642 : i32 to index
        %get3A_1644 = arith.index_cast %add3A_1641 : i32 to index
        %get3A_1645 = arith.constant 16 : index
        %get3A_1646 = tpu.vector_load %arg8[%get3A_1643, %get3A_1644, %get3A_1645] {strides = array<i32>} : memref<2x1600x32xf32, #tpu.memory_space<vmem>>, vector<16xf32>,
        %add3A_1647 = arith.addf %add3A_1627, %get3A_1646 : vector<16xf32>
        %mul3A_1648 = arith.constant 50 : i32
        %mul3A_1649 = arith.muli %add3A_589, %mul3A_1648 : i32
        %add3A_1650 = arith.constant 49 : i32
        %add3A_1651 = arith.addi %mul3A_1649, %add3A_1650 : i32
        %get3A_1652 = arith.constant 0 : i32
        %get3A_1653 = arith.index_cast %get3A_1652 : i32 to index
        %get3A_1654 = arith.index_cast %add3A_1651 : i32 to index
        %get3A_1655 = arith.constant 0 : index
        %get3A_1656 = tpu.vector_load %arg8[%get3A_1653, %get3A_1654, %get3A_1655] {strides = array<i32>} : memref<2x1600x32xf32, #tpu.memory_space<vmem>>, vector<16xf32>,
        %add3A_1657 = arith.addf %add3A_1637, %get3A_1656 : vector<16xf32>
        %mul3A_1658 = arith.constant 50 : i32
        %mul3A_1659 = arith.muli %add3A_589, %mul3A_1658 : i32
        %add3A_1660 = arith.constant 49 : i32
        %add3A_1661 = arith.addi %mul3A_1659, %add3A_1660 : i32
        %get3A_1662 = arith.constant 0 : i32
        %get3A_1663 = arith.index_cast %get3A_1662 : i32 to index
        %get3A_1664 = arith.index_cast %add3A_1661 : i32 to index
        %get3A_1665 = arith.constant 16 : index
        %get3A_1666 = tpu.vector_load %arg8[%get3A_1663, %get3A_1664, %get3A_1665] {strides = array<i32>} : memref<2x1600x32xf32, #tpu.memory_space<vmem>>, vector<16xf32>,
        %add3A_1667 = arith.addf %add3A_1647, %get3A_1666 : vector<16xf32>
        %mul3A_1668 = arith.mulf %add3A_1657, %div3A : vector<16xf32>
        %swap3A = arith.constant 0 : i32
        %swap3A_1669 = arith.index_cast %swap3A : i32 to index
        %swap3A_1670 = arith.index_cast %add3A_589 : i32 to index
        %swap3A_1671 = arith.constant 0 : index
        %swap3A_1672 = tpu.vector_load %arg9[%swap3A_1669, %swap3A_1670, %swap3A_1671] {strides = array<i32>} : memref<2x32x32xf32, #tpu.memory_space<vmem>>, vector<16xf32>,
        tpu.vector_store %arg9[%swap3A_1669, %swap3A_1670, %swap3A_1671], %mul3A_1668 {strides = array<i32>} : memref<2x32x32xf32, #tpu.memory_space<vmem>>, vector<16xf32>,
        %mul3A_1673 = arith.mulf %add3A_1667, %div3A : vector<16xf32>
        %swap3A_1674 = arith.constant 0 : i32
        %swap3A_1675 = arith.index_cast %swap3A_1674 : i32 to index
        %swap3A_1676 = arith.index_cast %add3A_589 : i32 to index
        %swap3A_1677 = arith.constant 16 : index
        %swap3A_1678 = tpu.vector_load %arg9[%swap3A_1675, %swap3A_1676, %swap3A_1677] {strides = array<i32>} : memref<2x32x32xf32, #tpu.memory_space<vmem>>, vector<16xf32>,
        tpu.vector_store %arg9[%swap3A_1675, %swap3A_1676, %swap3A_1677], %mul3A_1673 {strides = array<i32>} : memref<2x32x32xf32, #tpu.memory_space<vmem>>, vector<16xf32>,
      }
      %scan3A_375 = arith.constant 32 : i32
      %mul3A_376 = arith.constant 32 : i32
      %mul3A_377 = arith.muli %add3A_206, %mul3A_376 : i32
      %add3A_378 = arith.addi %mul3A_2, %mul3A_377 : i32
      %dma_start3A_379 = arith.constant 0 : i32
      %dma_start3A_380 = arith.constant 0 : i32
      %dma_start3A_381 = arith.constant 0 : i32
      %dma_start3A_382 = tpu.memref_slice %arg9[%dma_start3A_379, %dma_start3A_380, %dma_start3A_381] : memref<2x32x32xf32, #tpu.memory_space<vmem>> -> memref<1x32x32xf32, #tpu.memory_space<vmem>>
      %dma_start3A_383 = tpu.memref_squeeze %dma_start3A_382 : memref<1x32x32xf32, #tpu.memory_space<vmem>> -> memref<32x32xf32, #tpu.memory_space<vmem>>
      %dma_start3A_384 = arith.constant 0 : i32
      %dma_start3A_385 = tpu.memref_slice %arg5[%add3A_378, %dma_start3A_384] : memref<16384x32xf32, #tpu.memory_space<hbm>> -> memref<32x32xf32, #tpu.memory_space<hbm>>
      %dma_start3A_386 = arith.constant 0 : i32
      %dma_start3A_387 = tpu.memref_slice %arg5[%add3A_378, %dma_start3A_386] : memref<16384x32xf32, #tpu.memory_space<hbm>> -> memref<32x32xf32, #tpu.memory_space<hbm>>
      %dma_start3A_388 = arith.constant 0 : i32
      %dma_start3A_389 = arith.constant 0 : i32
      %dma_start3A_390 = tpu.memref_slice %arg9[%dma_start3A_379, %dma_start3A_388, %dma_start3A_389] : memref<2x32x32xf32, #tpu.memory_space<vmem>> -> memref<1x32x32xf32, #tpu.memory_space<vmem>>
      %dma_start3A_391 = tpu.memref_squeeze %dma_start3A_390 : memref<1x32x32xf32, #tpu.memory_space<vmem>> -> memref<32x32xf32, #tpu.memory_space<vmem>>
      tpu.enqueue_dma source(%dma_start3A_391 : memref<32x32xf32, #tpu.memory_space<vmem>>) target(%dma_start3A_387 : memref<32x32xf32, #tpu.memory_space<hbm>>) target_semaphore(%arg12 : memref<!tpu.dma_semaphore, #tpu.memory_space<semaphore_mem>>)
      %mul3A_392 = arith.constant 2 : i32
      %mul3A_393 = arith.muli %add3A_202, %mul3A_392 : i32
      %add3A_394 = arith.constant 1 : i32
      %add3A_395 = arith.addi %mul3A_393, %add3A_394 : i32
      %add3A_396 = arith.constant 1 : i32
      %add3A_397 = arith.addi %add3A_395, %add3A_396 : i32
      %lt3A_398 = arith.constant 16 : i32
      %lt3A_399 = arith.cmpi slt, %add3A_397, %lt3A_398 : i32
      %convert_element_type3A_400 = arith.extui %lt3A_399 : i1 to i32
      %cond3A_401 = arith.constant 0 : i32
      %cond3A_402 = arith.cmpi ne, %convert_element_type3A_400, %cond3A_401 : i32
      scf.if %cond3A_402 {
        %add3A_585 = arith.constant 1 : i32
        %add3A_586 = arith.addi %add3A_395, %add3A_585 : i32
        %mul3A_587 = arith.constant 32 : i32
        %mul3A_588 = arith.muli %add3A_586, %mul3A_587 : i32
        %add3A_589 = arith.addi %mul3A_2, %mul3A_588 : i32
        %mul3A_590 = arith.constant 50 : i32
        %mul3A_591 = arith.muli %add3A_589, %mul3A_590 : i32
        %run_scoped3A_592 = arith.constant 0 : i32
        "tpu.region"() ({
          %run_scoped3A_752 = tpu.sem_alloc : memref<!tpu.dma_semaphore, #tpu.memory_space<semaphore_mem>>
          %dma_start3A_753 = arith.constant 0 : i32
          %dma_start3A_754 = tpu.memref_slice %arg6[%run_scoped3A_592, %dma_start3A_753] : memref<2x1600xi32, #tpu.memory_space<vmem>> -> memref<1x1600xi32, #tpu.memory_space<vmem>>
          %dma_start3A_755 = tpu.memref_squeeze %dma_start3A_754 : memref<1x1600xi32, #tpu.memory_space<vmem>> -> memref<1600xi32, #tpu.memory_space<vmem>>
          %dma_start3A_756 = tpu.memref_slice %arg2[%mul3A_591] : memref<819200xi32, #tpu.memory_space<hbm>> -> memref<1600xi32, #tpu.memory_space<hbm>>
          %dma_start3A_757 = arith.constant 0 : i32
          %dma_start3A_758 = tpu.memref_slice %arg6[%run_scoped3A_592, %dma_start3A_757] : memref<2x1600xi32, #tpu.memory_space<vmem>> -> memref<1x1600xi32, #tpu.memory_space<vmem>>
          %dma_start3A_759 = tpu.memref_squeeze %dma_start3A_758 : memref<1x1600xi32, #tpu.memory_space<vmem>> -> memref<1600xi32, #tpu.memory_space<vmem>>
          %dma_start3A_760 = tpu.memref_slice %arg2[%mul3A_591] : memref<819200xi32, #tpu.memory_space<hbm>> -> memref<1600xi32, #tpu.memory_space<hbm>>
          tpu.enqueue_dma source(%dma_start3A_760 : memref<1600xi32, #tpu.memory_space<hbm>>) target(%dma_start3A_759 : memref<1600xi32, #tpu.memory_space<vmem>>) target_semaphore(%run_scoped3A_752 : memref<!tpu.dma_semaphore, #tpu.memory_space<semaphore_mem>>)
          %dma_wait3A_761 = arith.constant 0 : i32
          %dma_wait3A_762 = tpu.memref_slice %arg6[%run_scoped3A_592, %dma_wait3A_761] : memref<2x1600xi32, #tpu.memory_space<vmem>> -> memref<1x1600xi32, #tpu.memory_space<vmem>>
          %dma_wait3A_763 = tpu.memref_squeeze %dma_wait3A_762 : memref<1x1600xi32, #tpu.memory_space<vmem>> -> memref<1600xi32, #tpu.memory_space<vmem>>
          %dma_wait3A_764 = tpu.memref_slice %arg2[%mul3A_591] : memref<819200xi32, #tpu.memory_space<hbm>> -> memref<1600xi32, #tpu.memory_space<hbm>>
          %dma_wait3A_765 = arith.constant 0 : i32
          %dma_wait3A_766 = tpu.memref_slice %arg6[%run_scoped3A_592, %dma_wait3A_765] : memref<2x1600xi32, #tpu.memory_space<vmem>> -> memref<1x1600xi32, #tpu.memory_space<vmem>>
          %dma_wait3A_767 = tpu.memref_squeeze %dma_wait3A_766 : memref<1x1600xi32, #tpu.memory_space<vmem>> -> memref<1600xi32, #tpu.memory_space<vmem>>
          %dma_wait3A_768 = tpu.memref_slice %arg2[%mul3A_591] : memref<819200xi32, #tpu.memory_space<hbm>> -> memref<1600xi32, #tpu.memory_space<hbm>>
          tpu.wait_dma2 semaphore(%run_scoped3A_752 : memref<!tpu.dma_semaphore, #tpu.memory_space<semaphore_mem>>) src(%dma_wait3A_768 : memref<1600xi32, #tpu.memory_space<hbm>>) dst(%dma_wait3A_767 : memref<1600xi32, #tpu.memory_space<vmem>>)
          tpu.yield
        }) : () -> ()
        %mul3A_593 = arith.constant 64 : i32
        %mul3A_594 = arith.muli %add3A_589, %mul3A_593 : i32
        %run_scoped3A_595 = arith.constant 0 : i32
        "tpu.region"() ({
          %run_scoped3A_752 = tpu.sem_alloc : memref<!tpu.dma_semaphore, #tpu.memory_space<semaphore_mem>>
          %dma_start3A_753 = arith.constant 0 : i32
          %dma_start3A_754 = tpu.memref_slice %arg7[%run_scoped3A_595, %dma_start3A_753] : memref<2x2048xi32, #tpu.memory_space<vmem>> -> memref<1x2048xi32, #tpu.memory_space<vmem>>
          %dma_start3A_755 = tpu.memref_squeeze %dma_start3A_754 : memref<1x2048xi32, #tpu.memory_space<vmem>> -> memref<2048xi32, #tpu.memory_space<vmem>>
          %dma_start3A_756 = tpu.memref_slice %arg3[%mul3A_594] : memref<1048576xi32, #tpu.memory_space<hbm>> -> memref<2048xi32, #tpu.memory_space<hbm>>
          %dma_start3A_757 = arith.constant 0 : i32
          %dma_start3A_758 = tpu.memref_slice %arg7[%run_scoped3A_595, %dma_start3A_757] : memref<2x2048xi32, #tpu.memory_space<vmem>> -> memref<1x2048xi32, #tpu.memory_space<vmem>>
          %dma_start3A_759 = tpu.memref_squeeze %dma_start3A_758 : memref<1x2048xi32, #tpu.memory_space<vmem>> -> memref<2048xi32, #tpu.memory_space<vmem>>
          %dma_start3A_760 = tpu.memref_slice %arg3[%mul3A_594] : memref<1048576xi32, #tpu.memory_space<hbm>> -> memref<2048xi32, #tpu.memory_space<hbm>>
          tpu.enqueue_dma source(%dma_start3A_760 : memref<2048xi32, #tpu.memory_space<hbm>>) target(%dma_start3A_759 : memref<2048xi32, #tpu.memory_space<vmem>>) target_semaphore(%run_scoped3A_752 : memref<!tpu.dma_semaphore, #tpu.memory_space<semaphore_mem>>)
          %dma_wait3A_761 = arith.constant 0 : i32
          %dma_wait3A_762 = tpu.memref_slice %arg7[%run_scoped3A_595, %dma_wait3A_761] : memref<2x2048xi32, #tpu.memory_space<vmem>> -> memref<1x2048xi32, #tpu.memory_space<vmem>>
          %dma_wait3A_763 = tpu.memref_squeeze %dma_wait3A_762 : memref<1x2048xi32, #tpu.memory_space<vmem>> -> memref<2048xi32, #tpu.memory_space<vmem>>
          %dma_wait3A_764 = tpu.memref_slice %arg3[%mul3A_594] : memref<1048576xi32, #tpu.memory_space<hbm>> -> memref<2048xi32, #tpu.memory_space<hbm>>
          %dma_wait3A_765 = arith.constant 0 : i32
          %dma_wait3A_766 = tpu.memref_slice %arg7[%run_scoped3A_595, %dma_wait3A_765] : memref<2x2048xi32, #tpu.memory_space<vmem>> -> memref<1x2048xi32, #tpu.memory_space<vmem>>
          %dma_wait3A_767 = tpu.memref_squeeze %dma_wait3A_766 : memref<1x2048xi32, #tpu.memory_space<vmem>> -> memref<2048xi32, #tpu.memory_space<vmem>>
          %dma_wait3A_768 = tpu.memref_slice %arg3[%mul3A_594] : memref<1048576xi32, #tpu.memory_space<hbm>> -> memref<2048xi32, #tpu.memory_space<hbm>>
          tpu.wait_dma2 semaphore(%run_scoped3A_752 : memref<!tpu.dma_semaphore, #tpu.memory_space<semaphore_mem>>) src(%dma_wait3A_768 : memref<2048xi32, #tpu.memory_space<hbm>>) dst(%dma_wait3A_767 : memref<2048xi32, #tpu.memory_space<vmem>>)
          tpu.yield
        }) : () -> ()
        %dma_start3A_596 = arith.constant 0 : i32
        %dma_start3A_597 = arith.constant 0 : i32
        %dma_start3A_598 = arith.constant 0 : i32
        %dma_start3A_599 = arith.constant 0 : i32
        %dma_start3A_600 = tpu.memref_slice %arg8[%dma_start3A_597, %dma_start3A_598, %dma_start3A_599] : memref<2x1600x32xf32, #tpu.memory_space<vmem>> -> memref<1x128x32xf32, #tpu.memory_space<vmem>>
        %dma_start3A_601 = tpu.memref_squeeze %dma_start3A_600 : memref<1x128x32xf32, #tpu.memory_space<vmem>> -> memref<128x32xf32, #tpu.memory_space<vmem>>
        %dma_start3A_602 = arith.constant 0 : i32
        %dma_start3A_603 = tpu.memref_slice %arg6[%dma_start3A_596, %dma_start3A_602] : memref<2x1600xi32, #tpu.memory_space<vmem>> -> memref<1x128xi32, #tpu.memory_space<vmem>>
        %dma_start3A_604 = tpu.memref_squeeze %dma_start3A_603 : memref<1x128xi32, #tpu.memory_space<vmem>> -> memref<128xi32, #tpu.memory_space<vmem>>
        %dma_start3A_605 = arith.constant 0 : i32
        %dma_start3A_606 = arith.constant 0 : i32
        %dma_start3A_607 = tpu.memref_slice %arg4[%dma_start3A_605, %dma_start3A_606] : memref<1000001x32xf32, #tpu.memory_space<hbm>> -> memref<1000001x32xf32, #tpu.memory_space<hbm>>
        tpu.enqueue_indirect_dma source(%dma_start3A_607 : memref<1000001x32xf32, #tpu.memory_space<hbm>>) target(%dma_start3A_601 : memref<128x32xf32, #tpu.memory_space<vmem>>) offsets(%dma_start3A_604 : memref<128xi32, #tpu.memory_space<vmem>>) semaphore(%arg10 : memref<!tpu.dma_semaphore, #tpu.memory_space<semaphore_mem>>)
        %dma_start3A_608 = arith.constant 0 : i32
        %dma_start3A_609 = arith.constant 0 : i32
        %dma_start3A_610 = arith.constant 128 : i32
        %dma_start3A_611 = arith.constant 0 : i32
        %dma_start3A_612 = tpu.memref_slice %arg8[%dma_start3A_609, %dma_start3A_610, %dma_start3A_611] : memref<2x1600x32xf32, #tpu.memory_space<vmem>> -> memref<1x128x32xf32, #tpu.memory_space<vmem>>
        %dma_start3A_613 = tpu.memref_squeeze %dma_start3A_612 : memref<1x128x32xf32, #tpu.memory_space<vmem>> -> memref<128x32xf32, #tpu.memory_space<vmem>>
        %dma_start3A_614 = arith.constant 128 : i32
        %dma_start3A_615 = tpu.memref_slice %arg6[%dma_start3A_608, %dma_start3A_614] : memref<2x1600xi32, #tpu.memory_space<vmem>> -> memref<1x128xi32, #tpu.memory_space<vmem>>
        %dma_start3A_616 = tpu.memref_squeeze %dma_start3A_615 : memref<1x128xi32, #tpu.memory_space<vmem>> -> memref<128xi32, #tpu.memory_space<vmem>>
        %dma_start3A_617 = arith.constant 0 : i32
        %dma_start3A_618 = arith.constant 0 : i32
        %dma_start3A_619 = tpu.memref_slice %arg4[%dma_start3A_617, %dma_start3A_618] : memref<1000001x32xf32, #tpu.memory_space<hbm>> -> memref<1000001x32xf32, #tpu.memory_space<hbm>>
        tpu.enqueue_indirect_dma source(%dma_start3A_619 : memref<1000001x32xf32, #tpu.memory_space<hbm>>) target(%dma_start3A_613 : memref<128x32xf32, #tpu.memory_space<vmem>>) offsets(%dma_start3A_616 : memref<128xi32, #tpu.memory_space<vmem>>) semaphore(%arg10 : memref<!tpu.dma_semaphore, #tpu.memory_space<semaphore_mem>>)
        %dma_start3A_620 = arith.constant 0 : i32
        %dma_start3A_621 = arith.constant 0 : i32
        %dma_start3A_622 = arith.constant 256 : i32
        %dma_start3A_623 = arith.constant 0 : i32
        %dma_start3A_624 = tpu.memref_slice %arg8[%dma_start3A_621, %dma_start3A_622, %dma_start3A_623] : memref<2x1600x32xf32, #tpu.memory_space<vmem>> -> memref<1x128x32xf32, #tpu.memory_space<vmem>>
        %dma_start3A_625 = tpu.memref_squeeze %dma_start3A_624 : memref<1x128x32xf32, #tpu.memory_space<vmem>> -> memref<128x32xf32, #tpu.memory_space<vmem>>
        %dma_start3A_626 = arith.constant 256 : i32
        %dma_start3A_627 = tpu.memref_slice %arg6[%dma_start3A_620, %dma_start3A_626] : memref<2x1600xi32, #tpu.memory_space<vmem>> -> memref<1x128xi32, #tpu.memory_space<vmem>>
        %dma_start3A_628 = tpu.memref_squeeze %dma_start3A_627 : memref<1x128xi32, #tpu.memory_space<vmem>> -> memref<128xi32, #tpu.memory_space<vmem>>
        %dma_start3A_629 = arith.constant 0 : i32
        %dma_start3A_630 = arith.constant 0 : i32
        %dma_start3A_631 = tpu.memref_slice %arg4[%dma_start3A_629, %dma_start3A_630] : memref<1000001x32xf32, #tpu.memory_space<hbm>> -> memref<1000001x32xf32, #tpu.memory_space<hbm>>
        tpu.enqueue_indirect_dma source(%dma_start3A_631 : memref<1000001x32xf32, #tpu.memory_space<hbm>>) target(%dma_start3A_625 : memref<128x32xf32, #tpu.memory_space<vmem>>) offsets(%dma_start3A_628 : memref<128xi32, #tpu.memory_space<vmem>>) semaphore(%arg10 : memref<!tpu.dma_semaphore, #tpu.memory_space<semaphore_mem>>)
        %dma_start3A_632 = arith.constant 0 : i32
        %dma_start3A_633 = arith.constant 0 : i32
        %dma_start3A_634 = arith.constant 384 : i32
        %dma_start3A_635 = arith.constant 0 : i32
        %dma_start3A_636 = tpu.memref_slice %arg8[%dma_start3A_633, %dma_start3A_634, %dma_start3A_635] : memref<2x1600x32xf32, #tpu.memory_space<vmem>> -> memref<1x128x32xf32, #tpu.memory_space<vmem>>
        %dma_start3A_637 = tpu.memref_squeeze %dma_start3A_636 : memref<1x128x32xf32, #tpu.memory_space<vmem>> -> memref<128x32xf32, #tpu.memory_space<vmem>>
        %dma_start3A_638 = arith.constant 384 : i32
        %dma_start3A_639 = tpu.memref_slice %arg6[%dma_start3A_632, %dma_start3A_638] : memref<2x1600xi32, #tpu.memory_space<vmem>> -> memref<1x128xi32, #tpu.memory_space<vmem>>
        %dma_start3A_640 = tpu.memref_squeeze %dma_start3A_639 : memref<1x128xi32, #tpu.memory_space<vmem>> -> memref<128xi32, #tpu.memory_space<vmem>>
        %dma_start3A_641 = arith.constant 0 : i32
        %dma_start3A_642 = arith.constant 0 : i32
        %dma_start3A_643 = tpu.memref_slice %arg4[%dma_start3A_641, %dma_start3A_642] : memref<1000001x32xf32, #tpu.memory_space<hbm>> -> memref<1000001x32xf32, #tpu.memory_space<hbm>>
        tpu.enqueue_indirect_dma source(%dma_start3A_643 : memref<1000001x32xf32, #tpu.memory_space<hbm>>) target(%dma_start3A_637 : memref<128x32xf32, #tpu.memory_space<vmem>>) offsets(%dma_start3A_640 : memref<128xi32, #tpu.memory_space<vmem>>) semaphore(%arg10 : memref<!tpu.dma_semaphore, #tpu.memory_space<semaphore_mem>>)
        %dma_start3A_644 = arith.constant 0 : i32
        %dma_start3A_645 = arith.constant 0 : i32
        %dma_start3A_646 = arith.constant 512 : i32
        %dma_start3A_647 = arith.constant 0 : i32
        %dma_start3A_648 = tpu.memref_slice %arg8[%dma_start3A_645, %dma_start3A_646, %dma_start3A_647] : memref<2x1600x32xf32, #tpu.memory_space<vmem>> -> memref<1x128x32xf32, #tpu.memory_space<vmem>>
        %dma_start3A_649 = tpu.memref_squeeze %dma_start3A_648 : memref<1x128x32xf32, #tpu.memory_space<vmem>> -> memref<128x32xf32, #tpu.memory_space<vmem>>
        %dma_start3A_650 = arith.constant 512 : i32
        %dma_start3A_651 = tpu.memref_slice %arg6[%dma_start3A_644, %dma_start3A_650] : memref<2x1600xi32, #tpu.memory_space<vmem>> -> memref<1x128xi32, #tpu.memory_space<vmem>>
        %dma_start3A_652 = tpu.memref_squeeze %dma_start3A_651 : memref<1x128xi32, #tpu.memory_space<vmem>> -> memref<128xi32, #tpu.memory_space<vmem>>
        %dma_start3A_653 = arith.constant 0 : i32
        %dma_start3A_654 = arith.constant 0 : i32
        %dma_start3A_655 = tpu.memref_slice %arg4[%dma_start3A_653, %dma_start3A_654] : memref<1000001x32xf32, #tpu.memory_space<hbm>> -> memref<1000001x32xf32, #tpu.memory_space<hbm>>
        tpu.enqueue_indirect_dma source(%dma_start3A_655 : memref<1000001x32xf32, #tpu.memory_space<hbm>>) target(%dma_start3A_649 : memref<128x32xf32, #tpu.memory_space<vmem>>) offsets(%dma_start3A_652 : memref<128xi32, #tpu.memory_space<vmem>>) semaphore(%arg10 : memref<!tpu.dma_semaphore, #tpu.memory_space<semaphore_mem>>)
        %dma_start3A_656 = arith.constant 0 : i32
        %dma_start3A_657 = arith.constant 0 : i32
        %dma_start3A_658 = arith.constant 640 : i32
        %dma_start3A_659 = arith.constant 0 : i32
        %dma_start3A_660 = tpu.memref_slice %arg8[%dma_start3A_657, %dma_start3A_658, %dma_start3A_659] : memref<2x1600x32xf32, #tpu.memory_space<vmem>> -> memref<1x128x32xf32, #tpu.memory_space<vmem>>
        %dma_start3A_661 = tpu.memref_squeeze %dma_start3A_660 : memref<1x128x32xf32, #tpu.memory_space<vmem>> -> memref<128x32xf32, #tpu.memory_space<vmem>>
        %dma_start3A_662 = arith.constant 640 : i32
        %dma_start3A_663 = tpu.memref_slice %arg6[%dma_start3A_656, %dma_start3A_662] : memref<2x1600xi32, #tpu.memory_space<vmem>> -> memref<1x128xi32, #tpu.memory_space<vmem>>
        %dma_start3A_664 = tpu.memref_squeeze %dma_start3A_663 : memref<1x128xi32, #tpu.memory_space<vmem>> -> memref<128xi32, #tpu.memory_space<vmem>>
        %dma_start3A_665 = arith.constant 0 : i32
        %dma_start3A_666 = arith.constant 0 : i32
        %dma_start3A_667 = tpu.memref_slice %arg4[%dma_start3A_665, %dma_start3A_666] : memref<1000001x32xf32, #tpu.memory_space<hbm>> -> memref<1000001x32xf32, #tpu.memory_space<hbm>>
        tpu.enqueue_indirect_dma source(%dma_start3A_667 : memref<1000001x32xf32, #tpu.memory_space<hbm>>) target(%dma_start3A_661 : memref<128x32xf32, #tpu.memory_space<vmem>>) offsets(%dma_start3A_664 : memref<128xi32, #tpu.memory_space<vmem>>) semaphore(%arg10 : memref<!tpu.dma_semaphore, #tpu.memory_space<semaphore_mem>>)
        %dma_start3A_668 = arith.constant 0 : i32
        %dma_start3A_669 = arith.constant 0 : i32
        %dma_start3A_670 = arith.constant 768 : i32
        %dma_start3A_671 = arith.constant 0 : i32
        %dma_start3A_672 = tpu.memref_slice %arg8[%dma_start3A_669, %dma_start3A_670, %dma_start3A_671] : memref<2x1600x32xf32, #tpu.memory_space<vmem>> -> memref<1x128x32xf32, #tpu.memory_space<vmem>>
        %dma_start3A_673 = tpu.memref_squeeze %dma_start3A_672 : memref<1x128x32xf32, #tpu.memory_space<vmem>> -> memref<128x32xf32, #tpu.memory_space<vmem>>
        %dma_start3A_674 = arith.constant 768 : i32
        %dma_start3A_675 = tpu.memref_slice %arg6[%dma_start3A_668, %dma_start3A_674] : memref<2x1600xi32, #tpu.memory_space<vmem>> -> memref<1x128xi32, #tpu.memory_space<vmem>>
        %dma_start3A_676 = tpu.memref_squeeze %dma_start3A_675 : memref<1x128xi32, #tpu.memory_space<vmem>> -> memref<128xi32, #tpu.memory_space<vmem>>
        %dma_start3A_677 = arith.constant 0 : i32
        %dma_start3A_678 = arith.constant 0 : i32
        %dma_start3A_679 = tpu.memref_slice %arg4[%dma_start3A_677, %dma_start3A_678] : memref<1000001x32xf32, #tpu.memory_space<hbm>> -> memref<1000001x32xf32, #tpu.memory_space<hbm>>
        tpu.enqueue_indirect_dma source(%dma_start3A_679 : memref<1000001x32xf32, #tpu.memory_space<hbm>>) target(%dma_start3A_673 : memref<128x32xf32, #tpu.memory_space<vmem>>) offsets(%dma_start3A_676 : memref<128xi32, #tpu.memory_space<vmem>>) semaphore(%arg10 : memref<!tpu.dma_semaphore, #tpu.memory_space<semaphore_mem>>)
        %dma_start3A_680 = arith.constant 0 : i32
        %dma_start3A_681 = arith.constant 0 : i32
        %dma_start3A_682 = arith.constant 896 : i32
        %dma_start3A_683 = arith.constant 0 : i32
        %dma_start3A_684 = tpu.memref_slice %arg8[%dma_start3A_681, %dma_start3A_682, %dma_start3A_683] : memref<2x1600x32xf32, #tpu.memory_space<vmem>> -> memref<1x128x32xf32, #tpu.memory_space<vmem>>
        %dma_start3A_685 = tpu.memref_squeeze %dma_start3A_684 : memref<1x128x32xf32, #tpu.memory_space<vmem>> -> memref<128x32xf32, #tpu.memory_space<vmem>>
        %dma_start3A_686 = arith.constant 896 : i32
        %dma_start3A_687 = tpu.memref_slice %arg6[%dma_start3A_680, %dma_start3A_686] : memref<2x1600xi32, #tpu.memory_space<vmem>> -> memref<1x128xi32, #tpu.memory_space<vmem>>
        %dma_start3A_688 = tpu.memref_squeeze %dma_start3A_687 : memref<1x128xi32, #tpu.memory_space<vmem>> -> memref<128xi32, #tpu.memory_space<vmem>>
        %dma_start3A_689 = arith.constant 0 : i32
        %dma_start3A_690 = arith.constant 0 : i32
        %dma_start3A_691 = tpu.memref_slice %arg4[%dma_start3A_689, %dma_start3A_690] : memref<1000001x32xf32, #tpu.memory_space<hbm>> -> memref<1000001x32xf32, #tpu.memory_space<hbm>>
        tpu.enqueue_indirect_dma source(%dma_start3A_691 : memref<1000001x32xf32, #tpu.memory_space<hbm>>) target(%dma_start3A_685 : memref<128x32xf32, #tpu.memory_space<vmem>>) offsets(%dma_start3A_688 : memref<128xi32, #tpu.memory_space<vmem>>) semaphore(%arg10 : memref<!tpu.dma_semaphore, #tpu.memory_space<semaphore_mem>>)
        %dma_start3A_692 = arith.constant 0 : i32
        %dma_start3A_693 = arith.constant 0 : i32
        %dma_start3A_694 = arith.constant 1024 : i32
        %dma_start3A_695 = arith.constant 0 : i32
        %dma_start3A_696 = tpu.memref_slice %arg8[%dma_start3A_693, %dma_start3A_694, %dma_start3A_695] : memref<2x1600x32xf32, #tpu.memory_space<vmem>> -> memref<1x128x32xf32, #tpu.memory_space<vmem>>
        %dma_start3A_697 = tpu.memref_squeeze %dma_start3A_696 : memref<1x128x32xf32, #tpu.memory_space<vmem>> -> memref<128x32xf32, #tpu.memory_space<vmem>>
        %dma_start3A_698 = arith.constant 1024 : i32
        %dma_start3A_699 = tpu.memref_slice %arg6[%dma_start3A_692, %dma_start3A_698] : memref<2x1600xi32, #tpu.memory_space<vmem>> -> memref<1x128xi32, #tpu.memory_space<vmem>>
        %dma_start3A_700 = tpu.memref_squeeze %dma_start3A_699 : memref<1x128xi32, #tpu.memory_space<vmem>> -> memref<128xi32, #tpu.memory_space<vmem>>
        %dma_start3A_701 = arith.constant 0 : i32
        %dma_start3A_702 = arith.constant 0 : i32
        %dma_start3A_703 = tpu.memref_slice %arg4[%dma_start3A_701, %dma_start3A_702] : memref<1000001x32xf32, #tpu.memory_space<hbm>> -> memref<1000001x32xf32, #tpu.memory_space<hbm>>
        tpu.enqueue_indirect_dma source(%dma_start3A_703 : memref<1000001x32xf32, #tpu.memory_space<hbm>>) target(%dma_start3A_697 : memref<128x32xf32, #tpu.memory_space<vmem>>) offsets(%dma_start3A_700 : memref<128xi32, #tpu.memory_space<vmem>>) semaphore(%arg10 : memref<!tpu.dma_semaphore, #tpu.memory_space<semaphore_mem>>)
        %dma_start3A_704 = arith.constant 0 : i32
        %dma_start3A_705 = arith.constant 0 : i32
        %dma_start3A_706 = arith.constant 1152 : i32
        %dma_start3A_707 = arith.constant 0 : i32
        %dma_start3A_708 = tpu.memref_slice %arg8[%dma_start3A_705, %dma_start3A_706, %dma_start3A_707] : memref<2x1600x32xf32, #tpu.memory_space<vmem>> -> memref<1x128x32xf32, #tpu.memory_space<vmem>>
        %dma_start3A_709 = tpu.memref_squeeze %dma_start3A_708 : memref<1x128x32xf32, #tpu.memory_space<vmem>> -> memref<128x32xf32, #tpu.memory_space<vmem>>
        %dma_start3A_710 = arith.constant 1152 : i32
        %dma_start3A_711 = tpu.memref_slice %arg6[%dma_start3A_704, %dma_start3A_710] : memref<2x1600xi32, #tpu.memory_space<vmem>> -> memref<1x128xi32, #tpu.memory_space<vmem>>
        %dma_start3A_712 = tpu.memref_squeeze %dma_start3A_711 : memref<1x128xi32, #tpu.memory_space<vmem>> -> memref<128xi32, #tpu.memory_space<vmem>>
        %dma_start3A_713 = arith.constant 0 : i32
        %dma_start3A_714 = arith.constant 0 : i32
        %dma_start3A_715 = tpu.memref_slice %arg4[%dma_start3A_713, %dma_start3A_714] : memref<1000001x32xf32, #tpu.memory_space<hbm>> -> memref<1000001x32xf32, #tpu.memory_space<hbm>>
        tpu.enqueue_indirect_dma source(%dma_start3A_715 : memref<1000001x32xf32, #tpu.memory_space<hbm>>) target(%dma_start3A_709 : memref<128x32xf32, #tpu.memory_space<vmem>>) offsets(%dma_start3A_712 : memref<128xi32, #tpu.memory_space<vmem>>) semaphore(%arg10 : memref<!tpu.dma_semaphore, #tpu.memory_space<semaphore_mem>>)
        %dma_start3A_716 = arith.constant 0 : i32
        %dma_start3A_717 = arith.constant 0 : i32
        %dma_start3A_718 = arith.constant 1280 : i32
        %dma_start3A_719 = arith.constant 0 : i32
        %dma_start3A_720 = tpu.memref_slice %arg8[%dma_start3A_717, %dma_start3A_718, %dma_start3A_719] : memref<2x1600x32xf32, #tpu.memory_space<vmem>> -> memref<1x128x32xf32, #tpu.memory_space<vmem>>
        %dma_start3A_721 = tpu.memref_squeeze %dma_start3A_720 : memref<1x128x32xf32, #tpu.memory_space<vmem>> -> memref<128x32xf32, #tpu.memory_space<vmem>>
        %dma_start3A_722 = arith.constant 1280 : i32
        %dma_start3A_723 = tpu.memref_slice %arg6[%dma_start3A_716, %dma_start3A_722] : memref<2x1600xi32, #tpu.memory_space<vmem>> -> memref<1x128xi32, #tpu.memory_space<vmem>>
        %dma_start3A_724 = tpu.memref_squeeze %dma_start3A_723 : memref<1x128xi32, #tpu.memory_space<vmem>> -> memref<128xi32, #tpu.memory_space<vmem>>
        %dma_start3A_725 = arith.constant 0 : i32
        %dma_start3A_726 = arith.constant 0 : i32
        %dma_start3A_727 = tpu.memref_slice %arg4[%dma_start3A_725, %dma_start3A_726] : memref<1000001x32xf32, #tpu.memory_space<hbm>> -> memref<1000001x32xf32, #tpu.memory_space<hbm>>
        tpu.enqueue_indirect_dma source(%dma_start3A_727 : memref<1000001x32xf32, #tpu.memory_space<hbm>>) target(%dma_start3A_721 : memref<128x32xf32, #tpu.memory_space<vmem>>) offsets(%dma_start3A_724 : memref<128xi32, #tpu.memory_space<vmem>>) semaphore(%arg10 : memref<!tpu.dma_semaphore, #tpu.memory_space<semaphore_mem>>)
        %dma_start3A_728 = arith.constant 0 : i32
        %dma_start3A_729 = arith.constant 0 : i32
        %dma_start3A_730 = arith.constant 1408 : i32
        %dma_start3A_731 = arith.constant 0 : i32
        %dma_start3A_732 = tpu.memref_slice %arg8[%dma_start3A_729, %dma_start3A_730, %dma_start3A_731] : memref<2x1600x32xf32, #tpu.memory_space<vmem>> -> memref<1x128x32xf32, #tpu.memory_space<vmem>>
        %dma_start3A_733 = tpu.memref_squeeze %dma_start3A_732 : memref<1x128x32xf32, #tpu.memory_space<vmem>> -> memref<128x32xf32, #tpu.memory_space<vmem>>
        %dma_start3A_734 = arith.constant 1408 : i32
        %dma_start3A_735 = tpu.memref_slice %arg6[%dma_start3A_728, %dma_start3A_734] : memref<2x1600xi32, #tpu.memory_space<vmem>> -> memref<1x128xi32, #tpu.memory_space<vmem>>
        %dma_start3A_736 = tpu.memref_squeeze %dma_start3A_735 : memref<1x128xi32, #tpu.memory_space<vmem>> -> memref<128xi32, #tpu.memory_space<vmem>>
        %dma_start3A_737 = arith.constant 0 : i32
        %dma_start3A_738 = arith.constant 0 : i32
        %dma_start3A_739 = tpu.memref_slice %arg4[%dma_start3A_737, %dma_start3A_738] : memref<1000001x32xf32, #tpu.memory_space<hbm>> -> memref<1000001x32xf32, #tpu.memory_space<hbm>>
        tpu.enqueue_indirect_dma source(%dma_start3A_739 : memref<1000001x32xf32, #tpu.memory_space<hbm>>) target(%dma_start3A_733 : memref<128x32xf32, #tpu.memory_space<vmem>>) offsets(%dma_start3A_736 : memref<128xi32, #tpu.memory_space<vmem>>) semaphore(%arg10 : memref<!tpu.dma_semaphore, #tpu.memory_space<semaphore_mem>>)
        %dma_start3A_740 = arith.constant 0 : i32
        %dma_start3A_741 = arith.constant 0 : i32
        %dma_start3A_742 = arith.constant 1536 : i32
        %dma_start3A_743 = arith.constant 0 : i32
        %dma_start3A_744 = tpu.memref_slice %arg8[%dma_start3A_741, %dma_start3A_742, %dma_start3A_743] : memref<2x1600x32xf32, #tpu.memory_space<vmem>> -> memref<1x64x32xf32, #tpu.memory_space<vmem>>
        %dma_start3A_745 = tpu.memref_squeeze %dma_start3A_744 : memref<1x64x32xf32, #tpu.memory_space<vmem>> -> memref<64x32xf32, #tpu.memory_space<vmem>>
        %dma_start3A_746 = arith.constant 1536 : i32
        %dma_start3A_747 = tpu.memref_slice %arg6[%dma_start3A_740, %dma_start3A_746] : memref<2x1600xi32, #tpu.memory_space<vmem>> -> memref<1x64xi32, #tpu.memory_space<vmem>>
        %dma_start3A_748 = tpu.memref_squeeze %dma_start3A_747 : memref<1x64xi32, #tpu.memory_space<vmem>> -> memref<64xi32, #tpu.memory_space<vmem>>
        %dma_start3A_749 = arith.constant 0 : i32
        %dma_start3A_750 = arith.constant 0 : i32
        %dma_start3A_751 = tpu.memref_slice %arg4[%dma_start3A_749, %dma_start3A_750] : memref<1000001x32xf32, #tpu.memory_space<hbm>> -> memref<1000001x32xf32, #tpu.memory_space<hbm>>
        tpu.enqueue_indirect_dma source(%dma_start3A_751 : memref<1000001x32xf32, #tpu.memory_space<hbm>>) target(%dma_start3A_745 : memref<64x32xf32, #tpu.memory_space<vmem>>) offsets(%dma_start3A_748 : memref<64xi32, #tpu.memory_space<vmem>>) semaphore(%arg10 : memref<!tpu.dma_semaphore, #tpu.memory_space<semaphore_mem>>)
      } else {
      }
      %dma_wait3A_403 = arith.constant 1 : i32
      %dma_wait3A_404 = arith.constant 1 : i32
      %dma_wait3A_405 = arith.constant 0 : i32
      %dma_wait3A_406 = arith.constant 0 : i32
      %dma_wait3A_407 = tpu.memref_slice %arg8[%dma_wait3A_404, %dma_wait3A_405, %dma_wait3A_406] : memref<2x1600x32xf32, #tpu.memory_space<vmem>> -> memref<1x128x32xf32, #tpu.memory_space<vmem>>
      %dma_wait3A_408 = tpu.memref_squeeze %dma_wait3A_407 : memref<1x128x32xf32, #tpu.memory_space<vmem>> -> memref<128x32xf32, #tpu.memory_space<vmem>>
      %dma_wait3A_409 = arith.constant 0 : i32
      %dma_wait3A_410 = tpu.memref_slice %arg6[%dma_wait3A_403, %dma_wait3A_409] : memref<2x1600xi32, #tpu.memory_space<vmem>> -> memref<1x128xi32, #tpu.memory_space<vmem>>
      %dma_wait3A_411 = tpu.memref_squeeze %dma_wait3A_410 : memref<1x128xi32, #tpu.memory_space<vmem>> -> memref<128xi32, #tpu.memory_space<vmem>>
      %dma_wait3A_412 = arith.constant 0 : i32
      %dma_wait3A_413 = arith.constant 0 : i32
      %dma_wait3A_414 = tpu.memref_slice %arg4[%dma_wait3A_412, %dma_wait3A_413] : memref<1000001x32xf32, #tpu.memory_space<hbm>> -> memref<1000001x32xf32, #tpu.memory_space<hbm>>
      tpu.wait_indirect_dma semaphore(%arg11 : memref<!tpu.dma_semaphore, #tpu.memory_space<semaphore_mem>>) src(%dma_wait3A_414 : memref<1000001x32xf32, #tpu.memory_space<hbm>>) dst(%dma_wait3A_408 : memref<128x32xf32, #tpu.memory_space<vmem>>)
      %dma_wait3A_415 = arith.constant 1 : i32
      %dma_wait3A_416 = arith.constant 1 : i32
      %dma_wait3A_417 = arith.constant 128 : i32
      %dma_wait3A_418 = arith.constant 0 : i32
      %dma_wait3A_419 = tpu.memref_slice %arg8[%dma_wait3A_416, %dma_wait3A_417, %dma_wait3A_418] : memref<2x1600x32xf32, #tpu.memory_space<vmem>> -> memref<1x128x32xf32, #tpu.memory_space<vmem>>
      %dma_wait3A_420 = tpu.memref_squeeze %dma_wait3A_419 : memref<1x128x32xf32, #tpu.memory_space<vmem>> -> memref<128x32xf32, #tpu.memory_space<vmem>>
      %dma_wait3A_421 = arith.constant 128 : i32
      %dma_wait3A_422 = tpu.memref_slice %arg6[%dma_wait3A_415, %dma_wait3A_421] : memref<2x1600xi32, #tpu.memory_space<vmem>> -> memref<1x128xi32, #tpu.memory_space<vmem>>
      %dma_wait3A_423 = tpu.memref_squeeze %dma_wait3A_422 : memref<1x128xi32, #tpu.memory_space<vmem>> -> memref<128xi32, #tpu.memory_space<vmem>>
      %dma_wait3A_424 = arith.constant 0 : i32
      %dma_wait3A_425 = arith.constant 0 : i32
      %dma_wait3A_426 = tpu.memref_slice %arg4[%dma_wait3A_424, %dma_wait3A_425] : memref<1000001x32xf32, #tpu.memory_space<hbm>> -> memref<1000001x32xf32, #tpu.memory_space<hbm>>
      tpu.wait_indirect_dma semaphore(%arg11 : memref<!tpu.dma_semaphore, #tpu.memory_space<semaphore_mem>>) src(%dma_wait3A_426 : memref<1000001x32xf32, #tpu.memory_space<hbm>>) dst(%dma_wait3A_420 : memref<128x32xf32, #tpu.memory_space<vmem>>)
      %dma_wait3A_427 = arith.constant 1 : i32
      %dma_wait3A_428 = arith.constant 1 : i32
      %dma_wait3A_429 = arith.constant 256 : i32
      %dma_wait3A_430 = arith.constant 0 : i32
      %dma_wait3A_431 = tpu.memref_slice %arg8[%dma_wait3A_428, %dma_wait3A_429, %dma_wait3A_430] : memref<2x1600x32xf32, #tpu.memory_space<vmem>> -> memref<1x128x32xf32, #tpu.memory_space<vmem>>
      %dma_wait3A_432 = tpu.memref_squeeze %dma_wait3A_431 : memref<1x128x32xf32, #tpu.memory_space<vmem>> -> memref<128x32xf32, #tpu.memory_space<vmem>>
      %dma_wait3A_433 = arith.constant 256 : i32
      %dma_wait3A_434 = tpu.memref_slice %arg6[%dma_wait3A_427, %dma_wait3A_433] : memref<2x1600xi32, #tpu.memory_space<vmem>> -> memref<1x128xi32, #tpu.memory_space<vmem>>
      %dma_wait3A_435 = tpu.memref_squeeze %dma_wait3A_434 : memref<1x128xi32, #tpu.memory_space<vmem>> -> memref<128xi32, #tpu.memory_space<vmem>>
      %dma_wait3A_436 = arith.constant 0 : i32
      %dma_wait3A_437 = arith.constant 0 : i32
      %dma_wait3A_438 = tpu.memref_slice %arg4[%dma_wait3A_436, %dma_wait3A_437] : memref<1000001x32xf32, #tpu.memory_space<hbm>> -> memref<1000001x32xf32, #tpu.memory_space<hbm>>
      tpu.wait_indirect_dma semaphore(%arg11 : memref<!tpu.dma_semaphore, #tpu.memory_space<semaphore_mem>>) src(%dma_wait3A_438 : memref<1000001x32xf32, #tpu.memory_space<hbm>>) dst(%dma_wait3A_432 : memref<128x32xf32, #tpu.memory_space<vmem>>)
      %dma_wait3A_439 = arith.constant 1 : i32
      %dma_wait3A_440 = arith.constant 1 : i32
      %dma_wait3A_441 = arith.constant 384 : i32
      %dma_wait3A_442 = arith.constant 0 : i32
      %dma_wait3A_443 = tpu.memref_slice %arg8[%dma_wait3A_440, %dma_wait3A_441, %dma_wait3A_442] : memref<2x1600x32xf32, #tpu.memory_space<vmem>> -> memref<1x128x32xf32, #tpu.memory_space<vmem>>
      %dma_wait3A_444 = tpu.memref_squeeze %dma_wait3A_443 : memref<1x128x32xf32, #tpu.memory_space<vmem>> -> memref<128x32xf32, #tpu.memory_space<vmem>>
      %dma_wait3A_445 = arith.constant 384 : i32
      %dma_wait3A_446 = tpu.memref_slice %arg6[%dma_wait3A_439, %dma_wait3A_445] : memref<2x1600xi32, #tpu.memory_space<vmem>> -> memref<1x128xi32, #tpu.memory_space<vmem>>
      %dma_wait3A_447 = tpu.memref_squeeze %dma_wait3A_446 : memref<1x128xi32, #tpu.memory_space<vmem>> -> memref<128xi32, #tpu.memory_space<vmem>>
      %dma_wait3A_448 = arith.constant 0 : i32
      %dma_wait3A_449 = arith.constant 0 : i32
      %dma_wait3A_450 = tpu.memref_slice %arg4[%dma_wait3A_448, %dma_wait3A_449] : memref<1000001x32xf32, #tpu.memory_space<hbm>> -> memref<1000001x32xf32, #tpu.memory_space<hbm>>
      tpu.wait_indirect_dma semaphore(%arg11 : memref<!tpu.dma_semaphore, #tpu.memory_space<semaphore_mem>>) src(%dma_wait3A_450 : memref<1000001x32xf32, #tpu.memory_space<hbm>>) dst(%dma_wait3A_444 : memref<128x32xf32, #tpu.memory_space<vmem>>)
      %dma_wait3A_451 = arith.constant 1 : i32
      %dma_wait3A_452 = arith.constant 1 : i32
      %dma_wait3A_453 = arith.constant 512 : i32
      %dma_wait3A_454 = arith.constant 0 : i32
      %dma_wait3A_455 = tpu.memref_slice %arg8[%dma_wait3A_452, %dma_wait3A_453, %dma_wait3A_454] : memref<2x1600x32xf32, #tpu.memory_space<vmem>> -> memref<1x128x32xf32, #tpu.memory_space<vmem>>
      %dma_wait3A_456 = tpu.memref_squeeze %dma_wait3A_455 : memref<1x128x32xf32, #tpu.memory_space<vmem>> -> memref<128x32xf32, #tpu.memory_space<vmem>>
      %dma_wait3A_457 = arith.constant 512 : i32
      %dma_wait3A_458 = tpu.memref_slice %arg6[%dma_wait3A_451, %dma_wait3A_457] : memref<2x1600xi32, #tpu.memory_space<vmem>> -> memref<1x128xi32, #tpu.memory_space<vmem>>
      %dma_wait3A_459 = tpu.memref_squeeze %dma_wait3A_458 : memref<1x128xi32, #tpu.memory_space<vmem>> -> memref<128xi32, #tpu.memory_space<vmem>>
      %dma_wait3A_460 = arith.constant 0 : i32
      %dma_wait3A_461 = arith.constant 0 : i32
      %dma_wait3A_462 = tpu.memref_slice %arg4[%dma_wait3A_460, %dma_wait3A_461] : memref<1000001x32xf32, #tpu.memory_space<hbm>> -> memref<1000001x32xf32, #tpu.memory_space<hbm>>
      tpu.wait_indirect_dma semaphore(%arg11 : memref<!tpu.dma_semaphore, #tpu.memory_space<semaphore_mem>>) src(%dma_wait3A_462 : memref<1000001x32xf32, #tpu.memory_space<hbm>>) dst(%dma_wait3A_456 : memref<128x32xf32, #tpu.memory_space<vmem>>)
      %dma_wait3A_463 = arith.constant 1 : i32
      %dma_wait3A_464 = arith.constant 1 : i32
      %dma_wait3A_465 = arith.constant 640 : i32
      %dma_wait3A_466 = arith.constant 0 : i32
      %dma_wait3A_467 = tpu.memref_slice %arg8[%dma_wait3A_464, %dma_wait3A_465, %dma_wait3A_466] : memref<2x1600x32xf32, #tpu.memory_space<vmem>> -> memref<1x128x32xf32, #tpu.memory_space<vmem>>
      %dma_wait3A_468 = tpu.memref_squeeze %dma_wait3A_467 : memref<1x128x32xf32, #tpu.memory_space<vmem>> -> memref<128x32xf32, #tpu.memory_space<vmem>>
      %dma_wait3A_469 = arith.constant 640 : i32
      %dma_wait3A_470 = tpu.memref_slice %arg6[%dma_wait3A_463, %dma_wait3A_469] : memref<2x1600xi32, #tpu.memory_space<vmem>> -> memref<1x128xi32, #tpu.memory_space<vmem>>
      %dma_wait3A_471 = tpu.memref_squeeze %dma_wait3A_470 : memref<1x128xi32, #tpu.memory_space<vmem>> -> memref<128xi32, #tpu.memory_space<vmem>>
      %dma_wait3A_472 = arith.constant 0 : i32
      %dma_wait3A_473 = arith.constant 0 : i32
      %dma_wait3A_474 = tpu.memref_slice %arg4[%dma_wait3A_472, %dma_wait3A_473] : memref<1000001x32xf32, #tpu.memory_space<hbm>> -> memref<1000001x32xf32, #tpu.memory_space<hbm>>
      tpu.wait_indirect_dma semaphore(%arg11 : memref<!tpu.dma_semaphore, #tpu.memory_space<semaphore_mem>>) src(%dma_wait3A_474 : memref<1000001x32xf32, #tpu.memory_space<hbm>>) dst(%dma_wait3A_468 : memref<128x32xf32, #tpu.memory_space<vmem>>)
      %dma_wait3A_475 = arith.constant 1 : i32
      %dma_wait3A_476 = arith.constant 1 : i32
      %dma_wait3A_477 = arith.constant 768 : i32
      %dma_wait3A_478 = arith.constant 0 : i32
      %dma_wait3A_479 = tpu.memref_slice %arg8[%dma_wait3A_476, %dma_wait3A_477, %dma_wait3A_478] : memref<2x1600x32xf32, #tpu.memory_space<vmem>> -> memref<1x128x32xf32, #tpu.memory_space<vmem>>
      %dma_wait3A_480 = tpu.memref_squeeze %dma_wait3A_479 : memref<1x128x32xf32, #tpu.memory_space<vmem>> -> memref<128x32xf32, #tpu.memory_space<vmem>>
      %dma_wait3A_481 = arith.constant 768 : i32
      %dma_wait3A_482 = tpu.memref_slice %arg6[%dma_wait3A_475, %dma_wait3A_481] : memref<2x1600xi32, #tpu.memory_space<vmem>> -> memref<1x128xi32, #tpu.memory_space<vmem>>
      %dma_wait3A_483 = tpu.memref_squeeze %dma_wait3A_482 : memref<1x128xi32, #tpu.memory_space<vmem>> -> memref<128xi32, #tpu.memory_space<vmem>>
      %dma_wait3A_484 = arith.constant 0 : i32
      %dma_wait3A_485 = arith.constant 0 : i32
      %dma_wait3A_486 = tpu.memref_slice %arg4[%dma_wait3A_484, %dma_wait3A_485] : memref<1000001x32xf32, #tpu.memory_space<hbm>> -> memref<1000001x32xf32, #tpu.memory_space<hbm>>
      tpu.wait_indirect_dma semaphore(%arg11 : memref<!tpu.dma_semaphore, #tpu.memory_space<semaphore_mem>>) src(%dma_wait3A_486 : memref<1000001x32xf32, #tpu.memory_space<hbm>>) dst(%dma_wait3A_480 : memref<128x32xf32, #tpu.memory_space<vmem>>)
      %dma_wait3A_487 = arith.constant 1 : i32
      %dma_wait3A_488 = arith.constant 1 : i32
      %dma_wait3A_489 = arith.constant 896 : i32
      %dma_wait3A_490 = arith.constant 0 : i32
      %dma_wait3A_491 = tpu.memref_slice %arg8[%dma_wait3A_488, %dma_wait3A_489, %dma_wait3A_490] : memref<2x1600x32xf32, #tpu.memory_space<vmem>> -> memref<1x128x32xf32, #tpu.memory_space<vmem>>
      %dma_wait3A_492 = tpu.memref_squeeze %dma_wait3A_491 : memref<1x128x32xf32, #tpu.memory_space<vmem>> -> memref<128x32xf32, #tpu.memory_space<vmem>>
      %dma_wait3A_493 = arith.constant 896 : i32
      %dma_wait3A_494 = tpu.memref_slice %arg6[%dma_wait3A_487, %dma_wait3A_493] : memref<2x1600xi32, #tpu.memory_space<vmem>> -> memref<1x128xi32, #tpu.memory_space<vmem>>
      %dma_wait3A_495 = tpu.memref_squeeze %dma_wait3A_494 : memref<1x128xi32, #tpu.memory_space<vmem>> -> memref<128xi32, #tpu.memory_space<vmem>>
      %dma_wait3A_496 = arith.constant 0 : i32
      %dma_wait3A_497 = arith.constant 0 : i32
      %dma_wait3A_498 = tpu.memref_slice %arg4[%dma_wait3A_496, %dma_wait3A_497] : memref<1000001x32xf32, #tpu.memory_space<hbm>> -> memref<1000001x32xf32, #tpu.memory_space<hbm>>
      tpu.wait_indirect_dma semaphore(%arg11 : memref<!tpu.dma_semaphore, #tpu.memory_space<semaphore_mem>>) src(%dma_wait3A_498 : memref<1000001x32xf32, #tpu.memory_space<hbm>>) dst(%dma_wait3A_492 : memref<128x32xf32, #tpu.memory_space<vmem>>)
      %dma_wait3A_499 = arith.constant 1 : i32
      %dma_wait3A_500 = arith.constant 1 : i32
      %dma_wait3A_501 = arith.constant 1024 : i32
      %dma_wait3A_502 = arith.constant 0 : i32
      %dma_wait3A_503 = tpu.memref_slice %arg8[%dma_wait3A_500, %dma_wait3A_501, %dma_wait3A_502] : memref<2x1600x32xf32, #tpu.memory_space<vmem>> -> memref<1x128x32xf32, #tpu.memory_space<vmem>>
      %dma_wait3A_504 = tpu.memref_squeeze %dma_wait3A_503 : memref<1x128x32xf32, #tpu.memory_space<vmem>> -> memref<128x32xf32, #tpu.memory_space<vmem>>
      %dma_wait3A_505 = arith.constant 1024 : i32
      %dma_wait3A_506 = tpu.memref_slice %arg6[%dma_wait3A_499, %dma_wait3A_505] : memref<2x1600xi32, #tpu.memory_space<vmem>> -> memref<1x128xi32, #tpu.memory_space<vmem>>
      %dma_wait3A_507 = tpu.memref_squeeze %dma_wait3A_506 : memref<1x128xi32, #tpu.memory_space<vmem>> -> memref<128xi32, #tpu.memory_space<vmem>>
      %dma_wait3A_508 = arith.constant 0 : i32
      %dma_wait3A_509 = arith.constant 0 : i32
      %dma_wait3A_510 = tpu.memref_slice %arg4[%dma_wait3A_508, %dma_wait3A_509] : memref<1000001x32xf32, #tpu.memory_space<hbm>> -> memref<1000001x32xf32, #tpu.memory_space<hbm>>
      tpu.wait_indirect_dma semaphore(%arg11 : memref<!tpu.dma_semaphore, #tpu.memory_space<semaphore_mem>>) src(%dma_wait3A_510 : memref<1000001x32xf32, #tpu.memory_space<hbm>>) dst(%dma_wait3A_504 : memref<128x32xf32, #tpu.memory_space<vmem>>)
      %dma_wait3A_511 = arith.constant 1 : i32
      %dma_wait3A_512 = arith.constant 1 : i32
      %dma_wait3A_513 = arith.constant 1152 : i32
      %dma_wait3A_514 = arith.constant 0 : i32
      %dma_wait3A_515 = tpu.memref_slice %arg8[%dma_wait3A_512, %dma_wait3A_513, %dma_wait3A_514] : memref<2x1600x32xf32, #tpu.memory_space<vmem>> -> memref<1x128x32xf32, #tpu.memory_space<vmem>>
      %dma_wait3A_516 = tpu.memref_squeeze %dma_wait3A_515 : memref<1x128x32xf32, #tpu.memory_space<vmem>> -> memref<128x32xf32, #tpu.memory_space<vmem>>
      %dma_wait3A_517 = arith.constant 1152 : i32
      %dma_wait3A_518 = tpu.memref_slice %arg6[%dma_wait3A_511, %dma_wait3A_517] : memref<2x1600xi32, #tpu.memory_space<vmem>> -> memref<1x128xi32, #tpu.memory_space<vmem>>
      %dma_wait3A_519 = tpu.memref_squeeze %dma_wait3A_518 : memref<1x128xi32, #tpu.memory_space<vmem>> -> memref<128xi32, #tpu.memory_space<vmem>>
      %dma_wait3A_520 = arith.constant 0 : i32
      %dma_wait3A_521 = arith.constant 0 : i32
      %dma_wait3A_522 = tpu.memref_slice %arg4[%dma_wait3A_520, %dma_wait3A_521] : memref<1000001x32xf32, #tpu.memory_space<hbm>> -> memref<1000001x32xf32, #tpu.memory_space<hbm>>
      tpu.wait_indirect_dma semaphore(%arg11 : memref<!tpu.dma_semaphore, #tpu.memory_space<semaphore_mem>>) src(%dma_wait3A_522 : memref<1000001x32xf32, #tpu.memory_space<hbm>>) dst(%dma_wait3A_516 : memref<128x32xf32, #tpu.memory_space<vmem>>)
      %dma_wait3A_523 = arith.constant 1 : i32
      %dma_wait3A_524 = arith.constant 1 : i32
      %dma_wait3A_525 = arith.constant 1280 : i32
      %dma_wait3A_526 = arith.constant 0 : i32
      %dma_wait3A_527 = tpu.memref_slice %arg8[%dma_wait3A_524, %dma_wait3A_525, %dma_wait3A_526] : memref<2x1600x32xf32, #tpu.memory_space<vmem>> -> memref<1x128x32xf32, #tpu.memory_space<vmem>>
      %dma_wait3A_528 = tpu.memref_squeeze %dma_wait3A_527 : memref<1x128x32xf32, #tpu.memory_space<vmem>> -> memref<128x32xf32, #tpu.memory_space<vmem>>
      %dma_wait3A_529 = arith.constant 1280 : i32
      %dma_wait3A_530 = tpu.memref_slice %arg6[%dma_wait3A_523, %dma_wait3A_529] : memref<2x1600xi32, #tpu.memory_space<vmem>> -> memref<1x128xi32, #tpu.memory_space<vmem>>
      %dma_wait3A_531 = tpu.memref_squeeze %dma_wait3A_530 : memref<1x128xi32, #tpu.memory_space<vmem>> -> memref<128xi32, #tpu.memory_space<vmem>>
      %dma_wait3A_532 = arith.constant 0 : i32
      %dma_wait3A_533 = arith.constant 0 : i32
      %dma_wait3A_534 = tpu.memref_slice %arg4[%dma_wait3A_532, %dma_wait3A_533] : memref<1000001x32xf32, #tpu.memory_space<hbm>> -> memref<1000001x32xf32, #tpu.memory_space<hbm>>
      tpu.wait_indirect_dma semaphore(%arg11 : memref<!tpu.dma_semaphore, #tpu.memory_space<semaphore_mem>>) src(%dma_wait3A_534 : memref<1000001x32xf32, #tpu.memory_space<hbm>>) dst(%dma_wait3A_528 : memref<128x32xf32, #tpu.memory_space<vmem>>)
      %dma_wait3A_535 = arith.constant 1 : i32
      %dma_wait3A_536 = arith.constant 1 : i32
      %dma_wait3A_537 = arith.constant 1408 : i32
      %dma_wait3A_538 = arith.constant 0 : i32
      %dma_wait3A_539 = tpu.memref_slice %arg8[%dma_wait3A_536, %dma_wait3A_537, %dma_wait3A_538] : memref<2x1600x32xf32, #tpu.memory_space<vmem>> -> memref<1x128x32xf32, #tpu.memory_space<vmem>>
      %dma_wait3A_540 = tpu.memref_squeeze %dma_wait3A_539 : memref<1x128x32xf32, #tpu.memory_space<vmem>> -> memref<128x32xf32, #tpu.memory_space<vmem>>
      %dma_wait3A_541 = arith.constant 1408 : i32
      %dma_wait3A_542 = tpu.memref_slice %arg6[%dma_wait3A_535, %dma_wait3A_541] : memref<2x1600xi32, #tpu.memory_space<vmem>> -> memref<1x128xi32, #tpu.memory_space<vmem>>
      %dma_wait3A_543 = tpu.memref_squeeze %dma_wait3A_542 : memref<1x128xi32, #tpu.memory_space<vmem>> -> memref<128xi32, #tpu.memory_space<vmem>>
      %dma_wait3A_544 = arith.constant 0 : i32
      %dma_wait3A_545 = arith.constant 0 : i32
      %dma_wait3A_546 = tpu.memref_slice %arg4[%dma_wait3A_544, %dma_wait3A_545] : memref<1000001x32xf32, #tpu.memory_space<hbm>> -> memref<1000001x32xf32, #tpu.memory_space<hbm>>
      tpu.wait_indirect_dma semaphore(%arg11 : memref<!tpu.dma_semaphore, #tpu.memory_space<semaphore_mem>>) src(%dma_wait3A_546 : memref<1000001x32xf32, #tpu.memory_space<hbm>>) dst(%dma_wait3A_540 : memref<128x32xf32, #tpu.memory_space<vmem>>)
      %dma_wait3A_547 = arith.constant 1 : i32
      %dma_wait3A_548 = arith.constant 1 : i32
      %dma_wait3A_549 = arith.constant 1536 : i32
      %dma_wait3A_550 = arith.constant 0 : i32
      %dma_wait3A_551 = tpu.memref_slice %arg8[%dma_wait3A_548, %dma_wait3A_549, %dma_wait3A_550] : memref<2x1600x32xf32, #tpu.memory_space<vmem>> -> memref<1x64x32xf32, #tpu.memory_space<vmem>>
      %dma_wait3A_552 = tpu.memref_squeeze %dma_wait3A_551 : memref<1x64x32xf32, #tpu.memory_space<vmem>> -> memref<64x32xf32, #tpu.memory_space<vmem>>
      %dma_wait3A_553 = arith.constant 1536 : i32
      %dma_wait3A_554 = tpu.memref_slice %arg6[%dma_wait3A_547, %dma_wait3A_553] : memref<2x1600xi32, #tpu.memory_space<vmem>> -> memref<1x64xi32, #tpu.memory_space<vmem>>
      %dma_wait3A_555 = tpu.memref_squeeze %dma_wait3A_554 : memref<1x64xi32, #tpu.memory_space<vmem>> -> memref<64xi32, #tpu.memory_space<vmem>>
      %dma_wait3A_556 = arith.constant 0 : i32
      %dma_wait3A_557 = arith.constant 0 : i32
      %dma_wait3A_558 = tpu.memref_slice %arg4[%dma_wait3A_556, %dma_wait3A_557] : memref<1000001x32xf32, #tpu.memory_space<hbm>> -> memref<1000001x32xf32, #tpu.memory_space<hbm>>
      tpu.wait_indirect_dma semaphore(%arg11 : memref<!tpu.dma_semaphore, #tpu.memory_space<semaphore_mem>>) src(%dma_wait3A_558 : memref<1000001x32xf32, #tpu.memory_space<hbm>>) dst(%dma_wait3A_552 : memref<64x32xf32, #tpu.memory_space<vmem>>)
      %ge3A_559 = arith.constant 2 : i32
      %ge3A_560 = arith.cmpi sge, %add3A_395, %ge3A_559 : i32
      %convert_element_type3A_561 = arith.extui %ge3A_560 : i1 to i32
      %cond3A_562 = arith.constant 0 : i32
      %cond3A_563 = arith.cmpi ne, %convert_element_type3A_561, %cond3A_562 : i32
      scf.if %cond3A_563 {
        %sub3A = arith.constant 2 : i32
        %sub3A_585 = arith.subi %add3A_395, %sub3A : i32
        %mul3A_586 = arith.constant 32 : i32
        %mul3A_587 = arith.muli %sub3A_585, %mul3A_586 : i32
        %add3A_588 = arith.addi %mul3A_2, %mul3A_587 : i32
        %dma_wait3A_589 = arith.constant 1 : i32
        %dma_wait3A_590 = arith.constant 0 : i32
        %dma_wait3A_591 = arith.constant 0 : i32
        %dma_wait3A_592 = tpu.memref_slice %arg9[%dma_wait3A_589, %dma_wait3A_590, %dma_wait3A_591] : memref<2x32x32xf32, #tpu.memory_space<vmem>> -> memref<1x32x32xf32, #tpu.memory_space<vmem>>
        %dma_wait3A_593 = tpu.memref_squeeze %dma_wait3A_592 : memref<1x32x32xf32, #tpu.memory_space<vmem>> -> memref<32x32xf32, #tpu.memory_space<vmem>>
        %dma_wait3A_594 = arith.constant 0 : i32
        %dma_wait3A_595 = tpu.memref_slice %arg5[%add3A_588, %dma_wait3A_594] : memref<16384x32xf32, #tpu.memory_space<hbm>> -> memref<32x32xf32, #tpu.memory_space<hbm>>
        %dma_wait3A_596 = arith.constant 0 : i32
        %dma_wait3A_597 = tpu.memref_slice %arg5[%add3A_588, %dma_wait3A_596] : memref<16384x32xf32, #tpu.memory_space<hbm>> -> memref<32x32xf32, #tpu.memory_space<hbm>>
        %dma_wait3A_598 = arith.constant 0 : i32
        %dma_wait3A_599 = arith.constant 0 : i32
        %dma_wait3A_600 = tpu.memref_slice %arg9[%dma_wait3A_589, %dma_wait3A_598, %dma_wait3A_599] : memref<2x32x32xf32, #tpu.memory_space<vmem>> -> memref<1x32x32xf32, #tpu.memory_space<vmem>>
        %dma_wait3A_601 = tpu.memref_squeeze %dma_wait3A_600 : memref<1x32x32xf32, #tpu.memory_space<vmem>> -> memref<32x32xf32, #tpu.memory_space<vmem>>
        tpu.wait_dma2 semaphore(%arg13 : memref<!tpu.dma_semaphore, #tpu.memory_space<semaphore_mem>>) src(%dma_wait3A_601 : memref<32x32xf32, #tpu.memory_space<vmem>>) dst(%dma_wait3A_597 : memref<32x32xf32, #tpu.memory_space<hbm>>)
      } else {
      }
      %scan3A_564 = arith.constant 0 : i32
      %scan3A_565 = arith.constant 32 : i32
      %scan3A_566 = arith.addi %scan3A_564, %scan3A_565 : i32
      %scan3A_567 = arith.constant 1 : i32
      scf.for %scan3A_585 = %scan3A_564 to %scan3A_566 step %scan3A_567  : i32 {
        %mul3A_586 = arith.constant 1 : i32
        %mul3A_587 = arith.muli %scan3A_585, %mul3A_586 : i32
        %add3A_588 = arith.constant 0 : i32
        %add3A_589 = arith.addi %add3A_588, %mul3A_587 : i32
        %broadcast_in_dim3A = arith.constant 0.000000e+00 : f32
        %broadcast_in_dim3A_590 = vector.broadcast %broadcast_in_dim3A : f32 to vector<16xf32>
        %mul3A_591 = arith.constant 64 : i32
        %mul3A_592 = arith.muli %add3A_589, %mul3A_591 : i32
        %add3A_593 = arith.constant 0 : i32
        %add3A_594 = arith.addi %mul3A_592, %add3A_593 : i32
        %get3A = arith.constant 1 : i32
        %get3A_595 = arith.index_cast %get3A : i32 to index
        %get3A_596 = arith.index_cast %add3A_594 : i32 to index
        %get3A_597 = tpu.vector_load %arg7[%get3A_595, %get3A_596] {strides = array<i32>} : memref<2x2048xi32, #tpu.memory_space<vmem>>, vector<16xi32>,
        %gt3A = arith.constant 0 : i32
        %gt3A_598 = vector.broadcast %gt3A : i32 to vector<16xi32>
        %gt3A_599 = arith.cmpi sgt, %get3A_597, %gt3A_598 : vector<16xi32>
        %jit3A = arith.constant 1.000000e+00 : f32
        %jit3A_600 = arith.constant 0.000000e+00 : f32
        %broadcast_in_dim3A_601 = vector.broadcast %jit3A : f32 to vector<16xf32>
        %broadcast_in_dim3A_602 = vector.broadcast %jit3A_600 : f32 to vector<16xf32>
        %select_n3A = arith.select %gt3A_599, %broadcast_in_dim3A_601, %broadcast_in_dim3A_602 : vector<16xi1>, vector<16xf32>
        %add3A_603 = arith.addf %broadcast_in_dim3A_590, %select_n3A : vector<16xf32>
        %mul3A_604 = arith.constant 64 : i32
        %mul3A_605 = arith.muli %add3A_589, %mul3A_604 : i32
        %add3A_606 = arith.constant 16 : i32
        %add3A_607 = arith.addi %mul3A_605, %add3A_606 : i32
        %get3A_608 = arith.constant 1 : i32
        %get3A_609 = arith.index_cast %get3A_608 : i32 to index
        %get3A_610 = arith.index_cast %add3A_607 : i32 to index
        %get3A_611 = tpu.vector_load %arg7[%get3A_609, %get3A_610] {strides = array<i32>} : memref<2x2048xi32, #tpu.memory_space<vmem>>, vector<16xi32>,
        %gt3A_612 = arith.constant 0 : i32
        %gt3A_613 = vector.broadcast %gt3A_612 : i32 to vector<16xi32>
        %gt3A_614 = arith.cmpi sgt, %get3A_611, %gt3A_613 : vector<16xi32>
        %jit3A_615 = arith.constant 1.000000e+00 : f32
        %jit3A_616 = arith.constant 0.000000e+00 : f32
        %broadcast_in_dim3A_617 = vector.broadcast %jit3A_615 : f32 to vector<16xf32>
        %broadcast_in_dim3A_618 = vector.broadcast %jit3A_616 : f32 to vector<16xf32>
        %select_n3A_619 = arith.select %gt3A_614, %broadcast_in_dim3A_617, %broadcast_in_dim3A_618 : vector<16xi1>, vector<16xf32>
        %add3A_620 = arith.addf %add3A_603, %select_n3A_619 : vector<16xf32>
        %mul3A_621 = arith.constant 64 : i32
        %mul3A_622 = arith.muli %add3A_589, %mul3A_621 : i32
        %add3A_623 = arith.constant 32 : i32
        %add3A_624 = arith.addi %mul3A_622, %add3A_623 : i32
        %get3A_625 = arith.constant 1 : i32
        %get3A_626 = arith.index_cast %get3A_625 : i32 to index
        %get3A_627 = arith.index_cast %add3A_624 : i32 to index
        %get3A_628 = tpu.vector_load %arg7[%get3A_626, %get3A_627] {strides = array<i32>} : memref<2x2048xi32, #tpu.memory_space<vmem>>, vector<16xi32>,
        %gt3A_629 = arith.constant 0 : i32
        %gt3A_630 = vector.broadcast %gt3A_629 : i32 to vector<16xi32>
        %gt3A_631 = arith.cmpi sgt, %get3A_628, %gt3A_630 : vector<16xi32>
        %jit3A_632 = arith.constant 1.000000e+00 : f32
        %jit3A_633 = arith.constant 0.000000e+00 : f32
        %broadcast_in_dim3A_634 = vector.broadcast %jit3A_632 : f32 to vector<16xf32>
        %broadcast_in_dim3A_635 = vector.broadcast %jit3A_633 : f32 to vector<16xf32>
        %select_n3A_636 = arith.select %gt3A_631, %broadcast_in_dim3A_634, %broadcast_in_dim3A_635 : vector<16xi1>, vector<16xf32>
        %add3A_637 = arith.addf %add3A_620, %select_n3A_636 : vector<16xf32>
        %mul3A_638 = arith.constant 64 : i32
        %mul3A_639 = arith.muli %add3A_589, %mul3A_638 : i32
        %add3A_640 = arith.constant 48 : i32
        %add3A_641 = arith.addi %mul3A_639, %add3A_640 : i32
        %get3A_642 = arith.constant 1 : i32
        %get3A_643 = arith.index_cast %get3A_642 : i32 to index
        %get3A_644 = arith.index_cast %add3A_641 : i32 to index
        %get3A_645 = tpu.vector_load %arg7[%get3A_643, %get3A_644] {strides = array<i32>} : memref<2x2048xi32, #tpu.memory_space<vmem>>, vector<16xi32>,
        %gt3A_646 = arith.constant 0 : i32
        %gt3A_647 = vector.broadcast %gt3A_646 : i32 to vector<16xi32>
        %gt3A_648 = arith.cmpi sgt, %get3A_645, %gt3A_647 : vector<16xi32>
        %jit3A_649 = arith.constant 1.000000e+00 : f32
        %jit3A_650 = arith.constant 0.000000e+00 : f32
        %broadcast_in_dim3A_651 = vector.broadcast %jit3A_649 : f32 to vector<16xf32>
        %broadcast_in_dim3A_652 = vector.broadcast %jit3A_650 : f32 to vector<16xf32>
        %select_n3A_653 = arith.select %gt3A_648, %broadcast_in_dim3A_651, %broadcast_in_dim3A_652 : vector<16xi1>, vector<16xf32>
        %add3A_654 = arith.addf %add3A_637, %select_n3A_653 : vector<16xf32>
        %reduce_sum3A = arith.constant true
        %reduce_sum3A_655 = vector.broadcast %reduce_sum3A : i1 to vector<16xi1>
        %reduce_sum3A_656 = tpu.scan <sum>, %add3A_654 masked %reduce_sum3A_655 : vector<16xf32>, vector<16xi1> -> vector<16xf32>
        %reduce_sum3A_657 = vector.extract %reduce_sum3A_656[15] : f32 from vector<16xf32>
        %broadcast_in_dim3A_658 = vector.broadcast %reduce_sum3A_657 : f32 to vector<16xf32>
        %add3A_659 = arith.constant 9.99999993E-9 : f32
        %add3A_660 = vector.broadcast %add3A_659 : f32 to vector<16xf32>
        %add3A_661 = arith.addf %broadcast_in_dim3A_658, %add3A_660 : vector<16xf32>
        %broadcast_in_dim3A_662 = arith.constant 1.000000e+00 : f32
        %broadcast_in_dim3A_663 = vector.broadcast %broadcast_in_dim3A_662 : f32 to vector<16xf32>
        %div3A = arith.divf %broadcast_in_dim3A_663, %add3A_661 : vector<16xf32>
        %broadcast_in_dim3A_664 = arith.constant 0.000000e+00 : f32
        %broadcast_in_dim3A_665 = vector.broadcast %broadcast_in_dim3A_664 : f32 to vector<16xf32>
        %broadcast_in_dim3A_666 = arith.constant 0.000000e+00 : f32
        %broadcast_in_dim3A_667 = vector.broadcast %broadcast_in_dim3A_666 : f32 to vector<16xf32>
        %mul3A_668 = arith.constant 50 : i32
        %mul3A_669 = arith.muli %add3A_589, %mul3A_668 : i32
        %add3A_670 = arith.constant 0 : i32
        %add3A_671 = arith.addi %mul3A_669, %add3A_670 : i32
        %get3A_672 = arith.constant 1 : i32
        %get3A_673 = arith.index_cast %get3A_672 : i32 to index
        %get3A_674 = arith.index_cast %add3A_671 : i32 to index
        %get3A_675 = arith.constant 0 : index
        %get3A_676 = tpu.vector_load %arg8[%get3A_673, %get3A_674, %get3A_675] {strides = array<i32>} : memref<2x1600x32xf32, #tpu.memory_space<vmem>>, vector<16xf32>,
        %add3A_677 = arith.addf %broadcast_in_dim3A_665, %get3A_676 : vector<16xf32>
        %mul3A_678 = arith.constant 50 : i32
        %mul3A_679 = arith.muli %add3A_589, %mul3A_678 : i32
        %add3A_680 = arith.constant 0 : i32
        %add3A_681 = arith.addi %mul3A_679, %add3A_680 : i32
        %get3A_682 = arith.constant 1 : i32
        %get3A_683 = arith.index_cast %get3A_682 : i32 to index
        %get3A_684 = arith.index_cast %add3A_681 : i32 to index
        %get3A_685 = arith.constant 16 : index
        %get3A_686 = tpu.vector_load %arg8[%get3A_683, %get3A_684, %get3A_685] {strides = array<i32>} : memref<2x1600x32xf32, #tpu.memory_space<vmem>>, vector<16xf32>,
        %add3A_687 = arith.addf %broadcast_in_dim3A_667, %get3A_686 : vector<16xf32>
        %mul3A_688 = arith.constant 50 : i32
        %mul3A_689 = arith.muli %add3A_589, %mul3A_688 : i32
        %add3A_690 = arith.constant 1 : i32
        %add3A_691 = arith.addi %mul3A_689, %add3A_690 : i32
        %get3A_692 = arith.constant 1 : i32
        %get3A_693 = arith.index_cast %get3A_692 : i32 to index
        %get3A_694 = arith.index_cast %add3A_691 : i32 to index
        %get3A_695 = arith.constant 0 : index
        %get3A_696 = tpu.vector_load %arg8[%get3A_693, %get3A_694, %get3A_695] {strides = array<i32>} : memref<2x1600x32xf32, #tpu.memory_space<vmem>>, vector<16xf32>,
        %add3A_697 = arith.addf %add3A_677, %get3A_696 : vector<16xf32>
        %mul3A_698 = arith.constant 50 : i32
        %mul3A_699 = arith.muli %add3A_589, %mul3A_698 : i32
        %add3A_700 = arith.constant 1 : i32
        %add3A_701 = arith.addi %mul3A_699, %add3A_700 : i32
        %get3A_702 = arith.constant 1 : i32
        %get3A_703 = arith.index_cast %get3A_702 : i32 to index
        %get3A_704 = arith.index_cast %add3A_701 : i32 to index
        %get3A_705 = arith.constant 16 : index
        %get3A_706 = tpu.vector_load %arg8[%get3A_703, %get3A_704, %get3A_705] {strides = array<i32>} : memref<2x1600x32xf32, #tpu.memory_space<vmem>>, vector<16xf32>,
        %add3A_707 = arith.addf %add3A_687, %get3A_706 : vector<16xf32>
        %mul3A_708 = arith.constant 50 : i32
        %mul3A_709 = arith.muli %add3A_589, %mul3A_708 : i32
        %add3A_710 = arith.constant 2 : i32
        %add3A_711 = arith.addi %mul3A_709, %add3A_710 : i32
        %get3A_712 = arith.constant 1 : i32
        %get3A_713 = arith.index_cast %get3A_712 : i32 to index
        %get3A_714 = arith.index_cast %add3A_711 : i32 to index
        %get3A_715 = arith.constant 0 : index
        %get3A_716 = tpu.vector_load %arg8[%get3A_713, %get3A_714, %get3A_715] {strides = array<i32>} : memref<2x1600x32xf32, #tpu.memory_space<vmem>>, vector<16xf32>,
        %add3A_717 = arith.addf %add3A_697, %get3A_716 : vector<16xf32>
        %mul3A_718 = arith.constant 50 : i32
        %mul3A_719 = arith.muli %add3A_589, %mul3A_718 : i32
        %add3A_720 = arith.constant 2 : i32
        %add3A_721 = arith.addi %mul3A_719, %add3A_720 : i32
        %get3A_722 = arith.constant 1 : i32
        %get3A_723 = arith.index_cast %get3A_722 : i32 to index
        %get3A_724 = arith.index_cast %add3A_721 : i32 to index
        %get3A_725 = arith.constant 16 : index
        %get3A_726 = tpu.vector_load %arg8[%get3A_723, %get3A_724, %get3A_725] {strides = array<i32>} : memref<2x1600x32xf32, #tpu.memory_space<vmem>>, vector<16xf32>,
        %add3A_727 = arith.addf %add3A_707, %get3A_726 : vector<16xf32>
        %mul3A_728 = arith.constant 50 : i32
        %mul3A_729 = arith.muli %add3A_589, %mul3A_728 : i32
        %add3A_730 = arith.constant 3 : i32
        %add3A_731 = arith.addi %mul3A_729, %add3A_730 : i32
        %get3A_732 = arith.constant 1 : i32
        %get3A_733 = arith.index_cast %get3A_732 : i32 to index
        %get3A_734 = arith.index_cast %add3A_731 : i32 to index
        %get3A_735 = arith.constant 0 : index
        %get3A_736 = tpu.vector_load %arg8[%get3A_733, %get3A_734, %get3A_735] {strides = array<i32>} : memref<2x1600x32xf32, #tpu.memory_space<vmem>>, vector<16xf32>,
        %add3A_737 = arith.addf %add3A_717, %get3A_736 : vector<16xf32>
        %mul3A_738 = arith.constant 50 : i32
        %mul3A_739 = arith.muli %add3A_589, %mul3A_738 : i32
        %add3A_740 = arith.constant 3 : i32
        %add3A_741 = arith.addi %mul3A_739, %add3A_740 : i32
        %get3A_742 = arith.constant 1 : i32
        %get3A_743 = arith.index_cast %get3A_742 : i32 to index
        %get3A_744 = arith.index_cast %add3A_741 : i32 to index
        %get3A_745 = arith.constant 16 : index
        %get3A_746 = tpu.vector_load %arg8[%get3A_743, %get3A_744, %get3A_745] {strides = array<i32>} : memref<2x1600x32xf32, #tpu.memory_space<vmem>>, vector<16xf32>,
        %add3A_747 = arith.addf %add3A_727, %get3A_746 : vector<16xf32>
        %mul3A_748 = arith.constant 50 : i32
        %mul3A_749 = arith.muli %add3A_589, %mul3A_748 : i32
        %add3A_750 = arith.constant 4 : i32
        %add3A_751 = arith.addi %mul3A_749, %add3A_750 : i32
        %get3A_752 = arith.constant 1 : i32
        %get3A_753 = arith.index_cast %get3A_752 : i32 to index
        %get3A_754 = arith.index_cast %add3A_751 : i32 to index
        %get3A_755 = arith.constant 0 : index
        %get3A_756 = tpu.vector_load %arg8[%get3A_753, %get3A_754, %get3A_755] {strides = array<i32>} : memref<2x1600x32xf32, #tpu.memory_space<vmem>>, vector<16xf32>,
        %add3A_757 = arith.addf %add3A_737, %get3A_756 : vector<16xf32>
        %mul3A_758 = arith.constant 50 : i32
        %mul3A_759 = arith.muli %add3A_589, %mul3A_758 : i32
        %add3A_760 = arith.constant 4 : i32
        %add3A_761 = arith.addi %mul3A_759, %add3A_760 : i32
        %get3A_762 = arith.constant 1 : i32
        %get3A_763 = arith.index_cast %get3A_762 : i32 to index
        %get3A_764 = arith.index_cast %add3A_761 : i32 to index
        %get3A_765 = arith.constant 16 : index
        %get3A_766 = tpu.vector_load %arg8[%get3A_763, %get3A_764, %get3A_765] {strides = array<i32>} : memref<2x1600x32xf32, #tpu.memory_space<vmem>>, vector<16xf32>,
        %add3A_767 = arith.addf %add3A_747, %get3A_766 : vector<16xf32>
        %mul3A_768 = arith.constant 50 : i32
        %mul3A_769 = arith.muli %add3A_589, %mul3A_768 : i32
        %add3A_770 = arith.constant 5 : i32
        %add3A_771 = arith.addi %mul3A_769, %add3A_770 : i32
        %get3A_772 = arith.constant 1 : i32
        %get3A_773 = arith.index_cast %get3A_772 : i32 to index
        %get3A_774 = arith.index_cast %add3A_771 : i32 to index
        %get3A_775 = arith.constant 0 : index
        %get3A_776 = tpu.vector_load %arg8[%get3A_773, %get3A_774, %get3A_775] {strides = array<i32>} : memref<2x1600x32xf32, #tpu.memory_space<vmem>>, vector<16xf32>,
        %add3A_777 = arith.addf %add3A_757, %get3A_776 : vector<16xf32>
        %mul3A_778 = arith.constant 50 : i32
        %mul3A_779 = arith.muli %add3A_589, %mul3A_778 : i32
        %add3A_780 = arith.constant 5 : i32
        %add3A_781 = arith.addi %mul3A_779, %add3A_780 : i32
        %get3A_782 = arith.constant 1 : i32
        %get3A_783 = arith.index_cast %get3A_782 : i32 to index
        %get3A_784 = arith.index_cast %add3A_781 : i32 to index
        %get3A_785 = arith.constant 16 : index
        %get3A_786 = tpu.vector_load %arg8[%get3A_783, %get3A_784, %get3A_785] {strides = array<i32>} : memref<2x1600x32xf32, #tpu.memory_space<vmem>>, vector<16xf32>,
        %add3A_787 = arith.addf %add3A_767, %get3A_786 : vector<16xf32>
        %mul3A_788 = arith.constant 50 : i32
        %mul3A_789 = arith.muli %add3A_589, %mul3A_788 : i32
        %add3A_790 = arith.constant 6 : i32
        %add3A_791 = arith.addi %mul3A_789, %add3A_790 : i32
        %get3A_792 = arith.constant 1 : i32
        %get3A_793 = arith.index_cast %get3A_792 : i32 to index
        %get3A_794 = arith.index_cast %add3A_791 : i32 to index
        %get3A_795 = arith.constant 0 : index
        %get3A_796 = tpu.vector_load %arg8[%get3A_793, %get3A_794, %get3A_795] {strides = array<i32>} : memref<2x1600x32xf32, #tpu.memory_space<vmem>>, vector<16xf32>,
        %add3A_797 = arith.addf %add3A_777, %get3A_796 : vector<16xf32>
        %mul3A_798 = arith.constant 50 : i32
        %mul3A_799 = arith.muli %add3A_589, %mul3A_798 : i32
        %add3A_800 = arith.constant 6 : i32
        %add3A_801 = arith.addi %mul3A_799, %add3A_800 : i32
        %get3A_802 = arith.constant 1 : i32
        %get3A_803 = arith.index_cast %get3A_802 : i32 to index
        %get3A_804 = arith.index_cast %add3A_801 : i32 to index
        %get3A_805 = arith.constant 16 : index
        %get3A_806 = tpu.vector_load %arg8[%get3A_803, %get3A_804, %get3A_805] {strides = array<i32>} : memref<2x1600x32xf32, #tpu.memory_space<vmem>>, vector<16xf32>,
        %add3A_807 = arith.addf %add3A_787, %get3A_806 : vector<16xf32>
        %mul3A_808 = arith.constant 50 : i32
        %mul3A_809 = arith.muli %add3A_589, %mul3A_808 : i32
        %add3A_810 = arith.constant 7 : i32
        %add3A_811 = arith.addi %mul3A_809, %add3A_810 : i32
        %get3A_812 = arith.constant 1 : i32
        %get3A_813 = arith.index_cast %get3A_812 : i32 to index
        %get3A_814 = arith.index_cast %add3A_811 : i32 to index
        %get3A_815 = arith.constant 0 : index
        %get3A_816 = tpu.vector_load %arg8[%get3A_813, %get3A_814, %get3A_815] {strides = array<i32>} : memref<2x1600x32xf32, #tpu.memory_space<vmem>>, vector<16xf32>,
        %add3A_817 = arith.addf %add3A_797, %get3A_816 : vector<16xf32>
        %mul3A_818 = arith.constant 50 : i32
        %mul3A_819 = arith.muli %add3A_589, %mul3A_818 : i32
        %add3A_820 = arith.constant 7 : i32
        %add3A_821 = arith.addi %mul3A_819, %add3A_820 : i32
        %get3A_822 = arith.constant 1 : i32
        %get3A_823 = arith.index_cast %get3A_822 : i32 to index
        %get3A_824 = arith.index_cast %add3A_821 : i32 to index
        %get3A_825 = arith.constant 16 : index
        %get3A_826 = tpu.vector_load %arg8[%get3A_823, %get3A_824, %get3A_825] {strides = array<i32>} : memref<2x1600x32xf32, #tpu.memory_space<vmem>>, vector<16xf32>,
        %add3A_827 = arith.addf %add3A_807, %get3A_826 : vector<16xf32>
        %mul3A_828 = arith.constant 50 : i32
        %mul3A_829 = arith.muli %add3A_589, %mul3A_828 : i32
        %add3A_830 = arith.constant 8 : i32
        %add3A_831 = arith.addi %mul3A_829, %add3A_830 : i32
        %get3A_832 = arith.constant 1 : i32
        %get3A_833 = arith.index_cast %get3A_832 : i32 to index
        %get3A_834 = arith.index_cast %add3A_831 : i32 to index
        %get3A_835 = arith.constant 0 : index
        %get3A_836 = tpu.vector_load %arg8[%get3A_833, %get3A_834, %get3A_835] {strides = array<i32>} : memref<2x1600x32xf32, #tpu.memory_space<vmem>>, vector<16xf32>,
        %add3A_837 = arith.addf %add3A_817, %get3A_836 : vector<16xf32>
        %mul3A_838 = arith.constant 50 : i32
        %mul3A_839 = arith.muli %add3A_589, %mul3A_838 : i32
        %add3A_840 = arith.constant 8 : i32
        %add3A_841 = arith.addi %mul3A_839, %add3A_840 : i32
        %get3A_842 = arith.constant 1 : i32
        %get3A_843 = arith.index_cast %get3A_842 : i32 to index
        %get3A_844 = arith.index_cast %add3A_841 : i32 to index
        %get3A_845 = arith.constant 16 : index
        %get3A_846 = tpu.vector_load %arg8[%get3A_843, %get3A_844, %get3A_845] {strides = array<i32>} : memref<2x1600x32xf32, #tpu.memory_space<vmem>>, vector<16xf32>,
        %add3A_847 = arith.addf %add3A_827, %get3A_846 : vector<16xf32>
        %mul3A_848 = arith.constant 50 : i32
        %mul3A_849 = arith.muli %add3A_589, %mul3A_848 : i32
        %add3A_850 = arith.constant 9 : i32
        %add3A_851 = arith.addi %mul3A_849, %add3A_850 : i32
        %get3A_852 = arith.constant 1 : i32
        %get3A_853 = arith.index_cast %get3A_852 : i32 to index
        %get3A_854 = arith.index_cast %add3A_851 : i32 to index
        %get3A_855 = arith.constant 0 : index
        %get3A_856 = tpu.vector_load %arg8[%get3A_853, %get3A_854, %get3A_855] {strides = array<i32>} : memref<2x1600x32xf32, #tpu.memory_space<vmem>>, vector<16xf32>,
        %add3A_857 = arith.addf %add3A_837, %get3A_856 : vector<16xf32>
        %mul3A_858 = arith.constant 50 : i32
        %mul3A_859 = arith.muli %add3A_589, %mul3A_858 : i32
        %add3A_860 = arith.constant 9 : i32
        %add3A_861 = arith.addi %mul3A_859, %add3A_860 : i32
        %get3A_862 = arith.constant 1 : i32
        %get3A_863 = arith.index_cast %get3A_862 : i32 to index
        %get3A_864 = arith.index_cast %add3A_861 : i32 to index
        %get3A_865 = arith.constant 16 : index
        %get3A_866 = tpu.vector_load %arg8[%get3A_863, %get3A_864, %get3A_865] {strides = array<i32>} : memref<2x1600x32xf32, #tpu.memory_space<vmem>>, vector<16xf32>,
        %add3A_867 = arith.addf %add3A_847, %get3A_866 : vector<16xf32>
        %mul3A_868 = arith.constant 50 : i32
        %mul3A_869 = arith.muli %add3A_589, %mul3A_868 : i32
        %add3A_870 = arith.constant 10 : i32
        %add3A_871 = arith.addi %mul3A_869, %add3A_870 : i32
        %get3A_872 = arith.constant 1 : i32
        %get3A_873 = arith.index_cast %get3A_872 : i32 to index
        %get3A_874 = arith.index_cast %add3A_871 : i32 to index
        %get3A_875 = arith.constant 0 : index
        %get3A_876 = tpu.vector_load %arg8[%get3A_873, %get3A_874, %get3A_875] {strides = array<i32>} : memref<2x1600x32xf32, #tpu.memory_space<vmem>>, vector<16xf32>,
        %add3A_877 = arith.addf %add3A_857, %get3A_876 : vector<16xf32>
        %mul3A_878 = arith.constant 50 : i32
        %mul3A_879 = arith.muli %add3A_589, %mul3A_878 : i32
        %add3A_880 = arith.constant 10 : i32
        %add3A_881 = arith.addi %mul3A_879, %add3A_880 : i32
        %get3A_882 = arith.constant 1 : i32
        %get3A_883 = arith.index_cast %get3A_882 : i32 to index
        %get3A_884 = arith.index_cast %add3A_881 : i32 to index
        %get3A_885 = arith.constant 16 : index
        %get3A_886 = tpu.vector_load %arg8[%get3A_883, %get3A_884, %get3A_885] {strides = array<i32>} : memref<2x1600x32xf32, #tpu.memory_space<vmem>>, vector<16xf32>,
        %add3A_887 = arith.addf %add3A_867, %get3A_886 : vector<16xf32>
        %mul3A_888 = arith.constant 50 : i32
        %mul3A_889 = arith.muli %add3A_589, %mul3A_888 : i32
        %add3A_890 = arith.constant 11 : i32
        %add3A_891 = arith.addi %mul3A_889, %add3A_890 : i32
        %get3A_892 = arith.constant 1 : i32
        %get3A_893 = arith.index_cast %get3A_892 : i32 to index
        %get3A_894 = arith.index_cast %add3A_891 : i32 to index
        %get3A_895 = arith.constant 0 : index
        %get3A_896 = tpu.vector_load %arg8[%get3A_893, %get3A_894, %get3A_895] {strides = array<i32>} : memref<2x1600x32xf32, #tpu.memory_space<vmem>>, vector<16xf32>,
        %add3A_897 = arith.addf %add3A_877, %get3A_896 : vector<16xf32>
        %mul3A_898 = arith.constant 50 : i32
        %mul3A_899 = arith.muli %add3A_589, %mul3A_898 : i32
        %add3A_900 = arith.constant 11 : i32
        %add3A_901 = arith.addi %mul3A_899, %add3A_900 : i32
        %get3A_902 = arith.constant 1 : i32
        %get3A_903 = arith.index_cast %get3A_902 : i32 to index
        %get3A_904 = arith.index_cast %add3A_901 : i32 to index
        %get3A_905 = arith.constant 16 : index
        %get3A_906 = tpu.vector_load %arg8[%get3A_903, %get3A_904, %get3A_905] {strides = array<i32>} : memref<2x1600x32xf32, #tpu.memory_space<vmem>>, vector<16xf32>,
        %add3A_907 = arith.addf %add3A_887, %get3A_906 : vector<16xf32>
        %mul3A_908 = arith.constant 50 : i32
        %mul3A_909 = arith.muli %add3A_589, %mul3A_908 : i32
        %add3A_910 = arith.constant 12 : i32
        %add3A_911 = arith.addi %mul3A_909, %add3A_910 : i32
        %get3A_912 = arith.constant 1 : i32
        %get3A_913 = arith.index_cast %get3A_912 : i32 to index
        %get3A_914 = arith.index_cast %add3A_911 : i32 to index
        %get3A_915 = arith.constant 0 : index
        %get3A_916 = tpu.vector_load %arg8[%get3A_913, %get3A_914, %get3A_915] {strides = array<i32>} : memref<2x1600x32xf32, #tpu.memory_space<vmem>>, vector<16xf32>,
        %add3A_917 = arith.addf %add3A_897, %get3A_916 : vector<16xf32>
        %mul3A_918 = arith.constant 50 : i32
        %mul3A_919 = arith.muli %add3A_589, %mul3A_918 : i32
        %add3A_920 = arith.constant 12 : i32
        %add3A_921 = arith.addi %mul3A_919, %add3A_920 : i32
        %get3A_922 = arith.constant 1 : i32
        %get3A_923 = arith.index_cast %get3A_922 : i32 to index
        %get3A_924 = arith.index_cast %add3A_921 : i32 to index
        %get3A_925 = arith.constant 16 : index
        %get3A_926 = tpu.vector_load %arg8[%get3A_923, %get3A_924, %get3A_925] {strides = array<i32>} : memref<2x1600x32xf32, #tpu.memory_space<vmem>>, vector<16xf32>,
        %add3A_927 = arith.addf %add3A_907, %get3A_926 : vector<16xf32>
        %mul3A_928 = arith.constant 50 : i32
        %mul3A_929 = arith.muli %add3A_589, %mul3A_928 : i32
        %add3A_930 = arith.constant 13 : i32
        %add3A_931 = arith.addi %mul3A_929, %add3A_930 : i32
        %get3A_932 = arith.constant 1 : i32
        %get3A_933 = arith.index_cast %get3A_932 : i32 to index
        %get3A_934 = arith.index_cast %add3A_931 : i32 to index
        %get3A_935 = arith.constant 0 : index
        %get3A_936 = tpu.vector_load %arg8[%get3A_933, %get3A_934, %get3A_935] {strides = array<i32>} : memref<2x1600x32xf32, #tpu.memory_space<vmem>>, vector<16xf32>,
        %add3A_937 = arith.addf %add3A_917, %get3A_936 : vector<16xf32>
        %mul3A_938 = arith.constant 50 : i32
        %mul3A_939 = arith.muli %add3A_589, %mul3A_938 : i32
        %add3A_940 = arith.constant 13 : i32
        %add3A_941 = arith.addi %mul3A_939, %add3A_940 : i32
        %get3A_942 = arith.constant 1 : i32
        %get3A_943 = arith.index_cast %get3A_942 : i32 to index
        %get3A_944 = arith.index_cast %add3A_941 : i32 to index
        %get3A_945 = arith.constant 16 : index
        %get3A_946 = tpu.vector_load %arg8[%get3A_943, %get3A_944, %get3A_945] {strides = array<i32>} : memref<2x1600x32xf32, #tpu.memory_space<vmem>>, vector<16xf32>,
        %add3A_947 = arith.addf %add3A_927, %get3A_946 : vector<16xf32>
        %mul3A_948 = arith.constant 50 : i32
        %mul3A_949 = arith.muli %add3A_589, %mul3A_948 : i32
        %add3A_950 = arith.constant 14 : i32
        %add3A_951 = arith.addi %mul3A_949, %add3A_950 : i32
        %get3A_952 = arith.constant 1 : i32
        %get3A_953 = arith.index_cast %get3A_952 : i32 to index
        %get3A_954 = arith.index_cast %add3A_951 : i32 to index
        %get3A_955 = arith.constant 0 : index
        %get3A_956 = tpu.vector_load %arg8[%get3A_953, %get3A_954, %get3A_955] {strides = array<i32>} : memref<2x1600x32xf32, #tpu.memory_space<vmem>>, vector<16xf32>,
        %add3A_957 = arith.addf %add3A_937, %get3A_956 : vector<16xf32>
        %mul3A_958 = arith.constant 50 : i32
        %mul3A_959 = arith.muli %add3A_589, %mul3A_958 : i32
        %add3A_960 = arith.constant 14 : i32
        %add3A_961 = arith.addi %mul3A_959, %add3A_960 : i32
        %get3A_962 = arith.constant 1 : i32
        %get3A_963 = arith.index_cast %get3A_962 : i32 to index
        %get3A_964 = arith.index_cast %add3A_961 : i32 to index
        %get3A_965 = arith.constant 16 : index
        %get3A_966 = tpu.vector_load %arg8[%get3A_963, %get3A_964, %get3A_965] {strides = array<i32>} : memref<2x1600x32xf32, #tpu.memory_space<vmem>>, vector<16xf32>,
        %add3A_967 = arith.addf %add3A_947, %get3A_966 : vector<16xf32>
        %mul3A_968 = arith.constant 50 : i32
        %mul3A_969 = arith.muli %add3A_589, %mul3A_968 : i32
        %add3A_970 = arith.constant 15 : i32
        %add3A_971 = arith.addi %mul3A_969, %add3A_970 : i32
        %get3A_972 = arith.constant 1 : i32
        %get3A_973 = arith.index_cast %get3A_972 : i32 to index
        %get3A_974 = arith.index_cast %add3A_971 : i32 to index
        %get3A_975 = arith.constant 0 : index
        %get3A_976 = tpu.vector_load %arg8[%get3A_973, %get3A_974, %get3A_975] {strides = array<i32>} : memref<2x1600x32xf32, #tpu.memory_space<vmem>>, vector<16xf32>,
        %add3A_977 = arith.addf %add3A_957, %get3A_976 : vector<16xf32>
        %mul3A_978 = arith.constant 50 : i32
        %mul3A_979 = arith.muli %add3A_589, %mul3A_978 : i32
        %add3A_980 = arith.constant 15 : i32
        %add3A_981 = arith.addi %mul3A_979, %add3A_980 : i32
        %get3A_982 = arith.constant 1 : i32
        %get3A_983 = arith.index_cast %get3A_982 : i32 to index
        %get3A_984 = arith.index_cast %add3A_981 : i32 to index
        %get3A_985 = arith.constant 16 : index
        %get3A_986 = tpu.vector_load %arg8[%get3A_983, %get3A_984, %get3A_985] {strides = array<i32>} : memref<2x1600x32xf32, #tpu.memory_space<vmem>>, vector<16xf32>,
        %add3A_987 = arith.addf %add3A_967, %get3A_986 : vector<16xf32>
        %mul3A_988 = arith.constant 50 : i32
        %mul3A_989 = arith.muli %add3A_589, %mul3A_988 : i32
        %add3A_990 = arith.constant 16 : i32
        %add3A_991 = arith.addi %mul3A_989, %add3A_990 : i32
        %get3A_992 = arith.constant 1 : i32
        %get3A_993 = arith.index_cast %get3A_992 : i32 to index
        %get3A_994 = arith.index_cast %add3A_991 : i32 to index
        %get3A_995 = arith.constant 0 : index
        %get3A_996 = tpu.vector_load %arg8[%get3A_993, %get3A_994, %get3A_995] {strides = array<i32>} : memref<2x1600x32xf32, #tpu.memory_space<vmem>>, vector<16xf32>,
        %add3A_997 = arith.addf %add3A_977, %get3A_996 : vector<16xf32>
        %mul3A_998 = arith.constant 50 : i32
        %mul3A_999 = arith.muli %add3A_589, %mul3A_998 : i32
        %add3A_1000 = arith.constant 16 : i32
        %add3A_1001 = arith.addi %mul3A_999, %add3A_1000 : i32
        %get3A_1002 = arith.constant 1 : i32
        %get3A_1003 = arith.index_cast %get3A_1002 : i32 to index
        %get3A_1004 = arith.index_cast %add3A_1001 : i32 to index
        %get3A_1005 = arith.constant 16 : index
        %get3A_1006 = tpu.vector_load %arg8[%get3A_1003, %get3A_1004, %get3A_1005] {strides = array<i32>} : memref<2x1600x32xf32, #tpu.memory_space<vmem>>, vector<16xf32>,
        %add3A_1007 = arith.addf %add3A_987, %get3A_1006 : vector<16xf32>
        %mul3A_1008 = arith.constant 50 : i32
        %mul3A_1009 = arith.muli %add3A_589, %mul3A_1008 : i32
        %add3A_1010 = arith.constant 17 : i32
        %add3A_1011 = arith.addi %mul3A_1009, %add3A_1010 : i32
        %get3A_1012 = arith.constant 1 : i32
        %get3A_1013 = arith.index_cast %get3A_1012 : i32 to index
        %get3A_1014 = arith.index_cast %add3A_1011 : i32 to index
        %get3A_1015 = arith.constant 0 : index
        %get3A_1016 = tpu.vector_load %arg8[%get3A_1013, %get3A_1014, %get3A_1015] {strides = array<i32>} : memref<2x1600x32xf32, #tpu.memory_space<vmem>>, vector<16xf32>,
        %add3A_1017 = arith.addf %add3A_997, %get3A_1016 : vector<16xf32>
        %mul3A_1018 = arith.constant 50 : i32
        %mul3A_1019 = arith.muli %add3A_589, %mul3A_1018 : i32
        %add3A_1020 = arith.constant 17 : i32
        %add3A_1021 = arith.addi %mul3A_1019, %add3A_1020 : i32
        %get3A_1022 = arith.constant 1 : i32
        %get3A_1023 = arith.index_cast %get3A_1022 : i32 to index
        %get3A_1024 = arith.index_cast %add3A_1021 : i32 to index
        %get3A_1025 = arith.constant 16 : index
        %get3A_1026 = tpu.vector_load %arg8[%get3A_1023, %get3A_1024, %get3A_1025] {strides = array<i32>} : memref<2x1600x32xf32, #tpu.memory_space<vmem>>, vector<16xf32>,
        %add3A_1027 = arith.addf %add3A_1007, %get3A_1026 : vector<16xf32>
        %mul3A_1028 = arith.constant 50 : i32
        %mul3A_1029 = arith.muli %add3A_589, %mul3A_1028 : i32
        %add3A_1030 = arith.constant 18 : i32
        %add3A_1031 = arith.addi %mul3A_1029, %add3A_1030 : i32
        %get3A_1032 = arith.constant 1 : i32
        %get3A_1033 = arith.index_cast %get3A_1032 : i32 to index
        %get3A_1034 = arith.index_cast %add3A_1031 : i32 to index
        %get3A_1035 = arith.constant 0 : index
        %get3A_1036 = tpu.vector_load %arg8[%get3A_1033, %get3A_1034, %get3A_1035] {strides = array<i32>} : memref<2x1600x32xf32, #tpu.memory_space<vmem>>, vector<16xf32>,
        %add3A_1037 = arith.addf %add3A_1017, %get3A_1036 : vector<16xf32>
        %mul3A_1038 = arith.constant 50 : i32
        %mul3A_1039 = arith.muli %add3A_589, %mul3A_1038 : i32
        %add3A_1040 = arith.constant 18 : i32
        %add3A_1041 = arith.addi %mul3A_1039, %add3A_1040 : i32
        %get3A_1042 = arith.constant 1 : i32
        %get3A_1043 = arith.index_cast %get3A_1042 : i32 to index
        %get3A_1044 = arith.index_cast %add3A_1041 : i32 to index
        %get3A_1045 = arith.constant 16 : index
        %get3A_1046 = tpu.vector_load %arg8[%get3A_1043, %get3A_1044, %get3A_1045] {strides = array<i32>} : memref<2x1600x32xf32, #tpu.memory_space<vmem>>, vector<16xf32>,
        %add3A_1047 = arith.addf %add3A_1027, %get3A_1046 : vector<16xf32>
        %mul3A_1048 = arith.constant 50 : i32
        %mul3A_1049 = arith.muli %add3A_589, %mul3A_1048 : i32
        %add3A_1050 = arith.constant 19 : i32
        %add3A_1051 = arith.addi %mul3A_1049, %add3A_1050 : i32
        %get3A_1052 = arith.constant 1 : i32
        %get3A_1053 = arith.index_cast %get3A_1052 : i32 to index
        %get3A_1054 = arith.index_cast %add3A_1051 : i32 to index
        %get3A_1055 = arith.constant 0 : index
        %get3A_1056 = tpu.vector_load %arg8[%get3A_1053, %get3A_1054, %get3A_1055] {strides = array<i32>} : memref<2x1600x32xf32, #tpu.memory_space<vmem>>, vector<16xf32>,
        %add3A_1057 = arith.addf %add3A_1037, %get3A_1056 : vector<16xf32>
        %mul3A_1058 = arith.constant 50 : i32
        %mul3A_1059 = arith.muli %add3A_589, %mul3A_1058 : i32
        %add3A_1060 = arith.constant 19 : i32
        %add3A_1061 = arith.addi %mul3A_1059, %add3A_1060 : i32
        %get3A_1062 = arith.constant 1 : i32
        %get3A_1063 = arith.index_cast %get3A_1062 : i32 to index
        %get3A_1064 = arith.index_cast %add3A_1061 : i32 to index
        %get3A_1065 = arith.constant 16 : index
        %get3A_1066 = tpu.vector_load %arg8[%get3A_1063, %get3A_1064, %get3A_1065] {strides = array<i32>} : memref<2x1600x32xf32, #tpu.memory_space<vmem>>, vector<16xf32>,
        %add3A_1067 = arith.addf %add3A_1047, %get3A_1066 : vector<16xf32>
        %mul3A_1068 = arith.constant 50 : i32
        %mul3A_1069 = arith.muli %add3A_589, %mul3A_1068 : i32
        %add3A_1070 = arith.constant 20 : i32
        %add3A_1071 = arith.addi %mul3A_1069, %add3A_1070 : i32
        %get3A_1072 = arith.constant 1 : i32
        %get3A_1073 = arith.index_cast %get3A_1072 : i32 to index
        %get3A_1074 = arith.index_cast %add3A_1071 : i32 to index
        %get3A_1075 = arith.constant 0 : index
        %get3A_1076 = tpu.vector_load %arg8[%get3A_1073, %get3A_1074, %get3A_1075] {strides = array<i32>} : memref<2x1600x32xf32, #tpu.memory_space<vmem>>, vector<16xf32>,
        %add3A_1077 = arith.addf %add3A_1057, %get3A_1076 : vector<16xf32>
        %mul3A_1078 = arith.constant 50 : i32
        %mul3A_1079 = arith.muli %add3A_589, %mul3A_1078 : i32
        %add3A_1080 = arith.constant 20 : i32
        %add3A_1081 = arith.addi %mul3A_1079, %add3A_1080 : i32
        %get3A_1082 = arith.constant 1 : i32
        %get3A_1083 = arith.index_cast %get3A_1082 : i32 to index
        %get3A_1084 = arith.index_cast %add3A_1081 : i32 to index
        %get3A_1085 = arith.constant 16 : index
        %get3A_1086 = tpu.vector_load %arg8[%get3A_1083, %get3A_1084, %get3A_1085] {strides = array<i32>} : memref<2x1600x32xf32, #tpu.memory_space<vmem>>, vector<16xf32>,
        %add3A_1087 = arith.addf %add3A_1067, %get3A_1086 : vector<16xf32>
        %mul3A_1088 = arith.constant 50 : i32
        %mul3A_1089 = arith.muli %add3A_589, %mul3A_1088 : i32
        %add3A_1090 = arith.constant 21 : i32
        %add3A_1091 = arith.addi %mul3A_1089, %add3A_1090 : i32
        %get3A_1092 = arith.constant 1 : i32
        %get3A_1093 = arith.index_cast %get3A_1092 : i32 to index
        %get3A_1094 = arith.index_cast %add3A_1091 : i32 to index
        %get3A_1095 = arith.constant 0 : index
        %get3A_1096 = tpu.vector_load %arg8[%get3A_1093, %get3A_1094, %get3A_1095] {strides = array<i32>} : memref<2x1600x32xf32, #tpu.memory_space<vmem>>, vector<16xf32>,
        %add3A_1097 = arith.addf %add3A_1077, %get3A_1096 : vector<16xf32>
        %mul3A_1098 = arith.constant 50 : i32
        %mul3A_1099 = arith.muli %add3A_589, %mul3A_1098 : i32
        %add3A_1100 = arith.constant 21 : i32
        %add3A_1101 = arith.addi %mul3A_1099, %add3A_1100 : i32
        %get3A_1102 = arith.constant 1 : i32
        %get3A_1103 = arith.index_cast %get3A_1102 : i32 to index
        %get3A_1104 = arith.index_cast %add3A_1101 : i32 to index
        %get3A_1105 = arith.constant 16 : index
        %get3A_1106 = tpu.vector_load %arg8[%get3A_1103, %get3A_1104, %get3A_1105] {strides = array<i32>} : memref<2x1600x32xf32, #tpu.memory_space<vmem>>, vector<16xf32>,
        %add3A_1107 = arith.addf %add3A_1087, %get3A_1106 : vector<16xf32>
        %mul3A_1108 = arith.constant 50 : i32
        %mul3A_1109 = arith.muli %add3A_589, %mul3A_1108 : i32
        %add3A_1110 = arith.constant 22 : i32
        %add3A_1111 = arith.addi %mul3A_1109, %add3A_1110 : i32
        %get3A_1112 = arith.constant 1 : i32
        %get3A_1113 = arith.index_cast %get3A_1112 : i32 to index
        %get3A_1114 = arith.index_cast %add3A_1111 : i32 to index
        %get3A_1115 = arith.constant 0 : index
        %get3A_1116 = tpu.vector_load %arg8[%get3A_1113, %get3A_1114, %get3A_1115] {strides = array<i32>} : memref<2x1600x32xf32, #tpu.memory_space<vmem>>, vector<16xf32>,
        %add3A_1117 = arith.addf %add3A_1097, %get3A_1116 : vector<16xf32>
        %mul3A_1118 = arith.constant 50 : i32
        %mul3A_1119 = arith.muli %add3A_589, %mul3A_1118 : i32
        %add3A_1120 = arith.constant 22 : i32
        %add3A_1121 = arith.addi %mul3A_1119, %add3A_1120 : i32
        %get3A_1122 = arith.constant 1 : i32
        %get3A_1123 = arith.index_cast %get3A_1122 : i32 to index
        %get3A_1124 = arith.index_cast %add3A_1121 : i32 to index
        %get3A_1125 = arith.constant 16 : index
        %get3A_1126 = tpu.vector_load %arg8[%get3A_1123, %get3A_1124, %get3A_1125] {strides = array<i32>} : memref<2x1600x32xf32, #tpu.memory_space<vmem>>, vector<16xf32>,
        %add3A_1127 = arith.addf %add3A_1107, %get3A_1126 : vector<16xf32>
        %mul3A_1128 = arith.constant 50 : i32
        %mul3A_1129 = arith.muli %add3A_589, %mul3A_1128 : i32
        %add3A_1130 = arith.constant 23 : i32
        %add3A_1131 = arith.addi %mul3A_1129, %add3A_1130 : i32
        %get3A_1132 = arith.constant 1 : i32
        %get3A_1133 = arith.index_cast %get3A_1132 : i32 to index
        %get3A_1134 = arith.index_cast %add3A_1131 : i32 to index
        %get3A_1135 = arith.constant 0 : index
        %get3A_1136 = tpu.vector_load %arg8[%get3A_1133, %get3A_1134, %get3A_1135] {strides = array<i32>} : memref<2x1600x32xf32, #tpu.memory_space<vmem>>, vector<16xf32>,
        %add3A_1137 = arith.addf %add3A_1117, %get3A_1136 : vector<16xf32>
        %mul3A_1138 = arith.constant 50 : i32
        %mul3A_1139 = arith.muli %add3A_589, %mul3A_1138 : i32
        %add3A_1140 = arith.constant 23 : i32
        %add3A_1141 = arith.addi %mul3A_1139, %add3A_1140 : i32
        %get3A_1142 = arith.constant 1 : i32
        %get3A_1143 = arith.index_cast %get3A_1142 : i32 to index
        %get3A_1144 = arith.index_cast %add3A_1141 : i32 to index
        %get3A_1145 = arith.constant 16 : index
        %get3A_1146 = tpu.vector_load %arg8[%get3A_1143, %get3A_1144, %get3A_1145] {strides = array<i32>} : memref<2x1600x32xf32, #tpu.memory_space<vmem>>, vector<16xf32>,
        %add3A_1147 = arith.addf %add3A_1127, %get3A_1146 : vector<16xf32>
        %mul3A_1148 = arith.constant 50 : i32
        %mul3A_1149 = arith.muli %add3A_589, %mul3A_1148 : i32
        %add3A_1150 = arith.constant 24 : i32
        %add3A_1151 = arith.addi %mul3A_1149, %add3A_1150 : i32
        %get3A_1152 = arith.constant 1 : i32
        %get3A_1153 = arith.index_cast %get3A_1152 : i32 to index
        %get3A_1154 = arith.index_cast %add3A_1151 : i32 to index
        %get3A_1155 = arith.constant 0 : index
        %get3A_1156 = tpu.vector_load %arg8[%get3A_1153, %get3A_1154, %get3A_1155] {strides = array<i32>} : memref<2x1600x32xf32, #tpu.memory_space<vmem>>, vector<16xf32>,
        %add3A_1157 = arith.addf %add3A_1137, %get3A_1156 : vector<16xf32>
        %mul3A_1158 = arith.constant 50 : i32
        %mul3A_1159 = arith.muli %add3A_589, %mul3A_1158 : i32
        %add3A_1160 = arith.constant 24 : i32
        %add3A_1161 = arith.addi %mul3A_1159, %add3A_1160 : i32
        %get3A_1162 = arith.constant 1 : i32
        %get3A_1163 = arith.index_cast %get3A_1162 : i32 to index
        %get3A_1164 = arith.index_cast %add3A_1161 : i32 to index
        %get3A_1165 = arith.constant 16 : index
        %get3A_1166 = tpu.vector_load %arg8[%get3A_1163, %get3A_1164, %get3A_1165] {strides = array<i32>} : memref<2x1600x32xf32, #tpu.memory_space<vmem>>, vector<16xf32>,
        %add3A_1167 = arith.addf %add3A_1147, %get3A_1166 : vector<16xf32>
        %mul3A_1168 = arith.constant 50 : i32
        %mul3A_1169 = arith.muli %add3A_589, %mul3A_1168 : i32
        %add3A_1170 = arith.constant 25 : i32
        %add3A_1171 = arith.addi %mul3A_1169, %add3A_1170 : i32
        %get3A_1172 = arith.constant 1 : i32
        %get3A_1173 = arith.index_cast %get3A_1172 : i32 to index
        %get3A_1174 = arith.index_cast %add3A_1171 : i32 to index
        %get3A_1175 = arith.constant 0 : index
        %get3A_1176 = tpu.vector_load %arg8[%get3A_1173, %get3A_1174, %get3A_1175] {strides = array<i32>} : memref<2x1600x32xf32, #tpu.memory_space<vmem>>, vector<16xf32>,
        %add3A_1177 = arith.addf %add3A_1157, %get3A_1176 : vector<16xf32>
        %mul3A_1178 = arith.constant 50 : i32
        %mul3A_1179 = arith.muli %add3A_589, %mul3A_1178 : i32
        %add3A_1180 = arith.constant 25 : i32
        %add3A_1181 = arith.addi %mul3A_1179, %add3A_1180 : i32
        %get3A_1182 = arith.constant 1 : i32
        %get3A_1183 = arith.index_cast %get3A_1182 : i32 to index
        %get3A_1184 = arith.index_cast %add3A_1181 : i32 to index
        %get3A_1185 = arith.constant 16 : index
        %get3A_1186 = tpu.vector_load %arg8[%get3A_1183, %get3A_1184, %get3A_1185] {strides = array<i32>} : memref<2x1600x32xf32, #tpu.memory_space<vmem>>, vector<16xf32>,
        %add3A_1187 = arith.addf %add3A_1167, %get3A_1186 : vector<16xf32>
        %mul3A_1188 = arith.constant 50 : i32
        %mul3A_1189 = arith.muli %add3A_589, %mul3A_1188 : i32
        %add3A_1190 = arith.constant 26 : i32
        %add3A_1191 = arith.addi %mul3A_1189, %add3A_1190 : i32
        %get3A_1192 = arith.constant 1 : i32
        %get3A_1193 = arith.index_cast %get3A_1192 : i32 to index
        %get3A_1194 = arith.index_cast %add3A_1191 : i32 to index
        %get3A_1195 = arith.constant 0 : index
        %get3A_1196 = tpu.vector_load %arg8[%get3A_1193, %get3A_1194, %get3A_1195] {strides = array<i32>} : memref<2x1600x32xf32, #tpu.memory_space<vmem>>, vector<16xf32>,
        %add3A_1197 = arith.addf %add3A_1177, %get3A_1196 : vector<16xf32>
        %mul3A_1198 = arith.constant 50 : i32
        %mul3A_1199 = arith.muli %add3A_589, %mul3A_1198 : i32
        %add3A_1200 = arith.constant 26 : i32
        %add3A_1201 = arith.addi %mul3A_1199, %add3A_1200 : i32
        %get3A_1202 = arith.constant 1 : i32
        %get3A_1203 = arith.index_cast %get3A_1202 : i32 to index
        %get3A_1204 = arith.index_cast %add3A_1201 : i32 to index
        %get3A_1205 = arith.constant 16 : index
        %get3A_1206 = tpu.vector_load %arg8[%get3A_1203, %get3A_1204, %get3A_1205] {strides = array<i32>} : memref<2x1600x32xf32, #tpu.memory_space<vmem>>, vector<16xf32>,
        %add3A_1207 = arith.addf %add3A_1187, %get3A_1206 : vector<16xf32>
        %mul3A_1208 = arith.constant 50 : i32
        %mul3A_1209 = arith.muli %add3A_589, %mul3A_1208 : i32
        %add3A_1210 = arith.constant 27 : i32
        %add3A_1211 = arith.addi %mul3A_1209, %add3A_1210 : i32
        %get3A_1212 = arith.constant 1 : i32
        %get3A_1213 = arith.index_cast %get3A_1212 : i32 to index
        %get3A_1214 = arith.index_cast %add3A_1211 : i32 to index
        %get3A_1215 = arith.constant 0 : index
        %get3A_1216 = tpu.vector_load %arg8[%get3A_1213, %get3A_1214, %get3A_1215] {strides = array<i32>} : memref<2x1600x32xf32, #tpu.memory_space<vmem>>, vector<16xf32>,
        %add3A_1217 = arith.addf %add3A_1197, %get3A_1216 : vector<16xf32>
        %mul3A_1218 = arith.constant 50 : i32
        %mul3A_1219 = arith.muli %add3A_589, %mul3A_1218 : i32
        %add3A_1220 = arith.constant 27 : i32
        %add3A_1221 = arith.addi %mul3A_1219, %add3A_1220 : i32
        %get3A_1222 = arith.constant 1 : i32
        %get3A_1223 = arith.index_cast %get3A_1222 : i32 to index
        %get3A_1224 = arith.index_cast %add3A_1221 : i32 to index
        %get3A_1225 = arith.constant 16 : index
        %get3A_1226 = tpu.vector_load %arg8[%get3A_1223, %get3A_1224, %get3A_1225] {strides = array<i32>} : memref<2x1600x32xf32, #tpu.memory_space<vmem>>, vector<16xf32>,
        %add3A_1227 = arith.addf %add3A_1207, %get3A_1226 : vector<16xf32>
        %mul3A_1228 = arith.constant 50 : i32
        %mul3A_1229 = arith.muli %add3A_589, %mul3A_1228 : i32
        %add3A_1230 = arith.constant 28 : i32
        %add3A_1231 = arith.addi %mul3A_1229, %add3A_1230 : i32
        %get3A_1232 = arith.constant 1 : i32
        %get3A_1233 = arith.index_cast %get3A_1232 : i32 to index
        %get3A_1234 = arith.index_cast %add3A_1231 : i32 to index
        %get3A_1235 = arith.constant 0 : index
        %get3A_1236 = tpu.vector_load %arg8[%get3A_1233, %get3A_1234, %get3A_1235] {strides = array<i32>} : memref<2x1600x32xf32, #tpu.memory_space<vmem>>, vector<16xf32>,
        %add3A_1237 = arith.addf %add3A_1217, %get3A_1236 : vector<16xf32>
        %mul3A_1238 = arith.constant 50 : i32
        %mul3A_1239 = arith.muli %add3A_589, %mul3A_1238 : i32
        %add3A_1240 = arith.constant 28 : i32
        %add3A_1241 = arith.addi %mul3A_1239, %add3A_1240 : i32
        %get3A_1242 = arith.constant 1 : i32
        %get3A_1243 = arith.index_cast %get3A_1242 : i32 to index
        %get3A_1244 = arith.index_cast %add3A_1241 : i32 to index
        %get3A_1245 = arith.constant 16 : index
        %get3A_1246 = tpu.vector_load %arg8[%get3A_1243, %get3A_1244, %get3A_1245] {strides = array<i32>} : memref<2x1600x32xf32, #tpu.memory_space<vmem>>, vector<16xf32>,
        %add3A_1247 = arith.addf %add3A_1227, %get3A_1246 : vector<16xf32>
        %mul3A_1248 = arith.constant 50 : i32
        %mul3A_1249 = arith.muli %add3A_589, %mul3A_1248 : i32
        %add3A_1250 = arith.constant 29 : i32
        %add3A_1251 = arith.addi %mul3A_1249, %add3A_1250 : i32
        %get3A_1252 = arith.constant 1 : i32
        %get3A_1253 = arith.index_cast %get3A_1252 : i32 to index
        %get3A_1254 = arith.index_cast %add3A_1251 : i32 to index
        %get3A_1255 = arith.constant 0 : index
        %get3A_1256 = tpu.vector_load %arg8[%get3A_1253, %get3A_1254, %get3A_1255] {strides = array<i32>} : memref<2x1600x32xf32, #tpu.memory_space<vmem>>, vector<16xf32>,
        %add3A_1257 = arith.addf %add3A_1237, %get3A_1256 : vector<16xf32>
        %mul3A_1258 = arith.constant 50 : i32
        %mul3A_1259 = arith.muli %add3A_589, %mul3A_1258 : i32
        %add3A_1260 = arith.constant 29 : i32
        %add3A_1261 = arith.addi %mul3A_1259, %add3A_1260 : i32
        %get3A_1262 = arith.constant 1 : i32
        %get3A_1263 = arith.index_cast %get3A_1262 : i32 to index
        %get3A_1264 = arith.index_cast %add3A_1261 : i32 to index
        %get3A_1265 = arith.constant 16 : index
        %get3A_1266 = tpu.vector_load %arg8[%get3A_1263, %get3A_1264, %get3A_1265] {strides = array<i32>} : memref<2x1600x32xf32, #tpu.memory_space<vmem>>, vector<16xf32>,
        %add3A_1267 = arith.addf %add3A_1247, %get3A_1266 : vector<16xf32>
        %mul3A_1268 = arith.constant 50 : i32
        %mul3A_1269 = arith.muli %add3A_589, %mul3A_1268 : i32
        %add3A_1270 = arith.constant 30 : i32
        %add3A_1271 = arith.addi %mul3A_1269, %add3A_1270 : i32
        %get3A_1272 = arith.constant 1 : i32
        %get3A_1273 = arith.index_cast %get3A_1272 : i32 to index
        %get3A_1274 = arith.index_cast %add3A_1271 : i32 to index
        %get3A_1275 = arith.constant 0 : index
        %get3A_1276 = tpu.vector_load %arg8[%get3A_1273, %get3A_1274, %get3A_1275] {strides = array<i32>} : memref<2x1600x32xf32, #tpu.memory_space<vmem>>, vector<16xf32>,
        %add3A_1277 = arith.addf %add3A_1257, %get3A_1276 : vector<16xf32>
        %mul3A_1278 = arith.constant 50 : i32
        %mul3A_1279 = arith.muli %add3A_589, %mul3A_1278 : i32
        %add3A_1280 = arith.constant 30 : i32
        %add3A_1281 = arith.addi %mul3A_1279, %add3A_1280 : i32
        %get3A_1282 = arith.constant 1 : i32
        %get3A_1283 = arith.index_cast %get3A_1282 : i32 to index
        %get3A_1284 = arith.index_cast %add3A_1281 : i32 to index
        %get3A_1285 = arith.constant 16 : index
        %get3A_1286 = tpu.vector_load %arg8[%get3A_1283, %get3A_1284, %get3A_1285] {strides = array<i32>} : memref<2x1600x32xf32, #tpu.memory_space<vmem>>, vector<16xf32>,
        %add3A_1287 = arith.addf %add3A_1267, %get3A_1286 : vector<16xf32>
        %mul3A_1288 = arith.constant 50 : i32
        %mul3A_1289 = arith.muli %add3A_589, %mul3A_1288 : i32
        %add3A_1290 = arith.constant 31 : i32
        %add3A_1291 = arith.addi %mul3A_1289, %add3A_1290 : i32
        %get3A_1292 = arith.constant 1 : i32
        %get3A_1293 = arith.index_cast %get3A_1292 : i32 to index
        %get3A_1294 = arith.index_cast %add3A_1291 : i32 to index
        %get3A_1295 = arith.constant 0 : index
        %get3A_1296 = tpu.vector_load %arg8[%get3A_1293, %get3A_1294, %get3A_1295] {strides = array<i32>} : memref<2x1600x32xf32, #tpu.memory_space<vmem>>, vector<16xf32>,
        %add3A_1297 = arith.addf %add3A_1277, %get3A_1296 : vector<16xf32>
        %mul3A_1298 = arith.constant 50 : i32
        %mul3A_1299 = arith.muli %add3A_589, %mul3A_1298 : i32
        %add3A_1300 = arith.constant 31 : i32
        %add3A_1301 = arith.addi %mul3A_1299, %add3A_1300 : i32
        %get3A_1302 = arith.constant 1 : i32
        %get3A_1303 = arith.index_cast %get3A_1302 : i32 to index
        %get3A_1304 = arith.index_cast %add3A_1301 : i32 to index
        %get3A_1305 = arith.constant 16 : index
        %get3A_1306 = tpu.vector_load %arg8[%get3A_1303, %get3A_1304, %get3A_1305] {strides = array<i32>} : memref<2x1600x32xf32, #tpu.memory_space<vmem>>, vector<16xf32>,
        %add3A_1307 = arith.addf %add3A_1287, %get3A_1306 : vector<16xf32>
        %mul3A_1308 = arith.constant 50 : i32
        %mul3A_1309 = arith.muli %add3A_589, %mul3A_1308 : i32
        %add3A_1310 = arith.constant 32 : i32
        %add3A_1311 = arith.addi %mul3A_1309, %add3A_1310 : i32
        %get3A_1312 = arith.constant 1 : i32
        %get3A_1313 = arith.index_cast %get3A_1312 : i32 to index
        %get3A_1314 = arith.index_cast %add3A_1311 : i32 to index
        %get3A_1315 = arith.constant 0 : index
        %get3A_1316 = tpu.vector_load %arg8[%get3A_1313, %get3A_1314, %get3A_1315] {strides = array<i32>} : memref<2x1600x32xf32, #tpu.memory_space<vmem>>, vector<16xf32>,
        %add3A_1317 = arith.addf %add3A_1297, %get3A_1316 : vector<16xf32>
        %mul3A_1318 = arith.constant 50 : i32
        %mul3A_1319 = arith.muli %add3A_589, %mul3A_1318 : i32
        %add3A_1320 = arith.constant 32 : i32
        %add3A_1321 = arith.addi %mul3A_1319, %add3A_1320 : i32
        %get3A_1322 = arith.constant 1 : i32
        %get3A_1323 = arith.index_cast %get3A_1322 : i32 to index
        %get3A_1324 = arith.index_cast %add3A_1321 : i32 to index
        %get3A_1325 = arith.constant 16 : index
        %get3A_1326 = tpu.vector_load %arg8[%get3A_1323, %get3A_1324, %get3A_1325] {strides = array<i32>} : memref<2x1600x32xf32, #tpu.memory_space<vmem>>, vector<16xf32>,
        %add3A_1327 = arith.addf %add3A_1307, %get3A_1326 : vector<16xf32>
        %mul3A_1328 = arith.constant 50 : i32
        %mul3A_1329 = arith.muli %add3A_589, %mul3A_1328 : i32
        %add3A_1330 = arith.constant 33 : i32
        %add3A_1331 = arith.addi %mul3A_1329, %add3A_1330 : i32
        %get3A_1332 = arith.constant 1 : i32
        %get3A_1333 = arith.index_cast %get3A_1332 : i32 to index
        %get3A_1334 = arith.index_cast %add3A_1331 : i32 to index
        %get3A_1335 = arith.constant 0 : index
        %get3A_1336 = tpu.vector_load %arg8[%get3A_1333, %get3A_1334, %get3A_1335] {strides = array<i32>} : memref<2x1600x32xf32, #tpu.memory_space<vmem>>, vector<16xf32>,
        %add3A_1337 = arith.addf %add3A_1317, %get3A_1336 : vector<16xf32>
        %mul3A_1338 = arith.constant 50 : i32
        %mul3A_1339 = arith.muli %add3A_589, %mul3A_1338 : i32
        %add3A_1340 = arith.constant 33 : i32
        %add3A_1341 = arith.addi %mul3A_1339, %add3A_1340 : i32
        %get3A_1342 = arith.constant 1 : i32
        %get3A_1343 = arith.index_cast %get3A_1342 : i32 to index
        %get3A_1344 = arith.index_cast %add3A_1341 : i32 to index
        %get3A_1345 = arith.constant 16 : index
        %get3A_1346 = tpu.vector_load %arg8[%get3A_1343, %get3A_1344, %get3A_1345] {strides = array<i32>} : memref<2x1600x32xf32, #tpu.memory_space<vmem>>, vector<16xf32>,
        %add3A_1347 = arith.addf %add3A_1327, %get3A_1346 : vector<16xf32>
        %mul3A_1348 = arith.constant 50 : i32
        %mul3A_1349 = arith.muli %add3A_589, %mul3A_1348 : i32
        %add3A_1350 = arith.constant 34 : i32
        %add3A_1351 = arith.addi %mul3A_1349, %add3A_1350 : i32
        %get3A_1352 = arith.constant 1 : i32
        %get3A_1353 = arith.index_cast %get3A_1352 : i32 to index
        %get3A_1354 = arith.index_cast %add3A_1351 : i32 to index
        %get3A_1355 = arith.constant 0 : index
        %get3A_1356 = tpu.vector_load %arg8[%get3A_1353, %get3A_1354, %get3A_1355] {strides = array<i32>} : memref<2x1600x32xf32, #tpu.memory_space<vmem>>, vector<16xf32>,
        %add3A_1357 = arith.addf %add3A_1337, %get3A_1356 : vector<16xf32>
        %mul3A_1358 = arith.constant 50 : i32
        %mul3A_1359 = arith.muli %add3A_589, %mul3A_1358 : i32
        %add3A_1360 = arith.constant 34 : i32
        %add3A_1361 = arith.addi %mul3A_1359, %add3A_1360 : i32
        %get3A_1362 = arith.constant 1 : i32
        %get3A_1363 = arith.index_cast %get3A_1362 : i32 to index
        %get3A_1364 = arith.index_cast %add3A_1361 : i32 to index
        %get3A_1365 = arith.constant 16 : index
        %get3A_1366 = tpu.vector_load %arg8[%get3A_1363, %get3A_1364, %get3A_1365] {strides = array<i32>} : memref<2x1600x32xf32, #tpu.memory_space<vmem>>, vector<16xf32>,
        %add3A_1367 = arith.addf %add3A_1347, %get3A_1366 : vector<16xf32>
        %mul3A_1368 = arith.constant 50 : i32
        %mul3A_1369 = arith.muli %add3A_589, %mul3A_1368 : i32
        %add3A_1370 = arith.constant 35 : i32
        %add3A_1371 = arith.addi %mul3A_1369, %add3A_1370 : i32
        %get3A_1372 = arith.constant 1 : i32
        %get3A_1373 = arith.index_cast %get3A_1372 : i32 to index
        %get3A_1374 = arith.index_cast %add3A_1371 : i32 to index
        %get3A_1375 = arith.constant 0 : index
        %get3A_1376 = tpu.vector_load %arg8[%get3A_1373, %get3A_1374, %get3A_1375] {strides = array<i32>} : memref<2x1600x32xf32, #tpu.memory_space<vmem>>, vector<16xf32>,
        %add3A_1377 = arith.addf %add3A_1357, %get3A_1376 : vector<16xf32>
        %mul3A_1378 = arith.constant 50 : i32
        %mul3A_1379 = arith.muli %add3A_589, %mul3A_1378 : i32
        %add3A_1380 = arith.constant 35 : i32
        %add3A_1381 = arith.addi %mul3A_1379, %add3A_1380 : i32
        %get3A_1382 = arith.constant 1 : i32
        %get3A_1383 = arith.index_cast %get3A_1382 : i32 to index
        %get3A_1384 = arith.index_cast %add3A_1381 : i32 to index
        %get3A_1385 = arith.constant 16 : index
        %get3A_1386 = tpu.vector_load %arg8[%get3A_1383, %get3A_1384, %get3A_1385] {strides = array<i32>} : memref<2x1600x32xf32, #tpu.memory_space<vmem>>, vector<16xf32>,
        %add3A_1387 = arith.addf %add3A_1367, %get3A_1386 : vector<16xf32>
        %mul3A_1388 = arith.constant 50 : i32
        %mul3A_1389 = arith.muli %add3A_589, %mul3A_1388 : i32
        %add3A_1390 = arith.constant 36 : i32
        %add3A_1391 = arith.addi %mul3A_1389, %add3A_1390 : i32
        %get3A_1392 = arith.constant 1 : i32
        %get3A_1393 = arith.index_cast %get3A_1392 : i32 to index
        %get3A_1394 = arith.index_cast %add3A_1391 : i32 to index
        %get3A_1395 = arith.constant 0 : index
        %get3A_1396 = tpu.vector_load %arg8[%get3A_1393, %get3A_1394, %get3A_1395] {strides = array<i32>} : memref<2x1600x32xf32, #tpu.memory_space<vmem>>, vector<16xf32>,
        %add3A_1397 = arith.addf %add3A_1377, %get3A_1396 : vector<16xf32>
        %mul3A_1398 = arith.constant 50 : i32
        %mul3A_1399 = arith.muli %add3A_589, %mul3A_1398 : i32
        %add3A_1400 = arith.constant 36 : i32
        %add3A_1401 = arith.addi %mul3A_1399, %add3A_1400 : i32
        %get3A_1402 = arith.constant 1 : i32
        %get3A_1403 = arith.index_cast %get3A_1402 : i32 to index
        %get3A_1404 = arith.index_cast %add3A_1401 : i32 to index
        %get3A_1405 = arith.constant 16 : index
        %get3A_1406 = tpu.vector_load %arg8[%get3A_1403, %get3A_1404, %get3A_1405] {strides = array<i32>} : memref<2x1600x32xf32, #tpu.memory_space<vmem>>, vector<16xf32>,
        %add3A_1407 = arith.addf %add3A_1387, %get3A_1406 : vector<16xf32>
        %mul3A_1408 = arith.constant 50 : i32
        %mul3A_1409 = arith.muli %add3A_589, %mul3A_1408 : i32
        %add3A_1410 = arith.constant 37 : i32
        %add3A_1411 = arith.addi %mul3A_1409, %add3A_1410 : i32
        %get3A_1412 = arith.constant 1 : i32
        %get3A_1413 = arith.index_cast %get3A_1412 : i32 to index
        %get3A_1414 = arith.index_cast %add3A_1411 : i32 to index
        %get3A_1415 = arith.constant 0 : index
        %get3A_1416 = tpu.vector_load %arg8[%get3A_1413, %get3A_1414, %get3A_1415] {strides = array<i32>} : memref<2x1600x32xf32, #tpu.memory_space<vmem>>, vector<16xf32>,
        %add3A_1417 = arith.addf %add3A_1397, %get3A_1416 : vector<16xf32>
        %mul3A_1418 = arith.constant 50 : i32
        %mul3A_1419 = arith.muli %add3A_589, %mul3A_1418 : i32
        %add3A_1420 = arith.constant 37 : i32
        %add3A_1421 = arith.addi %mul3A_1419, %add3A_1420 : i32
        %get3A_1422 = arith.constant 1 : i32
        %get3A_1423 = arith.index_cast %get3A_1422 : i32 to index
        %get3A_1424 = arith.index_cast %add3A_1421 : i32 to index
        %get3A_1425 = arith.constant 16 : index
        %get3A_1426 = tpu.vector_load %arg8[%get3A_1423, %get3A_1424, %get3A_1425] {strides = array<i32>} : memref<2x1600x32xf32, #tpu.memory_space<vmem>>, vector<16xf32>,
        %add3A_1427 = arith.addf %add3A_1407, %get3A_1426 : vector<16xf32>
        %mul3A_1428 = arith.constant 50 : i32
        %mul3A_1429 = arith.muli %add3A_589, %mul3A_1428 : i32
        %add3A_1430 = arith.constant 38 : i32
        %add3A_1431 = arith.addi %mul3A_1429, %add3A_1430 : i32
        %get3A_1432 = arith.constant 1 : i32
        %get3A_1433 = arith.index_cast %get3A_1432 : i32 to index
        %get3A_1434 = arith.index_cast %add3A_1431 : i32 to index
        %get3A_1435 = arith.constant 0 : index
        %get3A_1436 = tpu.vector_load %arg8[%get3A_1433, %get3A_1434, %get3A_1435] {strides = array<i32>} : memref<2x1600x32xf32, #tpu.memory_space<vmem>>, vector<16xf32>,
        %add3A_1437 = arith.addf %add3A_1417, %get3A_1436 : vector<16xf32>
        %mul3A_1438 = arith.constant 50 : i32
        %mul3A_1439 = arith.muli %add3A_589, %mul3A_1438 : i32
        %add3A_1440 = arith.constant 38 : i32
        %add3A_1441 = arith.addi %mul3A_1439, %add3A_1440 : i32
        %get3A_1442 = arith.constant 1 : i32
        %get3A_1443 = arith.index_cast %get3A_1442 : i32 to index
        %get3A_1444 = arith.index_cast %add3A_1441 : i32 to index
        %get3A_1445 = arith.constant 16 : index
        %get3A_1446 = tpu.vector_load %arg8[%get3A_1443, %get3A_1444, %get3A_1445] {strides = array<i32>} : memref<2x1600x32xf32, #tpu.memory_space<vmem>>, vector<16xf32>,
        %add3A_1447 = arith.addf %add3A_1427, %get3A_1446 : vector<16xf32>
        %mul3A_1448 = arith.constant 50 : i32
        %mul3A_1449 = arith.muli %add3A_589, %mul3A_1448 : i32
        %add3A_1450 = arith.constant 39 : i32
        %add3A_1451 = arith.addi %mul3A_1449, %add3A_1450 : i32
        %get3A_1452 = arith.constant 1 : i32
        %get3A_1453 = arith.index_cast %get3A_1452 : i32 to index
        %get3A_1454 = arith.index_cast %add3A_1451 : i32 to index
        %get3A_1455 = arith.constant 0 : index
        %get3A_1456 = tpu.vector_load %arg8[%get3A_1453, %get3A_1454, %get3A_1455] {strides = array<i32>} : memref<2x1600x32xf32, #tpu.memory_space<vmem>>, vector<16xf32>,
        %add3A_1457 = arith.addf %add3A_1437, %get3A_1456 : vector<16xf32>
        %mul3A_1458 = arith.constant 50 : i32
        %mul3A_1459 = arith.muli %add3A_589, %mul3A_1458 : i32
        %add3A_1460 = arith.constant 39 : i32
        %add3A_1461 = arith.addi %mul3A_1459, %add3A_1460 : i32
        %get3A_1462 = arith.constant 1 : i32
        %get3A_1463 = arith.index_cast %get3A_1462 : i32 to index
        %get3A_1464 = arith.index_cast %add3A_1461 : i32 to index
        %get3A_1465 = arith.constant 16 : index
        %get3A_1466 = tpu.vector_load %arg8[%get3A_1463, %get3A_1464, %get3A_1465] {strides = array<i32>} : memref<2x1600x32xf32, #tpu.memory_space<vmem>>, vector<16xf32>,
        %add3A_1467 = arith.addf %add3A_1447, %get3A_1466 : vector<16xf32>
        %mul3A_1468 = arith.constant 50 : i32
        %mul3A_1469 = arith.muli %add3A_589, %mul3A_1468 : i32
        %add3A_1470 = arith.constant 40 : i32
        %add3A_1471 = arith.addi %mul3A_1469, %add3A_1470 : i32
        %get3A_1472 = arith.constant 1 : i32
        %get3A_1473 = arith.index_cast %get3A_1472 : i32 to index
        %get3A_1474 = arith.index_cast %add3A_1471 : i32 to index
        %get3A_1475 = arith.constant 0 : index
        %get3A_1476 = tpu.vector_load %arg8[%get3A_1473, %get3A_1474, %get3A_1475] {strides = array<i32>} : memref<2x1600x32xf32, #tpu.memory_space<vmem>>, vector<16xf32>,
        %add3A_1477 = arith.addf %add3A_1457, %get3A_1476 : vector<16xf32>
        %mul3A_1478 = arith.constant 50 : i32
        %mul3A_1479 = arith.muli %add3A_589, %mul3A_1478 : i32
        %add3A_1480 = arith.constant 40 : i32
        %add3A_1481 = arith.addi %mul3A_1479, %add3A_1480 : i32
        %get3A_1482 = arith.constant 1 : i32
        %get3A_1483 = arith.index_cast %get3A_1482 : i32 to index
        %get3A_1484 = arith.index_cast %add3A_1481 : i32 to index
        %get3A_1485 = arith.constant 16 : index
        %get3A_1486 = tpu.vector_load %arg8[%get3A_1483, %get3A_1484, %get3A_1485] {strides = array<i32>} : memref<2x1600x32xf32, #tpu.memory_space<vmem>>, vector<16xf32>,
        %add3A_1487 = arith.addf %add3A_1467, %get3A_1486 : vector<16xf32>
        %mul3A_1488 = arith.constant 50 : i32
        %mul3A_1489 = arith.muli %add3A_589, %mul3A_1488 : i32
        %add3A_1490 = arith.constant 41 : i32
        %add3A_1491 = arith.addi %mul3A_1489, %add3A_1490 : i32
        %get3A_1492 = arith.constant 1 : i32
        %get3A_1493 = arith.index_cast %get3A_1492 : i32 to index
        %get3A_1494 = arith.index_cast %add3A_1491 : i32 to index
        %get3A_1495 = arith.constant 0 : index
        %get3A_1496 = tpu.vector_load %arg8[%get3A_1493, %get3A_1494, %get3A_1495] {strides = array<i32>} : memref<2x1600x32xf32, #tpu.memory_space<vmem>>, vector<16xf32>,
        %add3A_1497 = arith.addf %add3A_1477, %get3A_1496 : vector<16xf32>
        %mul3A_1498 = arith.constant 50 : i32
        %mul3A_1499 = arith.muli %add3A_589, %mul3A_1498 : i32
        %add3A_1500 = arith.constant 41 : i32
        %add3A_1501 = arith.addi %mul3A_1499, %add3A_1500 : i32
        %get3A_1502 = arith.constant 1 : i32
        %get3A_1503 = arith.index_cast %get3A_1502 : i32 to index
        %get3A_1504 = arith.index_cast %add3A_1501 : i32 to index
        %get3A_1505 = arith.constant 16 : index
        %get3A_1506 = tpu.vector_load %arg8[%get3A_1503, %get3A_1504, %get3A_1505] {strides = array<i32>} : memref<2x1600x32xf32, #tpu.memory_space<vmem>>, vector<16xf32>,
        %add3A_1507 = arith.addf %add3A_1487, %get3A_1506 : vector<16xf32>
        %mul3A_1508 = arith.constant 50 : i32
        %mul3A_1509 = arith.muli %add3A_589, %mul3A_1508 : i32
        %add3A_1510 = arith.constant 42 : i32
        %add3A_1511 = arith.addi %mul3A_1509, %add3A_1510 : i32
        %get3A_1512 = arith.constant 1 : i32
        %get3A_1513 = arith.index_cast %get3A_1512 : i32 to index
        %get3A_1514 = arith.index_cast %add3A_1511 : i32 to index
        %get3A_1515 = arith.constant 0 : index
        %get3A_1516 = tpu.vector_load %arg8[%get3A_1513, %get3A_1514, %get3A_1515] {strides = array<i32>} : memref<2x1600x32xf32, #tpu.memory_space<vmem>>, vector<16xf32>,
        %add3A_1517 = arith.addf %add3A_1497, %get3A_1516 : vector<16xf32>
        %mul3A_1518 = arith.constant 50 : i32
        %mul3A_1519 = arith.muli %add3A_589, %mul3A_1518 : i32
        %add3A_1520 = arith.constant 42 : i32
        %add3A_1521 = arith.addi %mul3A_1519, %add3A_1520 : i32
        %get3A_1522 = arith.constant 1 : i32
        %get3A_1523 = arith.index_cast %get3A_1522 : i32 to index
        %get3A_1524 = arith.index_cast %add3A_1521 : i32 to index
        %get3A_1525 = arith.constant 16 : index
        %get3A_1526 = tpu.vector_load %arg8[%get3A_1523, %get3A_1524, %get3A_1525] {strides = array<i32>} : memref<2x1600x32xf32, #tpu.memory_space<vmem>>, vector<16xf32>,
        %add3A_1527 = arith.addf %add3A_1507, %get3A_1526 : vector<16xf32>
        %mul3A_1528 = arith.constant 50 : i32
        %mul3A_1529 = arith.muli %add3A_589, %mul3A_1528 : i32
        %add3A_1530 = arith.constant 43 : i32
        %add3A_1531 = arith.addi %mul3A_1529, %add3A_1530 : i32
        %get3A_1532 = arith.constant 1 : i32
        %get3A_1533 = arith.index_cast %get3A_1532 : i32 to index
        %get3A_1534 = arith.index_cast %add3A_1531 : i32 to index
        %get3A_1535 = arith.constant 0 : index
        %get3A_1536 = tpu.vector_load %arg8[%get3A_1533, %get3A_1534, %get3A_1535] {strides = array<i32>} : memref<2x1600x32xf32, #tpu.memory_space<vmem>>, vector<16xf32>,
        %add3A_1537 = arith.addf %add3A_1517, %get3A_1536 : vector<16xf32>
        %mul3A_1538 = arith.constant 50 : i32
        %mul3A_1539 = arith.muli %add3A_589, %mul3A_1538 : i32
        %add3A_1540 = arith.constant 43 : i32
        %add3A_1541 = arith.addi %mul3A_1539, %add3A_1540 : i32
        %get3A_1542 = arith.constant 1 : i32
        %get3A_1543 = arith.index_cast %get3A_1542 : i32 to index
        %get3A_1544 = arith.index_cast %add3A_1541 : i32 to index
        %get3A_1545 = arith.constant 16 : index
        %get3A_1546 = tpu.vector_load %arg8[%get3A_1543, %get3A_1544, %get3A_1545] {strides = array<i32>} : memref<2x1600x32xf32, #tpu.memory_space<vmem>>, vector<16xf32>,
        %add3A_1547 = arith.addf %add3A_1527, %get3A_1546 : vector<16xf32>
        %mul3A_1548 = arith.constant 50 : i32
        %mul3A_1549 = arith.muli %add3A_589, %mul3A_1548 : i32
        %add3A_1550 = arith.constant 44 : i32
        %add3A_1551 = arith.addi %mul3A_1549, %add3A_1550 : i32
        %get3A_1552 = arith.constant 1 : i32
        %get3A_1553 = arith.index_cast %get3A_1552 : i32 to index
        %get3A_1554 = arith.index_cast %add3A_1551 : i32 to index
        %get3A_1555 = arith.constant 0 : index
        %get3A_1556 = tpu.vector_load %arg8[%get3A_1553, %get3A_1554, %get3A_1555] {strides = array<i32>} : memref<2x1600x32xf32, #tpu.memory_space<vmem>>, vector<16xf32>,
        %add3A_1557 = arith.addf %add3A_1537, %get3A_1556 : vector<16xf32>
        %mul3A_1558 = arith.constant 50 : i32
        %mul3A_1559 = arith.muli %add3A_589, %mul3A_1558 : i32
        %add3A_1560 = arith.constant 44 : i32
        %add3A_1561 = arith.addi %mul3A_1559, %add3A_1560 : i32
        %get3A_1562 = arith.constant 1 : i32
        %get3A_1563 = arith.index_cast %get3A_1562 : i32 to index
        %get3A_1564 = arith.index_cast %add3A_1561 : i32 to index
        %get3A_1565 = arith.constant 16 : index
        %get3A_1566 = tpu.vector_load %arg8[%get3A_1563, %get3A_1564, %get3A_1565] {strides = array<i32>} : memref<2x1600x32xf32, #tpu.memory_space<vmem>>, vector<16xf32>,
        %add3A_1567 = arith.addf %add3A_1547, %get3A_1566 : vector<16xf32>
        %mul3A_1568 = arith.constant 50 : i32
        %mul3A_1569 = arith.muli %add3A_589, %mul3A_1568 : i32
        %add3A_1570 = arith.constant 45 : i32
        %add3A_1571 = arith.addi %mul3A_1569, %add3A_1570 : i32
        %get3A_1572 = arith.constant 1 : i32
        %get3A_1573 = arith.index_cast %get3A_1572 : i32 to index
        %get3A_1574 = arith.index_cast %add3A_1571 : i32 to index
        %get3A_1575 = arith.constant 0 : index
        %get3A_1576 = tpu.vector_load %arg8[%get3A_1573, %get3A_1574, %get3A_1575] {strides = array<i32>} : memref<2x1600x32xf32, #tpu.memory_space<vmem>>, vector<16xf32>,
        %add3A_1577 = arith.addf %add3A_1557, %get3A_1576 : vector<16xf32>
        %mul3A_1578 = arith.constant 50 : i32
        %mul3A_1579 = arith.muli %add3A_589, %mul3A_1578 : i32
        %add3A_1580 = arith.constant 45 : i32
        %add3A_1581 = arith.addi %mul3A_1579, %add3A_1580 : i32
        %get3A_1582 = arith.constant 1 : i32
        %get3A_1583 = arith.index_cast %get3A_1582 : i32 to index
        %get3A_1584 = arith.index_cast %add3A_1581 : i32 to index
        %get3A_1585 = arith.constant 16 : index
        %get3A_1586 = tpu.vector_load %arg8[%get3A_1583, %get3A_1584, %get3A_1585] {strides = array<i32>} : memref<2x1600x32xf32, #tpu.memory_space<vmem>>, vector<16xf32>,
        %add3A_1587 = arith.addf %add3A_1567, %get3A_1586 : vector<16xf32>
        %mul3A_1588 = arith.constant 50 : i32
        %mul3A_1589 = arith.muli %add3A_589, %mul3A_1588 : i32
        %add3A_1590 = arith.constant 46 : i32
        %add3A_1591 = arith.addi %mul3A_1589, %add3A_1590 : i32
        %get3A_1592 = arith.constant 1 : i32
        %get3A_1593 = arith.index_cast %get3A_1592 : i32 to index
        %get3A_1594 = arith.index_cast %add3A_1591 : i32 to index
        %get3A_1595 = arith.constant 0 : index
        %get3A_1596 = tpu.vector_load %arg8[%get3A_1593, %get3A_1594, %get3A_1595] {strides = array<i32>} : memref<2x1600x32xf32, #tpu.memory_space<vmem>>, vector<16xf32>,
        %add3A_1597 = arith.addf %add3A_1577, %get3A_1596 : vector<16xf32>
        %mul3A_1598 = arith.constant 50 : i32
        %mul3A_1599 = arith.muli %add3A_589, %mul3A_1598 : i32
        %add3A_1600 = arith.constant 46 : i32
        %add3A_1601 = arith.addi %mul3A_1599, %add3A_1600 : i32
        %get3A_1602 = arith.constant 1 : i32
        %get3A_1603 = arith.index_cast %get3A_1602 : i32 to index
        %get3A_1604 = arith.index_cast %add3A_1601 : i32 to index
        %get3A_1605 = arith.constant 16 : index
        %get3A_1606 = tpu.vector_load %arg8[%get3A_1603, %get3A_1604, %get3A_1605] {strides = array<i32>} : memref<2x1600x32xf32, #tpu.memory_space<vmem>>, vector<16xf32>,
        %add3A_1607 = arith.addf %add3A_1587, %get3A_1606 : vector<16xf32>
        %mul3A_1608 = arith.constant 50 : i32
        %mul3A_1609 = arith.muli %add3A_589, %mul3A_1608 : i32
        %add3A_1610 = arith.constant 47 : i32
        %add3A_1611 = arith.addi %mul3A_1609, %add3A_1610 : i32
        %get3A_1612 = arith.constant 1 : i32
        %get3A_1613 = arith.index_cast %get3A_1612 : i32 to index
        %get3A_1614 = arith.index_cast %add3A_1611 : i32 to index
        %get3A_1615 = arith.constant 0 : index
        %get3A_1616 = tpu.vector_load %arg8[%get3A_1613, %get3A_1614, %get3A_1615] {strides = array<i32>} : memref<2x1600x32xf32, #tpu.memory_space<vmem>>, vector<16xf32>,
        %add3A_1617 = arith.addf %add3A_1597, %get3A_1616 : vector<16xf32>
        %mul3A_1618 = arith.constant 50 : i32
        %mul3A_1619 = arith.muli %add3A_589, %mul3A_1618 : i32
        %add3A_1620 = arith.constant 47 : i32
        %add3A_1621 = arith.addi %mul3A_1619, %add3A_1620 : i32
        %get3A_1622 = arith.constant 1 : i32
        %get3A_1623 = arith.index_cast %get3A_1622 : i32 to index
        %get3A_1624 = arith.index_cast %add3A_1621 : i32 to index
        %get3A_1625 = arith.constant 16 : index
        %get3A_1626 = tpu.vector_load %arg8[%get3A_1623, %get3A_1624, %get3A_1625] {strides = array<i32>} : memref<2x1600x32xf32, #tpu.memory_space<vmem>>, vector<16xf32>,
        %add3A_1627 = arith.addf %add3A_1607, %get3A_1626 : vector<16xf32>
        %mul3A_1628 = arith.constant 50 : i32
        %mul3A_1629 = arith.muli %add3A_589, %mul3A_1628 : i32
        %add3A_1630 = arith.constant 48 : i32
        %add3A_1631 = arith.addi %mul3A_1629, %add3A_1630 : i32
        %get3A_1632 = arith.constant 1 : i32
        %get3A_1633 = arith.index_cast %get3A_1632 : i32 to index
        %get3A_1634 = arith.index_cast %add3A_1631 : i32 to index
        %get3A_1635 = arith.constant 0 : index
        %get3A_1636 = tpu.vector_load %arg8[%get3A_1633, %get3A_1634, %get3A_1635] {strides = array<i32>} : memref<2x1600x32xf32, #tpu.memory_space<vmem>>, vector<16xf32>,
        %add3A_1637 = arith.addf %add3A_1617, %get3A_1636 : vector<16xf32>
        %mul3A_1638 = arith.constant 50 : i32
        %mul3A_1639 = arith.muli %add3A_589, %mul3A_1638 : i32
        %add3A_1640 = arith.constant 48 : i32
        %add3A_1641 = arith.addi %mul3A_1639, %add3A_1640 : i32
        %get3A_1642 = arith.constant 1 : i32
        %get3A_1643 = arith.index_cast %get3A_1642 : i32 to index
        %get3A_1644 = arith.index_cast %add3A_1641 : i32 to index
        %get3A_1645 = arith.constant 16 : index
        %get3A_1646 = tpu.vector_load %arg8[%get3A_1643, %get3A_1644, %get3A_1645] {strides = array<i32>} : memref<2x1600x32xf32, #tpu.memory_space<vmem>>, vector<16xf32>,
        %add3A_1647 = arith.addf %add3A_1627, %get3A_1646 : vector<16xf32>
        %mul3A_1648 = arith.constant 50 : i32
        %mul3A_1649 = arith.muli %add3A_589, %mul3A_1648 : i32
        %add3A_1650 = arith.constant 49 : i32
        %add3A_1651 = arith.addi %mul3A_1649, %add3A_1650 : i32
        %get3A_1652 = arith.constant 1 : i32
        %get3A_1653 = arith.index_cast %get3A_1652 : i32 to index
        %get3A_1654 = arith.index_cast %add3A_1651 : i32 to index
        %get3A_1655 = arith.constant 0 : index
        %get3A_1656 = tpu.vector_load %arg8[%get3A_1653, %get3A_1654, %get3A_1655] {strides = array<i32>} : memref<2x1600x32xf32, #tpu.memory_space<vmem>>, vector<16xf32>,
        %add3A_1657 = arith.addf %add3A_1637, %get3A_1656 : vector<16xf32>
        %mul3A_1658 = arith.constant 50 : i32
        %mul3A_1659 = arith.muli %add3A_589, %mul3A_1658 : i32
        %add3A_1660 = arith.constant 49 : i32
        %add3A_1661 = arith.addi %mul3A_1659, %add3A_1660 : i32
        %get3A_1662 = arith.constant 1 : i32
        %get3A_1663 = arith.index_cast %get3A_1662 : i32 to index
        %get3A_1664 = arith.index_cast %add3A_1661 : i32 to index
        %get3A_1665 = arith.constant 16 : index
        %get3A_1666 = tpu.vector_load %arg8[%get3A_1663, %get3A_1664, %get3A_1665] {strides = array<i32>} : memref<2x1600x32xf32, #tpu.memory_space<vmem>>, vector<16xf32>,
        %add3A_1667 = arith.addf %add3A_1647, %get3A_1666 : vector<16xf32>
        %mul3A_1668 = arith.mulf %add3A_1657, %div3A : vector<16xf32>
        %swap3A = arith.constant 1 : i32
        %swap3A_1669 = arith.index_cast %swap3A : i32 to index
        %swap3A_1670 = arith.index_cast %add3A_589 : i32 to index
        %swap3A_1671 = arith.constant 0 : index
        %swap3A_1672 = tpu.vector_load %arg9[%swap3A_1669, %swap3A_1670, %swap3A_1671] {strides = array<i32>} : memref<2x32x32xf32, #tpu.memory_space<vmem>>, vector<16xf32>,
        tpu.vector_store %arg9[%swap3A_1669, %swap3A_1670, %swap3A_1671], %mul3A_1668 {strides = array<i32>} : memref<2x32x32xf32, #tpu.memory_space<vmem>>, vector<16xf32>,
        %mul3A_1673 = arith.mulf %add3A_1667, %div3A : vector<16xf32>
        %swap3A_1674 = arith.constant 1 : i32
        %swap3A_1675 = arith.index_cast %swap3A_1674 : i32 to index
        %swap3A_1676 = arith.index_cast %add3A_589 : i32 to index
        %swap3A_1677 = arith.constant 16 : index
        %swap3A_1678 = tpu.vector_load %arg9[%swap3A_1675, %swap3A_1676, %swap3A_1677] {strides = array<i32>} : memref<2x32x32xf32, #tpu.memory_space<vmem>>, vector<16xf32>,
        tpu.vector_store %arg9[%swap3A_1675, %swap3A_1676, %swap3A_1677], %mul3A_1673 {strides = array<i32>} : memref<2x32x32xf32, #tpu.memory_space<vmem>>, vector<16xf32>,
      }
      %scan3A_568 = arith.constant 32 : i32
      %mul3A_569 = arith.constant 32 : i32
      %mul3A_570 = arith.muli %add3A_395, %mul3A_569 : i32
      %add3A_571 = arith.addi %mul3A_2, %mul3A_570 : i32
      %dma_start3A_572 = arith.constant 1 : i32
      %dma_start3A_573 = arith.constant 0 : i32
      %dma_start3A_574 = arith.constant 0 : i32
      %dma_start3A_575 = tpu.memref_slice %arg9[%dma_start3A_572, %dma_start3A_573, %dma_start3A_574] : memref<2x32x32xf32, #tpu.memory_space<vmem>> -> memref<1x32x32xf32, #tpu.memory_space<vmem>>
      %dma_start3A_576 = tpu.memref_squeeze %dma_start3A_575 : memref<1x32x32xf32, #tpu.memory_space<vmem>> -> memref<32x32xf32, #tpu.memory_space<vmem>>
      %dma_start3A_577 = arith.constant 0 : i32
      %dma_start3A_578 = tpu.memref_slice %arg5[%add3A_571, %dma_start3A_577] : memref<16384x32xf32, #tpu.memory_space<hbm>> -> memref<32x32xf32, #tpu.memory_space<hbm>>
      %dma_start3A_579 = arith.constant 0 : i32
      %dma_start3A_580 = tpu.memref_slice %arg5[%add3A_571, %dma_start3A_579] : memref<16384x32xf32, #tpu.memory_space<hbm>> -> memref<32x32xf32, #tpu.memory_space<hbm>>
      %dma_start3A_581 = arith.constant 0 : i32
      %dma_start3A_582 = arith.constant 0 : i32
      %dma_start3A_583 = tpu.memref_slice %arg9[%dma_start3A_572, %dma_start3A_581, %dma_start3A_582] : memref<2x32x32xf32, #tpu.memory_space<vmem>> -> memref<1x32x32xf32, #tpu.memory_space<vmem>>
      %dma_start3A_584 = tpu.memref_squeeze %dma_start3A_583 : memref<1x32x32xf32, #tpu.memory_space<vmem>> -> memref<32x32xf32, #tpu.memory_space<vmem>>
      tpu.enqueue_dma source(%dma_start3A_584 : memref<32x32xf32, #tpu.memory_space<vmem>>) target(%dma_start3A_580 : memref<32x32xf32, #tpu.memory_space<hbm>>) target_semaphore(%arg13 : memref<!tpu.dma_semaphore, #tpu.memory_space<semaphore_mem>>)
    }
    %scan3A_168 = arith.constant 8 : i32
    %add3A_169 = arith.constant 448 : i32
    %add3A_170 = arith.addi %mul3A_2, %add3A_169 : i32
    %dma_wait3A = arith.constant 0 : i32
    %dma_wait3A_171 = arith.constant 0 : i32
    %dma_wait3A_172 = arith.constant 0 : i32
    %dma_wait3A_173 = tpu.memref_slice %arg9[%dma_wait3A, %dma_wait3A_171, %dma_wait3A_172] : memref<2x32x32xf32, #tpu.memory_space<vmem>> -> memref<1x32x32xf32, #tpu.memory_space<vmem>>
    %dma_wait3A_174 = tpu.memref_squeeze %dma_wait3A_173 : memref<1x32x32xf32, #tpu.memory_space<vmem>> -> memref<32x32xf32, #tpu.memory_space<vmem>>
    %dma_wait3A_175 = arith.constant 0 : i32
    %dma_wait3A_176 = tpu.memref_slice %arg5[%add3A_170, %dma_wait3A_175] : memref<16384x32xf32, #tpu.memory_space<hbm>> -> memref<32x32xf32, #tpu.memory_space<hbm>>
    %dma_wait3A_177 = arith.constant 0 : i32
    %dma_wait3A_178 = tpu.memref_slice %arg5[%add3A_170, %dma_wait3A_177] : memref<16384x32xf32, #tpu.memory_space<hbm>> -> memref<32x32xf32, #tpu.memory_space<hbm>>
    %dma_wait3A_179 = arith.constant 0 : i32
    %dma_wait3A_180 = arith.constant 0 : i32
    %dma_wait3A_181 = tpu.memref_slice %arg9[%dma_wait3A, %dma_wait3A_179, %dma_wait3A_180] : memref<2x32x32xf32, #tpu.memory_space<vmem>> -> memref<1x32x32xf32, #tpu.memory_space<vmem>>
    %dma_wait3A_182 = tpu.memref_squeeze %dma_wait3A_181 : memref<1x32x32xf32, #tpu.memory_space<vmem>> -> memref<32x32xf32, #tpu.memory_space<vmem>>
    tpu.wait_dma2 semaphore(%arg12 : memref<!tpu.dma_semaphore, #tpu.memory_space<semaphore_mem>>) src(%dma_wait3A_182 : memref<32x32xf32, #tpu.memory_space<vmem>>) dst(%dma_wait3A_178 : memref<32x32xf32, #tpu.memory_space<hbm>>)
    %add3A_183 = arith.constant 480 : i32
    %add3A_184 = arith.addi %mul3A_2, %add3A_183 : i32
    %dma_wait3A_185 = arith.constant 1 : i32
    %dma_wait3A_186 = arith.constant 0 : i32
    %dma_wait3A_187 = arith.constant 0 : i32
    %dma_wait3A_188 = tpu.memref_slice %arg9[%dma_wait3A_185, %dma_wait3A_186, %dma_wait3A_187] : memref<2x32x32xf32, #tpu.memory_space<vmem>> -> memref<1x32x32xf32, #tpu.memory_space<vmem>>
    %dma_wait3A_189 = tpu.memref_squeeze %dma_wait3A_188 : memref<1x32x32xf32, #tpu.memory_space<vmem>> -> memref<32x32xf32, #tpu.memory_space<vmem>>
    %dma_wait3A_190 = arith.constant 0 : i32
    %dma_wait3A_191 = tpu.memref_slice %arg5[%add3A_184, %dma_wait3A_190] : memref<16384x32xf32, #tpu.memory_space<hbm>> -> memref<32x32xf32, #tpu.memory_space<hbm>>
    %dma_wait3A_192 = arith.constant 0 : i32
    %dma_wait3A_193 = tpu.memref_slice %arg5[%add3A_184, %dma_wait3A_192] : memref<16384x32xf32, #tpu.memory_space<hbm>> -> memref<32x32xf32, #tpu.memory_space<hbm>>
    %dma_wait3A_194 = arith.constant 0 : i32
    %dma_wait3A_195 = arith.constant 0 : i32
    %dma_wait3A_196 = tpu.memref_slice %arg9[%dma_wait3A_185, %dma_wait3A_194, %dma_wait3A_195] : memref<2x32x32xf32, #tpu.memory_space<vmem>> -> memref<1x32x32xf32, #tpu.memory_space<vmem>>
    %dma_wait3A_197 = tpu.memref_squeeze %dma_wait3A_196 : memref<1x32x32xf32, #tpu.memory_space<vmem>> -> memref<32x32xf32, #tpu.memory_space<vmem>>
    tpu.wait_dma2 semaphore(%arg13 : memref<!tpu.dma_semaphore, #tpu.memory_space<semaphore_mem>>) src(%dma_wait3A_197 : memref<32x32xf32, #tpu.memory_space<vmem>>) dst(%dma_wait3A_193 : memref<32x32xf32, #tpu.memory_space<hbm>>)
    return
  }
}

module attributes {stable_mosaic.version = 14 : i64} {
  func.func @_combine_body(%arg0: i32, %arg1: memref<2048x32xf32, #tpu.memory_space<vmem>>, %arg2: memref<2048x32xf32, #tpu.memory_space<vmem>>, %arg3: memref<2048x32xf32, #tpu.memory_space<vmem>>) attributes {dimension_semantics = [#tpu.dimension_semantics<arbitrary>], iteration_bounds = array<i64: 8>, scalar_prefetch = 0 : i64, scratch_operands = 0 : i64, tpu.core_type = #tpu.core_type<tc>, window_params = [{transform_indices = @transform_0, window_bounds = array<i64: 2048, 32>}, {transform_indices = @transform_1, window_bounds = array<i64: 2048, 32>}, {transform_indices = @transform_2, window_bounds = array<i64: 2048, 32>}]} {
    %get3A = arith.constant 0 : index
    %get3A_0 = arith.constant 0 : index
    %get3A_1 = vector.load %arg1[%get3A, %get3A_0] : memref<2048x32xf32, #tpu.memory_space<vmem>>, vector<2048x32xf32>
    %get3A_2 = arith.constant 0 : index
    %get3A_3 = arith.constant 0 : index
    %get3A_4 = vector.load %arg2[%get3A_2, %get3A_3] : memref<2048x32xf32, #tpu.memory_space<vmem>>, vector<2048x32xf32>
    %add3A = arith.addf %get3A_1, %get3A_4 : vector<2048x32xf32>
    %swap3A = arith.constant 0 : index
    %swap3A_5 = arith.constant 0 : index
    %swap3A_6 = vector.load %arg3[%swap3A, %swap3A_5] : memref<2048x32xf32, #tpu.memory_space<vmem>>, vector<2048x32xf32>
    tpu.vector_store %arg3[%swap3A, %swap3A_5], %add3A {strides = array<i32>} : memref<2048x32xf32, #tpu.memory_space<vmem>>, vector<2048x32xf32>,
    return
  }
  func.func @transform_0(%arg0: i32) -> (i32, i32) {
    %c0_i32 = arith.constant 0 : i32
    %c0_i32_0 = arith.constant 0 : i32
    return %arg0, %c0_i32 : i32, i32
  }
  func.func @transform_1(%arg0: i32) -> (i32, i32) {
    %c0_i32 = arith.constant 0 : i32
    %c0_i32_0 = arith.constant 0 : i32
    return %arg0, %c0_i32 : i32, i32
  }
  func.func @transform_2(%arg0: i32) -> (i32, i32) {
    %c0_i32 = arith.constant 0 : i32
    %c0_i32_0 = arith.constant 0 : i32
    return %arg0, %c0_i32 : i32, i32
  }
}

</mosaic_0001>

<sc_bundles>
// kernel: kernel.5.cloned.1.call-start
scs
__scs_entry_jumppad:
0x0: {  	(pc) =	sbr.rel $0x88, $3  }
0x1: {  	(tag) =	ssettag $0x0;
	lr =	simm.s32 $0x1  }
0x2: {  	[smem:$0x3F9D] =	sst lr;
	_ =	strace $0xD0000000  }
0x3: {  	_ = 	snop  }
0x4: {  	_ = 	snop  }
0x5: {  	_ = 	snop  }
0x6: {  	_ = 	snop  }
0x7: {  	_ = 	snop  }
__scs_overlays_trampoline_lowered:
0x8: {  	[smem:$0x3FAC] =	sst s0  }
0x9: {  	[smem:$0x3FAD] =	sst s1  }
0xa: {  	[smem:$0x3FAE] =	sst s2  }
0xb: {  	[smem:$0x3FAF] =	sst s3  }
0xc: {  	[smem:$0x3FB0] =	sst s4  }
0xd: {  	[smem:$0x3FB1] =	sst s5  }
0xe: {  	[smem:$0x3FB2] =	sst s6  }
0xf: {  	[smem:$0x3FB3] =	sst s7  }
0x10: {  	[smem:$0x3FB4] =	sst s8  }
0x11: {  	[smem:$0x3FB5] =	sst s9;
	s0 =	simm.s32 @!p0 $0x0  }
0x12: {  	s1 =	sld [smem:$0x3F9B];
	s0 =	simm.s32 @p0 $0x1  }
0x13: {  	[smem:$0x3FB6] =	sst s0;
	s0 =	simm.s32 @!p1 $0x0  }
0x14: {  	s2 =	sld [smem:$0x3F9A];
	s0 =	simm.s32 @p1 $0x1  }
0x15: {  	[smem:$0x3FB7] =	sst s0;
	s0 =	simm.s32 @!p2 $0x0  }
0x16: {  	s3 =	sld [smem:$0x3FDB];
	s0 =	simm.s32 @p2 $0x1  }
0x17: {  	s4 =	simm.s32 $0x1BF5;
	[smem:$0x3FB9] =	sst s0  }
0x18: {  	s0 =	sld [smem:$0x3F9C];
	_ =	swait.ge [sflag:s4], $0x0  }
0x19: {  	s7 =	sld [smem:$0x3F9D]  }
0x1a: {  	s8 =	sadd.s32 $0xFFFFE003, lr  }
0x1b: {  	s9 =	sadd.s32 $0xFFFFFEF7, lr;
	s5 =	simm.s32 $0xFFFFFFFF;
	p2 =	slt.u32 s8, $0xFFFFF086  }
0x1c: {  	p1 =	slt.u32 s9, $0xF7A;
	s5 =	simm.s32 @!p2 $0x0  }
0x1d: {  	s5 =	simm.s32 @p1 $0x1;
	p0 =	seq.s32 s7, s2  }
0x1e: {  	s7 =	smul.u32 @!p0 $0xF7A, s2;
	p2 =	seq.s32 @!p0 s5, $0x0  }
0x1f: {  	s9 =	smul.u32 $0xF7A, s1;
	s8 =	simm.s32 @!p0 $0x1BF5;
	p2 =	por !p2, p0  }
0x20: {  	[sflag:s8] =	ssyncset.s32 @!p0 $0xFFFFF086;
	s6 =	sadd.s32 @!p0 s3, s7;
	s7 =	simm.s32 @!p0 $0x108  }
0x21: {  	s3 =	sadd.s32 s3, s9;
	s6 =	sadd.s32 @!p0 $0x88, s6;
	s7 =	simm.s32 @p2 $0x1082  }
0x22: {  	[simem:s7], [sflag:s8] =	dma.local @!p0 [hbm:s6], $0xF7A  }
0x23: {  	s9 =	sor.u32 $0xD0000000, s2;
	s6 =	simm.s32 $0x108;
	_ =	swait.ge @!p0 [sflag:s8], $0x0  }
0x24: {  	s3 =	sadd.s32 $0x88, s3;
	s6 =	simm.s32 @!p1 $0x1082;
	[sflag:s4] =	ssyncset.s32 $0xFFFFF086  }
0x25: {  	[simem:s6], [sflag:s4] =	dma.local [hbm:s3], $0xF7A  }
0x26: {  	[smem:$0x3F9D] =	sst s1;
	(tag) =	ssettag s2;
	_ =	strace s9  }
0x27: {  	s1 =	sld [smem:$0x3FAD]  }
0x28: {  	s2 =	sld [smem:$0x3FAE]  }
0x29: {  	s4 =	sld [smem:$0x3FB0]  }
0x2a: {  	p0 =	seq.s32 s5, $0x0;
	s5 =	sld [smem:$0x3FB1]  }
0x2b: {  	s6 =	sld [smem:$0x3FB2]  }
0x2c: {  	s7 =	sld [smem:$0x3FB3]  }
0x2d: {  	s3 =	simm.s32 $0x108;
	s8 =	sld [smem:$0x3FB4]  }
0x2e: {  	s3 =	simm.s32 @!p0 $0x1082;
	s9 =	sld [smem:$0x3FB5]  }
0x2f: {  	lr =	sadd.s32 s0, s3;
	s0 =	sld [smem:$0x3FAC]  }
0x30: {  	s3 =	sld [smem:$0x3FAF]  }
0x31: {  	[smem:$0x3FB8] =	sst s10  }
0x32: {  	s10 =	sld [smem:$0x3FB6];
	_ =	sdelay $0x3  }
0x33: {  	p0 =	seq.s32 s10, $0x1;
	s10 =	sld [smem:$0x3FB8];
	_ =	sdelay $0x3  }
0x34: {  	[smem:$0x3FB8] =	sst s10  }
0x35: {  	s10 =	sld [smem:$0x3FB7];
	_ =	sdelay $0x3  }
0x36: {  	p1 =	seq.s32 s10, $0x1;
	s10 =	sld [smem:$0x3FB8];
	_ =	sdelay $0x3  }
0x37: {  	[smem:$0x3FB8] =	sst s10  }
0x38: {  	s10 =	sld [smem:$0x3FB9]  }
0x39: {  	_ = 	snop;
	(pc) =	sbr.ind lr, $3  }
0x3a: {  	_ = 	snop  }
0x3b: {  	_ = 	snop  }
0x3c: {  	p2 =	seq.s32 s10, $0x1;
	s10 =	sld [smem:$0x3FB8]  }
0x3d: {  	_ =	shalt  }
0x3e: {  	_ =	shalt  }
0x3f: {  	_ =	shalt  }
0x40: {  	_ =	shalt  }
0x41: {  	_ =	shalt  }
0x42: {  	_ =	shalt  }
0x43: {  	_ =	shalt  }
0x44: {  	_ =	shalt  }
0x45: {  	_ =	shalt  }
0x46: {  	_ =	shalt  }
0x47: {  	_ =	shalt  }
0x48: {  	_ =	shalt  }
0x49: {  	_ =	shalt  }
0x4a: {  	_ =	shalt  }
0x4b: {  	_ =	shalt  }
0x4c: {  	_ =	shalt  }
0x4d: {  	_ =	shalt  }
0x4e: {  	_ =	shalt  }
0x4f: {  	_ =	shalt  }
0x50: {  	_ =	shalt  }
0x51: {  	_ =	shalt  }
0x52: {  	_ =	shalt  }
0x53: {  	_ =	shalt  }
0x54: {  	_ =	shalt  }
0x55: {  	_ =	shalt  }
0x56: {  	_ =	shalt  }
0x57: {  	_ =	shalt  }
0x58: {  	_ =	shalt  }
0x59: {  	_ =	shalt  }
0x5a: {  	_ =	shalt  }
0x5b: {  	_ =	shalt  }
0x5c: {  	_ =	shalt  }
0x5d: {  	_ =	shalt  }
0x5e: {  	_ =	shalt  }
0x5f: {  	_ =	shalt  }
0x60: {  	_ =	shalt  }
0x61: {  	_ =	shalt  }
0x62: {  	_ =	shalt  }
0x63: {  	_ =	shalt  }
0x64: {  	_ =	shalt  }
0x65: {  	_ =	shalt  }
0x66: {  	_ =	shalt  }
0x67: {  	_ =	shalt  }
0x68: {  	_ =	shalt  }
0x69: {  	_ =	shalt  }
0x6a: {  	_ =	shalt  }
0x6b: {  	_ =	shalt  }
0x6c: {  	_ =	shalt  }
0x6d: {  	_ =	shalt  }
0x6e: {  	_ =	shalt  }
0x6f: {  	_ =	shalt  }
0x70: {  	_ =	shalt  }
0x71: {  	_ =	shalt  }
0x72: {  	_ =	shalt  }
0x73: {  	_ =	shalt  }
0x74: {  	_ =	shalt  }
0x75: {  	_ =	shalt  }
0x76: {  	_ =	shalt  }
0x77: {  	_ =	shalt  }
0x78: {  	_ =	shalt  }
0x79: {  	_ =	shalt  }
0x7a: {  	_ =	shalt  }
0x7b: {  	_ =	shalt  }
0x7c: {  	_ =	shalt  }
0x7d: {  	_ =	shalt  }
0x7e: {  	_ =	shalt  }
0x7f: {  	_ =	shalt  }
0x80: {  	_ =	shalt  }
0x81: {  	_ =	shalt  }
0x82: {  	_ =	shalt  }
0x83: {  	_ =	shalt  }
0x84: {  	_ =	shalt  }
0x85: {  	_ =	shalt  }
0x86: {  	_ =	shalt  }
0x87: {  	_ =	shalt  }
.Lfunc_end0:
.L_simem_size_0:
called_computation_lowered:
.L_overlay_start_0:
0x88: {  	s2 =	sld [smem:$0x3FD9]  }
0x89: {  	s3 =	sld [smem:$0x3FFE];
	_ =	sdelay $0x1  }
0x8a: {  	s1 =	srdreg.scid  }
0x8b: {  	s0 =	sand.u32 $0x1, s1  }
0x8c: {  	s16 =	sshll.u32 s0, $0xA;
	s2 =	sadd.s32 s3, s2  }
0x8d: {  	s2 =	sadd.s32 s2, s16  }
0x8e: {  	[smem:$0x3FC4] =	sst s2  }
0x8f: {  	_ = 	snop  }
0x90: {  	(tm) =	ssettm $0x1  }
0x91: {  	s17 =	sld [smem:$0x3FFB];
	_ =	sdelay $0x3  }
0x92: {  	_ =	strace s17  }
0x93: {  	s2 =	sld [smem:$0x3FFC];
	_ =	sdelay $0x3  }
0x94: {  	_ =	strace s2  }
0x95: {  	s2 =	sld [smem:$0x3FFD];
	_ =	sdelay $0x3  }
0x96: {  	_ =	strace s2  }
0x97: {  	_ =	strace $0x8FFFFFFF  }
0x98: {  	s18 =	sld [smem:$0x3FDB];
	_ =	sdelay $0x1  }
0x99: {  	s19 =	simm.s32 $_scs_section_size  }
0x9a: {  	s4 =	simm.s32 $_size__tile_overlayer_lowered;
	s5 =	simm.s32 $_tile_overlayer_lowered  }
0x9b: {  	s22 =	simm.s32 $0x1BFF;
	s21 =	sshll.u32 s5, $0x1;
	s2 =	sadd.s32 s19, s18  }
0x9c: {  	s6 =	simm.s32 $0x0;
	s20 =	sshll.u32 s4, $0x1;
	s4 =	sadd.s32 s21, s2  }
0x9d: {  	[timem:s6], [sflag:s22] =	dma.local [hbm:s4], s20  }
0x9e: {  	_ =	swait.ge [sflag:s22], s20  }
0x9f: {  	s3 =	ssub.s32 $0x0, s20;
	[sflag:s22] =	ssyncset.done $0x0  }
0xa0: {  	[sflag:s22] =	ssyncadd.s32 s3;
	_ =	sdelay $0x1  }
0xa1: {  	s23 =	simm.s32 $0x1B8B  }
0xa2: {  	_ =	swait.ge [sflag:s23], $0x1  }
0xa3: {  	[sflag:s23] =	ssyncset.done $0x0  }
0xa4: {  	s25 =	simm.s32 $0x1B8E;
	s24 =	sld [smem:$0x3FFE];
	[sflag:s23] =	ssyncadd.s32 $0xFFFFFFFF  }
0xa5: {  	s26 =	simm.s32 $execute0_lowered;
	[smem:$0x3FD2] =	sst s25  }
0xa6: {  	s4 =	sshll.u32 s26, $0x1;
	_ =	strace $0x80000046;
	[dreg:$0x1] =	wrdreg $0xFFFFFFFF  }
0xa7: {  	s28 =	simm.s32 $_size_execute0_lowered;
	s2 =	sadd.s32 s2, s4;
	[dreg:$0x0] =	wrdreg $0x0  }
0xa8: {  	s4 =	sshll.u32 s28, $0x1;
	[dreg:$0x2] =	wrdreg s2  }
0xa9: {  	[dreg:$0x3] =	wrdreg s4  }
0xaa: {  	[dreg:$0x4] =	wrdreg $0xC0  }
0xab: {  	_ =	task [dreg:s6], $0x5FFFF  }
0xac: {  	[dreg:$0x1] =	wrdreg $0xFFFFFFFF  }
0xad: {  	[dreg:$0x0] =	wrdreg $0x60  }
0xae: {  	[dreg:$0x2] =	wrdreg s24  }
0xaf: {  	[dreg:$0x3] =	wrdreg $0x9  }
0xb0: {  	_ =	task.clear_ibuf [dreg:s6], $0x4FFFF;
	_ =	strace $0x90000046  }
0xb1: {  	s29 =	simm.s32 $0x9;
	_ =	strace $0x80000048  }
0xb2: {  	_ =	swait.ge [sflag:s29], $0x1  }
0xb3: {  	[sflag:s29] =	ssyncadd.s32 $0xFFFFFFFF  }
0xb4: {  	_ =	strace $0x90000048  }
0xb5: {  	_ =	sfence  }
0xb6: {  	s30 =	sld [smem:$0x0];
	_ =	sdelay $0x2  }
0xb7: {  	s31 =	sshll.u32 s1, $0xD;
	s1 =	sshrl.u32 s1, $0x2  }
0xb8: {  	s3 =	sand.u32 $0x4000, s31;
	s1 =	sadd.s32 s1, s30  }
0xb9: {  	s0 =	sor.u32 s3, s0;
	s1 =	sshll.u32 s1, $0x11  }
0xba: {  	s0 =	sor.u32 s1, s0  }
0xbb: {  	s0 =	sadd.s32 $0x8F2B, s0  }
0xbc: {  	[sflag:s0] =	ssyncadd.remote.s32 $0x1  }
0xbd: {  	_ =	sfence.sel $0xFFFF  }
0xbe: {  	[dreg:$0x0] =	wrdreg $0xFFFFFFFF;
	(pc) =	sbr.abs _section_cstart, $3  }
0xbf: {  	[dreg:$0x1] =	wrdreg $0xFFFFFFFF  }
0xc0: {  	_ =	task.clear_ibuf [dreg:s6], $0x2FFFF;
	_ =	strace $0x9FFFFFFF  }
0xc1: {  	(tm) =	ssettm $0x7FFFFFFF  }
tec
execute0_lowered:
.L_overlay_start_1:
0x0: {  	(tag) =	ssettag $0x1  }
0x1: {  	s0 =	rddreg [dreg:$0x0];
	s2 =	simm.s32 $0x0;
	s1 =	srdreg.scid  }
0x2: {  	s4 =	stileid.u32;
	s12 =	simm.s32 $0x5;
	s14 =	simm.s32 $0x80  }
0x3: {  	s18 =	simm.s32 $0x40;
	s21 =	simm.s32 $0x640;
	s11 =	simm.s32 $0x17480  }
0x4: {  	s22 =	simm.s32 $0xB40;
	s23 =	simm.s32 $0x18480;
	s24 =	simm.s32 $0xBC0  }
0x5: {  	s28 =	simm.s32 $0x1A480;
	s29 =	simm.s32 $0x1;
	s30 =	simm.s32 $0x1AC80  }
0x6: {  	s31 =	simm.s32 $0x2;
	s13 =	simm.s32 $0x0;
	[smem:$0x7FF] =	sst s2  }
0x7: {  	s3 =	sadd.s32 $0x20E00, s0;
	s1 =	sand.u32 $0x1, s1;
	s5 =	sshll.u32 s4, $0x1  }
0x8: {  	s4 =	sadd.s32 $0xE00, s0;
	_ =	strace $0x80000047;
	s7 =	sor.u32 s1, s5  }
0x9: {  	s1 =	ssub.s32 $0x2, s1;
	s5 =	sadd.s32 $0xFC3400, s0;
	s6 =	sshll.u32 s7, $0xB  }
0xa: {  	s8 =	sshrl.u32 s1, $0x1;
	s9 =	smul.u32 $0xC80, s7;
	s0 =	sadd.s32 s6, s0  }
0xb: {  	s1 =	ssub.s32 s1, s8;
	s6 =	sshll.u32 s7, $0x9;
	s7 =	sshll.u32 s7, $0xC  }
0xc: {  	s8 =	simm.s32 $0xAC0;
	s25 =	sadd.s32 s3, s9;
	s7 =	sadd.s32 s4, s7  }
0xd: {  	s9 =	sadd.s32 $0x39E00, s0;
	s10 =	sor.u32 $0x40, s6;
	[dreg:$0x2] =	wrdreg s25  }
0xe: {  	s26 =	smax.u32 s1, $0x1;
	s0 =	simm.s32 $0x1B080;
	[dreg:$0x3] =	wrdreg s7  }
0xf: {  	v0 =	vimm.f32 $0.0e+00;
	[dreg:$0x4] =	wrdreg s26;
	s25 =	simm.s32 $0x19480;
	s26 =	simm.s32 $0xC40  }
.LBB2_1:
0x10: {  	[dreg:$0x5] =	wrdreg s13  }
0x11: {  	s1 =	rddreg [dreg:$0x2]  }
0x12: {  	[tilespmem:s2], [sflag:$0x5] =	stream.linear.gather [hbm4b:s1+s2], $0x640, $0x38;
	[tilespmem:$0x1B480] =	vst v63  }
0x13: {  	_ =	swait.ge [sflag:s12], $0x640  }
0x14: {  	[sflag:s12] =	ssyncset.done $0x0  }
0x15: {  	s7 =	simm.s32 $0xC80;
	s20 =	rddreg [dreg:$0x3];
	[sflag:s12] =	ssyncadd.s32 $0xFFFFF9C0  }
0x16: {  	[tilespmem:s7], [sflag:$0x5] =	stream.linear.gather [hbm4b:s20+s2], $0x800, $0x38;
	[tilespmem:$0x1B480] =	vst v63  }
0x17: {  	_ =	swait.ge [sflag:s12], $0x800  }
0x18: {  	[sflag:s12] =	ssyncset.done $0x0  }
0x19: {  	s13 =	simm.s32 $0x1C80;
	[sflag:s12] =	ssyncadd.s32 $0xFFFFF800  }
0x1a: {  	[tilespmem:s13], [sflag:$0x1] =	stream.indirect.gather [hbm4b:s5+s14], $0x20, s2, s14, $0xb8;
	[tilespmem:$0x1B480] =	vst v63  }
0x1b: {  	s15 =	simm.s32 $0x2C80  }
0x1c: {  	[tilespmem:s15], [sflag:$0x1] =	stream.indirect.gather [hbm4b:s5+s14], $0x20, s14, s14, $0xb8;
	[tilespmem:$0x1B480] =	vst v63  }
0x1d: {  	s16 =	simm.s32 $0x100;
	s17 =	simm.s32 $0x3C80  }
0x1e: {  	[tilespmem:s17], [sflag:$0x1] =	stream.indirect.gather [hbm4b:s5+s14], $0x20, s16, s14, $0xb8;
	[tilespmem:$0x1B480] =	vst v63  }
0x1f: {  	s19 =	simm.s32 $0x180;
	s20 =	simm.s32 $0x4C80  }
0x20: {  	[tilespmem:s20], [sflag:$0x1] =	stream.indirect.gather [hbm4b:s5+s14], $0x20, s19, s14, $0xb8;
	[tilespmem:$0x1B480] =	vst v63  }
0x21: {  	s13 =	simm.s32 $0x200;
	s15 =	simm.s32 $0x5C80  }
0x22: {  	[tilespmem:s15], [sflag:$0x1] =	stream.indirect.gather [hbm4b:s5+s14], $0x20, s13, s14, $0xb8;
	[tilespmem:$0x1B480] =	vst v63  }
0x23: {  	s16 =	simm.s32 $0x280;
	s17 =	simm.s32 $0x6C80  }
0x24: {  	[tilespmem:s17], [sflag:$0x1] =	stream.indirect.gather [hbm4b:s5+s14], $0x20, s16, s14, $0xb8;
	[tilespmem:$0x1B480] =	vst v63  }
0x25: {  	s19 =	simm.s32 $0x300;
	s20 =	simm.s32 $0x7C80  }
0x26: {  	[tilespmem:s20], [sflag:$0x1] =	stream.indirect.gather [hbm4b:s5+s14], $0x20, s19, s14, $0xb8;
	[tilespmem:$0x1B480] =	vst v63  }
0x27: {  	s13 =	simm.s32 $0x380;
	s15 =	simm.s32 $0x8C80  }
0x28: {  	[tilespmem:s15], [sflag:$0x1] =	stream.indirect.gather [hbm4b:s5+s14], $0x20, s13, s14, $0xb8;
	[tilespmem:$0x1B480] =	vst v63  }
0x29: {  	s16 =	simm.s32 $0x400;
	s17 =	simm.s32 $0x9C80  }
0x2a: {  	[tilespmem:s17], [sflag:$0x1] =	stream.indirect.gather [hbm4b:s5+s14], $0x20, s16, s14, $0xb8;
	[tilespmem:$0x1B480] =	vst v63  }
0x2b: {  	s19 =	simm.s32 $0x480;
	s20 =	simm.s32 $0xAC80  }
0x2c: {  	[tilespmem:s20], [sflag:$0x1] =	stream.indirect.gather [hbm4b:s5+s14], $0x20, s19, s14, $0xb8;
	[tilespmem:$0x1B480] =	vst v63  }
0x2d: {  	s13 =	simm.s32 $0x500;
	s15 =	simm.s32 $0xBC80  }
0x2e: {  	[tilespmem:s15], [sflag:$0x1] =	stream.indirect.gather [hbm4b:s5+s14], $0x20, s13, s14, $0xb8;
	[tilespmem:$0x1B480] =	vst v63  }
0x2f: {  	s16 =	simm.s32 $0x580;
	s17 =	simm.s32 $0xCC80  }
0x30: {  	[tilespmem:s17], [sflag:$0x1] =	stream.indirect.gather [hbm4b:s5+s14], $0x20, s16, s14, $0xb8;
	[tilespmem:$0x1B480] =	vst v63  }
0x31: {  	s1 =	simm.s32 $0x0;
	s19 =	simm.s32 $0x600;
	s20 =	simm.s32 $0xDC80  }
0x32: {  	[tilespmem:s20], [sflag:$0x1] =	stream.indirect.gather [hbm4b:s5+s18], $0x20, s19, s18, $0xb8;
	[tilespmem:$0x1B480] =	vst v63  }
.LBB2_2:
0x33: {  	s13 =	sshllo.u32 s1, $0x1  }
0x34: {  	s7 =	sshll.u32 s13, $0x5  }
0x35: {  	s7 =	sadd.s32 s6, s7  }
0x36: {  	s15 =	smul.u32 $0x32, s7;
	_ =	sdelay $0x1  }
0x37: {  	s15 =	sshrl.u32 s15, $0x3  }
0x38: {  	s15 =	sadd.s32 s3, s15  }
0x39: {  	[tilespmem:s21], [sflag:$0x5] =	stream.linear.gather [hbm4b:s15+s2], $0x640, $0x38;
	[tilespmem:$0x1B480] =	vst v63  }
0x3a: {  	s7 =	sshll.u32 s7, $0x3;
	_ =	swait.ge [sflag:s12], $0x640  }
0x3b: {  	s7 =	sand.u32 $0x1FFFFF00, s7;
	[sflag:s12] =	ssyncset.done $0x0  }
0x3c: {  	s20 =	simm.s32 $0x1480;
	s7 =	sadd.s32 s4, s7;
	[sflag:s12] =	ssyncadd.s32 $0xFFFFF9C0  }
0x3d: {  	[tilespmem:s20], [sflag:$0x5] =	stream.linear.gather [hbm4b:s7+s2], $0x800, $0x38;
	[tilespmem:$0x1B480] =	vst v63  }
0x3e: {  	_ =	swait.ge [sflag:s12], $0x800  }
0x3f: {  	[sflag:s12] =	ssyncset.done $0x0  }
0x40: {  	s15 =	simm.s32 $0xE480;
	[sflag:s12] =	ssyncadd.s32 $0xFFFFF800  }
0x41: {  	[tilespmem:s15], [sflag:$0x2] =	stream.indirect.gather [hbm4b:s5+s14], $0x20, s21, s14, $0xb8;
	[tilespmem:$0x1B480] =	vst v63  }
0x42: {  	s16 =	simm.s32 $0x6C0;
	s17 =	simm.s32 $0xF480  }
0x43: {  	[tilespmem:s17], [sflag:$0x2] =	stream.indirect.gather [hbm4b:s5+s14], $0x20, s16, s14, $0xb8;
	[tilespmem:$0x1B480] =	vst v63  }
0x44: {  	s19 =	simm.s32 $0x740;
	s20 =	simm.s32 $0x10480  }
0x45: {  	[tilespmem:s20], [sflag:$0x2] =	stream.indirect.gather [hbm4b:s5+s14], $0x20, s19, s14, $0xb8;
	[tilespmem:$0x1B480] =	vst v63  }
0x46: {  	s16 =	simm.s32 $0x7C0;
	s17 =	simm.s32 $0x11480  }
0x47: {  	[tilespmem:s17], [sflag:$0x2] =	stream.indirect.gather [hbm4b:s5+s14], $0x20, s16, s14, $0xb8;
	[tilespmem:$0x1B480] =	vst v63  }
0x48: {  	s19 =	simm.s32 $0x840;
	s20 =	simm.s32 $0x12480  }
0x49: {  	[tilespmem:s20], [sflag:$0x2] =	stream.indirect.gather [hbm4b:s5+s14], $0x20, s19, s14, $0xb8;
	[tilespmem:$0x1B480] =	vst v63  }
0x4a: {  	s16 =	simm.s32 $0x8C0;
	s17 =	simm.s32 $0x13480  }
0x4b: {  	[tilespmem:s17], [sflag:$0x2] =	stream.indirect.gather [hbm4b:s5+s14], $0x20, s16, s14, $0xb8;
	[tilespmem:$0x1B480] =	vst v63  }
0x4c: {  	s19 =	simm.s32 $0x940;
	s20 =	simm.s32 $0x14480  }
0x4d: {  	[tilespmem:s20], [sflag:$0x2] =	stream.indirect.gather [hbm4b:s5+s14], $0x20, s19, s14, $0xb8;
	[tilespmem:$0x1B480] =	vst v63  }
0x4e: {  	s16 =	simm.s32 $0x9C0;
	s17 =	simm.s32 $0x15480  }
0x4f: {  	[tilespmem:s17], [sflag:$0x2] =	stream.indirect.gather [hbm4b:s5+s14], $0x20, s16, s14, $0xb8;
	[tilespmem:$0x1B480] =	vst v63  }
0x50: {  	s19 =	simm.s32 $0xA40;
	s20 =	simm.s32 $0x16480  }
0x51: {  	[tilespmem:s20], [sflag:$0x2] =	stream.indirect.gather [hbm4b:s5+s14], $0x20, s19, s14, $0xb8;
	[tilespmem:$0x1B480] =	vst v63  }
0x52: {  	_ = 	snop  }
0x53: {  	[tilespmem:s11], [sflag:$0x2] =	stream.indirect.gather [hbm4b:s5+s14], $0x20, s8, s14, $0xb8;
	[tilespmem:$0x1B480] =	vst v63  }
0x54: {  	_ = 	snop  }
0x55: {  	[tilespmem:s23], [sflag:$0x2] =	stream.indirect.gather [hbm4b:s5+s14], $0x20, s22, s14, $0xb8;
	[tilespmem:$0x1B480] =	vst v63  }
0x56: {  	_ = 	snop  }
0x57: {  	[tilespmem:s25], [sflag:$0x2] =	stream.indirect.gather [hbm4b:s5+s14], $0x20, s24, s14, $0xb8;
	[tilespmem:$0x1B480] =	vst v63  }
0x58: {  	_ = 	snop  }
0x59: {  	[tilespmem:s28], [sflag:$0x2] =	stream.indirect.gather [hbm4b:s5+s18], $0x20, s26, s18, $0xb8;
	[tilespmem:$0x1B480] =	vst v63  }
0x5a: {  	_ =	swait.ge [sflag:s29], $0x1000  }
0x5b: {  	[sflag:s29] =	ssyncset.done $0x0  }
0x5c: {  	[sflag:s29] =	ssyncadd.s32 $0xFFFFF000  }
0x5d: {  	_ =	swait.ge [sflag:s29], $0x1000  }
0x5e: {  	[sflag:s29] =	ssyncset.done $0x0  }
0x5f: {  	[sflag:s29] =	ssyncadd.s32 $0xFFFFF000  }
0x60: {  	_ =	swait.ge [sflag:s29], $0x1000  }
0x61: {  	[sflag:s29] =	ssyncset.done $0x0  }
0x62: {  	[sflag:s29] =	ssyncadd.s32 $0xFFFFF000  }
0x63: {  	_ =	swait.ge [sflag:s29], $0x1000  }
0x64: {  	[sflag:s29] =	ssyncset.done $0x0  }
0x65: {  	[sflag:s29] =	ssyncadd.s32 $0xFFFFF000  }
0x66: {  	_ =	swait.ge [sflag:s29], $0x1000  }
0x67: {  	[sflag:s29] =	ssyncset.done $0x0  }
0x68: {  	[sflag:s29] =	ssyncadd.s32 $0xFFFFF000  }
0x69: {  	_ =	swait.ge [sflag:s29], $0x1000  }
0x6a: {  	[sflag:s29] =	ssyncset.done $0x0  }
0x6b: {  	[sflag:s29] =	ssyncadd.s32 $0xFFFFF000  }
0x6c: {  	_ =	swait.ge [sflag:s29], $0x1000  }
0x6d: {  	[sflag:s29] =	ssyncset.done $0x0  }
0x6e: {  	[sflag:s29] =	ssyncadd.s32 $0xFFFFF000  }
0x6f: {  	_ =	swait.ge [sflag:s29], $0x1000  }
0x70: {  	[sflag:s29] =	ssyncset.done $0x0  }
0x71: {  	[sflag:s29] =	ssyncadd.s32 $0xFFFFF000  }
0x72: {  	_ =	swait.ge [sflag:s29], $0x1000  }
0x73: {  	[sflag:s29] =	ssyncset.done $0x0  }
0x74: {  	[sflag:s29] =	ssyncadd.s32 $0xFFFFF000  }
0x75: {  	_ =	swait.ge [sflag:s29], $0x1000  }
0x76: {  	[sflag:s29] =	ssyncset.done $0x0  }
0x77: {  	[sflag:s29] =	ssyncadd.s32 $0xFFFFF000  }
0x78: {  	_ =	swait.ge [sflag:s29], $0x1000  }
0x79: {  	[sflag:s29] =	ssyncset.done $0x0  }
0x7a: {  	[sflag:s29] =	ssyncadd.s32 $0xFFFFF000  }
0x7b: {  	_ =	swait.ge [sflag:s29], $0x1000  }
0x7c: {  	[sflag:s29] =	ssyncset.done $0x0  }
0x7d: {  	[sflag:s29] =	ssyncadd.s32 $0xFFFFF000  }
0x7e: {  	_ =	swait.ge [sflag:s29], $0x800  }
0x7f: {  	p0 =	seq.s32 s1, $0x0;
	[sflag:s29] =	ssyncset.done $0x0  }
0x80: {  	s7 =	simm.s32 @!p0 $0x3;
	[sflag:s29] =	ssyncadd.s32 $0xFFFFF800  }
0x81: {  	_ =	swait.ge @!p0 [sflag:s7], $0x400  }
0x82: {  	[sflag:s7] =	ssyncset.done @!p0 $0x0  }
0x83: {  	s15 =	simm.s32 $0x1FA0;
	[sflag:s7] =	ssyncadd.s32 @!p0 $0xFFFFFC00  }
0x84: {  	v5 =	vld [tilespmem:s15+$0xFFFFFCF0]  }
0x85: {  	v6 =	vld [tilespmem:s15+$0xFFFFFD00]  }
0x86: {  	v7 =	vld [tilespmem:s15+$0xFFFFFD10]  }
0x87: {  	v1 =	vld [tilespmem:s15+$0x140]  }
0x88: {  	v2 =	vld [tilespmem:s15+$0x120]  }
0x89: {  	s16 =	simm.s32 $0xCA0;
	v8 =	vld [tilespmem:s15+$0xFFFFFCE0]  }
0x8a: {  	v4 =	vld [tilespmem:s16+$0xFFFFFFE0]  }
0x8b: {  	v3 =	vld [tilespmem:s15+$0x100]  }
0x8c: {  	v9 =	vld [tilespmem:s15+$0xFFFFFD30]  }
0x8d: {  	v10 =	vld [tilespmem:s15+$0xFFFFFD20];
	v5 =	vadd.f32 $0.0e+00, v5  }
0x8e: {  	v11 =	vld [tilespmem:s15+$0xFFFFFD50];
	v8 =	vadd.f32 $0.0e+00, v8  }
0x8f: {  	v24 =	vld [tilespmem:s15+$0xFFFFFD40];
	v5 =	vadd.f32 v7, v5  }
0x90: {  	v25 =	vld [tilespmem:s15+$0xFFFFFD70];
	v6 =	vadd.f32 v6, v8  }
0x91: {  	v26 =	vld [tilespmem:s15+$0xFFFFFD60];
	v5 =	vadd.f32 v9, v5  }
0x92: {  	v27 =	vld [tilespmem:s15+$0xFFFFFD90];
	v6 =	vadd.f32 v10, v6  }
0x93: {  	v28 =	vld [tilespmem:s15+$0xFFFFFD80];
	v5 =	vadd.f32 v11, v5  }
0x94: {  	v29 =	vld [tilespmem:s15+$0xFFFFFDB0];
	v6 =	vadd.f32 v24, v6  }
0x95: {  	v30 =	vld [tilespmem:s15+$0xFFFFFDA0];
	v5 =	vadd.f32 v25, v5  }
0x96: {  	v31 =	vld [tilespmem:s15+$0xFFFFFDD0];
	v6 =	vadd.f32 v26, v6  }
0x97: {  	v32 =	vld [tilespmem:s15+$0xFFFFFDC0];
	v5 =	vadd.f32 v27, v5  }
0x98: {  	v33 =	vld [tilespmem:s15+$0xFFFFFDF0];
	v6 =	vadd.f32 v28, v6  }
0x99: {  	v34 =	vld [tilespmem:s15+$0xFFFFFDE0];
	v5 =	vadd.f32 v29, v5  }
0x9a: {  	v35 =	vld [tilespmem:s15+$0xFFFFFE10];
	v6 =	vadd.f32 v30, v6  }
0x9b: {  	v36 =	vld [tilespmem:s15+$0xFFFFFE00];
	v5 =	vadd.f32 v31, v5  }
0x9c: {  	v37 =	vld [tilespmem:s15+$0xFFFFFE30];
	v6 =	vadd.f32 v32, v6  }
0x9d: {  	v38 =	vld [tilespmem:s15+$0xFFFFFE20];
	v5 =	vadd.f32 v33, v5  }
0x9e: {  	v39 =	vld [tilespmem:s15+$0xFFFFFE50];
	v6 =	vadd.f32 v34, v6  }
0x9f: {  	v40 =	vld [tilespmem:s15+$0xFFFFFE40];
	v5 =	vadd.f32 v35, v5  }
0xa0: {  	v41 =	vld [tilespmem:s15+$0xFFFFFE70];
	v6 =	vadd.f32 v36, v6  }
0xa1: {  	v42 =	vld [tilespmem:s15+$0xFFFFFE60];
	v5 =	vadd.f32 v37, v5  }
0xa2: {  	v43 =	vld [tilespmem:s15+$0xFFFFFE90];
	v6 =	vadd.f32 v38, v6  }
0xa3: {  	v44 =	vld [tilespmem:s15+$0xFFFFFE80];
	v5 =	vadd.f32 v39, v5  }
0xa4: {  	v45 =	vld [tilespmem:s15+$0xFFFFFEB0];
	v6 =	vadd.f32 v40, v6  }
0xa5: {  	v46 =	vld [tilespmem:s15+$0xFFFFFEA0];
	v5 =	vadd.f32 v41, v5  }
0xa6: {  	v47 =	vld [tilespmem:s15+$0xFFFFFED0];
	v6 =	vadd.f32 v42, v6  }
0xa7: {  	v48 =	vld [tilespmem:s15+$0xFFFFFEC0];
	v5 =	vadd.f32 v43, v5  }
0xa8: {  	v49 =	vld [tilespmem:s15+$0xFFFFFEF0];
	v6 =	vadd.f32 v44, v6  }
0xa9: {  	v50 =	vld [tilespmem:s15+$0xFFFFFEE0];
	v5 =	vadd.f32 v45, v5  }
0xaa: {  	v51 =	vld [tilespmem:s15+$0xFFFFFF10];
	v6 =	vadd.f32 v46, v6  }
0xab: {  	v52 =	vld [tilespmem:s15+$0xFFFFFF00];
	v5 =	vadd.f32 v47, v5  }
0xac: {  	v53 =	vld [tilespmem:s15+$0xFFFFFF30];
	v6 =	vadd.f32 v48, v6  }
0xad: {  	v54 =	vld [tilespmem:s15+$0xFFFFFF20];
	v5 =	vadd.f32 v49, v5  }
0xae: {  	v55 =	vld [tilespmem:s15+$0xFFFFFF50];
	v6 =	vadd.f32 v50, v6  }
0xaf: {  	v56 =	vld [tilespmem:s15+$0xFFFFFF40];
	v5 =	vadd.f32 v51, v5  }
0xb0: {  	v57 =	vld [tilespmem:s15+$0xFFFFFF70];
	v6 =	vadd.f32 v52, v6  }
0xb1: {  	v58 =	vld [tilespmem:s15+$0xFFFFFF60];
	v5 =	vadd.f32 v53, v5  }
0xb2: {  	v59 =	vld [tilespmem:s15+$0xFFFFFF90];
	v6 =	vadd.f32 v54, v6  }
0xb3: {  	v60 =	vld [tilespmem:s15+$0xFFFFFF80];
	v5 =	vadd.f32 v55, v5  }
0xb4: {  	v61 =	vld [tilespmem:s15+$0xFFFFFFB0];
	v6 =	vadd.f32 v56, v6  }
0xb5: {  	v62 =	vld [tilespmem:s15+$0xFFFFFFA0];
	v5 =	vadd.f32 v57, v5  }
0xb6: {  	v63 =	vld [tilespmem:s15+$0xFFFFFFD0];
	v6 =	vadd.f32 v58, v6  }
0xb7: {  	v12 =	vld [tilespmem:s15+$0xFFFFFFC0];
	v5 =	vadd.f32 v59, v5  }
0xb8: {  	v13 =	vld [tilespmem:s15+$0xFFFFFFF0];
	v6 =	vadd.f32 v60, v6  }
0xb9: {  	v14 =	vld [tilespmem:s15+$0xFFFFFFE0];
	v5 =	vadd.f32 v61, v5  }
0xba: {  	v15 =	vld [tilespmem:s15+$0x10];
	v6 =	vadd.f32 v62, v6  }
0xbb: {  	v16 =	vld [tilespmem:s15+$0x0];
	v5 =	vadd.f32 v63, v5  }
0xbc: {  	v17 =	vld [tilespmem:s15+$0x30];
	v6 =	vadd.f32 v12, v6  }
0xbd: {  	v18 =	vld [tilespmem:s15+$0x20];
	v5 =	vadd.f32 v13, v5  }
0xbe: {  	v19 =	vld [tilespmem:s15+$0x50];
	v6 =	vadd.f32 v14, v6  }
0xbf: {  	v20 =	vld [tilespmem:s15+$0x40];
	v5 =	vadd.f32 v15, v5  }
0xc0: {  	v21 =	vld [tilespmem:s15+$0x70];
	v6 =	vadd.f32 v16, v6  }
0xc1: {  	v22 =	vld [tilespmem:s15+$0x60];
	v5 =	vadd.f32 v17, v5  }
0xc2: {  	v23 =	vld [tilespmem:s15+$0x90];
	v6 =	vadd.f32 v18, v6  }
0xc3: {  	v24 =	vld [tilespmem:s15+$0x80];
	v5 =	vadd.f32 v19, v5  }
0xc4: {  	v25 =	vld [tilespmem:s15+$0xB0];
	v6 =	vadd.f32 v20, v6  }
0xc5: {  	v26 =	vld [tilespmem:s15+$0xA0];
	v5 =	vadd.f32 v21, v5  }
0xc6: {  	v27 =	vld [tilespmem:s15+$0xD0];
	v6 =	vadd.f32 v22, v6  }
0xc7: {  	v28 =	vld [tilespmem:s15+$0xC0];
	v5 =	vadd.f32 v23, v5  }
0xc8: {  	v29 =	vld [tilespmem:s15+$0xF0];
	v6 =	vadd.f32 v24, v6  }
0xc9: {  	v30 =	vld [tilespmem:s15+$0xE0];
	v5 =	vadd.f32 v25, v5  }
0xca: {  	v31 =	vld [tilespmem:s15+$0x110];
	v6 =	vadd.f32 v26, v6  }
0xcb: {  	v32 =	vld [tilespmem:s16+$0xFFFFFFF0];
	v5 =	vadd.f32 v27, v5  }
0xcc: {  	v33 =	vld [tilespmem:s15+$0x130];
	v6 =	vadd.f32 v28, v6  }
0xcd: {  	v34 =	vld [tilespmem:s16+$0x0];
	v5 =	vadd.f32 v29, v5  }
0xce: {  	v35 =	vld [tilespmem:s15+$0x150];
	v6 =	vadd.f32 v30, v6  }
0xcf: {  	v36 =	vld [tilespmem:s16+$0x10];
	v5 =	vadd.f32 v31, v5  }
0xd0: {  	vm0 =	vgt.s32 v4, $0x0;
	vm1 =	vgt.s32 v32, $0x0;
	v37 =	vld [tilespmem:s15+$0x170];
	v3 =	vadd.f32 v3, v6  }
0xd1: {  	v38 =	vsel vm0, $0x3F800000, v0;
	v7 =	vsel vm1, $0x3F800000, v0;
	v39 =	vld [tilespmem:s15+$0x160];
	v5 =	vadd.f32 v33, v5  }
0xd2: {  	vm14 =	vgt.s32 v34, $0x0;
	v6 =	vadd.f32 v7, v38;
	v2 =	vadd.f32 v2, v3;
	v3 =	vld [tilespmem:s15+$0x190]  }
0xd3: {  	v40 =	vsel vm14, $0x3F800000, v0;
	v41 =	vld [tilespmem:s15+$0x180];
	v5 =	vadd.f32 v35, v5  }
0xd4: {  	vm15 =	vgt.s32 v36, $0x0;
	v6 =	vadd.f32 v40, v6;
	v1 =	vadd.f32 v1, v2;
	v2 =	vld [tilespmem:s15+$0x1B0]  }
0xd5: {  	v42 =	vsel vm15, $0x3F800000, v0;
	v43 =	vld [tilespmem:s15+$0x1A0];
	v4 =	vadd.f32 v37, v5  }
0xd6: {  	v44 =	vld [tilespmem:s15+$0x1D0];
	v6 =	vadd.f32 v42, v6;
	v1 =	vadd.f32 v39, v1  }
0xd7: {  	v45 =	vld [tilespmem:s15+$0x1C0];
	v3 =	vadd.f32 v3, v4  }
0xd8: {  	v46 =	vld [tilespmem:s15+$0x1F0];
	(xrf2) =	vadd.scan.msk.f32 $0xffff, v6;
	v1 =	vadd.f32 v41, v1  }
0xd9: {  	v2 =	vadd.f32 v2, v3;
	v3 =	vld [tilespmem:s15+$0x1E0]  }
0xda: {  	v47 =	vld [tilespmem:s15+$0x210];
	v1 =	vadd.f32 v43, v1  }
0xdb: {  	v48 =	vld [tilespmem:s15+$0x200];
	v2 =	vadd.f32 v44, v2  }
0xdc: {  	v49 =	vld [tilespmem:s15+$0x230];
	v1 =	vadd.f32 v45, v1  }
0xdd: {  	v50 =	vld [tilespmem:s15+$0x220];
	v2 =	vadd.f32 v46, v2  }
0xde: {  	v1 =	vadd.f32 v3, v1;
	v3 =	vld [tilespmem:s15+$0x250]  }
0xdf: {  	v51 =	vld [tilespmem:s15+$0x240];
	v2 =	vadd.f32 v47, v2  }
0xe0: {  	v52 =	vld [tilespmem:s15+$0x270];
	v1 =	vadd.f32 v48, v1  }
0xe1: {  	v53 =	vld [tilespmem:s15+$0x260];
	v2 =	vadd.f32 v49, v2  }
0xe2: {  	v54 =	vld [tilespmem:s15+$0x290];
	v55, _, _ =	vpop (xrf2);
	v1 =	vadd.f32 v50, v1  }
0xe3: {  	v8 =	vadd.f32 $9.999999930e-09, v55;
	v2 =	vadd.f32 v3, v2;
	v3 =	vld [tilespmem:s15+$0x280]  }
0xe4: {  	v56 =	vld [tilespmem:s15+$0x2B0];
	v1 =	vadd.f32 v51, v1  }
0xe5: {  	v58 =	vld [tilespmem:s15+$0x2A0];
	v57 =	vbroadcast v8, $0xF;
	v2 =	vadd.f32 v52, v2  }
0xe6: {  	v59 =	vld [tilespmem:s15+$0x2D0];
	v1 =	vadd.f32 v53, v1  }
0xe7: {  	v60 =	vld [tilespmem:s15+$0x2C0];
	(erf) = vrcp.f32 v57;
	v2 =	vadd.f32 v54, v2  }
0xe8: {  	v61 =	vld [tilespmem:s15+$0x2F0];
	v1 =	vadd.f32 v3, v1  }
0xe9: {  	v3 =	vld [tilespmem:s15+$0x2E0];
	v2 =	vadd.f32 v56, v2  }
0xea: {  	v62 =	vld [tilespmem:s15+$0x310];
	v1 =	vadd.f32 v58, v1  }
0xeb: {  	v63 =	vld [tilespmem:s15+$0x300];
	v2 =	vadd.f32 v59, v2  }
0xec: {  	v1 =	vadd.f32 v60, v1  }
0xed: {  	v2 =	vadd.f32 v61, v2  }
0xee: {  	v1 =	vadd.f32 v3, v1  }
0xef: {  	v2 =	vadd.f32 v62, v2  }
0xf0: {  	v3 =	vpop (erf);
	v1 =	vadd.f32 v63, v1  }
0xf1: {  	v2 =	vmul.f32 v2, v3  }
0xf2: {  	s19 =	simm.s32 $0x0;
	v1 =	vmul.f32 v1, v3  }
0xf3: {  	s17 =	simm.s32 $0x80;
	[tilespmem:s19+$0x1AC90] =	vst v2  }
.LBB2_3:
0xf4: {  	p1 =	sne.s32 s17, $0xF80;
	[tilespmem:s19+$0x1AC80] =	vst v1;
	s15 =	sadd.s32 $0x640, s15;
	s16 =	sadd.s32 $0x40, s16  }
0xf5: {  	s19 =	smov.u32 s17;
	s17 =	sadd.s32 $0x80, s17;
	v3 =	vld [tilespmem:s15+$0xFFFFFCF0]  }
0xf6: {  	v4 =	vld [tilespmem:s15+$0xFFFFFD00]  }
0xf7: {  	v5 =	vld [tilespmem:s15+$0xFFFFFD10]  }
0xf8: {  	v1 =	vld [tilespmem:s15+$0x140]  }
0xf9: {  	v2 =	vld [tilespmem:s15+$0x120]  }
0xfa: {  	v6 =	vld [tilespmem:s15+$0xFFFFFCE0];
	v3 =	vadd.f32 $0.0e+00, v3  }
0xfb: {  	v7 =	vld [tilespmem:s16+$0xFFFFFFE0]  }
0xfc: {  	v5 =	vadd.f32 v5, v3;
	v3 =	vld [tilespmem:s15+$0x100]  }
0xfd: {  	v8 =	vld [tilespmem:s15+$0xFFFFFD30]  }
0xfe: {  	v9 =	vld [tilespmem:s15+$0xFFFFFD20]  }
0xff: {  	v6 =	vadd.f32 $0.0e+00, v6;
	v10 =	vld [tilespmem:s15+$0xFFFFFD50]  }
0x100: {  	vm0 =	vgt.s32 v7, $0x0;
	v7 =	vld [tilespmem:s15+$0xFFFFFD40]  }
0x101: {  	v4 =	vadd.f32 v4, v6;
	v6 =	vld [tilespmem:s15+$0xFFFFFD70]  }
0x102: {  	v5 =	vadd.f32 v8, v5;
	v8 =	vld [tilespmem:s15+$0xFFFFFD60]  }
0x103: {  	v4 =	vadd.f32 v9, v4;
	v9 =	vld [tilespmem:s15+$0xFFFFFD90]  }
0x104: {  	v5 =	vadd.f32 v10, v5;
	v10 =	vld [tilespmem:s15+$0xFFFFFD80]  }
0x105: {  	v4 =	vadd.f32 v7, v4;
	v7 =	vld [tilespmem:s15+$0xFFFFFDB0]  }
0x106: {  	v5 =	vadd.f32 v6, v5;
	v6 =	vld [tilespmem:s15+$0xFFFFFDA0]  }
0x107: {  	v4 =	vadd.f32 v8, v4;
	v8 =	vld [tilespmem:s15+$0xFFFFFDD0]  }
0x108: {  	v5 =	vadd.f32 v9, v5;
	v9 =	vld [tilespmem:s15+$0xFFFFFDC0]  }
0x109: {  	v4 =	vadd.f32 v10, v4;
	v10 =	vld [tilespmem:s15+$0xFFFFFDF0]  }
0x10a: {  	v5 =	vadd.f32 v7, v5;
	v7 =	vld [tilespmem:s15+$0xFFFFFDE0]  }
0x10b: {  	v4 =	vadd.f32 v6, v4;
	v6 =	vld [tilespmem:s15+$0xFFFFFE10]  }
0x10c: {  	v5 =	vadd.f32 v8, v5;
	v8 =	vld [tilespmem:s15+$0xFFFFFE00]  }
0x10d: {  	v4 =	vadd.f32 v9, v4;
	v9 =	vld [tilespmem:s15+$0xFFFFFE30]  }
0x10e: {  	v5 =	vadd.f32 v10, v5;
	v10 =	vld [tilespmem:s15+$0xFFFFFE20]  }
0x10f: {  	v4 =	vadd.f32 v7, v4;
	v7 =	vld [tilespmem:s15+$0xFFFFFE50]  }
0x110: {  	v5 =	vadd.f32 v6, v5;
	v6 =	vld [tilespmem:s15+$0xFFFFFE40]  }
0x111: {  	v4 =	vadd.f32 v8, v4;
	v8 =	vld [tilespmem:s15+$0xFFFFFE70]  }
0x112: {  	v5 =	vadd.f32 v9, v5;
	v9 =	vld [tilespmem:s15+$0xFFFFFE60]  }
0x113: {  	v4 =	vadd.f32 v10, v4;
	v10 =	vld [tilespmem:s15+$0xFFFFFE90]  }
0x114: {  	v5 =	vadd.f32 v7, v5;
	v7 =	vld [tilespmem:s15+$0xFFFFFE80]  }
0x115: {  	v4 =	vadd.f32 v6, v4;
	v6 =	vld [tilespmem:s15+$0xFFFFFEB0]  }
0x116: {  	v5 =	vadd.f32 v8, v5;
	v8 =	vld [tilespmem:s15+$0xFFFFFEA0]  }
0x117: {  	v4 =	vadd.f32 v9, v4;
	v9 =	vld [tilespmem:s15+$0xFFFFFED0]  }
0x118: {  	v5 =	vadd.f32 v10, v5;
	v10 =	vld [tilespmem:s15+$0xFFFFFEC0]  }
0x119: {  	v4 =	vadd.f32 v7, v4;
	v7 =	vld [tilespmem:s15+$0xFFFFFEF0]  }
0x11a: {  	v5 =	vadd.f32 v6, v5;
	v6 =	vld [tilespmem:s15+$0xFFFFFEE0]  }
0x11b: {  	v4 =	vadd.f32 v8, v4;
	v8 =	vld [tilespmem:s15+$0xFFFFFF10]  }
0x11c: {  	v5 =	vadd.f32 v9, v5;
	v9 =	vld [tilespmem:s15+$0xFFFFFF00]  }
0x11d: {  	v4 =	vadd.f32 v10, v4;
	v10 =	vld [tilespmem:s15+$0xFFFFFF30]  }
0x11e: {  	v5 =	vadd.f32 v7, v5;
	v7 =	vld [tilespmem:s15+$0xFFFFFF20]  }
0x11f: {  	v4 =	vadd.f32 v6, v4;
	v6 =	vld [tilespmem:s15+$0xFFFFFF50]  }
0x120: {  	v5 =	vadd.f32 v8, v5;
	v8 =	vld [tilespmem:s15+$0xFFFFFF40]  }
0x121: {  	v4 =	vadd.f32 v9, v4;
	v9 =	vld [tilespmem:s15+$0xFFFFFF70]  }
0x122: {  	v5 =	vadd.f32 v10, v5;
	v10 =	vld [tilespmem:s15+$0xFFFFFF60]  }
0x123: {  	v4 =	vadd.f32 v7, v4;
	v7 =	vld [tilespmem:s15+$0xFFFFFF90]  }
0x124: {  	v5 =	vadd.f32 v6, v5;
	v6 =	vld [tilespmem:s15+$0xFFFFFF80]  }
0x125: {  	v4 =	vadd.f32 v8, v4;
	v8 =	vld [tilespmem:s15+$0xFFFFFFB0]  }
0x126: {  	v5 =	vadd.f32 v9, v5;
	v9 =	vld [tilespmem:s15+$0xFFFFFFA0]  }
0x127: {  	v4 =	vadd.f32 v10, v4;
	v10 =	vld [tilespmem:s15+$0xFFFFFFD0]  }
0x128: {  	v5 =	vadd.f32 v7, v5;
	v7 =	vld [tilespmem:s15+$0xFFFFFFC0]  }
0x129: {  	v4 =	vadd.f32 v6, v4;
	v6 =	vld [tilespmem:s15+$0xFFFFFFF0]  }
0x12a: {  	v5 =	vadd.f32 v8, v5;
	v8 =	vld [tilespmem:s15+$0xFFFFFFE0]  }
0x12b: {  	v4 =	vadd.f32 v9, v4;
	v9 =	vld [tilespmem:s15+$0x10]  }
0x12c: {  	v5 =	vadd.f32 v10, v5;
	v10 =	vld [tilespmem:s15+$0x0]  }
0x12d: {  	v4 =	vadd.f32 v7, v4;
	v7 =	vld [tilespmem:s15+$0x30]  }
0x12e: {  	v5 =	vadd.f32 v6, v5;
	v6 =	vld [tilespmem:s15+$0x20]  }
0x12f: {  	v4 =	vadd.f32 v8, v4;
	v8 =	vld [tilespmem:s15+$0x50]  }
0x130: {  	v5 =	vadd.f32 v9, v5;
	v9 =	vld [tilespmem:s15+$0x40]  }
0x131: {  	v4 =	vadd.f32 v10, v4;
	v10 =	vld [tilespmem:s15+$0x70]  }
0x132: {  	v5 =	vadd.f32 v7, v5;
	v7 =	vld [tilespmem:s15+$0x60]  }
0x133: {  	v4 =	vadd.f32 v6, v4;
	v6 =	vld [tilespmem:s15+$0x90]  }
0x134: {  	v5 =	vadd.f32 v8, v5;
	v8 =	vld [tilespmem:s15+$0x80]  }
0x135: {  	v4 =	vadd.f32 v9, v4;
	v9 =	vld [tilespmem:s15+$0xB0]  }
0x136: {  	v5 =	vadd.f32 v10, v5;
	v10 =	vld [tilespmem:s15+$0xA0]  }
0x137: {  	v4 =	vadd.f32 v7, v4;
	v7 =	vld [tilespmem:s15+$0xD0]  }
0x138: {  	v5 =	vadd.f32 v6, v5;
	v6 =	vld [tilespmem:s15+$0xC0]  }
0x139: {  	v4 =	vadd.f32 v8, v4;
	v8 =	vld [tilespmem:s15+$0xF0]  }
0x13a: {  	v5 =	vadd.f32 v9, v5;
	v9 =	vld [tilespmem:s15+$0xE0]  }
0x13b: {  	v4 =	vadd.f32 v10, v4;
	v10 =	vld [tilespmem:s15+$0x110]  }
0x13c: {  	v11 =	vld [tilespmem:s16+$0xFFFFFFF0];
	v5 =	vadd.f32 v7, v5  }
0x13d: {  	v4 =	vadd.f32 v6, v4;
	v6 =	vld [tilespmem:s15+$0x130]  }
0x13e: {  	v7 =	vld [tilespmem:s16+$0x0];
	v5 =	vadd.f32 v8, v5  }
0x13f: {  	v4 =	vadd.f32 v9, v4;
	v8 =	vld [tilespmem:s15+$0x150]  }
0x140: {  	v9 =	vld [tilespmem:s16+$0x10];
	v5 =	vadd.f32 v10, v5  }
0x141: {  	vm1 =	vgt.s32 v11, $0x0;
	v3 =	vadd.f32 v3, v4;
	v4 =	vld [tilespmem:s15+$0x170]  }
0x142: {  	v10 =	vsel vm0, $0x3F800000, v0;
	v11 =	vsel vm1, $0x3F800000, v0;
	v5 =	vadd.f32 v6, v5;
	v6 =	vld [tilespmem:s15+$0x160]  }
0x143: {  	v10 =	vadd.f32 v11, v10;
	vm0 =	vgt.s32 v7, $0x0;
	v2 =	vadd.f32 v2, v3;
	v3 =	vld [tilespmem:s15+$0x190]  }
0x144: {  	v7 =	vsel vm0, $0x3F800000, v0;
	v5 =	vadd.f32 v8, v5;
	v8 =	vld [tilespmem:s15+$0x180]  }
0x145: {  	v7 =	vadd.f32 v7, v10;
	vm0 =	vgt.s32 v9, $0x0;
	v1 =	vadd.f32 v1, v2;
	v2 =	vld [tilespmem:s15+$0x1B0]  }
0x146: {  	v9 =	vsel vm0, $0x3F800000, v0;
	v4 =	vadd.f32 v4, v5;
	v5 =	vld [tilespmem:s15+$0x1A0]  }
0x147: {  	v7 =	vadd.f32 v9, v7;
	v1 =	vadd.f32 v6, v1;
	v6 =	vld [tilespmem:s15+$0x1D0]  }
0x148: {  	v3 =	vadd.f32 v3, v4;
	v4 =	vld [tilespmem:s15+$0x1C0]  }
0x149: {  	v1 =	vadd.f32 v8, v1;
	v8 =	vld [tilespmem:s15+$0x1F0];
	(xrf2) =	vadd.scan.msk.f32 $0xffff, v7  }
0x14a: {  	v2 =	vadd.f32 v2, v3;
	v3 =	vld [tilespmem:s15+$0x1E0]  }
0x14b: {  	v1 =	vadd.f32 v5, v1;
	v5 =	vld [tilespmem:s15+$0x210]  }
0x14c: {  	v2 =	vadd.f32 v6, v2;
	v6 =	vld [tilespmem:s15+$0x200]  }
0x14d: {  	v1 =	vadd.f32 v4, v1;
	v4 =	vld [tilespmem:s15+$0x230]  }
0x14e: {  	v2 =	vadd.f32 v8, v2;
	v7 =	vld [tilespmem:s15+$0x220]  }
0x14f: {  	v1 =	vadd.f32 v3, v1;
	v3 =	vld [tilespmem:s15+$0x250]  }
0x150: {  	v2 =	vadd.f32 v5, v2;
	v5 =	vld [tilespmem:s15+$0x240]  }
0x151: {  	v1 =	vadd.f32 v6, v1;
	v6 =	vld [tilespmem:s15+$0x270]  }
0x152: {  	v2 =	vadd.f32 v4, v2;
	v4 =	vld [tilespmem:s15+$0x260]  }
0x153: {  	v1 =	vadd.f32 v7, v1;
	v7 =	vld [tilespmem:s15+$0x290];
	v8, _, _ =	vpop (xrf2)  }
0x154: {  	v8 =	vadd.f32 $9.999999930e-09, v8;
	v2 =	vadd.f32 v3, v2;
	v3 =	vld [tilespmem:s15+$0x280]  }
0x155: {  	v1 =	vadd.f32 v5, v1;
	v5 =	vld [tilespmem:s15+$0x2B0]  }
0x156: {  	v8 =	vbroadcast v8, $0xF;
	v2 =	vadd.f32 v6, v2;
	v6 =	vld [tilespmem:s15+$0x2A0]  }
0x157: {  	v1 =	vadd.f32 v4, v1;
	v4 =	vld [tilespmem:s15+$0x2D0]  }
0x158: {  	v2 =	vadd.f32 v7, v2;
	v7 =	vld [tilespmem:s15+$0x2C0];
	(erf) = vrcp.f32 v8  }
0x159: {  	v1 =	vadd.f32 v3, v1;
	v3 =	vld [tilespmem:s15+$0x2F0]  }
0x15a: {  	v2 =	vadd.f32 v5, v2;
	v5 =	vld [tilespmem:s15+$0x2E0]  }
0x15b: {  	v1 =	vadd.f32 v6, v1;
	v6 =	vld [tilespmem:s15+$0x310]  }
0x15c: {  	v2 =	vadd.f32 v4, v2;
	v4 =	vld [tilespmem:s15+$0x300]  }
0x15d: {  	v1 =	vadd.f32 v7, v1  }
0x15e: {  	v2 =	vadd.f32 v3, v2  }
0x15f: {  	v1 =	vadd.f32 v5, v1  }
.Ltmp0:
0x160: {  	v2 =	vadd.f32 v6, v2;
	(pc) =	sbr.rel @p1 .LBB2_3-.Ltmp0, $4  }
0x161: {  	v1 =	vadd.f32 v4, v1;
	v3 =	vpop (erf)  }
0x162: {  	v2 =	vmul.f32 v2, v3  }
0x163: {  	s19 =	sshra.s32 s19, $0x2;
	v1 =	vmul.f32 v1, v3  }
0x164: {  	[tilespmem:s19+$0x1AC90] =	vst v2  }
0x165: {  	p1 =	seq.s32 s1, $0x7  }
0x166: {  	s7 =	sshll.u32 @!p1 s1, $0x6  }
0x167: {  	s15 =	sshll.u32 s1, $0x8;
	s7 =	sadd.s32 @!p1 s7, s10  }
0x168: {  	[tilespmem:s19+$0x1AC80] =	vst v1;
	s15 =	sadd.s32 s15, s9;
	s16 =	smul.u32 @!p1 $0x32, s7  }
0x169: {  	[hbm4b:s15+s2] =	stream.linear.scatter [tilespmem:s30], [sflag:$0x3], $0x400, $0x38;
	[tilespmem:$0x1B480] =	vst v63  }
0x16a: {  	s15 =	sshrl.u32 @!p1 s16, $0x3  }
0x16b: {  	s16 =	simm.s32 @!p1 $0x0;
	s15 =	sadd.s32 @!p1 s3, s15  }
0x16c: {  	[tilespmem:s16], [sflag:$0x5] =	stream.linear.gather @!p1 [hbm4b:s15+s16], $0x640, $0x38;
	[tilespmem:$0x1B480] =	vst v63  }
0x16d: {  	s15 =	simm.s32 @!p1 $0x5  }
0x16e: {  	s7 =	sshll.u32 @!p1 s7, $0x3;
	_ =	swait.ge @!p1 [sflag:s15], $0x640  }
0x16f: {  	s7 =	sand.u32 @!p1 $0x1FFFFE00, s7;
	[sflag:s15] =	ssyncset.done @!p1 $0x0  }
0x170: {  	s17 =	simm.s32 @!p1 $0xC80;
	s7 =	sadd.s32 @!p1 s4, s7;
	[sflag:s15] =	ssyncadd.s32 @!p1 $0xFFFFF9C0  }
0x171: {  	[tilespmem:s17], [sflag:$0x5] =	stream.linear.gather @!p1 [hbm4b:s7+s16], $0x800, $0x38;
	[tilespmem:$0x1B480] =	vst v63  }
0x172: {  	_ =	swait.ge @!p1 [sflag:s15], $0x800  }
0x173: {  	[sflag:s15] =	ssyncset.done @!p1 $0x0  }
0x174: {  	s7 =	simm.s32 @!p1 $0x80;
	[sflag:s15] =	ssyncadd.s32 @!p1 $0xFFFFF800;
	s15 =	simm.s32 @!p1 $0x1C80  }
0x175: {  	[tilespmem:s15], [sflag:$0x1] =	stream.indirect.gather @!p1 [hbm4b:s5+s7], $0x20, s16, s7, $0xb8;
	[tilespmem:$0x1B480] =	vst v63  }
0x176: {  	s15 =	simm.s32 @!p1 $0x2C80  }
0x177: {  	[tilespmem:s15], [sflag:$0x1] =	stream.indirect.gather @!p1 [hbm4b:s5+s7], $0x20, s7, s7, $0xb8;
	[tilespmem:$0x1B480] =	vst v63  }
0x178: {  	s16 =	simm.s32 @!p1 $0x3C80;
	s15 =	simm.s32 @!p1 $0x100  }
0x179: {  	[tilespmem:s16], [sflag:$0x1] =	stream.indirect.gather @!p1 [hbm4b:s5+s7], $0x20, s15, s7, $0xb8;
	[tilespmem:$0x1B480] =	vst v63  }
0x17a: {  	s15 =	simm.s32 @!p1 $0x180;
	s16 =	simm.s32 @!p1 $0x4C80  }
0x17b: {  	[tilespmem:s16], [sflag:$0x1] =	stream.indirect.gather @!p1 [hbm4b:s5+s7], $0x20, s15, s7, $0xb8;
	[tilespmem:$0x1B480] =	vst v63  }
0x17c: {  	s15 =	simm.s32 @!p1 $0x200;
	s16 =	simm.s32 @!p1 $0x5C80  }
0x17d: {  	[tilespmem:s16], [sflag:$0x1] =	stream.indirect.gather @!p1 [hbm4b:s5+s7], $0x20, s15, s7, $0xb8;
	[tilespmem:$0x1B480] =	vst v63  }
0x17e: {  	s15 =	simm.s32 @!p1 $0x280;
	s16 =	simm.s32 @!p1 $0x6C80  }
0x17f: {  	[tilespmem:s16], [sflag:$0x1] =	stream.indirect.gather @!p1 [hbm4b:s5+s7], $0x20, s15, s7, $0xb8;
	[tilespmem:$0x1B480] =	vst v63  }
0x180: {  	s15 =	simm.s32 @!p1 $0x300;
	s16 =	simm.s32 @!p1 $0x7C80  }
0x181: {  	[tilespmem:s16], [sflag:$0x1] =	stream.indirect.gather @!p1 [hbm4b:s5+s7], $0x20, s15, s7, $0xb8;
	[tilespmem:$0x1B480] =	vst v63  }
0x182: {  	s15 =	simm.s32 @!p1 $0x380;
	s16 =	simm.s32 @!p1 $0x8C80  }
0x183: {  	[tilespmem:s16], [sflag:$0x1] =	stream.indirect.gather @!p1 [hbm4b:s5+s7], $0x20, s15, s7, $0xb8;
	[tilespmem:$0x1B480] =	vst v63  }
0x184: {  	s15 =	simm.s32 @!p1 $0x400;
	s16 =	simm.s32 @!p1 $0x9C80  }
0x185: {  	[tilespmem:s16], [sflag:$0x1] =	stream.indirect.gather @!p1 [hbm4b:s5+s7], $0x20, s15, s7, $0xb8;
	[tilespmem:$0x1B480] =	vst v63  }
0x186: {  	s15 =	simm.s32 @!p1 $0x480;
	s16 =	simm.s32 @!p1 $0xAC80  }
0x187: {  	[tilespmem:s16], [sflag:$0x1] =	stream.indirect.gather @!p1 [hbm4b:s5+s7], $0x20, s15, s7, $0xb8;
	[tilespmem:$0x1B480] =	vst v63  }
0x188: {  	s15 =	simm.s32 @!p1 $0x500;
	s16 =	simm.s32 @!p1 $0xBC80  }
0x189: {  	[tilespmem:s16], [sflag:$0x1] =	stream.indirect.gather @!p1 [hbm4b:s5+s7], $0x20, s15, s7, $0xb8;
	[tilespmem:$0x1B480] =	vst v63  }
0x18a: {  	s15 =	simm.s32 @!p1 $0x580;
	s16 =	simm.s32 @!p1 $0xCC80  }
0x18b: {  	[tilespmem:s16], [sflag:$0x1] =	stream.indirect.gather @!p1 [hbm4b:s5+s7], $0x20, s15, s7, $0xb8;
	[tilespmem:$0x1B480] =	vst v63  }
0x18c: {  	s7 =	simm.s32 @!p1 $0x40;
	s15 =	simm.s32 @!p1 $0x600;
	s16 =	simm.s32 @!p1 $0xDC80  }
0x18d: {  	[tilespmem:s16], [sflag:$0x1] =	stream.indirect.gather @!p1 [hbm4b:s5+s7], $0x20, s15, s7, $0xb8;
	[tilespmem:$0x1B480] =	vst v63  }
0x18e: {  	_ =	swait.ge [sflag:s31], $0x1000  }
0x18f: {  	[sflag:s31] =	ssyncset.done $0x0  }
0x190: {  	[sflag:s31] =	ssyncadd.s32 $0xFFFFF000  }
0x191: {  	_ =	swait.ge [sflag:s31], $0x1000  }
0x192: {  	[sflag:s31] =	ssyncset.done $0x0  }
0x193: {  	[sflag:s31] =	ssyncadd.s32 $0xFFFFF000  }
0x194: {  	_ =	swait.ge [sflag:s31], $0x1000  }
0x195: {  	[sflag:s31] =	ssyncset.done $0x0  }
0x196: {  	[sflag:s31] =	ssyncadd.s32 $0xFFFFF000  }
0x197: {  	_ =	swait.ge [sflag:s31], $0x1000  }
0x198: {  	[sflag:s31] =	ssyncset.done $0x0  }
0x199: {  	[sflag:s31] =	ssyncadd.s32 $0xFFFFF000  }
0x19a: {  	_ =	swait.ge [sflag:s31], $0x1000  }
0x19b: {  	[sflag:s31] =	ssyncset.done $0x0  }
0x19c: {  	[sflag:s31] =	ssyncadd.s32 $0xFFFFF000  }
0x19d: {  	_ =	swait.ge [sflag:s31], $0x1000  }
0x19e: {  	[sflag:s31] =	ssyncset.done $0x0  }
0x19f: {  	[sflag:s31] =	ssyncadd.s32 $0xFFFFF000  }
0x1a0: {  	_ =	swait.ge [sflag:s31], $0x1000  }
0x1a1: {  	[sflag:s31] =	ssyncset.done $0x0  }
0x1a2: {  	[sflag:s31] =	ssyncadd.s32 $0xFFFFF000  }
0x1a3: {  	_ =	swait.ge [sflag:s31], $0x1000  }
0x1a4: {  	[sflag:s31] =	ssyncset.done $0x0  }
0x1a5: {  	[sflag:s31] =	ssyncadd.s32 $0xFFFFF000  }
0x1a6: {  	_ =	swait.ge [sflag:s31], $0x1000  }
0x1a7: {  	[sflag:s31] =	ssyncset.done $0x0  }
0x1a8: {  	[sflag:s31] =	ssyncadd.s32 $0xFFFFF000  }
0x1a9: {  	_ =	swait.ge [sflag:s31], $0x1000  }
0x1aa: {  	[sflag:s31] =	ssyncset.done $0x0  }
0x1ab: {  	[sflag:s31] =	ssyncadd.s32 $0xFFFFF000  }
0x1ac: {  	_ =	swait.ge [sflag:s31], $0x1000  }
0x1ad: {  	[sflag:s31] =	ssyncset.done $0x0  }
0x1ae: {  	[sflag:s31] =	ssyncadd.s32 $0xFFFFF000  }
0x1af: {  	_ =	swait.ge [sflag:s31], $0x1000  }
0x1b0: {  	[sflag:s31] =	ssyncset.done $0x0  }
0x1b1: {  	[sflag:s31] =	ssyncadd.s32 $0xFFFFF000  }
0x1b2: {  	_ =	swait.ge [sflag:s31], $0x800  }
0x1b3: {  	[sflag:s31] =	ssyncset.done $0x0  }
0x1b4: {  	s7 =	simm.s32 @!p0 $0x4;
	[sflag:s31] =	ssyncadd.s32 $0xFFFFF800  }
0x1b5: {  	_ =	swait.ge @!p0 [sflag:s7], $0x400  }
0x1b6: {  	[sflag:s7] =	ssyncset.done @!p0 $0x0  }
0x1b7: {  	s19 =	simm.s32 $0x0;
	[sflag:s7] =	ssyncadd.s32 @!p0 $0xFFFFFC00  }
0x1b8: {  	v2 =	vld [tilespmem:s19+$0xE4D0]  }
0x1b9: {  	v3 =	vld [tilespmem:s19+$0xE4C0]  }
0x1ba: {  	v4 =	vld [tilespmem:s19+$0xE4B0]  }
0x1bb: {  	v5 =	vld [tilespmem:s19+$0xE4A0]  }
0x1bc: {  	v6 =	vld [tilespmem:s19+$0xE490]  }
0x1bd: {  	v7 =	vld [tilespmem:s19+$0xE480]  }
0x1be: {  	s20 =	simm.s32 $0x14B0;
	v8 =	vld [tilespmem:s19+$0xE4F0]  }
0x1bf: {  	v1 =	vld [tilespmem:s20+$0xFFFFFFD0]  }
0x1c0: {  	v9 =	vld [tilespmem:s19+$0xE510]  }
0x1c1: {  	v10 =	vld [tilespmem:s19+$0xE530]  }
0x1c2: {  	v11 =	vld [tilespmem:s19+$0xE4E0];
	v6 =	vadd.f32 $0.0e+00, v6;
	v7 =	vadd.f32 $0.0e+00, v7  }
0x1c3: {  	v12 =	vld [tilespmem:s19+$0xE550]  }
0x1c4: {  	v20 =	vld [tilespmem:s19+$0xE500];
	v4 =	vadd.f32 v4, v6;
	v5 =	vadd.f32 v5, v7  }
0x1c5: {  	v21 =	vld [tilespmem:s19+$0xE570]  }
0x1c6: {  	v22 =	vld [tilespmem:s19+$0xE520];
	v2 =	vadd.f32 v2, v4;
	v3 =	vadd.f32 v3, v5  }
0x1c7: {  	v23 =	vld [tilespmem:s19+$0xE590]  }
0x1c8: {  	v24 =	vld [tilespmem:s19+$0xE540];
	v2 =	vadd.f32 v8, v2;
	v3 =	vadd.f32 v11, v3  }
0x1c9: {  	v25 =	vld [tilespmem:s19+$0xE5B0]  }
0x1ca: {  	v26 =	vld [tilespmem:s19+$0xE560];
	v2 =	vadd.f32 v9, v2;
	v3 =	vadd.f32 v20, v3  }
0x1cb: {  	v27 =	vld [tilespmem:s19+$0xE5D0]  }
0x1cc: {  	v28 =	vld [tilespmem:s19+$0xE580];
	v2 =	vadd.f32 v10, v2;
	v3 =	vadd.f32 v22, v3  }
0x1cd: {  	v29 =	vld [tilespmem:s19+$0xE5F0]  }
0x1ce: {  	v30 =	vld [tilespmem:s19+$0xE5A0];
	v2 =	vadd.f32 v12, v2;
	v3 =	vadd.f32 v24, v3  }
0x1cf: {  	v31 =	vld [tilespmem:s19+$0xE610]  }
0x1d0: {  	v32 =	vld [tilespmem:s19+$0xE5C0];
	v2 =	vadd.f32 v21, v2;
	v3 =	vadd.f32 v26, v3  }
0x1d1: {  	v33 =	vld [tilespmem:s19+$0xE630]  }
0x1d2: {  	v34 =	vld [tilespmem:s19+$0xE5E0];
	v2 =	vadd.f32 v23, v2;
	v3 =	vadd.f32 v28, v3  }
0x1d3: {  	v35 =	vld [tilespmem:s19+$0xE650]  }
0x1d4: {  	v36 =	vld [tilespmem:s19+$0xE600];
	v2 =	vadd.f32 v25, v2;
	v3 =	vadd.f32 v30, v3  }
0x1d5: {  	v37 =	vld [tilespmem:s19+$0xE670]  }
0x1d6: {  	v38 =	vld [tilespmem:s19+$0xE620];
	v2 =	vadd.f32 v27, v2;
	v3 =	vadd.f32 v32, v3  }
0x1d7: {  	v39 =	vld [tilespmem:s19+$0xE690]  }
0x1d8: {  	v40 =	vld [tilespmem:s19+$0xE640];
	v2 =	vadd.f32 v29, v2;
	v3 =	vadd.f32 v34, v3  }
0x1d9: {  	v41 =	vld [tilespmem:s19+$0xE6B0]  }
0x1da: {  	v42 =	vld [tilespmem:s19+$0xE660];
	v2 =	vadd.f32 v31, v2;
	v3 =	vadd.f32 v36, v3  }
0x1db: {  	v43 =	vld [tilespmem:s19+$0xE6D0]  }
0x1dc: {  	v44 =	vld [tilespmem:s19+$0xE680];
	v2 =	vadd.f32 v33, v2;
	v3 =	vadd.f32 v38, v3  }
0x1dd: {  	v45 =	vld [tilespmem:s19+$0xE6F0]  }
0x1de: {  	v46 =	vld [tilespmem:s19+$0xE6A0];
	v2 =	vadd.f32 v35, v2;
	v3 =	vadd.f32 v40, v3  }
0x1df: {  	v47 =	vld [tilespmem:s19+$0xE710]  }
0x1e0: {  	v48 =	vld [tilespmem:s19+$0xE6C0];
	v2 =	vadd.f32 v37, v2;
	v3 =	vadd.f32 v42, v3  }
0x1e1: {  	v49 =	vld [tilespmem:s19+$0xE730]  }
0x1e2: {  	v50 =	vld [tilespmem:s19+$0xE6E0];
	v2 =	vadd.f32 v39, v2;
	v3 =	vadd.f32 v44, v3  }
0x1e3: {  	v51 =	vld [tilespmem:s19+$0xE750]  }
0x1e4: {  	v52 =	vld [tilespmem:s19+$0xE700];
	v2 =	vadd.f32 v41, v2;
	v3 =	vadd.f32 v46, v3  }
0x1e5: {  	v53 =	vld [tilespmem:s19+$0xE770]  }
0x1e6: {  	v54 =	vld [tilespmem:s19+$0xE720];
	v2 =	vadd.f32 v43, v2;
	v3 =	vadd.f32 v48, v3  }
0x1e7: {  	v55 =	vld [tilespmem:s19+$0xE790]  }
0x1e8: {  	v56 =	vld [tilespmem:s19+$0xE740];
	v2 =	vadd.f32 v45, v2;
	v3 =	vadd.f32 v50, v3  }
0x1e9: {  	v57 =	vld [tilespmem:s19+$0xE7B0]  }
0x1ea: {  	v58 =	vld [tilespmem:s19+$0xE760];
	v2 =	vadd.f32 v47, v2;
	v3 =	vadd.f32 v52, v3  }
0x1eb: {  	v59 =	vld [tilespmem:s19+$0xE7D0]  }
0x1ec: {  	v60 =	vld [tilespmem:s19+$0xE780];
	v2 =	vadd.f32 v49, v2;
	v3 =	vadd.f32 v54, v3  }
0x1ed: {  	v61 =	vld [tilespmem:s19+$0xE7F0]  }
0x1ee: {  	v62 =	vld [tilespmem:s19+$0xE7A0];
	v2 =	vadd.f32 v51, v2;
	v3 =	vadd.f32 v56, v3  }
0x1ef: {  	v63 =	vld [tilespmem:s19+$0xE810]  }
0x1f0: {  	v16 =	vld [tilespmem:s19+$0xE7C0];
	v2 =	vadd.f32 v53, v2;
	v3 =	vadd.f32 v58, v3  }
0x1f1: {  	v17 =	vld [tilespmem:s19+$0xE830]  }
0x1f2: {  	v18 =	vld [tilespmem:s19+$0xE7E0];
	v2 =	vadd.f32 v55, v2;
	v3 =	vadd.f32 v60, v3  }
0x1f3: {  	v19 =	vld [tilespmem:s19+$0xE850]  }
0x1f4: {  	v20 =	vld [tilespmem:s19+$0xE800];
	v2 =	vadd.f32 v57, v2;
	v3 =	vadd.f32 v62, v3  }
0x1f5: {  	v22 =	vld [tilespmem:s19+$0xE820]  }
0x1f6: {  	v24 =	vld [tilespmem:s19+$0xE840];
	v2 =	vadd.f32 v59, v2;
	v3 =	vadd.f32 v16, v3  }
0x1f7: {  	v21 =	vld [tilespmem:s19+$0xE870]  }
0x1f8: {  	v26 =	vld [tilespmem:s19+$0xE860];
	v2 =	vadd.f32 v61, v2;
	v3 =	vadd.f32 v18, v3  }
0x1f9: {  	v23 =	vld [tilespmem:s19+$0xE890]  }
0x1fa: {  	v28 =	vld [tilespmem:s19+$0xE880];
	v2 =	vadd.f32 v63, v2;
	v3 =	vadd.f32 v20, v3  }
0x1fb: {  	v25 =	vld [tilespmem:s19+$0xE8B0]  }
0x1fc: {  	v30 =	vld [tilespmem:s20+$0x0];
	v2 =	vadd.f32 v17, v2;
	v3 =	vadd.f32 v22, v3  }
0x1fd: {  	v27 =	vld [tilespmem:s20+$0xFFFFFFE0]  }
0x1fe: {  	v32 =	vld [tilespmem:s19+$0xE8D0];
	v2 =	vadd.f32 v19, v2;
	v3 =	vadd.f32 v24, v3  }
0x1ff: {  	v31 =	vld [tilespmem:s19+$0xE8A0]  }
0x200: {  	v29 =	vld [tilespmem:s20+$0xFFFFFFF0];
	v2 =	vadd.f32 v21, v2;
	v3 =	vadd.f32 v26, v3  }
0x201: {  	v33 =	vld [tilespmem:s19+$0xE8C0]  }
0x202: {  	vm0 =	vgt.s32 v1, $0x0;
	v35 =	vld [tilespmem:s19+$0xE8E0];
	v1 =	vadd.f32 v23, v2;
	v2 =	vadd.f32 v28, v3  }
0x203: {  	v34 =	vsel vm0, $0x3F800000, v0;
	vm1 =	vgt.s32 v27, $0x0;
	v3 =	vld [tilespmem:s19+$0xE8F0]  }
0x204: {  	v36 =	vld [tilespmem:s19+$0xE910];
	v9 =	vsel vm1, $0x3F800000, v0;
	v1 =	vadd.f32 v25, v1;
	v2 =	vadd.f32 v31, v2  }
0x205: {  	v4 =	vadd.f32 v9, v34;
	vm14 =	vgt.s32 v29, $0x0;
	v37 =	vld [tilespmem:s19+$0xE900]  }
0x206: {  	v38 =	vld [tilespmem:s19+$0xE930];
	v10 =	vsel vm14, $0x3F800000, v0;
	v1 =	vadd.f32 v32, v1;
	v2 =	vadd.f32 v33, v2  }
0x207: {  	vm15 =	vgt.s32 v30, $0x0;
	v4 =	vadd.f32 v10, v4;
	v39 =	vld [tilespmem:s19+$0xE920]  }
0x208: {  	v40 =	vsel vm15, $0x3F800000, v0;
	v41 =	vld [tilespmem:s19+$0xE940];
	v1 =	vadd.f32 v3, v1;
	v2 =	vadd.f32 v35, v2  }
0x209: {  	v4 =	vadd.f32 v40, v4;
	v3 =	vld [tilespmem:s19+$0xE950]  }
0x20a: {  	v42 =	vld [tilespmem:s19+$0xE970];
	v1 =	vadd.f32 v36, v1;
	v2 =	vadd.f32 v37, v2  }
0x20b: {  	v43 =	vld [tilespmem:s19+$0xE960]  }
0x20c: {  	v44 =	vld [tilespmem:s19+$0xE990];
	(xrf2) =	vadd.scan.msk.f32 $0xffff, v4;
	v1 =	vadd.f32 v38, v1;
	v2 =	vadd.f32 v39, v2  }
0x20d: {  	v45 =	vld [tilespmem:s19+$0xE980]  }
0x20e: {  	v46 =	vld [tilespmem:s19+$0xE9A0];
	v1 =	vadd.f32 v3, v1;
	v2 =	vadd.f32 v41, v2  }
0x20f: {  	v3 =	vld [tilespmem:s19+$0xE9B0]  }
0x210: {  	v48 =	vld [tilespmem:s19+$0xE9C0];
	v1 =	vadd.f32 v42, v1;
	v2 =	vadd.f32 v43, v2  }
0x211: {  	v47 =	vld [tilespmem:s19+$0xE9D0]  }
0x212: {  	v50 =	vld [tilespmem:s19+$0xE9E0];
	v1 =	vadd.f32 v44, v1;
	v2 =	vadd.f32 v45, v2  }
0x213: {  	v49 =	vld [tilespmem:s19+$0xE9F0]  }
0x214: {  	v51 =	vld [tilespmem:s19+$0xEA00];
	v1 =	vadd.f32 v3, v1;
	v2 =	vadd.f32 v46, v2  }
0x215: {  	v3 =	vld [tilespmem:s19+$0xEA10]  }
0x216: {  	v52, _, _ =	vpop (xrf2);
	v53 =	vld [tilespmem:s19+$0xEA30];
	v1 =	vadd.f32 v47, v1;
	v2 =	vadd.f32 v48, v2  }
0x217: {  	v54 =	vadd.f32 $9.999999930e-09, v52;
	v55 =	vld [tilespmem:s19+$0xEA20]  }
0x218: {  	v56 =	vld [tilespmem:s19+$0xEA50];
	v1 =	vadd.f32 v49, v1;
	v2 =	vadd.f32 v50, v2  }
0x219: {  	v57 =	vld [tilespmem:s19+$0xEA40]  }
0x21a: {  	v8 =	vbroadcast v54, $0xF;
	v58 =	vld [tilespmem:s19+$0xEA60];
	v1 =	vadd.f32 v3, v1;
	v2 =	vadd.f32 v51, v2  }
0x21b: {  	v3 =	vld [tilespmem:s19+$0xEA70]  }
0x21c: {  	(erf) = vrcp.f32 v8;
	v60 =	vld [tilespmem:s19+$0xEA80];
	v1 =	vadd.f32 v53, v1;
	v2 =	vadd.f32 v55, v2  }
0x21d: {  	v59 =	vld [tilespmem:s19+$0xEA90]  }
0x21e: {  	v62 =	vld [tilespmem:s19+$0xEAA0];
	v1 =	vadd.f32 v56, v1;
	v2 =	vadd.f32 v57, v2  }
0x21f: {  	v61 =	vld [tilespmem:s19+$0xEAB0]  }
0x220: {  	v1 =	vadd.f32 v3, v1;
	v2 =	vadd.f32 v58, v2;
	_ =	sdelay $0x1  }
0x221: {  	v1 =	vadd.f32 v59, v1;
	v2 =	vadd.f32 v60, v2;
	_ =	sdelay $0x1  }
0x222: {  	v1 =	vadd.f32 v61, v1;
	v3 =	vadd.f32 v62, v2  }
0x223: {  	s17 =	simm.s32 $0x1B090;
	v63 =	vpop (erf)  }
0x224: {  	s15 =	simm.s32 $0x1B090;
	s16 =	simm.s32 $0x14F0;
	s19 =	simm.s32 $0x1900;
	v2 =	vmul.f32 v1, v63;
	v1 =	vmul.f32 v3, v63  }
.LBB2_5:
0x225: {  	s7 =	smov.u32 s19  }
0x226: {  	s20 =	sshra.s32 s19, $0x2;
	[tilespmem:s15+$0x0] =	vst v2;
	s17 =	sadd.s32 $0x20, s17;
	s7 =	sadd.s32 $0x1900, s19  }
0x227: {  	p0 =	sne.s32 s19, $0x30700;
	[tilespmem:s15+$0xFFFFFFF0] =	vst v1;
	s15 =	smov.u32 s17  }
0x228: {  	v1 =	vld [tilespmem:s20+$0xE4D0]  }
0x229: {  	v2 =	vld [tilespmem:s20+$0xE4C0]  }
0x22a: {  	v3 =	vld [tilespmem:s20+$0xE4B0]  }
0x22b: {  	v4 =	vld [tilespmem:s20+$0xE4A0]  }
0x22c: {  	v5 =	vld [tilespmem:s20+$0xE490]  }
0x22d: {  	v6 =	vld [tilespmem:s20+$0xE480]  }
0x22e: {  	v7 =	vld [tilespmem:s20+$0xE4F0]  }
0x22f: {  	v8 =	vld [tilespmem:s16+$0xFFFFFFD0]  }
0x230: {  	v9 =	vld [tilespmem:s20+$0xE510]  }
0x231: {  	v5 =	vadd.f32 $0.0e+00, v5;
	v10 =	vld [tilespmem:s20+$0xE530]  }
0x232: {  	v6 =	vadd.f32 $0.0e+00, v6;
	v11 =	vld [tilespmem:s20+$0xE4E0]  }
0x233: {  	v3 =	vadd.f32 v3, v5;
	v5 =	vld [tilespmem:s20+$0xE550]  }
0x234: {  	vm0 =	vgt.s32 v8, $0x0;
	v4 =	vadd.f32 v4, v6;
	v6 =	vld [tilespmem:s20+$0xE500]  }
0x235: {  	v1 =	vadd.f32 v1, v3;
	v3 =	vld [tilespmem:s20+$0xE570]  }
0x236: {  	v2 =	vadd.f32 v2, v4;
	v4 =	vld [tilespmem:s20+$0xE520]  }
0x237: {  	v1 =	vadd.f32 v7, v1;
	v7 =	vld [tilespmem:s20+$0xE590]  }
0x238: {  	v2 =	vadd.f32 v11, v2;
	v8 =	vld [tilespmem:s20+$0xE540]  }
0x239: {  	v1 =	vadd.f32 v9, v1;
	v9 =	vld [tilespmem:s20+$0xE5B0]  }
0x23a: {  	v2 =	vadd.f32 v6, v2;
	v6 =	vld [tilespmem:s20+$0xE560]  }
0x23b: {  	v1 =	vadd.f32 v10, v1;
	v10 =	vld [tilespmem:s20+$0xE5D0]  }
0x23c: {  	v2 =	vadd.f32 v4, v2;
	v4 =	vld [tilespmem:s20+$0xE580]  }
0x23d: {  	v1 =	vadd.f32 v5, v1;
	v5 =	vld [tilespmem:s20+$0xE5F0]  }
0x23e: {  	v2 =	vadd.f32 v8, v2;
	v8 =	vld [tilespmem:s20+$0xE5A0]  }
0x23f: {  	v1 =	vadd.f32 v3, v1;
	v3 =	vld [tilespmem:s20+$0xE610]  }
0x240: {  	v2 =	vadd.f32 v6, v2;
	v6 =	vld [tilespmem:s20+$0xE5C0]  }
0x241: {  	v1 =	vadd.f32 v7, v1;
	v7 =	vld [tilespmem:s20+$0xE630]  }
0x242: {  	v2 =	vadd.f32 v4, v2;
	v4 =	vld [tilespmem:s20+$0xE5E0]  }
0x243: {  	v1 =	vadd.f32 v9, v1;
	v9 =	vld [tilespmem:s20+$0xE650]  }
0x244: {  	v2 =	vadd.f32 v8, v2;
	v8 =	vld [tilespmem:s20+$0xE600]  }
0x245: {  	v1 =	vadd.f32 v10, v1;
	v10 =	vld [tilespmem:s20+$0xE670]  }
0x246: {  	v2 =	vadd.f32 v6, v2;
	v6 =	vld [tilespmem:s20+$0xE620]  }
0x247: {  	v1 =	vadd.f32 v5, v1;
	v5 =	vld [tilespmem:s20+$0xE690]  }
0x248: {  	v2 =	vadd.f32 v4, v2;
	v4 =	vld [tilespmem:s20+$0xE640]  }
0x249: {  	v1 =	vadd.f32 v3, v1;
	v3 =	vld [tilespmem:s20+$0xE6B0]  }
0x24a: {  	v2 =	vadd.f32 v8, v2;
	v8 =	vld [tilespmem:s20+$0xE660]  }
0x24b: {  	v1 =	vadd.f32 v7, v1;
	v7 =	vld [tilespmem:s20+$0xE6D0]  }
0x24c: {  	v2 =	vadd.f32 v6, v2;
	v6 =	vld [tilespmem:s20+$0xE680]  }
0x24d: {  	v1 =	vadd.f32 v9, v1;
	v9 =	vld [tilespmem:s20+$0xE6F0]  }
0x24e: {  	v2 =	vadd.f32 v4, v2;
	v4 =	vld [tilespmem:s20+$0xE6A0]  }
0x24f: {  	v1 =	vadd.f32 v10, v1;
	v10 =	vld [tilespmem:s20+$0xE710]  }
0x250: {  	v2 =	vadd.f32 v8, v2;
	v8 =	vld [tilespmem:s20+$0xE6C0]  }
0x251: {  	v1 =	vadd.f32 v5, v1;
	v5 =	vld [tilespmem:s20+$0xE730]  }
0x252: {  	v2 =	vadd.f32 v6, v2;
	v6 =	vld [tilespmem:s20+$0xE6E0]  }
0x253: {  	v1 =	vadd.f32 v3, v1;
	v3 =	vld [tilespmem:s20+$0xE750]  }
0x254: {  	v2 =	vadd.f32 v4, v2;
	v4 =	vld [tilespmem:s20+$0xE700]  }
0x255: {  	v1 =	vadd.f32 v7, v1;
	v7 =	vld [tilespmem:s20+$0xE770]  }
0x256: {  	v2 =	vadd.f32 v8, v2;
	v8 =	vld [tilespmem:s20+$0xE720]  }
0x257: {  	v1 =	vadd.f32 v9, v1;
	v9 =	vld [tilespmem:s20+$0xE790]  }
0x258: {  	v2 =	vadd.f32 v6, v2;
	v6 =	vld [tilespmem:s20+$0xE740]  }
0x259: {  	v1 =	vadd.f32 v10, v1;
	v10 =	vld [tilespmem:s20+$0xE7B0]  }
0x25a: {  	v2 =	vadd.f32 v4, v2;
	v4 =	vld [tilespmem:s20+$0xE760]  }
0x25b: {  	v1 =	vadd.f32 v5, v1;
	v5 =	vld [tilespmem:s20+$0xE7D0]  }
0x25c: {  	v2 =	vadd.f32 v8, v2;
	v8 =	vld [tilespmem:s20+$0xE780]  }
0x25d: {  	v1 =	vadd.f32 v3, v1;
	v3 =	vld [tilespmem:s20+$0xE7F0]  }
0x25e: {  	v2 =	vadd.f32 v6, v2;
	v6 =	vld [tilespmem:s20+$0xE7A0]  }
0x25f: {  	v1 =	vadd.f32 v7, v1;
	v7 =	vld [tilespmem:s20+$0xE810]  }
0x260: {  	v2 =	vadd.f32 v4, v2;
	v4 =	vld [tilespmem:s20+$0xE7C0]  }
0x261: {  	v1 =	vadd.f32 v9, v1;
	v9 =	vld [tilespmem:s20+$0xE830]  }
0x262: {  	v2 =	vadd.f32 v8, v2;
	v8 =	vld [tilespmem:s20+$0xE7E0]  }
0x263: {  	v1 =	vadd.f32 v10, v1;
	v10 =	vld [tilespmem:s20+$0xE850]  }
0x264: {  	v2 =	vadd.f32 v6, v2;
	v6 =	vld [tilespmem:s20+$0xE800]  }
0x265: {  	v1 =	vadd.f32 v5, v1;
	v5 =	vld [tilespmem:s20+$0xE870]  }
0x266: {  	v2 =	vadd.f32 v4, v2;
	v4 =	vld [tilespmem:s20+$0xE820]  }
0x267: {  	v1 =	vadd.f32 v3, v1;
	v3 =	vld [tilespmem:s20+$0xE890]  }
0x268: {  	v2 =	vadd.f32 v8, v2;
	v8 =	vld [tilespmem:s20+$0xE840]  }
0x269: {  	v1 =	vadd.f32 v7, v1;
	v7 =	vld [tilespmem:s20+$0xE8B0]  }
0x26a: {  	v2 =	vadd.f32 v6, v2;
	v6 =	vld [tilespmem:s20+$0xE860]  }
0x26b: {  	v11 =	vld [tilespmem:s16+$0xFFFFFFE0];
	v1 =	vadd.f32 v9, v1  }
0x26c: {  	v2 =	vadd.f32 v4, v2;
	v4 =	vld [tilespmem:s20+$0xE880]  }
0x26d: {  	v9 =	vld [tilespmem:s16+$0xFFFFFFF0];
	v1 =	vadd.f32 v10, v1  }
0x26e: {  	v10 =	vld [tilespmem:s16+$0x0];
	v2 =	vadd.f32 v8, v2  }
0x26f: {  	v1 =	vadd.f32 v5, v1;
	v5 =	vld [tilespmem:s20+$0xE8A0]  }
0x270: {  	vm1 =	vgt.s32 v11, $0x0;
	v2 =	vadd.f32 v6, v2;
	v6 =	vld [tilespmem:s20+$0xE8D0]  }
0x271: {  	v8 =	vsel vm0, $0x3F800000, v0;
	v11 =	vsel vm1, $0x3F800000, v0;
	v1 =	vadd.f32 v3, v1;
	v3 =	vld [tilespmem:s20+$0xE8C0]  }
0x272: {  	v8 =	vadd.f32 v11, v8;
	vm0 =	vgt.s32 v9, $0x0;
	v2 =	vadd.f32 v4, v2;
	v4 =	vld [tilespmem:s20+$0xE8F0]  }
0x273: {  	v9 =	vsel vm0, $0x3F800000, v0;
	v1 =	vadd.f32 v7, v1;
	v7 =	vld [tilespmem:s20+$0xE8E0]  }
0x274: {  	vm0 =	vgt.s32 v10, $0x0;
	v8 =	vadd.f32 v9, v8;
	v2 =	vadd.f32 v5, v2;
	v5 =	vld [tilespmem:s20+$0xE910]  }
0x275: {  	v9 =	vsel vm0, $0x3F800000, v0;
	v1 =	vadd.f32 v6, v1;
	v6 =	vld [tilespmem:s20+$0xE900]  }
0x276: {  	v8 =	vadd.f32 v9, v8;
	v2 =	vadd.f32 v3, v2;
	v3 =	vld [tilespmem:s20+$0xE930]  }
0x277: {  	v1 =	vadd.f32 v4, v1;
	v4 =	vld [tilespmem:s20+$0xE920]  }
0x278: {  	v2 =	vadd.f32 v7, v2;
	v7 =	vld [tilespmem:s20+$0xE950];
	(xrf2) =	vadd.scan.msk.f32 $0xffff, v8  }
0x279: {  	v1 =	vadd.f32 v5, v1;
	v5 =	vld [tilespmem:s20+$0xE940]  }
0x27a: {  	v2 =	vadd.f32 v6, v2;
	v6 =	vld [tilespmem:s20+$0xE970]  }
0x27b: {  	v1 =	vadd.f32 v3, v1;
	v3 =	vld [tilespmem:s20+$0xE960]  }
0x27c: {  	v2 =	vadd.f32 v4, v2;
	v4 =	vld [tilespmem:s20+$0xE990]  }
0x27d: {  	v1 =	vadd.f32 v7, v1;
	v7 =	vld [tilespmem:s20+$0xE980]  }
0x27e: {  	v2 =	vadd.f32 v5, v2;
	v5 =	vld [tilespmem:s20+$0xE9B0]  }
0x27f: {  	v1 =	vadd.f32 v6, v1;
	v6 =	vld [tilespmem:s20+$0xE9A0]  }
0x280: {  	v2 =	vadd.f32 v3, v2;
	v3 =	vld [tilespmem:s20+$0xE9D0]  }
0x281: {  	v1 =	vadd.f32 v4, v1;
	v4 =	vld [tilespmem:s20+$0xE9C0]  }
0x282: {  	v2 =	vadd.f32 v7, v2;
	v7 =	vld [tilespmem:s20+$0xE9F0];
	v8, _, _ =	vpop (xrf2)  }
0x283: {  	v8 =	vadd.f32 $9.999999930e-09, v8;
	v1 =	vadd.f32 v5, v1;
	v5 =	vld [tilespmem:s20+$0xE9E0]  }
0x284: {  	v2 =	vadd.f32 v6, v2;
	v6 =	vld [tilespmem:s20+$0xEA10]  }
0x285: {  	v8 =	vbroadcast v8, $0xF;
	v1 =	vadd.f32 v3, v1;
	v3 =	vld [tilespmem:s20+$0xEA00]  }
0x286: {  	v2 =	vadd.f32 v4, v2;
	v4 =	vld [tilespmem:s20+$0xEA30]  }
0x287: {  	v1 =	vadd.f32 v7, v1;
	v7 =	vld [tilespmem:s20+$0xEA20]  }
0x288: {  	v2 =	vadd.f32 v5, v2;
	v5 =	vld [tilespmem:s20+$0xEA50]  }
0x289: {  	v1 =	vadd.f32 v6, v1;
	v6 =	vld [tilespmem:s20+$0xEA40]  }
0x28a: {  	v2 =	vadd.f32 v3, v2;
	v3 =	vld [tilespmem:s20+$0xEA70]  }
0x28b: {  	v1 =	vadd.f32 v4, v1;
	v4 =	vld [tilespmem:s20+$0xEA60];
	(erf) = vrcp.f32 v8  }
0x28c: {  	v2 =	vadd.f32 v7, v2;
	v7 =	vld [tilespmem:s20+$0xEA90]  }
0x28d: {  	v1 =	vadd.f32 v5, v1;
	v5 =	vld [tilespmem:s20+$0xEA80]  }
0x28e: {  	v2 =	vadd.f32 v6, v2;
	v6 =	vld [tilespmem:s20+$0xEAB0]  }
0x28f: {  	v1 =	vadd.f32 v3, v1;
	v3 =	vld [tilespmem:s20+$0xEAA0]  }
0x290: {  	v2 =	vadd.f32 v4, v2  }
0x291: {  	v1 =	vadd.f32 v7, v1  }
.Ltmp1:
0x292: {  	v2 =	vadd.f32 v5, v2;
	(pc) =	sbr.rel @p0 .LBB2_5-.Ltmp1, $4  }
0x293: {  	v1 =	vadd.f32 v6, v1  }
0x294: {  	v3 =	vadd.f32 v3, v2;
	v4 =	vpop (erf)  }
0x295: {  	v2 =	vmul.f32 v1, v4  }
0x296: {  	s19 =	smov.u32 s7;
	s16 =	sadd.s32 $0x40, s16;
	v1 =	vmul.f32 v3, v4  }
0x297: {  	s1 =	sadd.s32 $0x1, s1  }
0x298: {  	p0 =	sne.s32 s1, $0x8  }
.Ltmp2:
0x299: {  	_ = 	snop;
	(pc) =	sbr.rel @p0 .LBB2_2-.Ltmp2, $4  }
0x29a: {  	_ = 	snop  }
0x29b: {  	[tilespmem:s15+$0x0] =	vst v2;
	s7 =	sshll.u32 s13, $0x7  }
0x29c: {  	[tilespmem:s15+$0xFFFFFFF0] =	vst v1;
	s7 =	sadd.s32 s7, s9  }
0x29d: {  	[hbm4b:s7+s2] =	stream.linear.scatter [tilespmem:s0], [sflag:$0x4], $0x400, $0x38;
	[tilespmem:$0x1B480] =	vst v63  }
0x29e: {  	s1 =	simm.s32 $0x3  }
0x29f: {  	_ =	swait.ge [sflag:s1], $0x400  }
0x2a0: {  	[sflag:s1] =	ssyncset.done $0x0  }
0x2a1: {  	s7 =	simm.s32 $0x4;
	[sflag:s1] =	ssyncadd.s32 $0xFFFFFC00  }
0x2a2: {  	_ =	swait.ge [sflag:s7], $0x400  }
0x2a3: {  	s13 =	rddreg [dreg:$0x5]  }
0x2a4: {  	s20 =	rddreg [dreg:$0x4];
	s13 =	sadd.s32 $0x1, s13  }
0x2a5: {  	p0 =	sne.s32 s13, s20  }
.Ltmp3:
0x2a6: {  	_ = 	snop;
	(pc) =	sbr.rel @p0 .LBB2_1-.Ltmp3, $3  }
0x2a7: {  	_ =	sdelay $0x1  }
0x2a8: {  	[sflag:s7] =	ssyncset.done $0x0  }
0x2a9: {  	[sflag:s7] =	ssyncadd.s32 $0xFFFFFC00  }
0x2aa: {  	_ =	sfence.sel $0x180000  }
0x2ab: {  	[bflag:$0x0] =	sbarrier.arrive $0xFFFF  }
0x2ac: {  	_ =	strace $0x90000047  }
0x2ad: {  	s0 =	stileid.u32;
	[bflag:$0x2] =	sbarrier.arrive $0xFFFF  }
0x2ae: {  	p0 =	sne.s32 s0, $0x0;
	s0 =	rddreg [dreg:$0x1]  }
0x2af: {  	s0 =	sadd.s32 @!p0 $0x100000, s0  }
0x2b0: {  	[sflag:s0] =	ssyncadd.tile.s32 @!p0 $0x1;
	_ =	shalt  }
.Lfunc_end2:
_tile_overlayer_lowered:
.L_overlay_start_2:
0x2b1: {  	(tag) =	ssettag $0x2  }
0x2b2: {  	s0 =	rddreg [dreg:$0x0];
	s2 =	stileid.u32  }
0x2b3: {  	s1 =	rddreg [dreg:$0x1];
	p0 =	sne.s32 s2, $0x0  }
0x2b4: {  	s3 =	rddreg [dreg:$0x2];
	[bflag:$0x3] =	sbarrier.arrive $0xFFFF;
	s2 =	simm.s32 @!p0 $0x1C05  }
0x2b5: {  	[timem:s3], [sflag:s2] =	dma.local @!p0 [hbm:s0], s1  }
0x2b6: {  	s0 =	simm.s32 @!p0 $0x5  }
0x2b7: {  	_ =	swait.ge @!p0 [sflag:s0], s1  }
0x2b8: {  	s1 =	ssub.s32 @!p0 $0x0, s1;
	[sflag:s0] =	ssyncset.done @!p0 $0x0  }
0x2b9: {  	[sflag:s0] =	ssyncadd.s32 @!p0 s1  }
0x2ba: {  	[bflag:$0x3] =	sbarrier.arrive $0xFFFF  }
0x2bb: {  	_ =	shalt  }

// kernel: kernel.8.cloned.1.call-start
scs
__scs_entry_jumppad:
0x0: {  	(pc) =	sbr.rel $0x88, $3  }
0x1: {  	(tag) =	ssettag $0x0;
	lr =	simm.s32 $0x1  }
0x2: {  	[smem:$0x3F9D] =	sst lr;
	_ =	strace $0xD0000000  }
0x3: {  	_ = 	snop  }
0x4: {  	_ = 	snop  }
0x5: {  	_ = 	snop  }
0x6: {  	_ = 	snop  }
0x7: {  	_ = 	snop  }
__scs_overlays_trampoline_lowered:
0x8: {  	[smem:$0x3FAC] =	sst s0  }
0x9: {  	[smem:$0x3FAD] =	sst s1  }
0xa: {  	[smem:$0x3FAE] =	sst s2  }
0xb: {  	[smem:$0x3FAF] =	sst s3  }
0xc: {  	[smem:$0x3FB0] =	sst s4  }
0xd: {  	[smem:$0x3FB1] =	sst s5  }
0xe: {  	[smem:$0x3FB2] =	sst s6  }
0xf: {  	[smem:$0x3FB3] =	sst s7  }
0x10: {  	[smem:$0x3FB4] =	sst s8  }
0x11: {  	[smem:$0x3FB5] =	sst s9;
	s0 =	simm.s32 @!p0 $0x0  }
0x12: {  	s1 =	sld [smem:$0x3F9B];
	s0 =	simm.s32 @p0 $0x1  }
0x13: {  	[smem:$0x3FB6] =	sst s0;
	s0 =	simm.s32 @!p1 $0x0  }
0x14: {  	s2 =	sld [smem:$0x3F9A];
	s0 =	simm.s32 @p1 $0x1  }
0x15: {  	[smem:$0x3FB7] =	sst s0;
	s0 =	simm.s32 @!p2 $0x0  }
0x16: {  	s3 =	sld [smem:$0x3FDB];
	s0 =	simm.s32 @p2 $0x1  }
0x17: {  	s4 =	simm.s32 $0x1BF5;
	[smem:$0x3FB9] =	sst s0  }
0x18: {  	s0 =	sld [smem:$0x3F9C];
	_ =	swait.ge [sflag:s4], $0x0  }
0x19: {  	s7 =	sld [smem:$0x3F9D]  }
0x1a: {  	s8 =	sadd.s32 $0xFFFFE003, lr  }
0x1b: {  	s9 =	sadd.s32 $0xFFFFFEF7, lr;
	s5 =	simm.s32 $0xFFFFFFFF;
	p2 =	slt.u32 s8, $0xFFFFF086  }
0x1c: {  	p1 =	slt.u32 s9, $0xF7A;
	s5 =	simm.s32 @!p2 $0x0  }
0x1d: {  	s5 =	simm.s32 @p1 $0x1;
	p0 =	seq.s32 s7, s2  }
0x1e: {  	s7 =	smul.u32 @!p0 $0xF7A, s2;
	p2 =	seq.s32 @!p0 s5, $0x0  }
0x1f: {  	s9 =	smul.u32 $0xF7A, s1;
	s8 =	simm.s32 @!p0 $0x1BF5;
	p2 =	por !p2, p0  }
0x20: {  	[sflag:s8] =	ssyncset.s32 @!p0 $0xFFFFF086;
	s6 =	sadd.s32 @!p0 s3, s7;
	s7 =	simm.s32 @!p0 $0x108  }
0x21: {  	s3 =	sadd.s32 s3, s9;
	s6 =	sadd.s32 @!p0 $0x88, s6;
	s7 =	simm.s32 @p2 $0x1082  }
0x22: {  	[simem:s7], [sflag:s8] =	dma.local @!p0 [hbm:s6], $0xF7A  }
0x23: {  	s9 =	sor.u32 $0xD0000000, s2;
	s6 =	simm.s32 $0x108;
	_ =	swait.ge @!p0 [sflag:s8], $0x0  }
0x24: {  	s3 =	sadd.s32 $0x88, s3;
	s6 =	simm.s32 @!p1 $0x1082;
	[sflag:s4] =	ssyncset.s32 $0xFFFFF086  }
0x25: {  	[simem:s6], [sflag:s4] =	dma.local [hbm:s3], $0xF7A  }
0x26: {  	[smem:$0x3F9D] =	sst s1;
	(tag) =	ssettag s2;
	_ =	strace s9  }
0x27: {  	s1 =	sld [smem:$0x3FAD]  }
0x28: {  	s2 =	sld [smem:$0x3FAE]  }
0x29: {  	s4 =	sld [smem:$0x3FB0]  }
0x2a: {  	p0 =	seq.s32 s5, $0x0;
	s5 =	sld [smem:$0x3FB1]  }
0x2b: {  	s6 =	sld [smem:$0x3FB2]  }
0x2c: {  	s7 =	sld [smem:$0x3FB3]  }
0x2d: {  	s3 =	simm.s32 $0x108;
	s8 =	sld [smem:$0x3FB4]  }
0x2e: {  	s3 =	simm.s32 @!p0 $0x1082;
	s9 =	sld [smem:$0x3FB5]  }
0x2f: {  	lr =	sadd.s32 s0, s3;
	s0 =	sld [smem:$0x3FAC]  }
0x30: {  	s3 =	sld [smem:$0x3FAF]  }
0x31: {  	[smem:$0x3FB8] =	sst s10  }
0x32: {  	s10 =	sld [smem:$0x3FB6];
	_ =	sdelay $0x3  }
0x33: {  	p0 =	seq.s32 s10, $0x1;
	s10 =	sld [smem:$0x3FB8];
	_ =	sdelay $0x3  }
0x34: {  	[smem:$0x3FB8] =	sst s10  }
0x35: {  	s10 =	sld [smem:$0x3FB7];
	_ =	sdelay $0x3  }
0x36: {  	p1 =	seq.s32 s10, $0x1;
	s10 =	sld [smem:$0x3FB8];
	_ =	sdelay $0x3  }
0x37: {  	[smem:$0x3FB8] =	sst s10  }
0x38: {  	s10 =	sld [smem:$0x3FB9]  }
0x39: {  	_ = 	snop;
	(pc) =	sbr.ind lr, $3  }
0x3a: {  	_ = 	snop  }
0x3b: {  	_ = 	snop  }
0x3c: {  	p2 =	seq.s32 s10, $0x1;
	s10 =	sld [smem:$0x3FB8]  }
0x3d: {  	_ =	shalt  }
0x3e: {  	_ =	shalt  }
0x3f: {  	_ =	shalt  }
0x40: {  	_ =	shalt  }
0x41: {  	_ =	shalt  }
0x42: {  	_ =	shalt  }
0x43: {  	_ =	shalt  }
0x44: {  	_ =	shalt  }
0x45: {  	_ =	shalt  }
0x46: {  	_ =	shalt  }
0x47: {  	_ =	shalt  }
0x48: {  	_ =	shalt  }
0x49: {  	_ =	shalt  }
0x4a: {  	_ =	shalt  }
0x4b: {  	_ =	shalt  }
0x4c: {  	_ =	shalt  }
0x4d: {  	_ =	shalt  }
0x4e: {  	_ =	shalt  }
0x4f: {  	_ =	shalt  }
0x50: {  	_ =	shalt  }
0x51: {  	_ =	shalt  }
0x52: {  	_ =	shalt  }
0x53: {  	_ =	shalt  }
0x54: {  	_ =	shalt  }
0x55: {  	_ =	shalt  }
0x56: {  	_ =	shalt  }
0x57: {  	_ =	shalt  }
0x58: {  	_ =	shalt  }
0x59: {  	_ =	shalt  }
0x5a: {  	_ =	shalt  }
0x5b: {  	_ =	shalt  }
0x5c: {  	_ =	shalt  }
0x5d: {  	_ =	shalt  }
0x5e: {  	_ =	shalt  }
0x5f: {  	_ =	shalt  }
0x60: {  	_ =	shalt  }
0x61: {  	_ =	shalt  }
0x62: {  	_ =	shalt  }
0x63: {  	_ =	shalt  }
0x64: {  	_ =	shalt  }
0x65: {  	_ =	shalt  }
0x66: {  	_ =	shalt  }
0x67: {  	_ =	shalt  }
0x68: {  	_ =	shalt  }
0x69: {  	_ =	shalt  }
0x6a: {  	_ =	shalt  }
0x6b: {  	_ =	shalt  }
0x6c: {  	_ =	shalt  }
0x6d: {  	_ =	shalt  }
0x6e: {  	_ =	shalt  }
0x6f: {  	_ =	shalt  }
0x70: {  	_ =	shalt  }
0x71: {  	_ =	shalt  }
0x72: {  	_ =	shalt  }
0x73: {  	_ =	shalt  }
0x74: {  	_ =	shalt  }
0x75: {  	_ =	shalt  }
0x76: {  	_ =	shalt  }
0x77: {  	_ =	shalt  }
0x78: {  	_ =	shalt  }
0x79: {  	_ =	shalt  }
0x7a: {  	_ =	shalt  }
0x7b: {  	_ =	shalt  }
0x7c: {  	_ =	shalt  }
0x7d: {  	_ =	shalt  }
0x7e: {  	_ =	shalt  }
0x7f: {  	_ =	shalt  }
0x80: {  	_ =	shalt  }
0x81: {  	_ =	shalt  }
0x82: {  	_ =	shalt  }
0x83: {  	_ =	shalt  }
0x84: {  	_ =	shalt  }
0x85: {  	_ =	shalt  }
0x86: {  	_ =	shalt  }
0x87: {  	_ =	shalt  }
.Lfunc_end0:
.L_simem_size_0:
called_computation.1_lowered:
.L_overlay_start_0:
0x88: {  	s2 =	sld [smem:$0x3FD9]  }
0x89: {  	s3 =	sld [smem:$0x3FFE];
	_ =	sdelay $0x1  }
0x8a: {  	s1 =	srdreg.scid  }
0x8b: {  	s0 =	sand.u32 $0x1, s1  }
0x8c: {  	s17 =	sshll.u32 s0, $0xA;
	s2 =	sadd.s32 s3, s2  }
0x8d: {  	s2 =	sadd.s32 s2, s17  }
0x8e: {  	[smem:$0x3FC4] =	sst s2  }
0x8f: {  	_ = 	snop  }
0x90: {  	s4 =	sld [smem:$0x3FC9]  }
0x91: {  	s18 =	sld [smem:$0x3FD0];
	(tm) =	ssettm $0x1  }
0x92: {  	s19 =	sld [smem:$0x3FFB];
	_ =	sdelay $0x3  }
0x93: {  	_ =	strace s19  }
0x94: {  	s2 =	sld [smem:$0x3FFC];
	_ =	sdelay $0x3  }
0x95: {  	_ =	strace s2  }
0x96: {  	s2 =	sld [smem:$0x3FFD];
	_ =	sdelay $0x3  }
0x97: {  	_ =	strace s2  }
0x98: {  	_ =	strace $0x8FFFFFFF  }
0x99: {  	s20 =	sld [smem:$0x3FDB];
	_ =	sdelay $0x1  }
0x9a: {  	s5 =	simm.s32 $_scs_section_size  }
0x9b: {  	s6 =	simm.s32 $_size__tile_overlayer_lowered;
	s7 =	simm.s32 $_tile_overlayer_lowered  }
0x9c: {  	s8 =	simm.s32 $0x1BFF;
	s21 =	sshll.u32 s7, $0x1;
	s5 =	sadd.s32 s5, s20  }
0x9d: {  	s22 =	simm.s32 $0x0;
	s6 =	sshll.u32 s6, $0x1;
	s7 =	sadd.s32 s21, s5  }
0x9e: {  	[timem:s22], [sflag:s8] =	dma.local [hbm:s7], s6  }
0x9f: {  	_ =	swait.ge [sflag:s8], s6  }
0xa0: {  	s6 =	ssub.s32 $0x0, s6;
	[sflag:s8] =	ssyncset.done $0x0  }
0xa1: {  	[sflag:s8] =	ssyncadd.s32 s6;
	_ =	sdelay $0x1  }
0xa2: {  	s23 =	simm.s32 $0x1B8B  }
0xa3: {  	_ =	swait.ge [sflag:s23], $0x1  }
0xa4: {  	[sflag:s23] =	ssyncset.done $0x0  }
0xa5: {  	[sflag:s23] =	ssyncadd.s32 $0xFFFFFFFF  }
0xa6: {  	s6 =	sld [smem:$0x0]  }
0xa7: {  	s7 =	sand.u32 $0xFFFFFFFE, s1  }
0xa8: {  	p0 =	sne.s32 s1, s7  }
0xa9: {  	s7 =	sshll.u32 @p0 s7, $0xE  }
0xaa: {  	s7 =	sadd.s32 @p0 $0x11B8D, s7;
	s8 =	sshll.u32 @p0 s6, $0x11  }
0xab: {  	s7 =	sor.u32 @p0 s8, s7  }
0xac: {  	[sflag:s7] =	ssyncadd.remote.s32 @p0 $0x1;
	_ =	sdelay $0x1  }
0xad: {  	s7 =	simm.s32 @p0 $0x1B8D  }
0xae: {  	_ =	swait.eq @p0 [sflag:s7], $0x1  }
0xaf: {  	[sflag:s7] =	ssyncadd.s32 @p0 $0xFFFFFFFF  }
0xb0: {  	s8 =	sshll.u32 @!p0 s1, $0xE  }
0xb1: {  	s8 =	sor.u32 @!p0 $0x4000, s8;
	s7 =	simm.s32 @!p0 $0x1B8D  }
0xb2: {  	s6 =	sshll.u32 @!p0 s6, $0x11;
	s8 =	sadd.s32 @!p0 $0x11B8D, s8;
	_ =	swait.eq @!p0 [sflag:s7], $0x1  }
0xb3: {  	s6 =	sor.u32 @!p0 s6, s8;
	[sflag:s7] =	ssyncadd.s32 @!p0 $0xFFFFFFFF  }
0xb4: {  	s25 =	simm.s32 $0x1B8E;
	s24 =	sld [smem:$0x3FFE];
	[sflag:s6] =	ssyncadd.remote.s32 @!p0 $0x1  }
0xb5: {  	s26 =	simm.s32 $execute0_lowered;
	[smem:$0x3FD2] =	sst s25  }
0xb6: {  	s7 =	sshll.u32 s26, $0x1;
	_ =	strace $0x80000049;
	[dreg:$0x1] =	wrdreg $0xFFFFFFFF  }
0xb7: {  	s28 =	simm.s32 $_size_execute0_lowered;
	s5 =	sadd.s32 s5, s7;
	[dreg:$0x0] =	wrdreg $0x0  }
0xb8: {  	s7 =	sshll.u32 s28, $0x1;
	[dreg:$0x2] =	wrdreg s5  }
0xb9: {  	[dreg:$0x3] =	wrdreg s7  }
0xba: {  	[dreg:$0x4] =	wrdreg $0xC0  }
0xbb: {  	_ =	task [dreg:s22], $0x5FFFF  }
0xbc: {  	[dreg:$0x1] =	wrdreg $0xFFFFFFFF  }
0xbd: {  	[dreg:$0x0] =	wrdreg $0x60  }
0xbe: {  	[dreg:$0x2] =	wrdreg s4  }
0xbf: {  	[dreg:$0x3] =	wrdreg s24  }
0xc0: {  	[dreg:$0x4] =	wrdreg s18  }
0xc1: {  	[dreg:$0x5] =	wrdreg $0xA  }
0xc2: {  	_ =	task.clear_ibuf [dreg:s22], $0x6FFFF;
	_ =	strace $0x90000049  }
0xc3: {  	s29 =	simm.s32 $0xA;
	_ =	strace $0x8000004B  }
0xc4: {  	_ =	swait.ge [sflag:s29], $0x1  }
0xc5: {  	[sflag:s29] =	ssyncadd.s32 $0xFFFFFFFF  }
0xc6: {  	_ =	strace $0x9000004B  }
0xc7: {  	_ =	sfence  }
0xc8: {  	s30 =	sld [smem:$0x0];
	_ =	sdelay $0x2  }
0xc9: {  	s31 =	sshll.u32 s1, $0xD;
	s1 =	sshrl.u32 s1, $0x2  }
0xca: {  	s4 =	sand.u32 $0x4000, s31;
	s1 =	sadd.s32 s1, s30  }
0xcb: {  	s0 =	sor.u32 s4, s0;
	s1 =	sshll.u32 s1, $0x11  }
0xcc: {  	s0 =	sor.u32 s1, s0  }
0xcd: {  	s0 =	sadd.s32 $0x8F2B, s0  }
0xce: {  	[sflag:s0] =	ssyncadd.remote.s32 $0x1  }
0xcf: {  	_ =	sfence.sel $0xFFFF  }
0xd0: {  	[dreg:$0x0] =	wrdreg $0xFFFFFFFF;
	(pc) =	sbr.abs _section_cstart, $3  }
0xd1: {  	[dreg:$0x1] =	wrdreg $0xFFFFFFFF  }
0xd2: {  	_ =	task.clear_ibuf [dreg:s22], $0x2FFFF;
	_ =	strace $0x9FFFFFFF  }
0xd3: {  	(tm) =	ssettm $0x7FFFFFFF  }
tec
execute0_lowered:
.L_overlay_start_1:
0x0: {  	(tag) =	ssettag $0x1  }
0x1: {  	s3 =	rddreg [dreg:$0x0];
	s1 =	srdreg.scid  }
0x2: {  	s5 =	rddreg [dreg:$0x1];
	s0 =	stileid.u32;
	s14 =	sand.u32 $0x1, s1  }
0x3: {  	s15 =	rddreg [dreg:$0x2];
	s4 =	sshll.u32 s0, $0xA;
	s6 =	sshll.u32 s14, $0x9  }
0x4: {  	s2 =	simm.s32 $0x0;
	s1 =	rddreg [dreg:$0x3];
	s16 =	sor.u32 s6, s4  }
0x5: {  	[smem:$0x7FF] =	sst s2;
	s4 =	sshrl.u32 s16, $0x3  }
0x6: {  	_ =	strace $0x8000004A;
	s4 =	sadd.s32 s3, s4;
	s3 =	simm.s32 $0x2  }
0x7: {  	[tilespmem:s2], [sflag:$0x2] =	stream.linear.gather [hbm4b:s4+s2], $0x200, $0x38;
	[tilespmem:$0x4200] =	vst v63  }
0x8: {  	_ =	swait.ge [sflag:s3], $0x200  }
0x9: {  	s7 =	simm.s32 $0x200;
	[sflag:s3] =	ssyncset.done $0x0  }
0xa: {  	s5 =	sadd.s32 $0x1393E00, s5;
	s6 =	simm.s32 $0x80;
	[sflag:s3] =	ssyncadd.s32 $0xFFFFFE00  }
0xb: {  	[tilespmem:s7], [sflag:$0x1] =	stream.indirect.gather [hbm4b:s5+s6], $0x20, s2, s6, $0xb8;
	[tilespmem:$0x4200] =	vst v63  }
0xc: {  	s8 =	simm.s32 $0x1200  }
0xd: {  	[tilespmem:s8], [sflag:$0x1] =	stream.indirect.gather [hbm4b:s5+s6], $0x20, s6, s6, $0xb8;
	[tilespmem:$0x4200] =	vst v63  }
0xe: {  	s9 =	simm.s32 $0x100;
	s10 =	simm.s32 $0x2200  }
0xf: {  	[tilespmem:s10], [sflag:$0x1] =	stream.indirect.gather [hbm4b:s5+s6], $0x20, s9, s6, $0xb8;
	[tilespmem:$0x4200] =	vst v63  }
0x10: {  	s11 =	simm.s32 $0x180;
	s12 =	simm.s32 $0x3200;
	s13 =	simm.s32 $0x1  }
0x11: {  	[tilespmem:s12], [sflag:$0x1] =	stream.indirect.gather [hbm4b:s5+s6], $0x20, s11, s6, $0xb8;
	[tilespmem:$0x4200] =	vst v63  }
0x12: {  	_ =	swait.ge [sflag:s13], $0x1000  }
0x13: {  	[sflag:s13] =	ssyncset.done $0x0  }
0x14: {  	[sflag:s13] =	ssyncadd.s32 $0xFFFFF000  }
0x15: {  	_ =	swait.ge [sflag:s13], $0x1000  }
0x16: {  	[sflag:s13] =	ssyncset.done $0x0  }
0x17: {  	s14 =	ssub.s32 $0x2, s14;
	[sflag:s13] =	ssyncadd.s32 $0xFFFFF000  }
0x18: {  	s17 =	sshrl.u32 s14, $0x1;
	_ =	swait.ge [sflag:s13], $0x1000  }
0x19: {  	s17 =	ssub.s32 s14, s17;
	[sflag:s13] =	ssyncset.done $0x0  }
0x1a: {  	s31 =	smax.u32 s17, $0x1;
	[sflag:s13] =	ssyncadd.s32 $0xFFFFF000  }
0x1b: {  	p0 =	sne.s32 s31, $0x1;
	_ =	swait.ge [sflag:s13], $0x1000  }
.Ltmp0:
0x1c: {  	s30 =	sshll.u32 s16, $0x2;
	[sflag:s13] =	ssyncset.done $0x0;
	(pc) =	sbr.rel @!p0 .LBB2_2-.Ltmp0, $4  }
0x1d: {  	s14 =	sadd.s32 s15, s30;
	[sflag:s13] =	ssyncadd.s32 $0xFFFFF000  }
0x1e: {  	[hbm4b:s14+s2] =	stream.linear.scatter [tilespmem:s7], [sflag:$0x2], $0x4000, $0x38;
	[tilespmem:$0x4200] =	vst v63  }
0x1f: {  	_ =	swait.ge [sflag:s3], $0x4000  }
0x20: {  	s15 =	sadd.s32 $0xFFFFFFFF, s31;
	[sflag:s3] =	ssyncset.done $0x0  }
.LBB2_1:
0x21: {  	p0 =	sne.s32 s15, $0x1;
	s15 =	sadd.s32 $0xFFFFFFFF, s15;
	[sflag:s3] =	ssyncadd.s32 $0xFFFFC000  }
0x22: {  	[tilespmem:s2], [sflag:$0x2] =	stream.linear.gather [hbm4b:s4+s2], $0x200, $0x38;
	[tilespmem:$0x4200] =	vst v63  }
0x23: {  	_ =	swait.ge [sflag:s3], $0x200  }
0x24: {  	[sflag:s3] =	ssyncset.done $0x0  }
0x25: {  	[sflag:s3] =	ssyncadd.s32 $0xFFFFFE00  }
0x26: {  	[tilespmem:s7], [sflag:$0x1] =	stream.indirect.gather [hbm4b:s5+s6], $0x20, s2, s6, $0xb8;
	[tilespmem:$0x4200] =	vst v63  }
0x27: {  	_ = 	snop  }
0x28: {  	[tilespmem:s8], [sflag:$0x1] =	stream.indirect.gather [hbm4b:s5+s6], $0x20, s6, s6, $0xb8;
	[tilespmem:$0x4200] =	vst v63  }
0x29: {  	_ = 	snop  }
0x2a: {  	[tilespmem:s10], [sflag:$0x1] =	stream.indirect.gather [hbm4b:s5+s6], $0x20, s9, s6, $0xb8;
	[tilespmem:$0x4200] =	vst v63  }
0x2b: {  	_ = 	snop  }
0x2c: {  	[tilespmem:s12], [sflag:$0x1] =	stream.indirect.gather [hbm4b:s5+s6], $0x20, s11, s6, $0xb8;
	[tilespmem:$0x4200] =	vst v63  }
0x2d: {  	_ =	swait.ge [sflag:s13], $0x1000  }
0x2e: {  	[sflag:s13] =	ssyncset.done $0x0  }
0x2f: {  	[sflag:s13] =	ssyncadd.s32 $0xFFFFF000  }
0x30: {  	_ =	swait.ge [sflag:s13], $0x1000  }
0x31: {  	[sflag:s13] =	ssyncset.done $0x0  }
0x32: {  	[sflag:s13] =	ssyncadd.s32 $0xFFFFF000  }
0x33: {  	_ =	swait.ge [sflag:s13], $0x1000  }
0x34: {  	[sflag:s13] =	ssyncset.done $0x0  }
0x35: {  	[sflag:s13] =	ssyncadd.s32 $0xFFFFF000  }
0x36: {  	_ =	swait.ge [sflag:s13], $0x1000  }
.Ltmp1:
0x37: {  	[sflag:s13] =	ssyncset.done $0x0;
	(pc) =	sbr.rel @p0 .LBB2_1-.Ltmp1, $4  }
0x38: {  	[sflag:s13] =	ssyncadd.s32 $0xFFFFF000  }
0x39: {  	[hbm4b:s14+s2] =	stream.linear.scatter [tilespmem:s7], [sflag:$0x2], $0x4000, $0x38;
	[tilespmem:$0x4200] =	vst v63  }
0x3a: {  	_ =	swait.ge [sflag:s3], $0x4000  }
0x3b: {  	[sflag:s3] =	ssyncset.done $0x0  }
.LBB2_2:
0x3c: {  	[sflag:s3] =	ssyncadd.s32 $0xFFFFC000  }
0x3d: {  	_ =	sfence.sel $0x180000  }
0x3e: {  	[bflag:$0x0] =	sbarrier.arrive $0xFFFF  }
0x3f: {  	p0 =	sne.s32 s0, $0x0;
	_ =	strace $0x9000004A  }
0x40: {  	s0 =	sadd.s32 @!p0 $0x100000, s1;
	[bflag:$0x2] =	sbarrier.arrive $0xFFFF  }
0x41: {  	[sflag:s0] =	ssyncadd.tile.s32 @!p0 $0x1;
	_ =	shalt  }
.Lfunc_end2:
_tile_overlayer_lowered:
.L_overlay_start_2:
0x42: {  	(tag) =	ssettag $0x2  }
0x43: {  	s0 =	rddreg [dreg:$0x0];
	s2 =	stileid.u32  }
0x44: {  	s1 =	rddreg [dreg:$0x1];
	p0 =	sne.s32 s2, $0x0  }
0x45: {  	s3 =	rddreg [dreg:$0x2];
	[bflag:$0x3] =	sbarrier.arrive $0xFFFF;
	s2 =	simm.s32 @!p0 $0x1C02  }
0x46: {  	[timem:s3], [sflag:s2] =	dma.local @!p0 [hbm:s0], s1  }
0x47: {  	s0 =	simm.s32 @!p0 $0x2  }
0x48: {  	_ =	swait.ge @!p0 [sflag:s0], s1  }
0x49: {  	s1 =	ssub.s32 @!p0 $0x0, s1;
	[sflag:s0] =	ssyncset.done @!p0 $0x0  }
0x4a: {  	[sflag:s0] =	ssyncadd.s32 @!p0 s1  }
0x4b: {  	[bflag:$0x3] =	sbarrier.arrive $0xFFFF  }
0x4c: {  	_ =	shalt  }

</sc_bundles>
